<compile_context>
chip_gen: v7x
topology: tpu7x:2x2x1
jax: 0.10.2.dev20260603
libtpu: 0.0.44.dev20260713+nightly
codegen_flags: <defaults>
</compile_context>

<pallas_src>
import dataclasses
import functools

import jax
import jax.numpy as jnp
from jax import lax
from jax.experimental import pallas as pl
from jax.experimental.pallas import tpu as pltpu
from jax.experimental.pallas import tpu_sc as plsc

F_CH = 64
B_CH = 128
BH = 128
BW = 128
ND = 32
D_MIN = 1.0
D_MAX = 50.0
EXT = 60.0
NB = 2
NV = 6
HF = 32
WF = 88
NPIX = HF * WF
BV = NB * NV
TRASH = BH * BW
ACC_ROWS = TRASH + 128
NCH = NPIX // 128
N_ITEMS = NV * NCH
PREC = lax.Precision.HIGHEST


def _gelu(x):
    return 0.5 * x * (1.0 + lax.erf(x * (1.0 / jnp.sqrt(2.0).astype(jnp.float32))))


def _dot4(x, w):
    return lax.dot_general(x, w, (((x.ndim - 1,), (0,)), ((), ())),
                           precision=PREC, preferred_element_type=jnp.float32)


def _bn(h, g, be, axes):
    m = jnp.mean(h, axis=axes, keepdims=True)
    v = jnp.mean((h - m) ** 2, axis=axes, keepdims=True)
    return (h - m) / jnp.sqrt(v + 1e-5) * g + be


def _cam1_kernel(xpad_ref, w9_ref, b1_ref, fpw_ref, fpb_ref,
                 c1_ref, fpr_ref, st1_ref, stf_ref, s1_acc, sf_acc):
    bv = pl.program_id(0)
    x = xpad_ref[0, 1:HF + 1, 1:WF + 1, :]
    acc = jnp.broadcast_to(b1_ref[0], (HF, WF, F_CH))
    for ky in range(3):
        for kx in range(3):
            sl = xpad_ref[0, ky:ky + HF, kx:kx + WF, :]
            acc = acc + _dot4(sl, w9_ref[ky * 3 + kx])
    c1_ref[0] = acc
    fpr = (_dot4(x, fpw_ref[...]) + fpb_ref[0]).reshape(NPIX, B_CH)
    fpr_ref[0] = fpr

    @pl.when(bv == 0)
    def _():
        s1_acc[...] = jnp.zeros_like(s1_acc)
        sf_acc[...] = jnp.zeros_like(sf_acc)

    a2 = acc.reshape(NPIX, F_CH)
    s1_acc[0:1, :] += jnp.sum(a2, axis=0, keepdims=True)
    s1_acc[1:2, :] += jnp.sum(a2 * a2, axis=0, keepdims=True)
    sf_acc[0:1, :] += jnp.sum(fpr, axis=0, keepdims=True)
    sf_acc[1:2, :] += jnp.sum(fpr * fpr, axis=0, keepdims=True)

    @pl.when(bv == BV - 1)
    def _():
        st1_ref[...] = s1_acc[...]
        stf_ref[...] = sf_acc[...]


def _cam2_kernel(c1_ref, fpr_ref, st1_ref, stf_ref, g1_ref, be1_ref,
                 w2_ref, b2_ref, fpg_ref, fpbe_ref, vt_ref, fp_ref, w_ref):
    cnt = float(BV * NPIX)
    m1 = st1_ref[0, :] / cnt
    v1 = st1_ref[1, :] / cnt - m1 * m1
    h = (c1_ref[0] - m1) / jnp.sqrt(v1 + 1e-5) * g1_ref[0] + be1_ref[0]
    h = _gelu(h)
    logits = _dot4(h, w2_ref[...]) + b2_ref[0]
    dp = jax.nn.softmax(logits, axis=-1)
    w_ref[0] = dp.reshape(NPIX, ND) * vt_ref[0]
    mf = stf_ref[0, :] / cnt
    vf = stf_ref[1, :] / cnt - mf * mf
    fp = (fpr_ref[0] - mf) / jnp.sqrt(vf + 1e-5) * fpg_ref[0] + fpbe_ref[0]
    fp_ref[0] = _gelu(fp)


def _cam_call(xpad, w9, b1, g1, be1, w2, b2, fpw, fpb, fpg, fpbe, vt,
              interpret=False):
    c1, fpr, st1, stf = pl.pallas_call(
        _cam1_kernel,
        grid=(BV,),
        in_specs=[
            pl.BlockSpec((1, HF + 2, WF + 2, F_CH), lambda i: (i, 0, 0, 0)),
            pl.BlockSpec((9, F_CH, F_CH), lambda i: (0, 0, 0)),
            pl.BlockSpec((1, F_CH), lambda i: (0, 0)),
            pl.BlockSpec((F_CH, B_CH), lambda i: (0, 0)),
            pl.BlockSpec((1, B_CH), lambda i: (0, 0)),
        ],
        out_specs=[
            pl.BlockSpec((1, HF, WF, F_CH), lambda i: (i, 0, 0, 0)),
            pl.BlockSpec((1, NPIX, B_CH), lambda i: (i, 0, 0)),
            pl.BlockSpec((2, F_CH), lambda i: (0, 0)),
            pl.BlockSpec((2, B_CH), lambda i: (0, 0)),
        ],
        out_shape=(
            jax.ShapeDtypeStruct((BV, HF, WF, F_CH), jnp.float32),
            jax.ShapeDtypeStruct((BV, NPIX, B_CH), jnp.float32),
            jax.ShapeDtypeStruct((2, F_CH), jnp.float32),
            jax.ShapeDtypeStruct((2, B_CH), jnp.float32),
        ),
        scratch_shapes=[
            pltpu.VMEM((2, F_CH), jnp.float32),
            pltpu.VMEM((2, B_CH), jnp.float32),
        ],
        interpret=interpret,
    )(xpad, w9, b1, fpw, fpb)

    fp, w_arr = pl.pallas_call(
        _cam2_kernel,
        grid=(BV,),
        in_specs=[
            pl.BlockSpec((1, HF, WF, F_CH), lambda i: (i, 0, 0, 0)),
            pl.BlockSpec((1, NPIX, B_CH), lambda i: (i, 0, 0)),
            pl.BlockSpec((2, F_CH), lambda i: (0, 0)),
            pl.BlockSpec((2, B_CH), lambda i: (0, 0)),
            pl.BlockSpec((1, F_CH), lambda i: (0, 0)),
            pl.BlockSpec((1, F_CH), lambda i: (0, 0)),
            pl.BlockSpec((F_CH, ND), lambda i: (0, 0)),
            pl.BlockSpec((1, ND), lambda i: (0, 0)),
            pl.BlockSpec((1, B_CH), lambda i: (0, 0)),
            pl.BlockSpec((1, B_CH), lambda i: (0, 0)),
            pl.BlockSpec((1, NPIX, ND), lambda i: (i, 0, 0)),
        ],
        out_specs=[
            pl.BlockSpec((1, NPIX, B_CH), lambda i: (i, 0, 0)),
            pl.BlockSpec((1, NPIX, ND), lambda i: (i, 0, 0)),
        ],
        out_shape=(
            jax.ShapeDtypeStruct((BV, NPIX, B_CH), jnp.float32),
            jax.ShapeDtypeStruct((BV, NPIX, ND), jnp.float32),
        ),
        interpret=interpret,
    )(c1, fpr, st1, stf, g1, be1, w2, b2, fpg, fpbe, vt)
    return fp, w_arr


ACC_C = TRASH + 16
DB = 4


def _splat_call(fpT, wr, idxr):
    mesh = plsc.VectorSubcoreMesh(core_axis_name="c", subcore_axis_name="s")
    cp = pltpu.CompilerParams()
    if "needs_layout_passes" in pltpu.CompilerParams.__dataclass_fields__:
        cp = dataclasses.replace(cp, needs_layout_passes=False)

    @functools.partial(
        pl.kernel,
        mesh=mesh,
        compiler_params=cp,
        out_type=jax.ShapeDtypeStruct((NB, B_CH, TRASH), jnp.float32),
        scratch_types=[
            pltpu.VMEM((DB, NPIX), jnp.int32),
            pltpu.VMEM((DB, NPIX), jnp.float32),
            pltpu.VMEM((4, NPIX), jnp.float32),
            pltpu.VMEM((4, ACC_C), jnp.float32),
        ],
    )
    def sc_kernel(fpT_hbm, wr_hbm, idxr_hbm, out_hbm, idx_v, w_v, fp_v, acc):
        cid = lax.axis_index("c")
        sid = lax.axis_index("s")
        for hp in range(2):
            c0 = hp * 64 + sid * 4

            @pl.loop(0, ACC_C // 16)
            def _(t):
                z = jnp.zeros((16,), jnp.float32)
                for c in range(4):
                    acc[c, pl.ds(t * 16, 16)] = z

            for v in range(NV):
                bv = cid * NV + v
                pltpu.sync_copy(fpT_hbm.at[bv, pl.ds(c0, 4)], fp_v)

                @pl.loop(0, ND // DB)
                def _(db):
                    pltpu.sync_copy(idxr_hbm.at[bv, pl.ds(db * DB, DB)],
                                    idx_v)
                    pltpu.sync_copy(wr_hbm.at[bv, pl.ds(db * DB, DB)], w_v)

                    @pl.loop(0, DB)
                    def _(d):
                        @pl.loop(0, NPIX // 16)
                        def _(g):
                            s = pl.ds(g * 16, 16)
                            ivec = idx_v[d, s]

                            @pl.when(jnp.min(ivec) < TRASH)
                            def _():
                                wvec = w_v[d, s]
                                for c in range(4):
                                    contrib = fp_v[c, s] * wvec
                                    plsc.addupdate_scatter(
                                        acc,
                                        [jnp.full((16,), c, jnp.int32), ivec],
                                        contrib)

            for c in range(4):
                pltpu.sync_copy(acc.at[c, pl.ds(0, TRASH)],
                                out_hbm.at[cid, c0 + c])

    return sc_kernel(fpT, wr, idxr)


BAND = 8
NBANDS = BH // BAND


def _rconv_kernel(xpad_ref, w9_ref, b_ref, out_ref, st_ref, s_acc):
    b = pl.program_id(0)
    r = pl.program_id(1)
    acc = jnp.broadcast_to(b_ref[0], (BAND, BW, B_CH))
    for ky in range(3):
        for kx in range(3):
            sl = xpad_ref[0, pl.ds(r * BAND + ky, BAND), kx:kx + BW, :]
            acc = acc + _dot4(sl, w9_ref[ky * 3 + kx])
    out_ref[0] = acc

    @pl.when((b == 0) & (r == 0))
    def _():
        s_acc[...] = jnp.zeros_like(s_acc)

    a2 = acc.reshape(BAND * BW, B_CH)
    s_acc[0:1, :] += jnp.sum(a2, axis=0, keepdims=True)
    s_acc[1:2, :] += jnp.sum(a2 * a2, axis=0, keepdims=True)

    @pl.when((b == NB - 1) & (r == NBANDS - 1))
    def _():
        st_ref[...] = s_acc[...]


def _rnorm_kernel(c_ref, st_ref, g_ref, be_ref, out_ref):
    cnt = float(NB * BH * BW)
    m = st_ref[0, :] / cnt
    v = st_ref[1, :] / cnt - m * m
    h = (c_ref[0] - m) / jnp.sqrt(v + 1e-5) * g_ref[0] + be_ref[0]
    out_ref[0] = _gelu(h)


def _refine_call(xpad, w9, b, g, be, interpret=False):
    conv, st = pl.pallas_call(
        _rconv_kernel,
        grid=(NB, NBANDS),
        in_specs=[
            pl.BlockSpec((1, BH + 2, BW + 2, B_CH), lambda b, r: (b, 0, 0, 0)),
            pl.BlockSpec((9, B_CH, B_CH), lambda b, r: (0, 0, 0)),
            pl.BlockSpec((1, B_CH), lambda b, r: (0, 0)),
        ],
        out_specs=[
            pl.BlockSpec((1, BAND, BW, B_CH), lambda b, r: (b, r, 0, 0)),
            pl.BlockSpec((2, B_CH), lambda b, r: (0, 0)),
        ],
        out_shape=(
            jax.ShapeDtypeStruct((NB, BH, BW, B_CH), jnp.float32),
            jax.ShapeDtypeStruct((2, B_CH), jnp.float32),
        ),
        scratch_shapes=[pltpu.VMEM((2, B_CH), jnp.float32)],
        interpret=interpret,
    )(xpad, w9, b)

    return pl.pallas_call(
        _rnorm_kernel,
        grid=(NB, NBANDS),
        in_specs=[
            pl.BlockSpec((1, BAND, BW, B_CH), lambda b, r: (b, r, 0, 0)),
            pl.BlockSpec((2, B_CH), lambda b, r: (0, 0)),
            pl.BlockSpec((1, B_CH), lambda b, r: (0, 0)),
            pl.BlockSpec((1, B_CH), lambda b, r: (0, 0)),
        ],
        out_specs=pl.BlockSpec((1, BAND, BW, B_CH), lambda b, r: (b, r, 0, 0)),
        out_shape=jax.ShapeDtypeStruct((NB, BH, BW, B_CH), jnp.float32),
        interpret=interpret,
    )(conv, st, g, be)


def kernel(feat_maps, K_list, T_list, trust,
           dh_w1, dh_b1, dh_g1, dh_be1, dh_w2, dh_b2,
           fp_w, fp_b, fp_g, fp_be,
           br_w1, br_b1, br_g1, br_be1, br_w2, br_b2, br_g2, br_be2):
    x = feat_maps.reshape(BV, F_CH, HF, WF).transpose(0, 2, 3, 1)
    xpad = jnp.pad(x, ((0, 0), (1, 1), (1, 1), (0, 0)))
    w9 = dh_w1.transpose(2, 3, 1, 0).reshape(9, F_CH, F_CH)
    w2m = dh_w2.reshape(ND, F_CH).T
    fpwm = fp_w.reshape(B_CH, F_CH).T

    ys = jnp.arange(HF, dtype=jnp.float32)
    xs = jnp.arange(WF, dtype=jnp.float32)
    yy, xx = jnp.meshgrid(ys, xs, indexing='ij')
    pixh = jnp.stack([xx.ravel(), yy.ravel(), jnp.ones(NPIX, jnp.float32)],
                     axis=0)
    depths = jnp.linspace(D_MIN, D_MAX, ND)
    idx_list, vt_list = [], []
    for b in range(NB):
        for v in range(NV):
            Kinv = jnp.linalg.inv(K_list[b, v])
            rays = Kinv @ pixh
            pts_cam = jnp.transpose(rays[:, :, None] * depths[None, None, :],
                                    (1, 2, 0)).reshape(-1, 3)
            T = T_list[b, v]
            pts_ego = pts_cam @ T[:3, :3].T + T[:3, 3][None, :]
            u = (pts_ego[:, 0] + EXT) / (2.0 * EXT)
            w_ = (pts_ego[:, 1] + EXT) / (2.0 * EXT)
            col = jnp.clip(u * (BW - 1), -2.0 ** 30, 2.0 ** 30).astype(jnp.int32)
            row = jnp.clip(w_ * (BH - 1), -2.0 ** 30, 2.0 ** 30).astype(jnp.int32)
            valid = (col >= 0) & (col < BW) & (row >= 0) & (row < BH)
            idx_list.append(jnp.where(valid, row * BW + col, TRASH))
            vt_list.append(valid.astype(jnp.float32) * trust[b, v])
    idx_arr = jnp.stack(idx_list).reshape(BV, NPIX, ND)
    vt = jnp.stack(vt_list).reshape(BV, NPIX, ND)

    fp, w_arr = _cam_call(xpad, w9, dh_b1.reshape(1, F_CH),
                          dh_g1.reshape(1, F_CH), dh_be1.reshape(1, F_CH),
                          w2m, dh_b2.reshape(1, ND), fpwm,
                          fp_b.reshape(1, B_CH), fp_g.reshape(1, B_CH),
                          fp_be.reshape(1, B_CH), vt)

    idxr = idx_arr.transpose(0, 2, 1)
    wr = w_arr.transpose(0, 2, 1)
    fpT = fp.transpose(0, 2, 1)

    bev_t = _splat_call(fpT, wr, idxr)
    bev = bev_t.transpose(0, 2, 1).reshape(NB, BH, BW, B_CH)

    brw1 = br_w1.transpose(2, 3, 1, 0).reshape(9, B_CH, B_CH)
    brw2 = br_w2.transpose(2, 3, 1, 0).reshape(9, B_CH, B_CH)
    x1 = _refine_call(jnp.pad(bev, ((0, 0), (1, 1), (1, 1), (0, 0))),
                      brw1, br_b1.reshape(1, B_CH), br_g1.reshape(1, B_CH),
                      br_be1.reshape(1, B_CH))
    x2 = _refine_call(jnp.pad(x1, ((0, 0), (1, 1), (1, 1), (0, 0))),
                      brw2, br_b2.reshape(1, B_CH), br_g2.reshape(1, B_CH),
                      br_be2.reshape(1, B_CH))
    return x2.transpose(0, 3, 1, 2)

# --- scband reference (transcript-rebuilt; emitter-appended) ---
"""Pipeline reference for scband-geometric-bevlifter-79611513798994 (READ-ONLY COPY).

The authoritative reference and input builder live on the scoring server;
editing this copy changes nothing except your own understanding.
"""

import jax, jax.numpy as jnp
import numpy as np

FEAT_CH = 64; BEV_CH = 128; BEV_H = 128; BEV_W = 128
N_DEPTH = 32; D_MIN = 1.0; D_MAX = 50.0; EXTENT = 60.0
B = 2; V = 6; HF = 32; WF = 88

def conv2d(x, w, b, p):
    o = jax.lax.conv_general_dilated(x, w, (1, 1), [(p, p), (p, p)],
                                     dimension_numbers=('NCHW', 'OIHW', 'NCHW'))
    return o + b[None, :, None, None]

def bn(x, g, be):
    m = jnp.mean(x, axis=(0, 2, 3), keepdims=True)
    v = jnp.var(x, axis=(0, 2, 3), keepdims=True)
    return (x - m) / jnp.sqrt(v + 1e-5) * g[None, :, None, None] + be[None, :, None, None]

def gelu(x):
    return jax.nn.gelu(x, approximate=False)

def setup_inputs(seed=0):
    key = jax.random.key(seed)
    ks = jax.random.split(key, 16)
    inp = {}
    inp['feat_maps'] = jax.random.normal(ks[0], (B, V, FEAT_CH, HF, WF), dtype=jnp.float32)
    inp['K_list'] = jax.random.normal(ks[1], (B, V, 3, 3), dtype=jnp.float32)
    inp['T_list'] = jax.random.normal(ks[2], (B, V, 4, 4), dtype=jnp.float32)
    inp['trust'] = jax.random.uniform(ks[3], (B, V), dtype=jnp.float32)
    inp['dh_w1'] = jax.random.normal(ks[4], (FEAT_CH, FEAT_CH, 3, 3), dtype=jnp.float32) * 0.05
    inp['dh_b1'] = jnp.zeros((FEAT_CH,), jnp.float32)
    inp['dh_g1'] = jnp.ones((FEAT_CH,), jnp.float32)
    inp['dh_be1'] = jnp.zeros((FEAT_CH,), jnp.float32)
    inp['dh_w2'] = jax.random.normal(ks[5], (N_DEPTH, FEAT_CH, 1, 1), dtype=jnp.float32) * 0.05
    inp['dh_b2'] = jnp.zeros((N_DEPTH,), jnp.float32)
    inp['fp_w'] = jax.random.normal(ks[6], (BEV_CH, FEAT_CH, 1, 1), dtype=jnp.float32) * 0.05
    inp['fp_b'] = jnp.zeros((BEV_CH,), jnp.float32)
    inp['fp_g'] = jnp.ones((BEV_CH,), jnp.float32)
    inp['fp_be'] = jnp.zeros((BEV_CH,), jnp.float32)
    inp['br_w1'] = jax.random.normal(ks[7], (BEV_CH, BEV_CH, 3, 3), dtype=jnp.float32) * 0.05
    inp['br_b1'] = jnp.zeros((BEV_CH,), jnp.float32)
    inp['br_g1'] = jnp.ones((BEV_CH,), jnp.float32)
    inp['br_be1'] = jnp.zeros((BEV_CH,), jnp.float32)
    inp['br_w2'] = jax.random.normal(ks[8], (BEV_CH, BEV_CH, 3, 3), dtype=jnp.float32) * 0.05
    inp['br_b2'] = jnp.zeros((BEV_CH,), jnp.float32)
    inp['br_g2'] = jnp.ones((BEV_CH,), jnp.float32)
    inp['br_be2'] = jnp.zeros((BEV_CH,), jnp.float32)
    return inp

def _forward(feat_maps, K_list, T_list, trust,
             dh_w1, dh_b1, dh_g1, dh_be1, dh_w2, dh_b2,
             fp_w, fp_b, fp_g, fp_be,
             br_w1, br_b1, br_g1, br_be1, br_w2, br_b2, br_g2, br_be2):
    Bb, Vv, C, Hf, Wf = feat_maps.shape
    fm = feat_maps.reshape(Bb * Vv, C, Hf, Wf)
    h = gelu(bn(conv2d(fm, dh_w1, dh_b1, 1), dh_g1, dh_be1))
    depth_probs = jax.nn.softmax(conv2d(h, dh_w2, dh_b2, 0), axis=1)
    fp = gelu(bn(conv2d(fm, fp_w, fp_b, 0), fp_g, fp_be))
    feat_vox = fp[:, :, None, :, :] * depth_probs[:, None, :, :, :]
    depths = jnp.linspace(D_MIN, D_MAX, N_DEPTH)
    ys = jnp.arange(Hf, dtype=jnp.float32)
    xs = jnp.arange(Wf, dtype=jnp.float32)
    yy, xx = jnp.meshgrid(ys, xs, indexing='ij')
    pix = jnp.stack([xx.ravel(), yy.ravel(), jnp.ones(Hf * Wf, jnp.float32)], axis=0)
    Cb = fp.shape[1]
    bev_list = []
    for b in range(Bb):
        bev_b = jnp.zeros((Cb, BEV_H * BEV_W), jnp.float32)
        for v in range(Vv):
            Kinv = jnp.linalg.inv(K_list[b, v])
            rays = Kinv @ pix
            pts_cam = jnp.transpose(rays[:, :, None] * depths[None, None, :], (1, 2, 0)).reshape(-1, 3)
            T = T_list[b, v]
            pts_ego = pts_cam @ T[:3, :3].T + T[:3, 3][None, :]
            fv = jnp.transpose(feat_vox[b * Vv + v], (0, 2, 3, 1)).reshape(Cb, -1)
            u = (pts_ego[:, 0] + EXTENT) / (2.0 * EXTENT)
            w_ = (pts_ego[:, 1] + EXTENT) / (2.0 * EXTENT)
            col = jnp.clip(u * (BEV_W - 1), -2.0**30, 2.0**30).astype(jnp.int32)
            row = jnp.clip(w_ * (BEV_H - 1), -2.0**30, 2.0**30).astype(jnp.int32)
    
            valid = (col >= 0) & (col < BEV_W) & (row >= 0) & (row < BEV_H)
            idx = jnp.where(valid, row * BEV_W + col, 0)
            tw = jax.lax.stop_gradient(trust[b, v])  # mimics torch .item() detach
            contrib = fv * (valid.astype(jnp.float32) * tw)[None, :]
            bev_b = bev_b.at[:, idx].add(contrib)
        bev_list.append(bev_b.reshape(Cb, BEV_H, BEV_W))
    bev_out = jnp.stack(bev_list, axis=0)
    x = gelu(bn(conv2d(bev_out, br_w1, br_b1, 1), br_g1, br_be1))
    x = gelu(bn(conv2d(x, br_w2, br_b2, 1), br_g2, br_be2))
    return x

def reference(feat_maps, K_list, T_list, trust,
              dh_w1, dh_b1, dh_g1, dh_be1, dh_w2, dh_b2,
              fp_w, fp_b, fp_g, fp_be,
              br_w1, br_b1, br_g1, br_be1, br_w2, br_b2, br_g2, br_be2):
    return _forward(feat_maps, K_list, T_list, trust,
                    dh_w1, dh_b1, dh_g1, dh_be1, dh_w2, dh_b2,
                    fp_w, fp_b, fp_g, fp_be,
                    br_w1, br_b1, br_g1, br_be1, br_w2, br_b2, br_g2, br_be2)

if __name__ == "__main__":
    import jax
    _d = setup_inputs()
    print(jax.jit(kernel)(*tuple(_d.values())))

</pallas_src>

<mosaic_0001>
#map = affine_map<(d0, d1) -> (0, 0, 0)>
module attributes {stable_mosaic.version = 14 : i64} {
  func.func @sc_kernel(%arg0: i32, %arg1: i32, %arg2: memref<12x128x2816xf32, #tpu.memory_space<hbm>>, %arg3: memref<12x32x2816xf32, #tpu.memory_space<hbm>>, %arg4: memref<12x32x2816xi32, #tpu.memory_space<hbm>>, %arg5: memref<2x128x16384xf32, #tpu.memory_space<hbm>>, %arg6: memref<4x2816xi32, #tpu.memory_space<vmem>>, %arg7: memref<4x2816xf32, #tpu.memory_space<vmem>>, %arg8: memref<4x2816xf32, #tpu.memory_space<vmem>>, %arg9: memref<4x16400xf32, #tpu.memory_space<vmem>>) attributes {dimension_semantics = [#tpu.dimension_semantics<core_parallel>, #tpu.dimension_semantics<subcore_parallel>], iteration_bounds = array<i64: 2, 16>, scalar_prefetch = 0 : i64, scratch_operands = 4 : i64, tpu.core_type = #tpu.core_type<sc_vector_subcore>, window_params = [{transform_indices = #map}, {transform_indices = #map}, {transform_indices = #map}, {transform_indices = #map}]} {
    %mul3A = arith.constant 4 : i32
    %mul3A_0 = arith.muli %arg1, %mul3A : i32
    %add3A = arith.constant 0 : i32
    %add3A_1 = arith.addi %add3A, %mul3A_0 : i32
    %scan3A = arith.constant 0 : i32
    %scan3A_2 = arith.constant 1025 : i32
    %scan3A_3 = arith.addi %scan3A, %scan3A_2 : i32
    %scan3A_4 = arith.constant 1 : i32
    scf.for %scan3A_146 = %scan3A to %scan3A_3 step %scan3A_4  : i32 {
      %mul3A_147 = arith.constant 1 : i32
      %mul3A_148 = arith.muli %scan3A_146, %mul3A_147 : i32
      %add3A_149 = arith.constant 0 : i32
      %add3A_150 = arith.addi %add3A_149, %mul3A_148 : i32
      %broadcast_in_dim3A = arith.constant 0.000000e+00 : f32
      %broadcast_in_dim3A_151 = vector.broadcast %broadcast_in_dim3A : f32 to vector<16xf32>
      %mul3A_152 = arith.constant 16 : i32
      %mul3A_153 = arith.muli %add3A_150, %mul3A_152 : i32
      %swap3A = arith.constant 0 : i32
      %swap3A_154 = arith.index_cast %swap3A : i32 to index
      %swap3A_155 = arith.index_cast %mul3A_153 : i32 to index
      %swap3A_156 = tpu.vector_load %arg9[%swap3A_154, %swap3A_155] {strides = array<i32>} : memref<4x16400xf32, #tpu.memory_space<vmem>>, vector<16xf32>,
      tpu.vector_store %arg9[%swap3A_154, %swap3A_155], %broadcast_in_dim3A_151 {strides = array<i32>} : memref<4x16400xf32, #tpu.memory_space<vmem>>, vector<16xf32>,
      %mul3A_157 = arith.constant 16 : i32
      %mul3A_158 = arith.muli %add3A_150, %mul3A_157 : i32
      %swap3A_159 = arith.constant 1 : i32
      %swap3A_160 = arith.index_cast %swap3A_159 : i32 to index
      %swap3A_161 = arith.index_cast %mul3A_158 : i32 to index
      %swap3A_162 = tpu.vector_load %arg9[%swap3A_160, %swap3A_161] {strides = array<i32>} : memref<4x16400xf32, #tpu.memory_space<vmem>>, vector<16xf32>,
      tpu.vector_store %arg9[%swap3A_160, %swap3A_161], %broadcast_in_dim3A_151 {strides = array<i32>} : memref<4x16400xf32, #tpu.memory_space<vmem>>, vector<16xf32>,
      %mul3A_163 = arith.constant 16 : i32
      %mul3A_164 = arith.muli %add3A_150, %mul3A_163 : i32
      %swap3A_165 = arith.constant 2 : i32
      %swap3A_166 = arith.index_cast %swap3A_165 : i32 to index
      %swap3A_167 = arith.index_cast %mul3A_164 : i32 to index
      %swap3A_168 = tpu.vector_load %arg9[%swap3A_166, %swap3A_167] {strides = array<i32>} : memref<4x16400xf32, #tpu.memory_space<vmem>>, vector<16xf32>,
      tpu.vector_store %arg9[%swap3A_166, %swap3A_167], %broadcast_in_dim3A_151 {strides = array<i32>} : memref<4x16400xf32, #tpu.memory_space<vmem>>, vector<16xf32>,
      %mul3A_169 = arith.constant 16 : i32
      %mul3A_170 = arith.muli %add3A_150, %mul3A_169 : i32
      %swap3A_171 = arith.constant 3 : i32
      %swap3A_172 = arith.index_cast %swap3A_171 : i32 to index
      %swap3A_173 = arith.index_cast %mul3A_170 : i32 to index
      %swap3A_174 = tpu.vector_load %arg9[%swap3A_172, %swap3A_173] {strides = array<i32>} : memref<4x16400xf32, #tpu.memory_space<vmem>>, vector<16xf32>,
      tpu.vector_store %arg9[%swap3A_172, %swap3A_173], %broadcast_in_dim3A_151 {strides = array<i32>} : memref<4x16400xf32, #tpu.memory_space<vmem>>, vector<16xf32>,
    }
    %scan3A_5 = arith.constant 1025 : i32
    %mul3A_6 = arith.constant 6 : i32
    %mul3A_7 = arith.muli %arg0, %mul3A_6 : i32
    %add3A_8 = arith.constant 0 : i32
    %add3A_9 = arith.addi %mul3A_7, %add3A_8 : i32
    "tpu.region"() ({
      %run_scoped3A_146 = tpu.sem_alloc : memref<!tpu.dma_semaphore, #tpu.memory_space<semaphore_mem>>
      %dma_start3A = arith.constant 0 : i32
      %dma_start3A_147 = tpu.memref_slice %arg2[%add3A_9, %add3A_1, %dma_start3A] : memref<12x128x2816xf32, #tpu.memory_space<hbm>> -> memref<1x4x2816xf32, #tpu.memory_space<hbm>>
      %dma_start3A_148 = tpu.memref_squeeze %dma_start3A_147 : memref<1x4x2816xf32, #tpu.memory_space<hbm>> -> memref<4x2816xf32, #tpu.memory_space<hbm>>
      %dma_start3A_149 = arith.constant 0 : i32
      %dma_start3A_150 = tpu.memref_slice %arg2[%add3A_9, %add3A_1, %dma_start3A_149] : memref<12x128x2816xf32, #tpu.memory_space<hbm>> -> memref<1x4x2816xf32, #tpu.memory_space<hbm>>
      %dma_start3A_151 = tpu.memref_squeeze %dma_start3A_150 : memref<1x4x2816xf32, #tpu.memory_space<hbm>> -> memref<4x2816xf32, #tpu.memory_space<hbm>>
      tpu.enqueue_dma source(%dma_start3A_151 : memref<4x2816xf32, #tpu.memory_space<hbm>>) target(%arg8 : memref<4x2816xf32, #tpu.memory_space<vmem>>) target_semaphore(%run_scoped3A_146 : memref<!tpu.dma_semaphore, #tpu.memory_space<semaphore_mem>>)
      %dma_wait3A = arith.constant 0 : i32
      %dma_wait3A_152 = tpu.memref_slice %arg2[%add3A_9, %add3A_1, %dma_wait3A] : memref<12x128x2816xf32, #tpu.memory_space<hbm>> -> memref<1x4x2816xf32, #tpu.memory_space<hbm>>
      %dma_wait3A_153 = tpu.memref_squeeze %dma_wait3A_152 : memref<1x4x2816xf32, #tpu.memory_space<hbm>> -> memref<4x2816xf32, #tpu.memory_space<hbm>>
      %dma_wait3A_154 = arith.constant 0 : i32
      %dma_wait3A_155 = tpu.memref_slice %arg2[%add3A_9, %add3A_1, %dma_wait3A_154] : memref<12x128x2816xf32, #tpu.memory_space<hbm>> -> memref<1x4x2816xf32, #tpu.memory_space<hbm>>
      %dma_wait3A_156 = tpu.memref_squeeze %dma_wait3A_155 : memref<1x4x2816xf32, #tpu.memory_space<hbm>> -> memref<4x2816xf32, #tpu.memory_space<hbm>>
      tpu.wait_dma2 semaphore(%run_scoped3A_146 : memref<!tpu.dma_semaphore, #tpu.memory_space<semaphore_mem>>) src(%dma_wait3A_156 : memref<4x2816xf32, #tpu.memory_space<hbm>>) dst(%arg8 : memref<4x2816xf32, #tpu.memory_space<vmem>>)
      tpu.yield
    }) : () -> ()
    %scan3A_10 = arith.constant 0 : i32
    %scan3A_11 = arith.constant 8 : i32
    %scan3A_12 = arith.addi %scan3A_10, %scan3A_11 : i32
    %scan3A_13 = arith.constant 1 : i32
    scf.for %scan3A_146 = %scan3A_10 to %scan3A_12 step %scan3A_13  : i32 {
      %mul3A_147 = arith.constant 1 : i32
      %mul3A_148 = arith.muli %scan3A_146, %mul3A_147 : i32
      %add3A_149 = arith.constant 0 : i32
      %add3A_150 = arith.addi %add3A_149, %mul3A_148 : i32
      %mul3A_151 = arith.constant 4 : i32
      %mul3A_152 = arith.muli %add3A_150, %mul3A_151 : i32
      "tpu.region"() ({
        %run_scoped3A_160 = tpu.sem_alloc : memref<!tpu.dma_semaphore, #tpu.memory_space<semaphore_mem>>
        %dma_start3A = arith.constant 0 : i32
        %dma_start3A_161 = tpu.memref_slice %arg4[%add3A_9, %mul3A_152, %dma_start3A] : memref<12x32x2816xi32, #tpu.memory_space<hbm>> -> memref<1x4x2816xi32, #tpu.memory_space<hbm>>
        %dma_start3A_162 = tpu.memref_squeeze %dma_start3A_161 : memref<1x4x2816xi32, #tpu.memory_space<hbm>> -> memref<4x2816xi32, #tpu.memory_space<hbm>>
        %dma_start3A_163 = arith.constant 0 : i32
        %dma_start3A_164 = tpu.memref_slice %arg4[%add3A_9, %mul3A_152, %dma_start3A_163] : memref<12x32x2816xi32, #tpu.memory_space<hbm>> -> memref<1x4x2816xi32, #tpu.memory_space<hbm>>
        %dma_start3A_165 = tpu.memref_squeeze %dma_start3A_164 : memref<1x4x2816xi32, #tpu.memory_space<hbm>> -> memref<4x2816xi32, #tpu.memory_space<hbm>>
        tpu.enqueue_dma source(%dma_start3A_165 : memref<4x2816xi32, #tpu.memory_space<hbm>>) target(%arg6 : memref<4x2816xi32, #tpu.memory_space<vmem>>) target_semaphore(%run_scoped3A_160 : memref<!tpu.dma_semaphore, #tpu.memory_space<semaphore_mem>>)
        %dma_wait3A = arith.constant 0 : i32
        %dma_wait3A_166 = tpu.memref_slice %arg4[%add3A_9, %mul3A_152, %dma_wait3A] : memref<12x32x2816xi32, #tpu.memory_space<hbm>> -> memref<1x4x2816xi32, #tpu.memory_space<hbm>>
        %dma_wait3A_167 = tpu.memref_squeeze %dma_wait3A_166 : memref<1x4x2816xi32, #tpu.memory_space<hbm>> -> memref<4x2816xi32, #tpu.memory_space<hbm>>
        %dma_wait3A_168 = arith.constant 0 : i32
        %dma_wait3A_169 = tpu.memref_slice %arg4[%add3A_9, %mul3A_152, %dma_wait3A_168] : memref<12x32x2816xi32, #tpu.memory_space<hbm>> -> memref<1x4x2816xi32, #tpu.memory_space<hbm>>
        %dma_wait3A_170 = tpu.memref_squeeze %dma_wait3A_169 : memref<1x4x2816xi32, #tpu.memory_space<hbm>> -> memref<4x2816xi32, #tpu.memory_space<hbm>>
        tpu.wait_dma2 semaphore(%run_scoped3A_160 : memref<!tpu.dma_semaphore, #tpu.memory_space<semaphore_mem>>) src(%dma_wait3A_170 : memref<4x2816xi32, #tpu.memory_space<hbm>>) dst(%arg6 : memref<4x2816xi32, #tpu.memory_space<vmem>>)
        tpu.yield
      }) : () -> ()
      %mul3A_153 = arith.constant 4 : i32
      %mul3A_154 = arith.muli %add3A_150, %mul3A_153 : i32
      "tpu.region"() ({
        %run_scoped3A_160 = tpu.sem_alloc : memref<!tpu.dma_semaphore, #tpu.memory_space<semaphore_mem>>
        %dma_start3A = arith.constant 0 : i32
        %dma_start3A_161 = tpu.memref_slice %arg3[%add3A_9, %mul3A_154, %dma_start3A] : memref<12x32x2816xf32, #tpu.memory_space<hbm>> -> memref<1x4x2816xf32, #tpu.memory_space<hbm>>
        %dma_start3A_162 = tpu.memref_squeeze %dma_start3A_161 : memref<1x4x2816xf32, #tpu.memory_space<hbm>> -> memref<4x2816xf32, #tpu.memory_space<hbm>>
        %dma_start3A_163 = arith.constant 0 : i32
        %dma_start3A_164 = tpu.memref_slice %arg3[%add3A_9, %mul3A_154, %dma_start3A_163] : memref<12x32x2816xf32, #tpu.memory_space<hbm>> -> memref<1x4x2816xf32, #tpu.memory_space<hbm>>
        %dma_start3A_165 = tpu.memref_squeeze %dma_start3A_164 : memref<1x4x2816xf32, #tpu.memory_space<hbm>> -> memref<4x2816xf32, #tpu.memory_space<hbm>>
        tpu.enqueue_dma source(%dma_start3A_165 : memref<4x2816xf32, #tpu.memory_space<hbm>>) target(%arg7 : memref<4x2816xf32, #tpu.memory_space<vmem>>) target_semaphore(%run_scoped3A_160 : memref<!tpu.dma_semaphore, #tpu.memory_space<semaphore_mem>>)
        %dma_wait3A = arith.constant 0 : i32
        %dma_wait3A_166 = tpu.memref_slice %arg3[%add3A_9, %mul3A_154, %dma_wait3A] : memref<12x32x2816xf32, #tpu.memory_space<hbm>> -> memref<1x4x2816xf32, #tpu.memory_space<hbm>>
        %dma_wait3A_167 = tpu.memref_squeeze %dma_wait3A_166 : memref<1x4x2816xf32, #tpu.memory_space<hbm>> -> memref<4x2816xf32, #tpu.memory_space<hbm>>
        %dma_wait3A_168 = arith.constant 0 : i32
        %dma_wait3A_169 = tpu.memref_slice %arg3[%add3A_9, %mul3A_154, %dma_wait3A_168] : memref<12x32x2816xf32, #tpu.memory_space<hbm>> -> memref<1x4x2816xf32, #tpu.memory_space<hbm>>
        %dma_wait3A_170 = tpu.memref_squeeze %dma_wait3A_169 : memref<1x4x2816xf32, #tpu.memory_space<hbm>> -> memref<4x2816xf32, #tpu.memory_space<hbm>>
        tpu.wait_dma2 semaphore(%run_scoped3A_160 : memref<!tpu.dma_semaphore, #tpu.memory_space<semaphore_mem>>) src(%dma_wait3A_170 : memref<4x2816xf32, #tpu.memory_space<hbm>>) dst(%arg7 : memref<4x2816xf32, #tpu.memory_space<vmem>>)
        tpu.yield
      }) : () -> ()
      %scan3A_155 = arith.constant 0 : i32
      %scan3A_156 = arith.constant 4 : i32
      %scan3A_157 = arith.addi %scan3A_155, %scan3A_156 : i32
      %scan3A_158 = arith.constant 1 : i32
      scf.for %scan3A_160 = %scan3A_155 to %scan3A_157 step %scan3A_158  : i32 {
        %mul3A_161 = arith.constant 1 : i32
        %mul3A_162 = arith.muli %scan3A_160, %mul3A_161 : i32
        %add3A_163 = arith.constant 0 : i32
        %add3A_164 = arith.addi %add3A_163, %mul3A_162 : i32
        %scan3A_165 = arith.constant 0 : i32
        %scan3A_166 = arith.constant 176 : i32
        %scan3A_167 = arith.addi %scan3A_165, %scan3A_166 : i32
        %scan3A_168 = arith.constant 1 : i32
        scf.for %scan3A_170 = %scan3A_165 to %scan3A_167 step %scan3A_168  : i32 {
          %mul3A_171 = arith.constant 1 : i32
          %mul3A_172 = arith.muli %scan3A_170, %mul3A_171 : i32
          %add3A_173 = arith.constant 0 : i32
          %add3A_174 = arith.addi %add3A_173, %mul3A_172 : i32
          %mul3A_175 = arith.constant 16 : i32
          %mul3A_176 = arith.muli %add3A_174, %mul3A_175 : i32
          %get3A = arith.index_cast %add3A_164 : i32 to index
          %get3A_177 = arith.index_cast %mul3A_176 : i32 to index
          %get3A_178 = tpu.vector_load %arg6[%get3A, %get3A_177] {strides = array<i32>} : memref<4x2816xi32, #tpu.memory_space<vmem>>, vector<16xi32>,
          %reduce_min3A = arith.constant true
          %reduce_min3A_179 = vector.broadcast %reduce_min3A : i1 to vector<16xi1>
          %reduce_min3A_180 = arith.constant -2147483648 : i32
          %reduce_min3A_181 = vector.broadcast %reduce_min3A_180 : i32 to vector<16xi32>
          %reduce_min3A_182 = arith.xori %get3A_178, %reduce_min3A_181 : vector<16xi32>
          %reduce_min3A_183 = tpu.scan <min>, %reduce_min3A_182 masked %reduce_min3A_179 : vector<16xi32>, vector<16xi1> -> vector<16xi32>
          %reduce_min3A_184 = arith.xori %reduce_min3A_183, %reduce_min3A_181 : vector<16xi32>
          %reduce_min3A_185 = vector.extract %reduce_min3A_184[15] : i32 from vector<16xi32>
          %lt3A = arith.constant 16384 : i32
          %lt3A_186 = arith.cmpi slt, %reduce_min3A_185, %lt3A : i32
          %convert_element_type3A = arith.extui %lt3A_186 : i1 to i32
          %cond3A = arith.constant 0 : i32
          %cond3A_187 = arith.cmpi ne, %convert_element_type3A, %cond3A : i32
          scf.if %cond3A_187 {
            %get3A_188 = arith.index_cast %add3A_164 : i32 to index
            %get3A_189 = arith.index_cast %mul3A_176 : i32 to index
            %get3A_190 = tpu.vector_load %arg7[%get3A_188, %get3A_189] {strides = array<i32>} : memref<4x2816xf32, #tpu.memory_space<vmem>>, vector<16xf32>,
            %get3A_191 = arith.constant 0 : i32
            %get3A_192 = arith.index_cast %get3A_191 : i32 to index
            %get3A_193 = arith.index_cast %mul3A_176 : i32 to index
            %get3A_194 = tpu.vector_load %arg8[%get3A_192, %get3A_193] {strides = array<i32>} : memref<4x2816xf32, #tpu.memory_space<vmem>>, vector<16xf32>,
            %mul3A_195 = arith.mulf %get3A_194, %get3A_190 : vector<16xf32>
            %broadcast_in_dim3A = arith.constant 0 : i32
            %broadcast_in_dim3A_196 = vector.broadcast %broadcast_in_dim3A : i32 to vector<16xi32>
            tpu.vector_store_idx %arg9[%broadcast_in_dim3A_196, %get3A_178], %mul3A_195 {add = true} : memref<4x16400xf32, #tpu.memory_space<vmem>>[vector<16xi32>, vector<16xi32>], vector<16xf32>,
            %get3A_197 = arith.constant 1 : i32
            %get3A_198 = arith.index_cast %get3A_197 : i32 to index
            %get3A_199 = arith.index_cast %mul3A_176 : i32 to index
            %get3A_200 = tpu.vector_load %arg8[%get3A_198, %get3A_199] {strides = array<i32>} : memref<4x2816xf32, #tpu.memory_space<vmem>>, vector<16xf32>,
            %mul3A_201 = arith.mulf %get3A_200, %get3A_190 : vector<16xf32>
            %broadcast_in_dim3A_202 = arith.constant 1 : i32
            %broadcast_in_dim3A_203 = vector.broadcast %broadcast_in_dim3A_202 : i32 to vector<16xi32>
            tpu.vector_store_idx %arg9[%broadcast_in_dim3A_203, %get3A_178], %mul3A_201 {add = true} : memref<4x16400xf32, #tpu.memory_space<vmem>>[vector<16xi32>, vector<16xi32>], vector<16xf32>,
            %get3A_204 = arith.constant 2 : i32
            %get3A_205 = arith.index_cast %get3A_204 : i32 to index
            %get3A_206 = arith.index_cast %mul3A_176 : i32 to index
            %get3A_207 = tpu.vector_load %arg8[%get3A_205, %get3A_206] {strides = array<i32>} : memref<4x2816xf32, #tpu.memory_space<vmem>>, vector<16xf32>,
            %mul3A_208 = arith.mulf %get3A_207, %get3A_190 : vector<16xf32>
            %broadcast_in_dim3A_209 = arith.constant 2 : i32
            %broadcast_in_dim3A_210 = vector.broadcast %broadcast_in_dim3A_209 : i32 to vector<16xi32>
            tpu.vector_store_idx %arg9[%broadcast_in_dim3A_210, %get3A_178], %mul3A_208 {add = true} : memref<4x16400xf32, #tpu.memory_space<vmem>>[vector<16xi32>, vector<16xi32>], vector<16xf32>,
            %get3A_211 = arith.constant 3 : i32
            %get3A_212 = arith.index_cast %get3A_211 : i32 to index
            %get3A_213 = arith.index_cast %mul3A_176 : i32 to index
            %get3A_214 = tpu.vector_load %arg8[%get3A_212, %get3A_213] {strides = array<i32>} : memref<4x2816xf32, #tpu.memory_space<vmem>>, vector<16xf32>,
            %mul3A_215 = arith.mulf %get3A_214, %get3A_190 : vector<16xf32>
            %broadcast_in_dim3A_216 = arith.constant 3 : i32
            %broadcast_in_dim3A_217 = vector.broadcast %broadcast_in_dim3A_216 : i32 to vector<16xi32>
            tpu.vector_store_idx %arg9[%broadcast_in_dim3A_217, %get3A_178], %mul3A_215 {add = true} : memref<4x16400xf32, #tpu.memory_space<vmem>>[vector<16xi32>, vector<16xi32>], vector<16xf32>,
          } else {
          }
        }
        %scan3A_169 = arith.constant 176 : i32
      }
      %scan3A_159 = arith.constant 4 : i32
    }
    %scan3A_14 = arith.constant 8 : i32
    %mul3A_15 = arith.constant 6 : i32
    %mul3A_16 = arith.muli %arg0, %mul3A_15 : i32
    %add3A_17 = arith.constant 1 : i32
    %add3A_18 = arith.addi %mul3A_16, %add3A_17 : i32
    "tpu.region"() ({
      %run_scoped3A_146 = tpu.sem_alloc : memref<!tpu.dma_semaphore, #tpu.memory_space<semaphore_mem>>
      %dma_start3A = arith.constant 0 : i32
      %dma_start3A_147 = tpu.memref_slice %arg2[%add3A_18, %add3A_1, %dma_start3A] : memref<12x128x2816xf32, #tpu.memory_space<hbm>> -> memref<1x4x2816xf32, #tpu.memory_space<hbm>>
      %dma_start3A_148 = tpu.memref_squeeze %dma_start3A_147 : memref<1x4x2816xf32, #tpu.memory_space<hbm>> -> memref<4x2816xf32, #tpu.memory_space<hbm>>
      %dma_start3A_149 = arith.constant 0 : i32
      %dma_start3A_150 = tpu.memref_slice %arg2[%add3A_18, %add3A_1, %dma_start3A_149] : memref<12x128x2816xf32, #tpu.memory_space<hbm>> -> memref<1x4x2816xf32, #tpu.memory_space<hbm>>
      %dma_start3A_151 = tpu.memref_squeeze %dma_start3A_150 : memref<1x4x2816xf32, #tpu.memory_space<hbm>> -> memref<4x2816xf32, #tpu.memory_space<hbm>>
      tpu.enqueue_dma source(%dma_start3A_151 : memref<4x2816xf32, #tpu.memory_space<hbm>>) target(%arg8 : memref<4x2816xf32, #tpu.memory_space<vmem>>) target_semaphore(%run_scoped3A_146 : memref<!tpu.dma_semaphore, #tpu.memory_space<semaphore_mem>>)
      %dma_wait3A = arith.constant 0 : i32
      %dma_wait3A_152 = tpu.memref_slice %arg2[%add3A_18, %add3A_1, %dma_wait3A] : memref<12x128x2816xf32, #tpu.memory_space<hbm>> -> memref<1x4x2816xf32, #tpu.memory_space<hbm>>
      %dma_wait3A_153 = tpu.memref_squeeze %dma_wait3A_152 : memref<1x4x2816xf32, #tpu.memory_space<hbm>> -> memref<4x2816xf32, #tpu.memory_space<hbm>>
      %dma_wait3A_154 = arith.constant 0 : i32
      %dma_wait3A_155 = tpu.memref_slice %arg2[%add3A_18, %add3A_1, %dma_wait3A_154] : memref<12x128x2816xf32, #tpu.memory_space<hbm>> -> memref<1x4x2816xf32, #tpu.memory_space<hbm>>
      %dma_wait3A_156 = tpu.memref_squeeze %dma_wait3A_155 : memref<1x4x2816xf32, #tpu.memory_space<hbm>> -> memref<4x2816xf32, #tpu.memory_space<hbm>>
      tpu.wait_dma2 semaphore(%run_scoped3A_146 : memref<!tpu.dma_semaphore, #tpu.memory_space<semaphore_mem>>) src(%dma_wait3A_156 : memref<4x2816xf32, #tpu.memory_space<hbm>>) dst(%arg8 : memref<4x2816xf32, #tpu.memory_space<vmem>>)
      tpu.yield
    }) : () -> ()
    %scan3A_19 = arith.constant 0 : i32
    %scan3A_20 = arith.constant 8 : i32
    %scan3A_21 = arith.addi %scan3A_19, %scan3A_20 : i32
    %scan3A_22 = arith.constant 1 : i32
    scf.for %scan3A_146 = %scan3A_19 to %scan3A_21 step %scan3A_22  : i32 {
      %mul3A_147 = arith.constant 1 : i32
      %mul3A_148 = arith.muli %scan3A_146, %mul3A_147 : i32
      %add3A_149 = arith.constant 0 : i32
      %add3A_150 = arith.addi %add3A_149, %mul3A_148 : i32
      %mul3A_151 = arith.constant 4 : i32
      %mul3A_152 = arith.muli %add3A_150, %mul3A_151 : i32
      "tpu.region"() ({
        %run_scoped3A_160 = tpu.sem_alloc : memref<!tpu.dma_semaphore, #tpu.memory_space<semaphore_mem>>
        %dma_start3A = arith.constant 0 : i32
        %dma_start3A_161 = tpu.memref_slice %arg4[%add3A_18, %mul3A_152, %dma_start3A] : memref<12x32x2816xi32, #tpu.memory_space<hbm>> -> memref<1x4x2816xi32, #tpu.memory_space<hbm>>
        %dma_start3A_162 = tpu.memref_squeeze %dma_start3A_161 : memref<1x4x2816xi32, #tpu.memory_space<hbm>> -> memref<4x2816xi32, #tpu.memory_space<hbm>>
        %dma_start3A_163 = arith.constant 0 : i32
        %dma_start3A_164 = tpu.memref_slice %arg4[%add3A_18, %mul3A_152, %dma_start3A_163] : memref<12x32x2816xi32, #tpu.memory_space<hbm>> -> memref<1x4x2816xi32, #tpu.memory_space<hbm>>
        %dma_start3A_165 = tpu.memref_squeeze %dma_start3A_164 : memref<1x4x2816xi32, #tpu.memory_space<hbm>> -> memref<4x2816xi32, #tpu.memory_space<hbm>>
        tpu.enqueue_dma source(%dma_start3A_165 : memref<4x2816xi32, #tpu.memory_space<hbm>>) target(%arg6 : memref<4x2816xi32, #tpu.memory_space<vmem>>) target_semaphore(%run_scoped3A_160 : memref<!tpu.dma_semaphore, #tpu.memory_space<semaphore_mem>>)
        %dma_wait3A = arith.constant 0 : i32
        %dma_wait3A_166 = tpu.memref_slice %arg4[%add3A_18, %mul3A_152, %dma_wait3A] : memref<12x32x2816xi32, #tpu.memory_space<hbm>> -> memref<1x4x2816xi32, #tpu.memory_space<hbm>>
        %dma_wait3A_167 = tpu.memref_squeeze %dma_wait3A_166 : memref<1x4x2816xi32, #tpu.memory_space<hbm>> -> memref<4x2816xi32, #tpu.memory_space<hbm>>
        %dma_wait3A_168 = arith.constant 0 : i32
        %dma_wait3A_169 = tpu.memref_slice %arg4[%add3A_18, %mul3A_152, %dma_wait3A_168] : memref<12x32x2816xi32, #tpu.memory_space<hbm>> -> memref<1x4x2816xi32, #tpu.memory_space<hbm>>
        %dma_wait3A_170 = tpu.memref_squeeze %dma_wait3A_169 : memref<1x4x2816xi32, #tpu.memory_space<hbm>> -> memref<4x2816xi32, #tpu.memory_space<hbm>>
        tpu.wait_dma2 semaphore(%run_scoped3A_160 : memref<!tpu.dma_semaphore, #tpu.memory_space<semaphore_mem>>) src(%dma_wait3A_170 : memref<4x2816xi32, #tpu.memory_space<hbm>>) dst(%arg6 : memref<4x2816xi32, #tpu.memory_space<vmem>>)
        tpu.yield
      }) : () -> ()
      %mul3A_153 = arith.constant 4 : i32
      %mul3A_154 = arith.muli %add3A_150, %mul3A_153 : i32
      "tpu.region"() ({
        %run_scoped3A_160 = tpu.sem_alloc : memref<!tpu.dma_semaphore, #tpu.memory_space<semaphore_mem>>
        %dma_start3A = arith.constant 0 : i32
        %dma_start3A_161 = tpu.memref_slice %arg3[%add3A_18, %mul3A_154, %dma_start3A] : memref<12x32x2816xf32, #tpu.memory_space<hbm>> -> memref<1x4x2816xf32, #tpu.memory_space<hbm>>
        %dma_start3A_162 = tpu.memref_squeeze %dma_start3A_161 : memref<1x4x2816xf32, #tpu.memory_space<hbm>> -> memref<4x2816xf32, #tpu.memory_space<hbm>>
        %dma_start3A_163 = arith.constant 0 : i32
        %dma_start3A_164 = tpu.memref_slice %arg3[%add3A_18, %mul3A_154, %dma_start3A_163] : memref<12x32x2816xf32, #tpu.memory_space<hbm>> -> memref<1x4x2816xf32, #tpu.memory_space<hbm>>
        %dma_start3A_165 = tpu.memref_squeeze %dma_start3A_164 : memref<1x4x2816xf32, #tpu.memory_space<hbm>> -> memref<4x2816xf32, #tpu.memory_space<hbm>>
        tpu.enqueue_dma source(%dma_start3A_165 : memref<4x2816xf32, #tpu.memory_space<hbm>>) target(%arg7 : memref<4x2816xf32, #tpu.memory_space<vmem>>) target_semaphore(%run_scoped3A_160 : memref<!tpu.dma_semaphore, #tpu.memory_space<semaphore_mem>>)
        %dma_wait3A = arith.constant 0 : i32
        %dma_wait3A_166 = tpu.memref_slice %arg3[%add3A_18, %mul3A_154, %dma_wait3A] : memref<12x32x2816xf32, #tpu.memory_space<hbm>> -> memref<1x4x2816xf32, #tpu.memory_space<hbm>>
        %dma_wait3A_167 = tpu.memref_squeeze %dma_wait3A_166 : memref<1x4x2816xf32, #tpu.memory_space<hbm>> -> memref<4x2816xf32, #tpu.memory_space<hbm>>
        %dma_wait3A_168 = arith.constant 0 : i32
        %dma_wait3A_169 = tpu.memref_slice %arg3[%add3A_18, %mul3A_154, %dma_wait3A_168] : memref<12x32x2816xf32, #tpu.memory_space<hbm>> -> memref<1x4x2816xf32, #tpu.memory_space<hbm>>
        %dma_wait3A_170 = tpu.memref_squeeze %dma_wait3A_169 : memref<1x4x2816xf32, #tpu.memory_space<hbm>> -> memref<4x2816xf32, #tpu.memory_space<hbm>>
        tpu.wait_dma2 semaphore(%run_scoped3A_160 : memref<!tpu.dma_semaphore, #tpu.memory_space<semaphore_mem>>) src(%dma_wait3A_170 : memref<4x2816xf32, #tpu.memory_space<hbm>>) dst(%arg7 : memref<4x2816xf32, #tpu.memory_space<vmem>>)
        tpu.yield
      }) : () -> ()
      %scan3A_155 = arith.constant 0 : i32
      %scan3A_156 = arith.constant 4 : i32
      %scan3A_157 = arith.addi %scan3A_155, %scan3A_156 : i32
      %scan3A_158 = arith.constant 1 : i32
      scf.for %scan3A_160 = %scan3A_155 to %scan3A_157 step %scan3A_158  : i32 {
        %mul3A_161 = arith.constant 1 : i32
        %mul3A_162 = arith.muli %scan3A_160, %mul3A_161 : i32
        %add3A_163 = arith.constant 0 : i32
        %add3A_164 = arith.addi %add3A_163, %mul3A_162 : i32
        %scan3A_165 = arith.constant 0 : i32
        %scan3A_166 = arith.constant 176 : i32
        %scan3A_167 = arith.addi %scan3A_165, %scan3A_166 : i32
        %scan3A_168 = arith.constant 1 : i32
        scf.for %scan3A_170 = %scan3A_165 to %scan3A_167 step %scan3A_168  : i32 {
          %mul3A_171 = arith.constant 1 : i32
          %mul3A_172 = arith.muli %scan3A_170, %mul3A_171 : i32
          %add3A_173 = arith.constant 0 : i32
          %add3A_174 = arith.addi %add3A_173, %mul3A_172 : i32
          %mul3A_175 = arith.constant 16 : i32
          %mul3A_176 = arith.muli %add3A_174, %mul3A_175 : i32
          %get3A = arith.index_cast %add3A_164 : i32 to index
          %get3A_177 = arith.index_cast %mul3A_176 : i32 to index
          %get3A_178 = tpu.vector_load %arg6[%get3A, %get3A_177] {strides = array<i32>} : memref<4x2816xi32, #tpu.memory_space<vmem>>, vector<16xi32>,
          %reduce_min3A = arith.constant true
          %reduce_min3A_179 = vector.broadcast %reduce_min3A : i1 to vector<16xi1>
          %reduce_min3A_180 = arith.constant -2147483648 : i32
          %reduce_min3A_181 = vector.broadcast %reduce_min3A_180 : i32 to vector<16xi32>
          %reduce_min3A_182 = arith.xori %get3A_178, %reduce_min3A_181 : vector<16xi32>
          %reduce_min3A_183 = tpu.scan <min>, %reduce_min3A_182 masked %reduce_min3A_179 : vector<16xi32>, vector<16xi1> -> vector<16xi32>
          %reduce_min3A_184 = arith.xori %reduce_min3A_183, %reduce_min3A_181 : vector<16xi32>
          %reduce_min3A_185 = vector.extract %reduce_min3A_184[15] : i32 from vector<16xi32>
          %lt3A = arith.constant 16384 : i32
          %lt3A_186 = arith.cmpi slt, %reduce_min3A_185, %lt3A : i32
          %convert_element_type3A = arith.extui %lt3A_186 : i1 to i32
          %cond3A = arith.constant 0 : i32
          %cond3A_187 = arith.cmpi ne, %convert_element_type3A, %cond3A : i32
          scf.if %cond3A_187 {
            %get3A_188 = arith.index_cast %add3A_164 : i32 to index
            %get3A_189 = arith.index_cast %mul3A_176 : i32 to index
            %get3A_190 = tpu.vector_load %arg7[%get3A_188, %get3A_189] {strides = array<i32>} : memref<4x2816xf32, #tpu.memory_space<vmem>>, vector<16xf32>,
            %get3A_191 = arith.constant 0 : i32
            %get3A_192 = arith.index_cast %get3A_191 : i32 to index
            %get3A_193 = arith.index_cast %mul3A_176 : i32 to index
            %get3A_194 = tpu.vector_load %arg8[%get3A_192, %get3A_193] {strides = array<i32>} : memref<4x2816xf32, #tpu.memory_space<vmem>>, vector<16xf32>,
            %mul3A_195 = arith.mulf %get3A_194, %get3A_190 : vector<16xf32>
            %broadcast_in_dim3A = arith.constant 0 : i32
            %broadcast_in_dim3A_196 = vector.broadcast %broadcast_in_dim3A : i32 to vector<16xi32>
            tpu.vector_store_idx %arg9[%broadcast_in_dim3A_196, %get3A_178], %mul3A_195 {add = true} : memref<4x16400xf32, #tpu.memory_space<vmem>>[vector<16xi32>, vector<16xi32>], vector<16xf32>,
            %get3A_197 = arith.constant 1 : i32
            %get3A_198 = arith.index_cast %get3A_197 : i32 to index
            %get3A_199 = arith.index_cast %mul3A_176 : i32 to index
            %get3A_200 = tpu.vector_load %arg8[%get3A_198, %get3A_199] {strides = array<i32>} : memref<4x2816xf32, #tpu.memory_space<vmem>>, vector<16xf32>,
            %mul3A_201 = arith.mulf %get3A_200, %get3A_190 : vector<16xf32>
            %broadcast_in_dim3A_202 = arith.constant 1 : i32
            %broadcast_in_dim3A_203 = vector.broadcast %broadcast_in_dim3A_202 : i32 to vector<16xi32>
            tpu.vector_store_idx %arg9[%broadcast_in_dim3A_203, %get3A_178], %mul3A_201 {add = true} : memref<4x16400xf32, #tpu.memory_space<vmem>>[vector<16xi32>, vector<16xi32>], vector<16xf32>,
            %get3A_204 = arith.constant 2 : i32
            %get3A_205 = arith.index_cast %get3A_204 : i32 to index
            %get3A_206 = arith.index_cast %mul3A_176 : i32 to index
            %get3A_207 = tpu.vector_load %arg8[%get3A_205, %get3A_206] {strides = array<i32>} : memref<4x2816xf32, #tpu.memory_space<vmem>>, vector<16xf32>,
            %mul3A_208 = arith.mulf %get3A_207, %get3A_190 : vector<16xf32>
            %broadcast_in_dim3A_209 = arith.constant 2 : i32
            %broadcast_in_dim3A_210 = vector.broadcast %broadcast_in_dim3A_209 : i32 to vector<16xi32>
            tpu.vector_store_idx %arg9[%broadcast_in_dim3A_210, %get3A_178], %mul3A_208 {add = true} : memref<4x16400xf32, #tpu.memory_space<vmem>>[vector<16xi32>, vector<16xi32>], vector<16xf32>,
            %get3A_211 = arith.constant 3 : i32
            %get3A_212 = arith.index_cast %get3A_211 : i32 to index
            %get3A_213 = arith.index_cast %mul3A_176 : i32 to index
            %get3A_214 = tpu.vector_load %arg8[%get3A_212, %get3A_213] {strides = array<i32>} : memref<4x2816xf32, #tpu.memory_space<vmem>>, vector<16xf32>,
            %mul3A_215 = arith.mulf %get3A_214, %get3A_190 : vector<16xf32>
            %broadcast_in_dim3A_216 = arith.constant 3 : i32
            %broadcast_in_dim3A_217 = vector.broadcast %broadcast_in_dim3A_216 : i32 to vector<16xi32>
            tpu.vector_store_idx %arg9[%broadcast_in_dim3A_217, %get3A_178], %mul3A_215 {add = true} : memref<4x16400xf32, #tpu.memory_space<vmem>>[vector<16xi32>, vector<16xi32>], vector<16xf32>,
          } else {
          }
        }
        %scan3A_169 = arith.constant 176 : i32
      }
      %scan3A_159 = arith.constant 4 : i32
    }
    %scan3A_23 = arith.constant 8 : i32
    %mul3A_24 = arith.constant 6 : i32
    %mul3A_25 = arith.muli %arg0, %mul3A_24 : i32
    %add3A_26 = arith.constant 2 : i32
    %add3A_27 = arith.addi %mul3A_25, %add3A_26 : i32
    "tpu.region"() ({
      %run_scoped3A_146 = tpu.sem_alloc : memref<!tpu.dma_semaphore, #tpu.memory_space<semaphore_mem>>
      %dma_start3A = arith.constant 0 : i32
      %dma_start3A_147 = tpu.memref_slice %arg2[%add3A_27, %add3A_1, %dma_start3A] : memref<12x128x2816xf32, #tpu.memory_space<hbm>> -> memref<1x4x2816xf32, #tpu.memory_space<hbm>>
      %dma_start3A_148 = tpu.memref_squeeze %dma_start3A_147 : memref<1x4x2816xf32, #tpu.memory_space<hbm>> -> memref<4x2816xf32, #tpu.memory_space<hbm>>
      %dma_start3A_149 = arith.constant 0 : i32
      %dma_start3A_150 = tpu.memref_slice %arg2[%add3A_27, %add3A_1, %dma_start3A_149] : memref<12x128x2816xf32, #tpu.memory_space<hbm>> -> memref<1x4x2816xf32, #tpu.memory_space<hbm>>
      %dma_start3A_151 = tpu.memref_squeeze %dma_start3A_150 : memref<1x4x2816xf32, #tpu.memory_space<hbm>> -> memref<4x2816xf32, #tpu.memory_space<hbm>>
      tpu.enqueue_dma source(%dma_start3A_151 : memref<4x2816xf32, #tpu.memory_space<hbm>>) target(%arg8 : memref<4x2816xf32, #tpu.memory_space<vmem>>) target_semaphore(%run_scoped3A_146 : memref<!tpu.dma_semaphore, #tpu.memory_space<semaphore_mem>>)
      %dma_wait3A = arith.constant 0 : i32
      %dma_wait3A_152 = tpu.memref_slice %arg2[%add3A_27, %add3A_1, %dma_wait3A] : memref<12x128x2816xf32, #tpu.memory_space<hbm>> -> memref<1x4x2816xf32, #tpu.memory_space<hbm>>
      %dma_wait3A_153 = tpu.memref_squeeze %dma_wait3A_152 : memref<1x4x2816xf32, #tpu.memory_space<hbm>> -> memref<4x2816xf32, #tpu.memory_space<hbm>>
      %dma_wait3A_154 = arith.constant 0 : i32
      %dma_wait3A_155 = tpu.memref_slice %arg2[%add3A_27, %add3A_1, %dma_wait3A_154] : memref<12x128x2816xf32, #tpu.memory_space<hbm>> -> memref<1x4x2816xf32, #tpu.memory_space<hbm>>
      %dma_wait3A_156 = tpu.memref_squeeze %dma_wait3A_155 : memref<1x4x2816xf32, #tpu.memory_space<hbm>> -> memref<4x2816xf32, #tpu.memory_space<hbm>>
      tpu.wait_dma2 semaphore(%run_scoped3A_146 : memref<!tpu.dma_semaphore, #tpu.memory_space<semaphore_mem>>) src(%dma_wait3A_156 : memref<4x2816xf32, #tpu.memory_space<hbm>>) dst(%arg8 : memref<4x2816xf32, #tpu.memory_space<vmem>>)
      tpu.yield
    }) : () -> ()
    %scan3A_28 = arith.constant 0 : i32
    %scan3A_29 = arith.constant 8 : i32
    %scan3A_30 = arith.addi %scan3A_28, %scan3A_29 : i32
    %scan3A_31 = arith.constant 1 : i32
    scf.for %scan3A_146 = %scan3A_28 to %scan3A_30 step %scan3A_31  : i32 {
      %mul3A_147 = arith.constant 1 : i32
      %mul3A_148 = arith.muli %scan3A_146, %mul3A_147 : i32
      %add3A_149 = arith.constant 0 : i32
      %add3A_150 = arith.addi %add3A_149, %mul3A_148 : i32
      %mul3A_151 = arith.constant 4 : i32
      %mul3A_152 = arith.muli %add3A_150, %mul3A_151 : i32
      "tpu.region"() ({
        %run_scoped3A_160 = tpu.sem_alloc : memref<!tpu.dma_semaphore, #tpu.memory_space<semaphore_mem>>
        %dma_start3A = arith.constant 0 : i32
        %dma_start3A_161 = tpu.memref_slice %arg4[%add3A_27, %mul3A_152, %dma_start3A] : memref<12x32x2816xi32, #tpu.memory_space<hbm>> -> memref<1x4x2816xi32, #tpu.memory_space<hbm>>
        %dma_start3A_162 = tpu.memref_squeeze %dma_start3A_161 : memref<1x4x2816xi32, #tpu.memory_space<hbm>> -> memref<4x2816xi32, #tpu.memory_space<hbm>>
        %dma_start3A_163 = arith.constant 0 : i32
        %dma_start3A_164 = tpu.memref_slice %arg4[%add3A_27, %mul3A_152, %dma_start3A_163] : memref<12x32x2816xi32, #tpu.memory_space<hbm>> -> memref<1x4x2816xi32, #tpu.memory_space<hbm>>
        %dma_start3A_165 = tpu.memref_squeeze %dma_start3A_164 : memref<1x4x2816xi32, #tpu.memory_space<hbm>> -> memref<4x2816xi32, #tpu.memory_space<hbm>>
        tpu.enqueue_dma source(%dma_start3A_165 : memref<4x2816xi32, #tpu.memory_space<hbm>>) target(%arg6 : memref<4x2816xi32, #tpu.memory_space<vmem>>) target_semaphore(%run_scoped3A_160 : memref<!tpu.dma_semaphore, #tpu.memory_space<semaphore_mem>>)
        %dma_wait3A = arith.constant 0 : i32
        %dma_wait3A_166 = tpu.memref_slice %arg4[%add3A_27, %mul3A_152, %dma_wait3A] : memref<12x32x2816xi32, #tpu.memory_space<hbm>> -> memref<1x4x2816xi32, #tpu.memory_space<hbm>>
        %dma_wait3A_167 = tpu.memref_squeeze %dma_wait3A_166 : memref<1x4x2816xi32, #tpu.memory_space<hbm>> -> memref<4x2816xi32, #tpu.memory_space<hbm>>
        %dma_wait3A_168 = arith.constant 0 : i32
        %dma_wait3A_169 = tpu.memref_slice %arg4[%add3A_27, %mul3A_152, %dma_wait3A_168] : memref<12x32x2816xi32, #tpu.memory_space<hbm>> -> memref<1x4x2816xi32, #tpu.memory_space<hbm>>
        %dma_wait3A_170 = tpu.memref_squeeze %dma_wait3A_169 : memref<1x4x2816xi32, #tpu.memory_space<hbm>> -> memref<4x2816xi32, #tpu.memory_space<hbm>>
        tpu.wait_dma2 semaphore(%run_scoped3A_160 : memref<!tpu.dma_semaphore, #tpu.memory_space<semaphore_mem>>) src(%dma_wait3A_170 : memref<4x2816xi32, #tpu.memory_space<hbm>>) dst(%arg6 : memref<4x2816xi32, #tpu.memory_space<vmem>>)
        tpu.yield
      }) : () -> ()
      %mul3A_153 = arith.constant 4 : i32
      %mul3A_154 = arith.muli %add3A_150, %mul3A_153 : i32
      "tpu.region"() ({
        %run_scoped3A_160 = tpu.sem_alloc : memref<!tpu.dma_semaphore, #tpu.memory_space<semaphore_mem>>
        %dma_start3A = arith.constant 0 : i32
        %dma_start3A_161 = tpu.memref_slice %arg3[%add3A_27, %mul3A_154, %dma_start3A] : memref<12x32x2816xf32, #tpu.memory_space<hbm>> -> memref<1x4x2816xf32, #tpu.memory_space<hbm>>
        %dma_start3A_162 = tpu.memref_squeeze %dma_start3A_161 : memref<1x4x2816xf32, #tpu.memory_space<hbm>> -> memref<4x2816xf32, #tpu.memory_space<hbm>>
        %dma_start3A_163 = arith.constant 0 : i32
        %dma_start3A_164 = tpu.memref_slice %arg3[%add3A_27, %mul3A_154, %dma_start3A_163] : memref<12x32x2816xf32, #tpu.memory_space<hbm>> -> memref<1x4x2816xf32, #tpu.memory_space<hbm>>
        %dma_start3A_165 = tpu.memref_squeeze %dma_start3A_164 : memref<1x4x2816xf32, #tpu.memory_space<hbm>> -> memref<4x2816xf32, #tpu.memory_space<hbm>>
        tpu.enqueue_dma source(%dma_start3A_165 : memref<4x2816xf32, #tpu.memory_space<hbm>>) target(%arg7 : memref<4x2816xf32, #tpu.memory_space<vmem>>) target_semaphore(%run_scoped3A_160 : memref<!tpu.dma_semaphore, #tpu.memory_space<semaphore_mem>>)
        %dma_wait3A = arith.constant 0 : i32
        %dma_wait3A_166 = tpu.memref_slice %arg3[%add3A_27, %mul3A_154, %dma_wait3A] : memref<12x32x2816xf32, #tpu.memory_space<hbm>> -> memref<1x4x2816xf32, #tpu.memory_space<hbm>>
        %dma_wait3A_167 = tpu.memref_squeeze %dma_wait3A_166 : memref<1x4x2816xf32, #tpu.memory_space<hbm>> -> memref<4x2816xf32, #tpu.memory_space<hbm>>
        %dma_wait3A_168 = arith.constant 0 : i32
        %dma_wait3A_169 = tpu.memref_slice %arg3[%add3A_27, %mul3A_154, %dma_wait3A_168] : memref<12x32x2816xf32, #tpu.memory_space<hbm>> -> memref<1x4x2816xf32, #tpu.memory_space<hbm>>
        %dma_wait3A_170 = tpu.memref_squeeze %dma_wait3A_169 : memref<1x4x2816xf32, #tpu.memory_space<hbm>> -> memref<4x2816xf32, #tpu.memory_space<hbm>>
        tpu.wait_dma2 semaphore(%run_scoped3A_160 : memref<!tpu.dma_semaphore, #tpu.memory_space<semaphore_mem>>) src(%dma_wait3A_170 : memref<4x2816xf32, #tpu.memory_space<hbm>>) dst(%arg7 : memref<4x2816xf32, #tpu.memory_space<vmem>>)
        tpu.yield
      }) : () -> ()
      %scan3A_155 = arith.constant 0 : i32
      %scan3A_156 = arith.constant 4 : i32
      %scan3A_157 = arith.addi %scan3A_155, %scan3A_156 : i32
      %scan3A_158 = arith.constant 1 : i32
      scf.for %scan3A_160 = %scan3A_155 to %scan3A_157 step %scan3A_158  : i32 {
        %mul3A_161 = arith.constant 1 : i32
        %mul3A_162 = arith.muli %scan3A_160, %mul3A_161 : i32
        %add3A_163 = arith.constant 0 : i32
        %add3A_164 = arith.addi %add3A_163, %mul3A_162 : i32
        %scan3A_165 = arith.constant 0 : i32
        %scan3A_166 = arith.constant 176 : i32
        %scan3A_167 = arith.addi %scan3A_165, %scan3A_166 : i32
        %scan3A_168 = arith.constant 1 : i32
        scf.for %scan3A_170 = %scan3A_165 to %scan3A_167 step %scan3A_168  : i32 {
          %mul3A_171 = arith.constant 1 : i32
          %mul3A_172 = arith.muli %scan3A_170, %mul3A_171 : i32
          %add3A_173 = arith.constant 0 : i32
          %add3A_174 = arith.addi %add3A_173, %mul3A_172 : i32
          %mul3A_175 = arith.constant 16 : i32
          %mul3A_176 = arith.muli %add3A_174, %mul3A_175 : i32
          %get3A = arith.index_cast %add3A_164 : i32 to index
          %get3A_177 = arith.index_cast %mul3A_176 : i32 to index
          %get3A_178 = tpu.vector_load %arg6[%get3A, %get3A_177] {strides = array<i32>} : memref<4x2816xi32, #tpu.memory_space<vmem>>, vector<16xi32>,
          %reduce_min3A = arith.constant true
          %reduce_min3A_179 = vector.broadcast %reduce_min3A : i1 to vector<16xi1>
          %reduce_min3A_180 = arith.constant -2147483648 : i32
          %reduce_min3A_181 = vector.broadcast %reduce_min3A_180 : i32 to vector<16xi32>
          %reduce_min3A_182 = arith.xori %get3A_178, %reduce_min3A_181 : vector<16xi32>
          %reduce_min3A_183 = tpu.scan <min>, %reduce_min3A_182 masked %reduce_min3A_179 : vector<16xi32>, vector<16xi1> -> vector<16xi32>
          %reduce_min3A_184 = arith.xori %reduce_min3A_183, %reduce_min3A_181 : vector<16xi32>
          %reduce_min3A_185 = vector.extract %reduce_min3A_184[15] : i32 from vector<16xi32>
          %lt3A = arith.constant 16384 : i32
          %lt3A_186 = arith.cmpi slt, %reduce_min3A_185, %lt3A : i32
          %convert_element_type3A = arith.extui %lt3A_186 : i1 to i32
          %cond3A = arith.constant 0 : i32
          %cond3A_187 = arith.cmpi ne, %convert_element_type3A, %cond3A : i32
          scf.if %cond3A_187 {
            %get3A_188 = arith.index_cast %add3A_164 : i32 to index
            %get3A_189 = arith.index_cast %mul3A_176 : i32 to index
            %get3A_190 = tpu.vector_load %arg7[%get3A_188, %get3A_189] {strides = array<i32>} : memref<4x2816xf32, #tpu.memory_space<vmem>>, vector<16xf32>,
            %get3A_191 = arith.constant 0 : i32
            %get3A_192 = arith.index_cast %get3A_191 : i32 to index
            %get3A_193 = arith.index_cast %mul3A_176 : i32 to index
            %get3A_194 = tpu.vector_load %arg8[%get3A_192, %get3A_193] {strides = array<i32>} : memref<4x2816xf32, #tpu.memory_space<vmem>>, vector<16xf32>,
            %mul3A_195 = arith.mulf %get3A_194, %get3A_190 : vector<16xf32>
            %broadcast_in_dim3A = arith.constant 0 : i32
            %broadcast_in_dim3A_196 = vector.broadcast %broadcast_in_dim3A : i32 to vector<16xi32>
            tpu.vector_store_idx %arg9[%broadcast_in_dim3A_196, %get3A_178], %mul3A_195 {add = true} : memref<4x16400xf32, #tpu.memory_space<vmem>>[vector<16xi32>, vector<16xi32>], vector<16xf32>,
            %get3A_197 = arith.constant 1 : i32
            %get3A_198 = arith.index_cast %get3A_197 : i32 to index
            %get3A_199 = arith.index_cast %mul3A_176 : i32 to index
            %get3A_200 = tpu.vector_load %arg8[%get3A_198, %get3A_199] {strides = array<i32>} : memref<4x2816xf32, #tpu.memory_space<vmem>>, vector<16xf32>,
            %mul3A_201 = arith.mulf %get3A_200, %get3A_190 : vector<16xf32>
            %broadcast_in_dim3A_202 = arith.constant 1 : i32
            %broadcast_in_dim3A_203 = vector.broadcast %broadcast_in_dim3A_202 : i32 to vector<16xi32>
            tpu.vector_store_idx %arg9[%broadcast_in_dim3A_203, %get3A_178], %mul3A_201 {add = true} : memref<4x16400xf32, #tpu.memory_space<vmem>>[vector<16xi32>, vector<16xi32>], vector<16xf32>,
            %get3A_204 = arith.constant 2 : i32
            %get3A_205 = arith.index_cast %get3A_204 : i32 to index
            %get3A_206 = arith.index_cast %mul3A_176 : i32 to index
            %get3A_207 = tpu.vector_load %arg8[%get3A_205, %get3A_206] {strides = array<i32>} : memref<4x2816xf32, #tpu.memory_space<vmem>>, vector<16xf32>,
            %mul3A_208 = arith.mulf %get3A_207, %get3A_190 : vector<16xf32>
            %broadcast_in_dim3A_209 = arith.constant 2 : i32
            %broadcast_in_dim3A_210 = vector.broadcast %broadcast_in_dim3A_209 : i32 to vector<16xi32>
            tpu.vector_store_idx %arg9[%broadcast_in_dim3A_210, %get3A_178], %mul3A_208 {add = true} : memref<4x16400xf32, #tpu.memory_space<vmem>>[vector<16xi32>, vector<16xi32>], vector<16xf32>,
            %get3A_211 = arith.constant 3 : i32
            %get3A_212 = arith.index_cast %get3A_211 : i32 to index
            %get3A_213 = arith.index_cast %mul3A_176 : i32 to index
            %get3A_214 = tpu.vector_load %arg8[%get3A_212, %get3A_213] {strides = array<i32>} : memref<4x2816xf32, #tpu.memory_space<vmem>>, vector<16xf32>,
            %mul3A_215 = arith.mulf %get3A_214, %get3A_190 : vector<16xf32>
            %broadcast_in_dim3A_216 = arith.constant 3 : i32
            %broadcast_in_dim3A_217 = vector.broadcast %broadcast_in_dim3A_216 : i32 to vector<16xi32>
            tpu.vector_store_idx %arg9[%broadcast_in_dim3A_217, %get3A_178], %mul3A_215 {add = true} : memref<4x16400xf32, #tpu.memory_space<vmem>>[vector<16xi32>, vector<16xi32>], vector<16xf32>,
          } else {
          }
        }
        %scan3A_169 = arith.constant 176 : i32
      }
      %scan3A_159 = arith.constant 4 : i32
    }
    %scan3A_32 = arith.constant 8 : i32
    %mul3A_33 = arith.constant 6 : i32
    %mul3A_34 = arith.muli %arg0, %mul3A_33 : i32
    %add3A_35 = arith.constant 3 : i32
    %add3A_36 = arith.addi %mul3A_34, %add3A_35 : i32
    "tpu.region"() ({
      %run_scoped3A_146 = tpu.sem_alloc : memref<!tpu.dma_semaphore, #tpu.memory_space<semaphore_mem>>
      %dma_start3A = arith.constant 0 : i32
      %dma_start3A_147 = tpu.memref_slice %arg2[%add3A_36, %add3A_1, %dma_start3A] : memref<12x128x2816xf32, #tpu.memory_space<hbm>> -> memref<1x4x2816xf32, #tpu.memory_space<hbm>>
      %dma_start3A_148 = tpu.memref_squeeze %dma_start3A_147 : memref<1x4x2816xf32, #tpu.memory_space<hbm>> -> memref<4x2816xf32, #tpu.memory_space<hbm>>
      %dma_start3A_149 = arith.constant 0 : i32
      %dma_start3A_150 = tpu.memref_slice %arg2[%add3A_36, %add3A_1, %dma_start3A_149] : memref<12x128x2816xf32, #tpu.memory_space<hbm>> -> memref<1x4x2816xf32, #tpu.memory_space<hbm>>
      %dma_start3A_151 = tpu.memref_squeeze %dma_start3A_150 : memref<1x4x2816xf32, #tpu.memory_space<hbm>> -> memref<4x2816xf32, #tpu.memory_space<hbm>>
      tpu.enqueue_dma source(%dma_start3A_151 : memref<4x2816xf32, #tpu.memory_space<hbm>>) target(%arg8 : memref<4x2816xf32, #tpu.memory_space<vmem>>) target_semaphore(%run_scoped3A_146 : memref<!tpu.dma_semaphore, #tpu.memory_space<semaphore_mem>>)
      %dma_wait3A = arith.constant 0 : i32
      %dma_wait3A_152 = tpu.memref_slice %arg2[%add3A_36, %add3A_1, %dma_wait3A] : memref<12x128x2816xf32, #tpu.memory_space<hbm>> -> memref<1x4x2816xf32, #tpu.memory_space<hbm>>
      %dma_wait3A_153 = tpu.memref_squeeze %dma_wait3A_152 : memref<1x4x2816xf32, #tpu.memory_space<hbm>> -> memref<4x2816xf32, #tpu.memory_space<hbm>>
      %dma_wait3A_154 = arith.constant 0 : i32
      %dma_wait3A_155 = tpu.memref_slice %arg2[%add3A_36, %add3A_1, %dma_wait3A_154] : memref<12x128x2816xf32, #tpu.memory_space<hbm>> -> memref<1x4x2816xf32, #tpu.memory_space<hbm>>
      %dma_wait3A_156 = tpu.memref_squeeze %dma_wait3A_155 : memref<1x4x2816xf32, #tpu.memory_space<hbm>> -> memref<4x2816xf32, #tpu.memory_space<hbm>>
      tpu.wait_dma2 semaphore(%run_scoped3A_146 : memref<!tpu.dma_semaphore, #tpu.memory_space<semaphore_mem>>) src(%dma_wait3A_156 : memref<4x2816xf32, #tpu.memory_space<hbm>>) dst(%arg8 : memref<4x2816xf32, #tpu.memory_space<vmem>>)
      tpu.yield
    }) : () -> ()
    %scan3A_37 = arith.constant 0 : i32
    %scan3A_38 = arith.constant 8 : i32
    %scan3A_39 = arith.addi %scan3A_37, %scan3A_38 : i32
    %scan3A_40 = arith.constant 1 : i32
    scf.for %scan3A_146 = %scan3A_37 to %scan3A_39 step %scan3A_40  : i32 {
      %mul3A_147 = arith.constant 1 : i32
      %mul3A_148 = arith.muli %scan3A_146, %mul3A_147 : i32
      %add3A_149 = arith.constant 0 : i32
      %add3A_150 = arith.addi %add3A_149, %mul3A_148 : i32
      %mul3A_151 = arith.constant 4 : i32
      %mul3A_152 = arith.muli %add3A_150, %mul3A_151 : i32
      "tpu.region"() ({
        %run_scoped3A_160 = tpu.sem_alloc : memref<!tpu.dma_semaphore, #tpu.memory_space<semaphore_mem>>
        %dma_start3A = arith.constant 0 : i32
        %dma_start3A_161 = tpu.memref_slice %arg4[%add3A_36, %mul3A_152, %dma_start3A] : memref<12x32x2816xi32, #tpu.memory_space<hbm>> -> memref<1x4x2816xi32, #tpu.memory_space<hbm>>
        %dma_start3A_162 = tpu.memref_squeeze %dma_start3A_161 : memref<1x4x2816xi32, #tpu.memory_space<hbm>> -> memref<4x2816xi32, #tpu.memory_space<hbm>>
        %dma_start3A_163 = arith.constant 0 : i32
        %dma_start3A_164 = tpu.memref_slice %arg4[%add3A_36, %mul3A_152, %dma_start3A_163] : memref<12x32x2816xi32, #tpu.memory_space<hbm>> -> memref<1x4x2816xi32, #tpu.memory_space<hbm>>
        %dma_start3A_165 = tpu.memref_squeeze %dma_start3A_164 : memref<1x4x2816xi32, #tpu.memory_space<hbm>> -> memref<4x2816xi32, #tpu.memory_space<hbm>>
        tpu.enqueue_dma source(%dma_start3A_165 : memref<4x2816xi32, #tpu.memory_space<hbm>>) target(%arg6 : memref<4x2816xi32, #tpu.memory_space<vmem>>) target_semaphore(%run_scoped3A_160 : memref<!tpu.dma_semaphore, #tpu.memory_space<semaphore_mem>>)
        %dma_wait3A = arith.constant 0 : i32
        %dma_wait3A_166 = tpu.memref_slice %arg4[%add3A_36, %mul3A_152, %dma_wait3A] : memref<12x32x2816xi32, #tpu.memory_space<hbm>> -> memref<1x4x2816xi32, #tpu.memory_space<hbm>>
        %dma_wait3A_167 = tpu.memref_squeeze %dma_wait3A_166 : memref<1x4x2816xi32, #tpu.memory_space<hbm>> -> memref<4x2816xi32, #tpu.memory_space<hbm>>
        %dma_wait3A_168 = arith.constant 0 : i32
        %dma_wait3A_169 = tpu.memref_slice %arg4[%add3A_36, %mul3A_152, %dma_wait3A_168] : memref<12x32x2816xi32, #tpu.memory_space<hbm>> -> memref<1x4x2816xi32, #tpu.memory_space<hbm>>
        %dma_wait3A_170 = tpu.memref_squeeze %dma_wait3A_169 : memref<1x4x2816xi32, #tpu.memory_space<hbm>> -> memref<4x2816xi32, #tpu.memory_space<hbm>>
        tpu.wait_dma2 semaphore(%run_scoped3A_160 : memref<!tpu.dma_semaphore, #tpu.memory_space<semaphore_mem>>) src(%dma_wait3A_170 : memref<4x2816xi32, #tpu.memory_space<hbm>>) dst(%arg6 : memref<4x2816xi32, #tpu.memory_space<vmem>>)
        tpu.yield
      }) : () -> ()
      %mul3A_153 = arith.constant 4 : i32
      %mul3A_154 = arith.muli %add3A_150, %mul3A_153 : i32
      "tpu.region"() ({
        %run_scoped3A_160 = tpu.sem_alloc : memref<!tpu.dma_semaphore, #tpu.memory_space<semaphore_mem>>
        %dma_start3A = arith.constant 0 : i32
        %dma_start3A_161 = tpu.memref_slice %arg3[%add3A_36, %mul3A_154, %dma_start3A] : memref<12x32x2816xf32, #tpu.memory_space<hbm>> -> memref<1x4x2816xf32, #tpu.memory_space<hbm>>
        %dma_start3A_162 = tpu.memref_squeeze %dma_start3A_161 : memref<1x4x2816xf32, #tpu.memory_space<hbm>> -> memref<4x2816xf32, #tpu.memory_space<hbm>>
        %dma_start3A_163 = arith.constant 0 : i32
        %dma_start3A_164 = tpu.memref_slice %arg3[%add3A_36, %mul3A_154, %dma_start3A_163] : memref<12x32x2816xf32, #tpu.memory_space<hbm>> -> memref<1x4x2816xf32, #tpu.memory_space<hbm>>
        %dma_start3A_165 = tpu.memref_squeeze %dma_start3A_164 : memref<1x4x2816xf32, #tpu.memory_space<hbm>> -> memref<4x2816xf32, #tpu.memory_space<hbm>>
        tpu.enqueue_dma source(%dma_start3A_165 : memref<4x2816xf32, #tpu.memory_space<hbm>>) target(%arg7 : memref<4x2816xf32, #tpu.memory_space<vmem>>) target_semaphore(%run_scoped3A_160 : memref<!tpu.dma_semaphore, #tpu.memory_space<semaphore_mem>>)
        %dma_wait3A = arith.constant 0 : i32
        %dma_wait3A_166 = tpu.memref_slice %arg3[%add3A_36, %mul3A_154, %dma_wait3A] : memref<12x32x2816xf32, #tpu.memory_space<hbm>> -> memref<1x4x2816xf32, #tpu.memory_space<hbm>>
        %dma_wait3A_167 = tpu.memref_squeeze %dma_wait3A_166 : memref<1x4x2816xf32, #tpu.memory_space<hbm>> -> memref<4x2816xf32, #tpu.memory_space<hbm>>
        %dma_wait3A_168 = arith.constant 0 : i32
        %dma_wait3A_169 = tpu.memref_slice %arg3[%add3A_36, %mul3A_154, %dma_wait3A_168] : memref<12x32x2816xf32, #tpu.memory_space<hbm>> -> memref<1x4x2816xf32, #tpu.memory_space<hbm>>
        %dma_wait3A_170 = tpu.memref_squeeze %dma_wait3A_169 : memref<1x4x2816xf32, #tpu.memory_space<hbm>> -> memref<4x2816xf32, #tpu.memory_space<hbm>>
        tpu.wait_dma2 semaphore(%run_scoped3A_160 : memref<!tpu.dma_semaphore, #tpu.memory_space<semaphore_mem>>) src(%dma_wait3A_170 : memref<4x2816xf32, #tpu.memory_space<hbm>>) dst(%arg7 : memref<4x2816xf32, #tpu.memory_space<vmem>>)
        tpu.yield
      }) : () -> ()
      %scan3A_155 = arith.constant 0 : i32
      %scan3A_156 = arith.constant 4 : i32
      %scan3A_157 = arith.addi %scan3A_155, %scan3A_156 : i32
      %scan3A_158 = arith.constant 1 : i32
      scf.for %scan3A_160 = %scan3A_155 to %scan3A_157 step %scan3A_158  : i32 {
        %mul3A_161 = arith.constant 1 : i32
        %mul3A_162 = arith.muli %scan3A_160, %mul3A_161 : i32
        %add3A_163 = arith.constant 0 : i32
        %add3A_164 = arith.addi %add3A_163, %mul3A_162 : i32
        %scan3A_165 = arith.constant 0 : i32
        %scan3A_166 = arith.constant 176 : i32
        %scan3A_167 = arith.addi %scan3A_165, %scan3A_166 : i32
        %scan3A_168 = arith.constant 1 : i32
        scf.for %scan3A_170 = %scan3A_165 to %scan3A_167 step %scan3A_168  : i32 {
          %mul3A_171 = arith.constant 1 : i32
          %mul3A_172 = arith.muli %scan3A_170, %mul3A_171 : i32
          %add3A_173 = arith.constant 0 : i32
          %add3A_174 = arith.addi %add3A_173, %mul3A_172 : i32
          %mul3A_175 = arith.constant 16 : i32
          %mul3A_176 = arith.muli %add3A_174, %mul3A_175 : i32
          %get3A = arith.index_cast %add3A_164 : i32 to index
          %get3A_177 = arith.index_cast %mul3A_176 : i32 to index
          %get3A_178 = tpu.vector_load %arg6[%get3A, %get3A_177] {strides = array<i32>} : memref<4x2816xi32, #tpu.memory_space<vmem>>, vector<16xi32>,
          %reduce_min3A = arith.constant true
          %reduce_min3A_179 = vector.broadcast %reduce_min3A : i1 to vector<16xi1>
          %reduce_min3A_180 = arith.constant -2147483648 : i32
          %reduce_min3A_181 = vector.broadcast %reduce_min3A_180 : i32 to vector<16xi32>
          %reduce_min3A_182 = arith.xori %get3A_178, %reduce_min3A_181 : vector<16xi32>
          %reduce_min3A_183 = tpu.scan <min>, %reduce_min3A_182 masked %reduce_min3A_179 : vector<16xi32>, vector<16xi1> -> vector<16xi32>
          %reduce_min3A_184 = arith.xori %reduce_min3A_183, %reduce_min3A_181 : vector<16xi32>
          %reduce_min3A_185 = vector.extract %reduce_min3A_184[15] : i32 from vector<16xi32>
          %lt3A = arith.constant 16384 : i32
          %lt3A_186 = arith.cmpi slt, %reduce_min3A_185, %lt3A : i32
          %convert_element_type3A = arith.extui %lt3A_186 : i1 to i32
          %cond3A = arith.constant 0 : i32
          %cond3A_187 = arith.cmpi ne, %convert_element_type3A, %cond3A : i32
          scf.if %cond3A_187 {
            %get3A_188 = arith.index_cast %add3A_164 : i32 to index
            %get3A_189 = arith.index_cast %mul3A_176 : i32 to index
            %get3A_190 = tpu.vector_load %arg7[%get3A_188, %get3A_189] {strides = array<i32>} : memref<4x2816xf32, #tpu.memory_space<vmem>>, vector<16xf32>,
            %get3A_191 = arith.constant 0 : i32
            %get3A_192 = arith.index_cast %get3A_191 : i32 to index
            %get3A_193 = arith.index_cast %mul3A_176 : i32 to index
            %get3A_194 = tpu.vector_load %arg8[%get3A_192, %get3A_193] {strides = array<i32>} : memref<4x2816xf32, #tpu.memory_space<vmem>>, vector<16xf32>,
            %mul3A_195 = arith.mulf %get3A_194, %get3A_190 : vector<16xf32>
            %broadcast_in_dim3A = arith.constant 0 : i32
            %broadcast_in_dim3A_196 = vector.broadcast %broadcast_in_dim3A : i32 to vector<16xi32>
            tpu.vector_store_idx %arg9[%broadcast_in_dim3A_196, %get3A_178], %mul3A_195 {add = true} : memref<4x16400xf32, #tpu.memory_space<vmem>>[vector<16xi32>, vector<16xi32>], vector<16xf32>,
            %get3A_197 = arith.constant 1 : i32
            %get3A_198 = arith.index_cast %get3A_197 : i32 to index
            %get3A_199 = arith.index_cast %mul3A_176 : i32 to index
            %get3A_200 = tpu.vector_load %arg8[%get3A_198, %get3A_199] {strides = array<i32>} : memref<4x2816xf32, #tpu.memory_space<vmem>>, vector<16xf32>,
            %mul3A_201 = arith.mulf %get3A_200, %get3A_190 : vector<16xf32>
            %broadcast_in_dim3A_202 = arith.constant 1 : i32
            %broadcast_in_dim3A_203 = vector.broadcast %broadcast_in_dim3A_202 : i32 to vector<16xi32>
            tpu.vector_store_idx %arg9[%broadcast_in_dim3A_203, %get3A_178], %mul3A_201 {add = true} : memref<4x16400xf32, #tpu.memory_space<vmem>>[vector<16xi32>, vector<16xi32>], vector<16xf32>,
            %get3A_204 = arith.constant 2 : i32
            %get3A_205 = arith.index_cast %get3A_204 : i32 to index
            %get3A_206 = arith.index_cast %mul3A_176 : i32 to index
            %get3A_207 = tpu.vector_load %arg8[%get3A_205, %get3A_206] {strides = array<i32>} : memref<4x2816xf32, #tpu.memory_space<vmem>>, vector<16xf32>,
            %mul3A_208 = arith.mulf %get3A_207, %get3A_190 : vector<16xf32>
            %broadcast_in_dim3A_209 = arith.constant 2 : i32
            %broadcast_in_dim3A_210 = vector.broadcast %broadcast_in_dim3A_209 : i32 to vector<16xi32>
            tpu.vector_store_idx %arg9[%broadcast_in_dim3A_210, %get3A_178], %mul3A_208 {add = true} : memref<4x16400xf32, #tpu.memory_space<vmem>>[vector<16xi32>, vector<16xi32>], vector<16xf32>,
            %get3A_211 = arith.constant 3 : i32
            %get3A_212 = arith.index_cast %get3A_211 : i32 to index
            %get3A_213 = arith.index_cast %mul3A_176 : i32 to index
            %get3A_214 = tpu.vector_load %arg8[%get3A_212, %get3A_213] {strides = array<i32>} : memref<4x2816xf32, #tpu.memory_space<vmem>>, vector<16xf32>,
            %mul3A_215 = arith.mulf %get3A_214, %get3A_190 : vector<16xf32>
            %broadcast_in_dim3A_216 = arith.constant 3 : i32
            %broadcast_in_dim3A_217 = vector.broadcast %broadcast_in_dim3A_216 : i32 to vector<16xi32>
            tpu.vector_store_idx %arg9[%broadcast_in_dim3A_217, %get3A_178], %mul3A_215 {add = true} : memref<4x16400xf32, #tpu.memory_space<vmem>>[vector<16xi32>, vector<16xi32>], vector<16xf32>,
          } else {
          }
        }
        %scan3A_169 = arith.constant 176 : i32
      }
      %scan3A_159 = arith.constant 4 : i32
    }
    %scan3A_41 = arith.constant 8 : i32
    %mul3A_42 = arith.constant 6 : i32
    %mul3A_43 = arith.muli %arg0, %mul3A_42 : i32
    %add3A_44 = arith.constant 4 : i32
    %add3A_45 = arith.addi %mul3A_43, %add3A_44 : i32
    "tpu.region"() ({
      %run_scoped3A_146 = tpu.sem_alloc : memref<!tpu.dma_semaphore, #tpu.memory_space<semaphore_mem>>
      %dma_start3A = arith.constant 0 : i32
      %dma_start3A_147 = tpu.memref_slice %arg2[%add3A_45, %add3A_1, %dma_start3A] : memref<12x128x2816xf32, #tpu.memory_space<hbm>> -> memref<1x4x2816xf32, #tpu.memory_space<hbm>>
      %dma_start3A_148 = tpu.memref_squeeze %dma_start3A_147 : memref<1x4x2816xf32, #tpu.memory_space<hbm>> -> memref<4x2816xf32, #tpu.memory_space<hbm>>
      %dma_start3A_149 = arith.constant 0 : i32
      %dma_start3A_150 = tpu.memref_slice %arg2[%add3A_45, %add3A_1, %dma_start3A_149] : memref<12x128x2816xf32, #tpu.memory_space<hbm>> -> memref<1x4x2816xf32, #tpu.memory_space<hbm>>
      %dma_start3A_151 = tpu.memref_squeeze %dma_start3A_150 : memref<1x4x2816xf32, #tpu.memory_space<hbm>> -> memref<4x2816xf32, #tpu.memory_space<hbm>>
      tpu.enqueue_dma source(%dma_start3A_151 : memref<4x2816xf32, #tpu.memory_space<hbm>>) target(%arg8 : memref<4x2816xf32, #tpu.memory_space<vmem>>) target_semaphore(%run_scoped3A_146 : memref<!tpu.dma_semaphore, #tpu.memory_space<semaphore_mem>>)
      %dma_wait3A = arith.constant 0 : i32
      %dma_wait3A_152 = tpu.memref_slice %arg2[%add3A_45, %add3A_1, %dma_wait3A] : memref<12x128x2816xf32, #tpu.memory_space<hbm>> -> memref<1x4x2816xf32, #tpu.memory_space<hbm>>
      %dma_wait3A_153 = tpu.memref_squeeze %dma_wait3A_152 : memref<1x4x2816xf32, #tpu.memory_space<hbm>> -> memref<4x2816xf32, #tpu.memory_space<hbm>>
      %dma_wait3A_154 = arith.constant 0 : i32
      %dma_wait3A_155 = tpu.memref_slice %arg2[%add3A_45, %add3A_1, %dma_wait3A_154] : memref<12x128x2816xf32, #tpu.memory_space<hbm>> -> memref<1x4x2816xf32, #tpu.memory_space<hbm>>
      %dma_wait3A_156 = tpu.memref_squeeze %dma_wait3A_155 : memref<1x4x2816xf32, #tpu.memory_space<hbm>> -> memref<4x2816xf32, #tpu.memory_space<hbm>>
      tpu.wait_dma2 semaphore(%run_scoped3A_146 : memref<!tpu.dma_semaphore, #tpu.memory_space<semaphore_mem>>) src(%dma_wait3A_156 : memref<4x2816xf32, #tpu.memory_space<hbm>>) dst(%arg8 : memref<4x2816xf32, #tpu.memory_space<vmem>>)
      tpu.yield
    }) : () -> ()
    %scan3A_46 = arith.constant 0 : i32
    %scan3A_47 = arith.constant 8 : i32
    %scan3A_48 = arith.addi %scan3A_46, %scan3A_47 : i32
    %scan3A_49 = arith.constant 1 : i32
    scf.for %scan3A_146 = %scan3A_46 to %scan3A_48 step %scan3A_49  : i32 {
      %mul3A_147 = arith.constant 1 : i32
      %mul3A_148 = arith.muli %scan3A_146, %mul3A_147 : i32
      %add3A_149 = arith.constant 0 : i32
      %add3A_150 = arith.addi %add3A_149, %mul3A_148 : i32
      %mul3A_151 = arith.constant 4 : i32
      %mul3A_152 = arith.muli %add3A_150, %mul3A_151 : i32
      "tpu.region"() ({
        %run_scoped3A_160 = tpu.sem_alloc : memref<!tpu.dma_semaphore, #tpu.memory_space<semaphore_mem>>
        %dma_start3A = arith.constant 0 : i32
        %dma_start3A_161 = tpu.memref_slice %arg4[%add3A_45, %mul3A_152, %dma_start3A] : memref<12x32x2816xi32, #tpu.memory_space<hbm>> -> memref<1x4x2816xi32, #tpu.memory_space<hbm>>
        %dma_start3A_162 = tpu.memref_squeeze %dma_start3A_161 : memref<1x4x2816xi32, #tpu.memory_space<hbm>> -> memref<4x2816xi32, #tpu.memory_space<hbm>>
        %dma_start3A_163 = arith.constant 0 : i32
        %dma_start3A_164 = tpu.memref_slice %arg4[%add3A_45, %mul3A_152, %dma_start3A_163] : memref<12x32x2816xi32, #tpu.memory_space<hbm>> -> memref<1x4x2816xi32, #tpu.memory_space<hbm>>
        %dma_start3A_165 = tpu.memref_squeeze %dma_start3A_164 : memref<1x4x2816xi32, #tpu.memory_space<hbm>> -> memref<4x2816xi32, #tpu.memory_space<hbm>>
        tpu.enqueue_dma source(%dma_start3A_165 : memref<4x2816xi32, #tpu.memory_space<hbm>>) target(%arg6 : memref<4x2816xi32, #tpu.memory_space<vmem>>) target_semaphore(%run_scoped3A_160 : memref<!tpu.dma_semaphore, #tpu.memory_space<semaphore_mem>>)
        %dma_wait3A = arith.constant 0 : i32
        %dma_wait3A_166 = tpu.memref_slice %arg4[%add3A_45, %mul3A_152, %dma_wait3A] : memref<12x32x2816xi32, #tpu.memory_space<hbm>> -> memref<1x4x2816xi32, #tpu.memory_space<hbm>>
        %dma_wait3A_167 = tpu.memref_squeeze %dma_wait3A_166 : memref<1x4x2816xi32, #tpu.memory_space<hbm>> -> memref<4x2816xi32, #tpu.memory_space<hbm>>
        %dma_wait3A_168 = arith.constant 0 : i32
        %dma_wait3A_169 = tpu.memref_slice %arg4[%add3A_45, %mul3A_152, %dma_wait3A_168] : memref<12x32x2816xi32, #tpu.memory_space<hbm>> -> memref<1x4x2816xi32, #tpu.memory_space<hbm>>
        %dma_wait3A_170 = tpu.memref_squeeze %dma_wait3A_169 : memref<1x4x2816xi32, #tpu.memory_space<hbm>> -> memref<4x2816xi32, #tpu.memory_space<hbm>>
        tpu.wait_dma2 semaphore(%run_scoped3A_160 : memref<!tpu.dma_semaphore, #tpu.memory_space<semaphore_mem>>) src(%dma_wait3A_170 : memref<4x2816xi32, #tpu.memory_space<hbm>>) dst(%arg6 : memref<4x2816xi32, #tpu.memory_space<vmem>>)
        tpu.yield
      }) : () -> ()
      %mul3A_153 = arith.constant 4 : i32
      %mul3A_154 = arith.muli %add3A_150, %mul3A_153 : i32
      "tpu.region"() ({
        %run_scoped3A_160 = tpu.sem_alloc : memref<!tpu.dma_semaphore, #tpu.memory_space<semaphore_mem>>
        %dma_start3A = arith.constant 0 : i32
        %dma_start3A_161 = tpu.memref_slice %arg3[%add3A_45, %mul3A_154, %dma_start3A] : memref<12x32x2816xf32, #tpu.memory_space<hbm>> -> memref<1x4x2816xf32, #tpu.memory_space<hbm>>
        %dma_start3A_162 = tpu.memref_squeeze %dma_start3A_161 : memref<1x4x2816xf32, #tpu.memory_space<hbm>> -> memref<4x2816xf32, #tpu.memory_space<hbm>>
        %dma_start3A_163 = arith.constant 0 : i32
        %dma_start3A_164 = tpu.memref_slice %arg3[%add3A_45, %mul3A_154, %dma_start3A_163] : memref<12x32x2816xf32, #tpu.memory_space<hbm>> -> memref<1x4x2816xf32, #tpu.memory_space<hbm>>
        %dma_start3A_165 = tpu.memref_squeeze %dma_start3A_164 : memref<1x4x2816xf32, #tpu.memory_space<hbm>> -> memref<4x2816xf32, #tpu.memory_space<hbm>>
        tpu.enqueue_dma source(%dma_start3A_165 : memref<4x2816xf32, #tpu.memory_space<hbm>>) target(%arg7 : memref<4x2816xf32, #tpu.memory_space<vmem>>) target_semaphore(%run_scoped3A_160 : memref<!tpu.dma_semaphore, #tpu.memory_space<semaphore_mem>>)
        %dma_wait3A = arith.constant 0 : i32
        %dma_wait3A_166 = tpu.memref_slice %arg3[%add3A_45, %mul3A_154, %dma_wait3A] : memref<12x32x2816xf32, #tpu.memory_space<hbm>> -> memref<1x4x2816xf32, #tpu.memory_space<hbm>>
        %dma_wait3A_167 = tpu.memref_squeeze %dma_wait3A_166 : memref<1x4x2816xf32, #tpu.memory_space<hbm>> -> memref<4x2816xf32, #tpu.memory_space<hbm>>
        %dma_wait3A_168 = arith.constant 0 : i32
        %dma_wait3A_169 = tpu.memref_slice %arg3[%add3A_45, %mul3A_154, %dma_wait3A_168] : memref<12x32x2816xf32, #tpu.memory_space<hbm>> -> memref<1x4x2816xf32, #tpu.memory_space<hbm>>
        %dma_wait3A_170 = tpu.memref_squeeze %dma_wait3A_169 : memref<1x4x2816xf32, #tpu.memory_space<hbm>> -> memref<4x2816xf32, #tpu.memory_space<hbm>>
        tpu.wait_dma2 semaphore(%run_scoped3A_160 : memref<!tpu.dma_semaphore, #tpu.memory_space<semaphore_mem>>) src(%dma_wait3A_170 : memref<4x2816xf32, #tpu.memory_space<hbm>>) dst(%arg7 : memref<4x2816xf32, #tpu.memory_space<vmem>>)
        tpu.yield
      }) : () -> ()
      %scan3A_155 = arith.constant 0 : i32
      %scan3A_156 = arith.constant 4 : i32
      %scan3A_157 = arith.addi %scan3A_155, %scan3A_156 : i32
      %scan3A_158 = arith.constant 1 : i32
      scf.for %scan3A_160 = %scan3A_155 to %scan3A_157 step %scan3A_158  : i32 {
        %mul3A_161 = arith.constant 1 : i32
        %mul3A_162 = arith.muli %scan3A_160, %mul3A_161 : i32
        %add3A_163 = arith.constant 0 : i32
        %add3A_164 = arith.addi %add3A_163, %mul3A_162 : i32
        %scan3A_165 = arith.constant 0 : i32
        %scan3A_166 = arith.constant 176 : i32
        %scan3A_167 = arith.addi %scan3A_165, %scan3A_166 : i32
        %scan3A_168 = arith.constant 1 : i32
        scf.for %scan3A_170 = %scan3A_165 to %scan3A_167 step %scan3A_168  : i32 {
          %mul3A_171 = arith.constant 1 : i32
          %mul3A_172 = arith.muli %scan3A_170, %mul3A_171 : i32
          %add3A_173 = arith.constant 0 : i32
          %add3A_174 = arith.addi %add3A_173, %mul3A_172 : i32
          %mul3A_175 = arith.constant 16 : i32
          %mul3A_176 = arith.muli %add3A_174, %mul3A_175 : i32
          %get3A = arith.index_cast %add3A_164 : i32 to index
          %get3A_177 = arith.index_cast %mul3A_176 : i32 to index
          %get3A_178 = tpu.vector_load %arg6[%get3A, %get3A_177] {strides = array<i32>} : memref<4x2816xi32, #tpu.memory_space<vmem>>, vector<16xi32>,
          %reduce_min3A = arith.constant true
          %reduce_min3A_179 = vector.broadcast %reduce_min3A : i1 to vector<16xi1>
          %reduce_min3A_180 = arith.constant -2147483648 : i32
          %reduce_min3A_181 = vector.broadcast %reduce_min3A_180 : i32 to vector<16xi32>
          %reduce_min3A_182 = arith.xori %get3A_178, %reduce_min3A_181 : vector<16xi32>
          %reduce_min3A_183 = tpu.scan <min>, %reduce_min3A_182 masked %reduce_min3A_179 : vector<16xi32>, vector<16xi1> -> vector<16xi32>
          %reduce_min3A_184 = arith.xori %reduce_min3A_183, %reduce_min3A_181 : vector<16xi32>
          %reduce_min3A_185 = vector.extract %reduce_min3A_184[15] : i32 from vector<16xi32>
          %lt3A = arith.constant 16384 : i32
          %lt3A_186 = arith.cmpi slt, %reduce_min3A_185, %lt3A : i32
          %convert_element_type3A = arith.extui %lt3A_186 : i1 to i32
          %cond3A = arith.constant 0 : i32
          %cond3A_187 = arith.cmpi ne, %convert_element_type3A, %cond3A : i32
          scf.if %cond3A_187 {
            %get3A_188 = arith.index_cast %add3A_164 : i32 to index
            %get3A_189 = arith.index_cast %mul3A_176 : i32 to index
            %get3A_190 = tpu.vector_load %arg7[%get3A_188, %get3A_189] {strides = array<i32>} : memref<4x2816xf32, #tpu.memory_space<vmem>>, vector<16xf32>,
            %get3A_191 = arith.constant 0 : i32
            %get3A_192 = arith.index_cast %get3A_191 : i32 to index
            %get3A_193 = arith.index_cast %mul3A_176 : i32 to index
            %get3A_194 = tpu.vector_load %arg8[%get3A_192, %get3A_193] {strides = array<i32>} : memref<4x2816xf32, #tpu.memory_space<vmem>>, vector<16xf32>,
            %mul3A_195 = arith.mulf %get3A_194, %get3A_190 : vector<16xf32>
            %broadcast_in_dim3A = arith.constant 0 : i32
            %broadcast_in_dim3A_196 = vector.broadcast %broadcast_in_dim3A : i32 to vector<16xi32>
            tpu.vector_store_idx %arg9[%broadcast_in_dim3A_196, %get3A_178], %mul3A_195 {add = true} : memref<4x16400xf32, #tpu.memory_space<vmem>>[vector<16xi32>, vector<16xi32>], vector<16xf32>,
            %get3A_197 = arith.constant 1 : i32
            %get3A_198 = arith.index_cast %get3A_197 : i32 to index
            %get3A_199 = arith.index_cast %mul3A_176 : i32 to index
            %get3A_200 = tpu.vector_load %arg8[%get3A_198, %get3A_199] {strides = array<i32>} : memref<4x2816xf32, #tpu.memory_space<vmem>>, vector<16xf32>,
            %mul3A_201 = arith.mulf %get3A_200, %get3A_190 : vector<16xf32>
            %broadcast_in_dim3A_202 = arith.constant 1 : i32
            %broadcast_in_dim3A_203 = vector.broadcast %broadcast_in_dim3A_202 : i32 to vector<16xi32>
            tpu.vector_store_idx %arg9[%broadcast_in_dim3A_203, %get3A_178], %mul3A_201 {add = true} : memref<4x16400xf32, #tpu.memory_space<vmem>>[vector<16xi32>, vector<16xi32>], vector<16xf32>,
            %get3A_204 = arith.constant 2 : i32
            %get3A_205 = arith.index_cast %get3A_204 : i32 to index
            %get3A_206 = arith.index_cast %mul3A_176 : i32 to index
            %get3A_207 = tpu.vector_load %arg8[%get3A_205, %get3A_206] {strides = array<i32>} : memref<4x2816xf32, #tpu.memory_space<vmem>>, vector<16xf32>,
            %mul3A_208 = arith.mulf %get3A_207, %get3A_190 : vector<16xf32>
            %broadcast_in_dim3A_209 = arith.constant 2 : i32
            %broadcast_in_dim3A_210 = vector.broadcast %broadcast_in_dim3A_209 : i32 to vector<16xi32>
            tpu.vector_store_idx %arg9[%broadcast_in_dim3A_210, %get3A_178], %mul3A_208 {add = true} : memref<4x16400xf32, #tpu.memory_space<vmem>>[vector<16xi32>, vector<16xi32>], vector<16xf32>,
            %get3A_211 = arith.constant 3 : i32
            %get3A_212 = arith.index_cast %get3A_211 : i32 to index
            %get3A_213 = arith.index_cast %mul3A_176 : i32 to index
            %get3A_214 = tpu.vector_load %arg8[%get3A_212, %get3A_213] {strides = array<i32>} : memref<4x2816xf32, #tpu.memory_space<vmem>>, vector<16xf32>,
            %mul3A_215 = arith.mulf %get3A_214, %get3A_190 : vector<16xf32>
            %broadcast_in_dim3A_216 = arith.constant 3 : i32
            %broadcast_in_dim3A_217 = vector.broadcast %broadcast_in_dim3A_216 : i32 to vector<16xi32>
            tpu.vector_store_idx %arg9[%broadcast_in_dim3A_217, %get3A_178], %mul3A_215 {add = true} : memref<4x16400xf32, #tpu.memory_space<vmem>>[vector<16xi32>, vector<16xi32>], vector<16xf32>,
          } else {
          }
        }
        %scan3A_169 = arith.constant 176 : i32
      }
      %scan3A_159 = arith.constant 4 : i32
    }
    %scan3A_50 = arith.constant 8 : i32
    %mul3A_51 = arith.constant 6 : i32
    %mul3A_52 = arith.muli %arg0, %mul3A_51 : i32
    %add3A_53 = arith.constant 5 : i32
    %add3A_54 = arith.addi %mul3A_52, %add3A_53 : i32
    "tpu.region"() ({
      %run_scoped3A_146 = tpu.sem_alloc : memref<!tpu.dma_semaphore, #tpu.memory_space<semaphore_mem>>
      %dma_start3A = arith.constant 0 : i32
      %dma_start3A_147 = tpu.memref_slice %arg2[%add3A_54, %add3A_1, %dma_start3A] : memref<12x128x2816xf32, #tpu.memory_space<hbm>> -> memref<1x4x2816xf32, #tpu.memory_space<hbm>>
      %dma_start3A_148 = tpu.memref_squeeze %dma_start3A_147 : memref<1x4x2816xf32, #tpu.memory_space<hbm>> -> memref<4x2816xf32, #tpu.memory_space<hbm>>
      %dma_start3A_149 = arith.constant 0 : i32
      %dma_start3A_150 = tpu.memref_slice %arg2[%add3A_54, %add3A_1, %dma_start3A_149] : memref<12x128x2816xf32, #tpu.memory_space<hbm>> -> memref<1x4x2816xf32, #tpu.memory_space<hbm>>
      %dma_start3A_151 = tpu.memref_squeeze %dma_start3A_150 : memref<1x4x2816xf32, #tpu.memory_space<hbm>> -> memref<4x2816xf32, #tpu.memory_space<hbm>>
      tpu.enqueue_dma source(%dma_start3A_151 : memref<4x2816xf32, #tpu.memory_space<hbm>>) target(%arg8 : memref<4x2816xf32, #tpu.memory_space<vmem>>) target_semaphore(%run_scoped3A_146 : memref<!tpu.dma_semaphore, #tpu.memory_space<semaphore_mem>>)
      %dma_wait3A = arith.constant 0 : i32
      %dma_wait3A_152 = tpu.memref_slice %arg2[%add3A_54, %add3A_1, %dma_wait3A] : memref<12x128x2816xf32, #tpu.memory_space<hbm>> -> memref<1x4x2816xf32, #tpu.memory_space<hbm>>
      %dma_wait3A_153 = tpu.memref_squeeze %dma_wait3A_152 : memref<1x4x2816xf32, #tpu.memory_space<hbm>> -> memref<4x2816xf32, #tpu.memory_space<hbm>>
      %dma_wait3A_154 = arith.constant 0 : i32
      %dma_wait3A_155 = tpu.memref_slice %arg2[%add3A_54, %add3A_1, %dma_wait3A_154] : memref<12x128x2816xf32, #tpu.memory_space<hbm>> -> memref<1x4x2816xf32, #tpu.memory_space<hbm>>
      %dma_wait3A_156 = tpu.memref_squeeze %dma_wait3A_155 : memref<1x4x2816xf32, #tpu.memory_space<hbm>> -> memref<4x2816xf32, #tpu.memory_space<hbm>>
      tpu.wait_dma2 semaphore(%run_scoped3A_146 : memref<!tpu.dma_semaphore, #tpu.memory_space<semaphore_mem>>) src(%dma_wait3A_156 : memref<4x2816xf32, #tpu.memory_space<hbm>>) dst(%arg8 : memref<4x2816xf32, #tpu.memory_space<vmem>>)
      tpu.yield
    }) : () -> ()
    %scan3A_55 = arith.constant 0 : i32
    %scan3A_56 = arith.constant 8 : i32
    %scan3A_57 = arith.addi %scan3A_55, %scan3A_56 : i32
    %scan3A_58 = arith.constant 1 : i32
    scf.for %scan3A_146 = %scan3A_55 to %scan3A_57 step %scan3A_58  : i32 {
      %mul3A_147 = arith.constant 1 : i32
      %mul3A_148 = arith.muli %scan3A_146, %mul3A_147 : i32
      %add3A_149 = arith.constant 0 : i32
      %add3A_150 = arith.addi %add3A_149, %mul3A_148 : i32
      %mul3A_151 = arith.constant 4 : i32
      %mul3A_152 = arith.muli %add3A_150, %mul3A_151 : i32
      "tpu.region"() ({
        %run_scoped3A_160 = tpu.sem_alloc : memref<!tpu.dma_semaphore, #tpu.memory_space<semaphore_mem>>
        %dma_start3A = arith.constant 0 : i32
        %dma_start3A_161 = tpu.memref_slice %arg4[%add3A_54, %mul3A_152, %dma_start3A] : memref<12x32x2816xi32, #tpu.memory_space<hbm>> -> memref<1x4x2816xi32, #tpu.memory_space<hbm>>
        %dma_start3A_162 = tpu.memref_squeeze %dma_start3A_161 : memref<1x4x2816xi32, #tpu.memory_space<hbm>> -> memref<4x2816xi32, #tpu.memory_space<hbm>>
        %dma_start3A_163 = arith.constant 0 : i32
        %dma_start3A_164 = tpu.memref_slice %arg4[%add3A_54, %mul3A_152, %dma_start3A_163] : memref<12x32x2816xi32, #tpu.memory_space<hbm>> -> memref<1x4x2816xi32, #tpu.memory_space<hbm>>
        %dma_start3A_165 = tpu.memref_squeeze %dma_start3A_164 : memref<1x4x2816xi32, #tpu.memory_space<hbm>> -> memref<4x2816xi32, #tpu.memory_space<hbm>>
        tpu.enqueue_dma source(%dma_start3A_165 : memref<4x2816xi32, #tpu.memory_space<hbm>>) target(%arg6 : memref<4x2816xi32, #tpu.memory_space<vmem>>) target_semaphore(%run_scoped3A_160 : memref<!tpu.dma_semaphore, #tpu.memory_space<semaphore_mem>>)
        %dma_wait3A = arith.constant 0 : i32
        %dma_wait3A_166 = tpu.memref_slice %arg4[%add3A_54, %mul3A_152, %dma_wait3A] : memref<12x32x2816xi32, #tpu.memory_space<hbm>> -> memref<1x4x2816xi32, #tpu.memory_space<hbm>>
        %dma_wait3A_167 = tpu.memref_squeeze %dma_wait3A_166 : memref<1x4x2816xi32, #tpu.memory_space<hbm>> -> memref<4x2816xi32, #tpu.memory_space<hbm>>
        %dma_wait3A_168 = arith.constant 0 : i32
        %dma_wait3A_169 = tpu.memref_slice %arg4[%add3A_54, %mul3A_152, %dma_wait3A_168] : memref<12x32x2816xi32, #tpu.memory_space<hbm>> -> memref<1x4x2816xi32, #tpu.memory_space<hbm>>
        %dma_wait3A_170 = tpu.memref_squeeze %dma_wait3A_169 : memref<1x4x2816xi32, #tpu.memory_space<hbm>> -> memref<4x2816xi32, #tpu.memory_space<hbm>>
        tpu.wait_dma2 semaphore(%run_scoped3A_160 : memref<!tpu.dma_semaphore, #tpu.memory_space<semaphore_mem>>) src(%dma_wait3A_170 : memref<4x2816xi32, #tpu.memory_space<hbm>>) dst(%arg6 : memref<4x2816xi32, #tpu.memory_space<vmem>>)
        tpu.yield
      }) : () -> ()
      %mul3A_153 = arith.constant 4 : i32
      %mul3A_154 = arith.muli %add3A_150, %mul3A_153 : i32
      "tpu.region"() ({
        %run_scoped3A_160 = tpu.sem_alloc : memref<!tpu.dma_semaphore, #tpu.memory_space<semaphore_mem>>
        %dma_start3A = arith.constant 0 : i32
        %dma_start3A_161 = tpu.memref_slice %arg3[%add3A_54, %mul3A_154, %dma_start3A] : memref<12x32x2816xf32, #tpu.memory_space<hbm>> -> memref<1x4x2816xf32, #tpu.memory_space<hbm>>
        %dma_start3A_162 = tpu.memref_squeeze %dma_start3A_161 : memref<1x4x2816xf32, #tpu.memory_space<hbm>> -> memref<4x2816xf32, #tpu.memory_space<hbm>>
        %dma_start3A_163 = arith.constant 0 : i32
        %dma_start3A_164 = tpu.memref_slice %arg3[%add3A_54, %mul3A_154, %dma_start3A_163] : memref<12x32x2816xf32, #tpu.memory_space<hbm>> -> memref<1x4x2816xf32, #tpu.memory_space<hbm>>
        %dma_start3A_165 = tpu.memref_squeeze %dma_start3A_164 : memref<1x4x2816xf32, #tpu.memory_space<hbm>> -> memref<4x2816xf32, #tpu.memory_space<hbm>>
        tpu.enqueue_dma source(%dma_start3A_165 : memref<4x2816xf32, #tpu.memory_space<hbm>>) target(%arg7 : memref<4x2816xf32, #tpu.memory_space<vmem>>) target_semaphore(%run_scoped3A_160 : memref<!tpu.dma_semaphore, #tpu.memory_space<semaphore_mem>>)
        %dma_wait3A = arith.constant 0 : i32
        %dma_wait3A_166 = tpu.memref_slice %arg3[%add3A_54, %mul3A_154, %dma_wait3A] : memref<12x32x2816xf32, #tpu.memory_space<hbm>> -> memref<1x4x2816xf32, #tpu.memory_space<hbm>>
        %dma_wait3A_167 = tpu.memref_squeeze %dma_wait3A_166 : memref<1x4x2816xf32, #tpu.memory_space<hbm>> -> memref<4x2816xf32, #tpu.memory_space<hbm>>
        %dma_wait3A_168 = arith.constant 0 : i32
        %dma_wait3A_169 = tpu.memref_slice %arg3[%add3A_54, %mul3A_154, %dma_wait3A_168] : memref<12x32x2816xf32, #tpu.memory_space<hbm>> -> memref<1x4x2816xf32, #tpu.memory_space<hbm>>
        %dma_wait3A_170 = tpu.memref_squeeze %dma_wait3A_169 : memref<1x4x2816xf32, #tpu.memory_space<hbm>> -> memref<4x2816xf32, #tpu.memory_space<hbm>>
        tpu.wait_dma2 semaphore(%run_scoped3A_160 : memref<!tpu.dma_semaphore, #tpu.memory_space<semaphore_mem>>) src(%dma_wait3A_170 : memref<4x2816xf32, #tpu.memory_space<hbm>>) dst(%arg7 : memref<4x2816xf32, #tpu.memory_space<vmem>>)
        tpu.yield
      }) : () -> ()
      %scan3A_155 = arith.constant 0 : i32
      %scan3A_156 = arith.constant 4 : i32
      %scan3A_157 = arith.addi %scan3A_155, %scan3A_156 : i32
      %scan3A_158 = arith.constant 1 : i32
      scf.for %scan3A_160 = %scan3A_155 to %scan3A_157 step %scan3A_158  : i32 {
        %mul3A_161 = arith.constant 1 : i32
        %mul3A_162 = arith.muli %scan3A_160, %mul3A_161 : i32
        %add3A_163 = arith.constant 0 : i32
        %add3A_164 = arith.addi %add3A_163, %mul3A_162 : i32
        %scan3A_165 = arith.constant 0 : i32
        %scan3A_166 = arith.constant 176 : i32
        %scan3A_167 = arith.addi %scan3A_165, %scan3A_166 : i32
        %scan3A_168 = arith.constant 1 : i32
        scf.for %scan3A_170 = %scan3A_165 to %scan3A_167 step %scan3A_168  : i32 {
          %mul3A_171 = arith.constant 1 : i32
          %mul3A_172 = arith.muli %scan3A_170, %mul3A_171 : i32
          %add3A_173 = arith.constant 0 : i32
          %add3A_174 = arith.addi %add3A_173, %mul3A_172 : i32
          %mul3A_175 = arith.constant 16 : i32
          %mul3A_176 = arith.muli %add3A_174, %mul3A_175 : i32
          %get3A = arith.index_cast %add3A_164 : i32 to index
          %get3A_177 = arith.index_cast %mul3A_176 : i32 to index
          %get3A_178 = tpu.vector_load %arg6[%get3A, %get3A_177] {strides = array<i32>} : memref<4x2816xi32, #tpu.memory_space<vmem>>, vector<16xi32>,
          %reduce_min3A = arith.constant true
          %reduce_min3A_179 = vector.broadcast %reduce_min3A : i1 to vector<16xi1>
          %reduce_min3A_180 = arith.constant -2147483648 : i32
          %reduce_min3A_181 = vector.broadcast %reduce_min3A_180 : i32 to vector<16xi32>
          %reduce_min3A_182 = arith.xori %get3A_178, %reduce_min3A_181 : vector<16xi32>
          %reduce_min3A_183 = tpu.scan <min>, %reduce_min3A_182 masked %reduce_min3A_179 : vector<16xi32>, vector<16xi1> -> vector<16xi32>
          %reduce_min3A_184 = arith.xori %reduce_min3A_183, %reduce_min3A_181 : vector<16xi32>
          %reduce_min3A_185 = vector.extract %reduce_min3A_184[15] : i32 from vector<16xi32>
          %lt3A = arith.constant 16384 : i32
          %lt3A_186 = arith.cmpi slt, %reduce_min3A_185, %lt3A : i32
          %convert_element_type3A = arith.extui %lt3A_186 : i1 to i32
          %cond3A = arith.constant 0 : i32
          %cond3A_187 = arith.cmpi ne, %convert_element_type3A, %cond3A : i32
          scf.if %cond3A_187 {
            %get3A_188 = arith.index_cast %add3A_164 : i32 to index
            %get3A_189 = arith.index_cast %mul3A_176 : i32 to index
            %get3A_190 = tpu.vector_load %arg7[%get3A_188, %get3A_189] {strides = array<i32>} : memref<4x2816xf32, #tpu.memory_space<vmem>>, vector<16xf32>,
            %get3A_191 = arith.constant 0 : i32
            %get3A_192 = arith.index_cast %get3A_191 : i32 to index
            %get3A_193 = arith.index_cast %mul3A_176 : i32 to index
            %get3A_194 = tpu.vector_load %arg8[%get3A_192, %get3A_193] {strides = array<i32>} : memref<4x2816xf32, #tpu.memory_space<vmem>>, vector<16xf32>,
            %mul3A_195 = arith.mulf %get3A_194, %get3A_190 : vector<16xf32>
            %broadcast_in_dim3A = arith.constant 0 : i32
            %broadcast_in_dim3A_196 = vector.broadcast %broadcast_in_dim3A : i32 to vector<16xi32>
            tpu.vector_store_idx %arg9[%broadcast_in_dim3A_196, %get3A_178], %mul3A_195 {add = true} : memref<4x16400xf32, #tpu.memory_space<vmem>>[vector<16xi32>, vector<16xi32>], vector<16xf32>,
            %get3A_197 = arith.constant 1 : i32
            %get3A_198 = arith.index_cast %get3A_197 : i32 to index
            %get3A_199 = arith.index_cast %mul3A_176 : i32 to index
            %get3A_200 = tpu.vector_load %arg8[%get3A_198, %get3A_199] {strides = array<i32>} : memref<4x2816xf32, #tpu.memory_space<vmem>>, vector<16xf32>,
            %mul3A_201 = arith.mulf %get3A_200, %get3A_190 : vector<16xf32>
            %broadcast_in_dim3A_202 = arith.constant 1 : i32
            %broadcast_in_dim3A_203 = vector.broadcast %broadcast_in_dim3A_202 : i32 to vector<16xi32>
            tpu.vector_store_idx %arg9[%broadcast_in_dim3A_203, %get3A_178], %mul3A_201 {add = true} : memref<4x16400xf32, #tpu.memory_space<vmem>>[vector<16xi32>, vector<16xi32>], vector<16xf32>,
            %get3A_204 = arith.constant 2 : i32
            %get3A_205 = arith.index_cast %get3A_204 : i32 to index
            %get3A_206 = arith.index_cast %mul3A_176 : i32 to index
            %get3A_207 = tpu.vector_load %arg8[%get3A_205, %get3A_206] {strides = array<i32>} : memref<4x2816xf32, #tpu.memory_space<vmem>>, vector<16xf32>,
            %mul3A_208 = arith.mulf %get3A_207, %get3A_190 : vector<16xf32>
            %broadcast_in_dim3A_209 = arith.constant 2 : i32
            %broadcast_in_dim3A_210 = vector.broadcast %broadcast_in_dim3A_209 : i32 to vector<16xi32>
            tpu.vector_store_idx %arg9[%broadcast_in_dim3A_210, %get3A_178], %mul3A_208 {add = true} : memref<4x16400xf32, #tpu.memory_space<vmem>>[vector<16xi32>, vector<16xi32>], vector<16xf32>,
            %get3A_211 = arith.constant 3 : i32
            %get3A_212 = arith.index_cast %get3A_211 : i32 to index
            %get3A_213 = arith.index_cast %mul3A_176 : i32 to index
            %get3A_214 = tpu.vector_load %arg8[%get3A_212, %get3A_213] {strides = array<i32>} : memref<4x2816xf32, #tpu.memory_space<vmem>>, vector<16xf32>,
            %mul3A_215 = arith.mulf %get3A_214, %get3A_190 : vector<16xf32>
            %broadcast_in_dim3A_216 = arith.constant 3 : i32
            %broadcast_in_dim3A_217 = vector.broadcast %broadcast_in_dim3A_216 : i32 to vector<16xi32>
            tpu.vector_store_idx %arg9[%broadcast_in_dim3A_217, %get3A_178], %mul3A_215 {add = true} : memref<4x16400xf32, #tpu.memory_space<vmem>>[vector<16xi32>, vector<16xi32>], vector<16xf32>,
          } else {
          }
        }
        %scan3A_169 = arith.constant 176 : i32
      }
      %scan3A_159 = arith.constant 4 : i32
    }
    %scan3A_59 = arith.constant 8 : i32
    %add3A_60 = arith.constant 0 : i32
    %add3A_61 = arith.addi %add3A_1, %add3A_60 : i32
    %run_scoped3A = arith.constant 0 : i32
    "tpu.region"() ({
      %run_scoped3A_146 = tpu.sem_alloc : memref<!tpu.dma_semaphore, #tpu.memory_space<semaphore_mem>>
      %dma_start3A = arith.constant 0 : i32
      %dma_start3A_147 = tpu.memref_slice %arg9[%run_scoped3A, %dma_start3A] : memref<4x16400xf32, #tpu.memory_space<vmem>> -> memref<1x16384xf32, #tpu.memory_space<vmem>>
      %dma_start3A_148 = tpu.memref_squeeze %dma_start3A_147 : memref<1x16384xf32, #tpu.memory_space<vmem>> -> memref<16384xf32, #tpu.memory_space<vmem>>
      %dma_start3A_149 = arith.constant 0 : i32
      %dma_start3A_150 = tpu.memref_slice %arg5[%arg0, %add3A_61, %dma_start3A_149] : memref<2x128x16384xf32, #tpu.memory_space<hbm>> -> memref<1x1x16384xf32, #tpu.memory_space<hbm>>
      %dma_start3A_151 = tpu.memref_squeeze %dma_start3A_150 : memref<1x1x16384xf32, #tpu.memory_space<hbm>> -> memref<16384xf32, #tpu.memory_space<hbm>>
      %dma_start3A_152 = arith.constant 0 : i32
      %dma_start3A_153 = tpu.memref_slice %arg5[%arg0, %add3A_61, %dma_start3A_152] : memref<2x128x16384xf32, #tpu.memory_space<hbm>> -> memref<1x1x16384xf32, #tpu.memory_space<hbm>>
      %dma_start3A_154 = tpu.memref_squeeze %dma_start3A_153 : memref<1x1x16384xf32, #tpu.memory_space<hbm>> -> memref<16384xf32, #tpu.memory_space<hbm>>
      %dma_start3A_155 = arith.constant 0 : i32
      %dma_start3A_156 = tpu.memref_slice %arg9[%run_scoped3A, %dma_start3A_155] : memref<4x16400xf32, #tpu.memory_space<vmem>> -> memref<1x16384xf32, #tpu.memory_space<vmem>>
      %dma_start3A_157 = tpu.memref_squeeze %dma_start3A_156 : memref<1x16384xf32, #tpu.memory_space<vmem>> -> memref<16384xf32, #tpu.memory_space<vmem>>
      tpu.enqueue_dma source(%dma_start3A_157 : memref<16384xf32, #tpu.memory_space<vmem>>) target(%dma_start3A_154 : memref<16384xf32, #tpu.memory_space<hbm>>) target_semaphore(%run_scoped3A_146 : memref<!tpu.dma_semaphore, #tpu.memory_space<semaphore_mem>>)
      %dma_wait3A = arith.constant 0 : i32
      %dma_wait3A_158 = tpu.memref_slice %arg9[%run_scoped3A, %dma_wait3A] : memref<4x16400xf32, #tpu.memory_space<vmem>> -> memref<1x16384xf32, #tpu.memory_space<vmem>>
      %dma_wait3A_159 = tpu.memref_squeeze %dma_wait3A_158 : memref<1x16384xf32, #tpu.memory_space<vmem>> -> memref<16384xf32, #tpu.memory_space<vmem>>
      %dma_wait3A_160 = arith.constant 0 : i32
      %dma_wait3A_161 = tpu.memref_slice %arg5[%arg0, %add3A_61, %dma_wait3A_160] : memref<2x128x16384xf32, #tpu.memory_space<hbm>> -> memref<1x1x16384xf32, #tpu.memory_space<hbm>>
      %dma_wait3A_162 = tpu.memref_squeeze %dma_wait3A_161 : memref<1x1x16384xf32, #tpu.memory_space<hbm>> -> memref<16384xf32, #tpu.memory_space<hbm>>
      %dma_wait3A_163 = arith.constant 0 : i32
      %dma_wait3A_164 = tpu.memref_slice %arg5[%arg0, %add3A_61, %dma_wait3A_163] : memref<2x128x16384xf32, #tpu.memory_space<hbm>> -> memref<1x1x16384xf32, #tpu.memory_space<hbm>>
      %dma_wait3A_165 = tpu.memref_squeeze %dma_wait3A_164 : memref<1x1x16384xf32, #tpu.memory_space<hbm>> -> memref<16384xf32, #tpu.memory_space<hbm>>
      %dma_wait3A_166 = arith.constant 0 : i32
      %dma_wait3A_167 = tpu.memref_slice %arg9[%run_scoped3A, %dma_wait3A_166] : memref<4x16400xf32, #tpu.memory_space<vmem>> -> memref<1x16384xf32, #tpu.memory_space<vmem>>
      %dma_wait3A_168 = tpu.memref_squeeze %dma_wait3A_167 : memref<1x16384xf32, #tpu.memory_space<vmem>> -> memref<16384xf32, #tpu.memory_space<vmem>>
      tpu.wait_dma2 semaphore(%run_scoped3A_146 : memref<!tpu.dma_semaphore, #tpu.memory_space<semaphore_mem>>) src(%dma_wait3A_168 : memref<16384xf32, #tpu.memory_space<vmem>>) dst(%dma_wait3A_165 : memref<16384xf32, #tpu.memory_space<hbm>>)
      tpu.yield
    }) : () -> ()
    %add3A_62 = arith.constant 1 : i32
    %add3A_63 = arith.addi %add3A_1, %add3A_62 : i32
    %run_scoped3A_64 = arith.constant 1 : i32
    "tpu.region"() ({
      %run_scoped3A_146 = tpu.sem_alloc : memref<!tpu.dma_semaphore, #tpu.memory_space<semaphore_mem>>
      %dma_start3A = arith.constant 0 : i32
      %dma_start3A_147 = tpu.memref_slice %arg9[%run_scoped3A_64, %dma_start3A] : memref<4x16400xf32, #tpu.memory_space<vmem>> -> memref<1x16384xf32, #tpu.memory_space<vmem>>
      %dma_start3A_148 = tpu.memref_squeeze %dma_start3A_147 : memref<1x16384xf32, #tpu.memory_space<vmem>> -> memref<16384xf32, #tpu.memory_space<vmem>>
      %dma_start3A_149 = arith.constant 0 : i32
      %dma_start3A_150 = tpu.memref_slice %arg5[%arg0, %add3A_63, %dma_start3A_149] : memref<2x128x16384xf32, #tpu.memory_space<hbm>> -> memref<1x1x16384xf32, #tpu.memory_space<hbm>>
      %dma_start3A_151 = tpu.memref_squeeze %dma_start3A_150 : memref<1x1x16384xf32, #tpu.memory_space<hbm>> -> memref<16384xf32, #tpu.memory_space<hbm>>
      %dma_start3A_152 = arith.constant 0 : i32
      %dma_start3A_153 = tpu.memref_slice %arg5[%arg0, %add3A_63, %dma_start3A_152] : memref<2x128x16384xf32, #tpu.memory_space<hbm>> -> memref<1x1x16384xf32, #tpu.memory_space<hbm>>
      %dma_start3A_154 = tpu.memref_squeeze %dma_start3A_153 : memref<1x1x16384xf32, #tpu.memory_space<hbm>> -> memref<16384xf32, #tpu.memory_space<hbm>>
      %dma_start3A_155 = arith.constant 0 : i32
      %dma_start3A_156 = tpu.memref_slice %arg9[%run_scoped3A_64, %dma_start3A_155] : memref<4x16400xf32, #tpu.memory_space<vmem>> -> memref<1x16384xf32, #tpu.memory_space<vmem>>
      %dma_start3A_157 = tpu.memref_squeeze %dma_start3A_156 : memref<1x16384xf32, #tpu.memory_space<vmem>> -> memref<16384xf32, #tpu.memory_space<vmem>>
      tpu.enqueue_dma source(%dma_start3A_157 : memref<16384xf32, #tpu.memory_space<vmem>>) target(%dma_start3A_154 : memref<16384xf32, #tpu.memory_space<hbm>>) target_semaphore(%run_scoped3A_146 : memref<!tpu.dma_semaphore, #tpu.memory_space<semaphore_mem>>)
      %dma_wait3A = arith.constant 0 : i32
      %dma_wait3A_158 = tpu.memref_slice %arg9[%run_scoped3A_64, %dma_wait3A] : memref<4x16400xf32, #tpu.memory_space<vmem>> -> memref<1x16384xf32, #tpu.memory_space<vmem>>
      %dma_wait3A_159 = tpu.memref_squeeze %dma_wait3A_158 : memref<1x16384xf32, #tpu.memory_space<vmem>> -> memref<16384xf32, #tpu.memory_space<vmem>>
      %dma_wait3A_160 = arith.constant 0 : i32
      %dma_wait3A_161 = tpu.memref_slice %arg5[%arg0, %add3A_63, %dma_wait3A_160] : memref<2x128x16384xf32, #tpu.memory_space<hbm>> -> memref<1x1x16384xf32, #tpu.memory_space<hbm>>
      %dma_wait3A_162 = tpu.memref_squeeze %dma_wait3A_161 : memref<1x1x16384xf32, #tpu.memory_space<hbm>> -> memref<16384xf32, #tpu.memory_space<hbm>>
      %dma_wait3A_163 = arith.constant 0 : i32
      %dma_wait3A_164 = tpu.memref_slice %arg5[%arg0, %add3A_63, %dma_wait3A_163] : memref<2x128x16384xf32, #tpu.memory_space<hbm>> -> memref<1x1x16384xf32, #tpu.memory_space<hbm>>
      %dma_wait3A_165 = tpu.memref_squeeze %dma_wait3A_164 : memref<1x1x16384xf32, #tpu.memory_space<hbm>> -> memref<16384xf32, #tpu.memory_space<hbm>>
      %dma_wait3A_166 = arith.constant 0 : i32
      %dma_wait3A_167 = tpu.memref_slice %arg9[%run_scoped3A_64, %dma_wait3A_166] : memref<4x16400xf32, #tpu.memory_space<vmem>> -> memref<1x16384xf32, #tpu.memory_space<vmem>>
      %dma_wait3A_168 = tpu.memref_squeeze %dma_wait3A_167 : memref<1x16384xf32, #tpu.memory_space<vmem>> -> memref<16384xf32, #tpu.memory_space<vmem>>
      tpu.wait_dma2 semaphore(%run_scoped3A_146 : memref<!tpu.dma_semaphore, #tpu.memory_space<semaphore_mem>>) src(%dma_wait3A_168 : memref<16384xf32, #tpu.memory_space<vmem>>) dst(%dma_wait3A_165 : memref<16384xf32, #tpu.memory_space<hbm>>)
      tpu.yield
    }) : () -> ()
    %add3A_65 = arith.constant 2 : i32
    %add3A_66 = arith.addi %add3A_1, %add3A_65 : i32
    %run_scoped3A_67 = arith.constant 2 : i32
    "tpu.region"() ({
      %run_scoped3A_146 = tpu.sem_alloc : memref<!tpu.dma_semaphore, #tpu.memory_space<semaphore_mem>>
      %dma_start3A = arith.constant 0 : i32
      %dma_start3A_147 = tpu.memref_slice %arg9[%run_scoped3A_67, %dma_start3A] : memref<4x16400xf32, #tpu.memory_space<vmem>> -> memref<1x16384xf32, #tpu.memory_space<vmem>>
      %dma_start3A_148 = tpu.memref_squeeze %dma_start3A_147 : memref<1x16384xf32, #tpu.memory_space<vmem>> -> memref<16384xf32, #tpu.memory_space<vmem>>
      %dma_start3A_149 = arith.constant 0 : i32
      %dma_start3A_150 = tpu.memref_slice %arg5[%arg0, %add3A_66, %dma_start3A_149] : memref<2x128x16384xf32, #tpu.memory_space<hbm>> -> memref<1x1x16384xf32, #tpu.memory_space<hbm>>
      %dma_start3A_151 = tpu.memref_squeeze %dma_start3A_150 : memref<1x1x16384xf32, #tpu.memory_space<hbm>> -> memref<16384xf32, #tpu.memory_space<hbm>>
      %dma_start3A_152 = arith.constant 0 : i32
      %dma_start3A_153 = tpu.memref_slice %arg5[%arg0, %add3A_66, %dma_start3A_152] : memref<2x128x16384xf32, #tpu.memory_space<hbm>> -> memref<1x1x16384xf32, #tpu.memory_space<hbm>>
      %dma_start3A_154 = tpu.memref_squeeze %dma_start3A_153 : memref<1x1x16384xf32, #tpu.memory_space<hbm>> -> memref<16384xf32, #tpu.memory_space<hbm>>
      %dma_start3A_155 = arith.constant 0 : i32
      %dma_start3A_156 = tpu.memref_slice %arg9[%run_scoped3A_67, %dma_start3A_155] : memref<4x16400xf32, #tpu.memory_space<vmem>> -> memref<1x16384xf32, #tpu.memory_space<vmem>>
      %dma_start3A_157 = tpu.memref_squeeze %dma_start3A_156 : memref<1x16384xf32, #tpu.memory_space<vmem>> -> memref<16384xf32, #tpu.memory_space<vmem>>
      tpu.enqueue_dma source(%dma_start3A_157 : memref<16384xf32, #tpu.memory_space<vmem>>) target(%dma_start3A_154 : memref<16384xf32, #tpu.memory_space<hbm>>) target_semaphore(%run_scoped3A_146 : memref<!tpu.dma_semaphore, #tpu.memory_space<semaphore_mem>>)
      %dma_wait3A = arith.constant 0 : i32
      %dma_wait3A_158 = tpu.memref_slice %arg9[%run_scoped3A_67, %dma_wait3A] : memref<4x16400xf32, #tpu.memory_space<vmem>> -> memref<1x16384xf32, #tpu.memory_space<vmem>>
      %dma_wait3A_159 = tpu.memref_squeeze %dma_wait3A_158 : memref<1x16384xf32, #tpu.memory_space<vmem>> -> memref<16384xf32, #tpu.memory_space<vmem>>
      %dma_wait3A_160 = arith.constant 0 : i32
      %dma_wait3A_161 = tpu.memref_slice %arg5[%arg0, %add3A_66, %dma_wait3A_160] : memref<2x128x16384xf32, #tpu.memory_space<hbm>> -> memref<1x1x16384xf32, #tpu.memory_space<hbm>>
      %dma_wait3A_162 = tpu.memref_squeeze %dma_wait3A_161 : memref<1x1x16384xf32, #tpu.memory_space<hbm>> -> memref<16384xf32, #tpu.memory_space<hbm>>
      %dma_wait3A_163 = arith.constant 0 : i32
      %dma_wait3A_164 = tpu.memref_slice %arg5[%arg0, %add3A_66, %dma_wait3A_163] : memref<2x128x16384xf32, #tpu.memory_space<hbm>> -> memref<1x1x16384xf32, #tpu.memory_space<hbm>>
      %dma_wait3A_165 = tpu.memref_squeeze %dma_wait3A_164 : memref<1x1x16384xf32, #tpu.memory_space<hbm>> -> memref<16384xf32, #tpu.memory_space<hbm>>
      %dma_wait3A_166 = arith.constant 0 : i32
      %dma_wait3A_167 = tpu.memref_slice %arg9[%run_scoped3A_67, %dma_wait3A_166] : memref<4x16400xf32, #tpu.memory_space<vmem>> -> memref<1x16384xf32, #tpu.memory_space<vmem>>
      %dma_wait3A_168 = tpu.memref_squeeze %dma_wait3A_167 : memref<1x16384xf32, #tpu.memory_space<vmem>> -> memref<16384xf32, #tpu.memory_space<vmem>>
      tpu.wait_dma2 semaphore(%run_scoped3A_146 : memref<!tpu.dma_semaphore, #tpu.memory_space<semaphore_mem>>) src(%dma_wait3A_168 : memref<16384xf32, #tpu.memory_space<vmem>>) dst(%dma_wait3A_165 : memref<16384xf32, #tpu.memory_space<hbm>>)
      tpu.yield
    }) : () -> ()
    %add3A_68 = arith.constant 3 : i32
    %add3A_69 = arith.addi %add3A_1, %add3A_68 : i32
    %run_scoped3A_70 = arith.constant 3 : i32
    "tpu.region"() ({
      %run_scoped3A_146 = tpu.sem_alloc : memref<!tpu.dma_semaphore, #tpu.memory_space<semaphore_mem>>
      %dma_start3A = arith.constant 0 : i32
      %dma_start3A_147 = tpu.memref_slice %arg9[%run_scoped3A_70, %dma_start3A] : memref<4x16400xf32, #tpu.memory_space<vmem>> -> memref<1x16384xf32, #tpu.memory_space<vmem>>
      %dma_start3A_148 = tpu.memref_squeeze %dma_start3A_147 : memref<1x16384xf32, #tpu.memory_space<vmem>> -> memref<16384xf32, #tpu.memory_space<vmem>>
      %dma_start3A_149 = arith.constant 0 : i32
      %dma_start3A_150 = tpu.memref_slice %arg5[%arg0, %add3A_69, %dma_start3A_149] : memref<2x128x16384xf32, #tpu.memory_space<hbm>> -> memref<1x1x16384xf32, #tpu.memory_space<hbm>>
      %dma_start3A_151 = tpu.memref_squeeze %dma_start3A_150 : memref<1x1x16384xf32, #tpu.memory_space<hbm>> -> memref<16384xf32, #tpu.memory_space<hbm>>
      %dma_start3A_152 = arith.constant 0 : i32
      %dma_start3A_153 = tpu.memref_slice %arg5[%arg0, %add3A_69, %dma_start3A_152] : memref<2x128x16384xf32, #tpu.memory_space<hbm>> -> memref<1x1x16384xf32, #tpu.memory_space<hbm>>
      %dma_start3A_154 = tpu.memref_squeeze %dma_start3A_153 : memref<1x1x16384xf32, #tpu.memory_space<hbm>> -> memref<16384xf32, #tpu.memory_space<hbm>>
      %dma_start3A_155 = arith.constant 0 : i32
      %dma_start3A_156 = tpu.memref_slice %arg9[%run_scoped3A_70, %dma_start3A_155] : memref<4x16400xf32, #tpu.memory_space<vmem>> -> memref<1x16384xf32, #tpu.memory_space<vmem>>
      %dma_start3A_157 = tpu.memref_squeeze %dma_start3A_156 : memref<1x16384xf32, #tpu.memory_space<vmem>> -> memref<16384xf32, #tpu.memory_space<vmem>>
      tpu.enqueue_dma source(%dma_start3A_157 : memref<16384xf32, #tpu.memory_space<vmem>>) target(%dma_start3A_154 : memref<16384xf32, #tpu.memory_space<hbm>>) target_semaphore(%run_scoped3A_146 : memref<!tpu.dma_semaphore, #tpu.memory_space<semaphore_mem>>)
      %dma_wait3A = arith.constant 0 : i32
      %dma_wait3A_158 = tpu.memref_slice %arg9[%run_scoped3A_70, %dma_wait3A] : memref<4x16400xf32, #tpu.memory_space<vmem>> -> memref<1x16384xf32, #tpu.memory_space<vmem>>
      %dma_wait3A_159 = tpu.memref_squeeze %dma_wait3A_158 : memref<1x16384xf32, #tpu.memory_space<vmem>> -> memref<16384xf32, #tpu.memory_space<vmem>>
      %dma_wait3A_160 = arith.constant 0 : i32
      %dma_wait3A_161 = tpu.memref_slice %arg5[%arg0, %add3A_69, %dma_wait3A_160] : memref<2x128x16384xf32, #tpu.memory_space<hbm>> -> memref<1x1x16384xf32, #tpu.memory_space<hbm>>
      %dma_wait3A_162 = tpu.memref_squeeze %dma_wait3A_161 : memref<1x1x16384xf32, #tpu.memory_space<hbm>> -> memref<16384xf32, #tpu.memory_space<hbm>>
      %dma_wait3A_163 = arith.constant 0 : i32
      %dma_wait3A_164 = tpu.memref_slice %arg5[%arg0, %add3A_69, %dma_wait3A_163] : memref<2x128x16384xf32, #tpu.memory_space<hbm>> -> memref<1x1x16384xf32, #tpu.memory_space<hbm>>
      %dma_wait3A_165 = tpu.memref_squeeze %dma_wait3A_164 : memref<1x1x16384xf32, #tpu.memory_space<hbm>> -> memref<16384xf32, #tpu.memory_space<hbm>>
      %dma_wait3A_166 = arith.constant 0 : i32
      %dma_wait3A_167 = tpu.memref_slice %arg9[%run_scoped3A_70, %dma_wait3A_166] : memref<4x16400xf32, #tpu.memory_space<vmem>> -> memref<1x16384xf32, #tpu.memory_space<vmem>>
      %dma_wait3A_168 = tpu.memref_squeeze %dma_wait3A_167 : memref<1x16384xf32, #tpu.memory_space<vmem>> -> memref<16384xf32, #tpu.memory_space<vmem>>
      tpu.wait_dma2 semaphore(%run_scoped3A_146 : memref<!tpu.dma_semaphore, #tpu.memory_space<semaphore_mem>>) src(%dma_wait3A_168 : memref<16384xf32, #tpu.memory_space<vmem>>) dst(%dma_wait3A_165 : memref<16384xf32, #tpu.memory_space<hbm>>)
      tpu.yield
    }) : () -> ()
    %mul3A_71 = arith.constant 4 : i32
    %mul3A_72 = arith.muli %arg1, %mul3A_71 : i32
    %add3A_73 = arith.constant 64 : i32
    %add3A_74 = arith.addi %add3A_73, %mul3A_72 : i32
    %scan3A_75 = arith.constant 0 : i32
    %scan3A_76 = arith.constant 1025 : i32
    %scan3A_77 = arith.addi %scan3A_75, %scan3A_76 : i32
    %scan3A_78 = arith.constant 1 : i32
    scf.for %scan3A_146 = %scan3A_75 to %scan3A_77 step %scan3A_78  : i32 {
      %mul3A_147 = arith.constant 1 : i32
      %mul3A_148 = arith.muli %scan3A_146, %mul3A_147 : i32
      %add3A_149 = arith.constant 0 : i32
      %add3A_150 = arith.addi %add3A_149, %mul3A_148 : i32
      %broadcast_in_dim3A = arith.constant 0.000000e+00 : f32
      %broadcast_in_dim3A_151 = vector.broadcast %broadcast_in_dim3A : f32 to vector<16xf32>
      %mul3A_152 = arith.constant 16 : i32
      %mul3A_153 = arith.muli %add3A_150, %mul3A_152 : i32
      %swap3A = arith.constant 0 : i32
      %swap3A_154 = arith.index_cast %swap3A : i32 to index
      %swap3A_155 = arith.index_cast %mul3A_153 : i32 to index
      %swap3A_156 = tpu.vector_load %arg9[%swap3A_154, %swap3A_155] {strides = array<i32>} : memref<4x16400xf32, #tpu.memory_space<vmem>>, vector<16xf32>,
      tpu.vector_store %arg9[%swap3A_154, %swap3A_155], %broadcast_in_dim3A_151 {strides = array<i32>} : memref<4x16400xf32, #tpu.memory_space<vmem>>, vector<16xf32>,
      %mul3A_157 = arith.constant 16 : i32
      %mul3A_158 = arith.muli %add3A_150, %mul3A_157 : i32
      %swap3A_159 = arith.constant 1 : i32
      %swap3A_160 = arith.index_cast %swap3A_159 : i32 to index
      %swap3A_161 = arith.index_cast %mul3A_158 : i32 to index
      %swap3A_162 = tpu.vector_load %arg9[%swap3A_160, %swap3A_161] {strides = array<i32>} : memref<4x16400xf32, #tpu.memory_space<vmem>>, vector<16xf32>,
      tpu.vector_store %arg9[%swap3A_160, %swap3A_161], %broadcast_in_dim3A_151 {strides = array<i32>} : memref<4x16400xf32, #tpu.memory_space<vmem>>, vector<16xf32>,
      %mul3A_163 = arith.constant 16 : i32
      %mul3A_164 = arith.muli %add3A_150, %mul3A_163 : i32
      %swap3A_165 = arith.constant 2 : i32
      %swap3A_166 = arith.index_cast %swap3A_165 : i32 to index
      %swap3A_167 = arith.index_cast %mul3A_164 : i32 to index
      %swap3A_168 = tpu.vector_load %arg9[%swap3A_166, %swap3A_167] {strides = array<i32>} : memref<4x16400xf32, #tpu.memory_space<vmem>>, vector<16xf32>,
      tpu.vector_store %arg9[%swap3A_166, %swap3A_167], %broadcast_in_dim3A_151 {strides = array<i32>} : memref<4x16400xf32, #tpu.memory_space<vmem>>, vector<16xf32>,
      %mul3A_169 = arith.constant 16 : i32
      %mul3A_170 = arith.muli %add3A_150, %mul3A_169 : i32
      %swap3A_171 = arith.constant 3 : i32
      %swap3A_172 = arith.index_cast %swap3A_171 : i32 to index
      %swap3A_173 = arith.index_cast %mul3A_170 : i32 to index
      %swap3A_174 = tpu.vector_load %arg9[%swap3A_172, %swap3A_173] {strides = array<i32>} : memref<4x16400xf32, #tpu.memory_space<vmem>>, vector<16xf32>,
      tpu.vector_store %arg9[%swap3A_172, %swap3A_173], %broadcast_in_dim3A_151 {strides = array<i32>} : memref<4x16400xf32, #tpu.memory_space<vmem>>, vector<16xf32>,
    }
    %scan3A_79 = arith.constant 1025 : i32
    %mul3A_80 = arith.constant 6 : i32
    %mul3A_81 = arith.muli %arg0, %mul3A_80 : i32
    %add3A_82 = arith.constant 0 : i32
    %add3A_83 = arith.addi %mul3A_81, %add3A_82 : i32
    "tpu.region"() ({
      %run_scoped3A_146 = tpu.sem_alloc : memref<!tpu.dma_semaphore, #tpu.memory_space<semaphore_mem>>
      %dma_start3A = arith.constant 0 : i32
      %dma_start3A_147 = tpu.memref_slice %arg2[%add3A_83, %add3A_74, %dma_start3A] : memref<12x128x2816xf32, #tpu.memory_space<hbm>> -> memref<1x4x2816xf32, #tpu.memory_space<hbm>>
      %dma_start3A_148 = tpu.memref_squeeze %dma_start3A_147 : memref<1x4x2816xf32, #tpu.memory_space<hbm>> -> memref<4x2816xf32, #tpu.memory_space<hbm>>
      %dma_start3A_149 = arith.constant 0 : i32
      %dma_start3A_150 = tpu.memref_slice %arg2[%add3A_83, %add3A_74, %dma_start3A_149] : memref<12x128x2816xf32, #tpu.memory_space<hbm>> -> memref<1x4x2816xf32, #tpu.memory_space<hbm>>
      %dma_start3A_151 = tpu.memref_squeeze %dma_start3A_150 : memref<1x4x2816xf32, #tpu.memory_space<hbm>> -> memref<4x2816xf32, #tpu.memory_space<hbm>>
      tpu.enqueue_dma source(%dma_start3A_151 : memref<4x2816xf32, #tpu.memory_space<hbm>>) target(%arg8 : memref<4x2816xf32, #tpu.memory_space<vmem>>) target_semaphore(%run_scoped3A_146 : memref<!tpu.dma_semaphore, #tpu.memory_space<semaphore_mem>>)
      %dma_wait3A = arith.constant 0 : i32
      %dma_wait3A_152 = tpu.memref_slice %arg2[%add3A_83, %add3A_74, %dma_wait3A] : memref<12x128x2816xf32, #tpu.memory_space<hbm>> -> memref<1x4x2816xf32, #tpu.memory_space<hbm>>
      %dma_wait3A_153 = tpu.memref_squeeze %dma_wait3A_152 : memref<1x4x2816xf32, #tpu.memory_space<hbm>> -> memref<4x2816xf32, #tpu.memory_space<hbm>>
      %dma_wait3A_154 = arith.constant 0 : i32
      %dma_wait3A_155 = tpu.memref_slice %arg2[%add3A_83, %add3A_74, %dma_wait3A_154] : memref<12x128x2816xf32, #tpu.memory_space<hbm>> -> memref<1x4x2816xf32, #tpu.memory_space<hbm>>
      %dma_wait3A_156 = tpu.memref_squeeze %dma_wait3A_155 : memref<1x4x2816xf32, #tpu.memory_space<hbm>> -> memref<4x2816xf32, #tpu.memory_space<hbm>>
      tpu.wait_dma2 semaphore(%run_scoped3A_146 : memref<!tpu.dma_semaphore, #tpu.memory_space<semaphore_mem>>) src(%dma_wait3A_156 : memref<4x2816xf32, #tpu.memory_space<hbm>>) dst(%arg8 : memref<4x2816xf32, #tpu.memory_space<vmem>>)
      tpu.yield
    }) : () -> ()
    %scan3A_84 = arith.constant 0 : i32
    %scan3A_85 = arith.constant 8 : i32
    %scan3A_86 = arith.addi %scan3A_84, %scan3A_85 : i32
    %scan3A_87 = arith.constant 1 : i32
    scf.for %scan3A_146 = %scan3A_84 to %scan3A_86 step %scan3A_87  : i32 {
      %mul3A_147 = arith.constant 1 : i32
      %mul3A_148 = arith.muli %scan3A_146, %mul3A_147 : i32
      %add3A_149 = arith.constant 0 : i32
      %add3A_150 = arith.addi %add3A_149, %mul3A_148 : i32
      %mul3A_151 = arith.constant 4 : i32
      %mul3A_152 = arith.muli %add3A_150, %mul3A_151 : i32
      "tpu.region"() ({
        %run_scoped3A_160 = tpu.sem_alloc : memref<!tpu.dma_semaphore, #tpu.memory_space<semaphore_mem>>
        %dma_start3A = arith.constant 0 : i32
        %dma_start3A_161 = tpu.memref_slice %arg4[%add3A_83, %mul3A_152, %dma_start3A] : memref<12x32x2816xi32, #tpu.memory_space<hbm>> -> memref<1x4x2816xi32, #tpu.memory_space<hbm>>
        %dma_start3A_162 = tpu.memref_squeeze %dma_start3A_161 : memref<1x4x2816xi32, #tpu.memory_space<hbm>> -> memref<4x2816xi32, #tpu.memory_space<hbm>>
        %dma_start3A_163 = arith.constant 0 : i32
        %dma_start3A_164 = tpu.memref_slice %arg4[%add3A_83, %mul3A_152, %dma_start3A_163] : memref<12x32x2816xi32, #tpu.memory_space<hbm>> -> memref<1x4x2816xi32, #tpu.memory_space<hbm>>
        %dma_start3A_165 = tpu.memref_squeeze %dma_start3A_164 : memref<1x4x2816xi32, #tpu.memory_space<hbm>> -> memref<4x2816xi32, #tpu.memory_space<hbm>>
        tpu.enqueue_dma source(%dma_start3A_165 : memref<4x2816xi32, #tpu.memory_space<hbm>>) target(%arg6 : memref<4x2816xi32, #tpu.memory_space<vmem>>) target_semaphore(%run_scoped3A_160 : memref<!tpu.dma_semaphore, #tpu.memory_space<semaphore_mem>>)
        %dma_wait3A = arith.constant 0 : i32
        %dma_wait3A_166 = tpu.memref_slice %arg4[%add3A_83, %mul3A_152, %dma_wait3A] : memref<12x32x2816xi32, #tpu.memory_space<hbm>> -> memref<1x4x2816xi32, #tpu.memory_space<hbm>>
        %dma_wait3A_167 = tpu.memref_squeeze %dma_wait3A_166 : memref<1x4x2816xi32, #tpu.memory_space<hbm>> -> memref<4x2816xi32, #tpu.memory_space<hbm>>
        %dma_wait3A_168 = arith.constant 0 : i32
        %dma_wait3A_169 = tpu.memref_slice %arg4[%add3A_83, %mul3A_152, %dma_wait3A_168] : memref<12x32x2816xi32, #tpu.memory_space<hbm>> -> memref<1x4x2816xi32, #tpu.memory_space<hbm>>
        %dma_wait3A_170 = tpu.memref_squeeze %dma_wait3A_169 : memref<1x4x2816xi32, #tpu.memory_space<hbm>> -> memref<4x2816xi32, #tpu.memory_space<hbm>>
        tpu.wait_dma2 semaphore(%run_scoped3A_160 : memref<!tpu.dma_semaphore, #tpu.memory_space<semaphore_mem>>) src(%dma_wait3A_170 : memref<4x2816xi32, #tpu.memory_space<hbm>>) dst(%arg6 : memref<4x2816xi32, #tpu.memory_space<vmem>>)
        tpu.yield
      }) : () -> ()
      %mul3A_153 = arith.constant 4 : i32
      %mul3A_154 = arith.muli %add3A_150, %mul3A_153 : i32
      "tpu.region"() ({
        %run_scoped3A_160 = tpu.sem_alloc : memref<!tpu.dma_semaphore, #tpu.memory_space<semaphore_mem>>
        %dma_start3A = arith.constant 0 : i32
        %dma_start3A_161 = tpu.memref_slice %arg3[%add3A_83, %mul3A_154, %dma_start3A] : memref<12x32x2816xf32, #tpu.memory_space<hbm>> -> memref<1x4x2816xf32, #tpu.memory_space<hbm>>
        %dma_start3A_162 = tpu.memref_squeeze %dma_start3A_161 : memref<1x4x2816xf32, #tpu.memory_space<hbm>> -> memref<4x2816xf32, #tpu.memory_space<hbm>>
        %dma_start3A_163 = arith.constant 0 : i32
        %dma_start3A_164 = tpu.memref_slice %arg3[%add3A_83, %mul3A_154, %dma_start3A_163] : memref<12x32x2816xf32, #tpu.memory_space<hbm>> -> memref<1x4x2816xf32, #tpu.memory_space<hbm>>
        %dma_start3A_165 = tpu.memref_squeeze %dma_start3A_164 : memref<1x4x2816xf32, #tpu.memory_space<hbm>> -> memref<4x2816xf32, #tpu.memory_space<hbm>>
        tpu.enqueue_dma source(%dma_start3A_165 : memref<4x2816xf32, #tpu.memory_space<hbm>>) target(%arg7 : memref<4x2816xf32, #tpu.memory_space<vmem>>) target_semaphore(%run_scoped3A_160 : memref<!tpu.dma_semaphore, #tpu.memory_space<semaphore_mem>>)
        %dma_wait3A = arith.constant 0 : i32
        %dma_wait3A_166 = tpu.memref_slice %arg3[%add3A_83, %mul3A_154, %dma_wait3A] : memref<12x32x2816xf32, #tpu.memory_space<hbm>> -> memref<1x4x2816xf32, #tpu.memory_space<hbm>>
        %dma_wait3A_167 = tpu.memref_squeeze %dma_wait3A_166 : memref<1x4x2816xf32, #tpu.memory_space<hbm>> -> memref<4x2816xf32, #tpu.memory_space<hbm>>
        %dma_wait3A_168 = arith.constant 0 : i32
        %dma_wait3A_169 = tpu.memref_slice %arg3[%add3A_83, %mul3A_154, %dma_wait3A_168] : memref<12x32x2816xf32, #tpu.memory_space<hbm>> -> memref<1x4x2816xf32, #tpu.memory_space<hbm>>
        %dma_wait3A_170 = tpu.memref_squeeze %dma_wait3A_169 : memref<1x4x2816xf32, #tpu.memory_space<hbm>> -> memref<4x2816xf32, #tpu.memory_space<hbm>>
        tpu.wait_dma2 semaphore(%run_scoped3A_160 : memref<!tpu.dma_semaphore, #tpu.memory_space<semaphore_mem>>) src(%dma_wait3A_170 : memref<4x2816xf32, #tpu.memory_space<hbm>>) dst(%arg7 : memref<4x2816xf32, #tpu.memory_space<vmem>>)
        tpu.yield
      }) : () -> ()
      %scan3A_155 = arith.constant 0 : i32
      %scan3A_156 = arith.constant 4 : i32
      %scan3A_157 = arith.addi %scan3A_155, %scan3A_156 : i32
      %scan3A_158 = arith.constant 1 : i32
      scf.for %scan3A_160 = %scan3A_155 to %scan3A_157 step %scan3A_158  : i32 {
        %mul3A_161 = arith.constant 1 : i32
        %mul3A_162 = arith.muli %scan3A_160, %mul3A_161 : i32
        %add3A_163 = arith.constant 0 : i32
        %add3A_164 = arith.addi %add3A_163, %mul3A_162 : i32
        %scan3A_165 = arith.constant 0 : i32
        %scan3A_166 = arith.constant 176 : i32
        %scan3A_167 = arith.addi %scan3A_165, %scan3A_166 : i32
        %scan3A_168 = arith.constant 1 : i32
        scf.for %scan3A_170 = %scan3A_165 to %scan3A_167 step %scan3A_168  : i32 {
          %mul3A_171 = arith.constant 1 : i32
          %mul3A_172 = arith.muli %scan3A_170, %mul3A_171 : i32
          %add3A_173 = arith.constant 0 : i32
          %add3A_174 = arith.addi %add3A_173, %mul3A_172 : i32
          %mul3A_175 = arith.constant 16 : i32
          %mul3A_176 = arith.muli %add3A_174, %mul3A_175 : i32
          %get3A = arith.index_cast %add3A_164 : i32 to index
          %get3A_177 = arith.index_cast %mul3A_176 : i32 to index
          %get3A_178 = tpu.vector_load %arg6[%get3A, %get3A_177] {strides = array<i32>} : memref<4x2816xi32, #tpu.memory_space<vmem>>, vector<16xi32>,
          %reduce_min3A = arith.constant true
          %reduce_min3A_179 = vector.broadcast %reduce_min3A : i1 to vector<16xi1>
          %reduce_min3A_180 = arith.constant -2147483648 : i32
          %reduce_min3A_181 = vector.broadcast %reduce_min3A_180 : i32 to vector<16xi32>
          %reduce_min3A_182 = arith.xori %get3A_178, %reduce_min3A_181 : vector<16xi32>
          %reduce_min3A_183 = tpu.scan <min>, %reduce_min3A_182 masked %reduce_min3A_179 : vector<16xi32>, vector<16xi1> -> vector<16xi32>
          %reduce_min3A_184 = arith.xori %reduce_min3A_183, %reduce_min3A_181 : vector<16xi32>
          %reduce_min3A_185 = vector.extract %reduce_min3A_184[15] : i32 from vector<16xi32>
          %lt3A = arith.constant 16384 : i32
          %lt3A_186 = arith.cmpi slt, %reduce_min3A_185, %lt3A : i32
          %convert_element_type3A = arith.extui %lt3A_186 : i1 to i32
          %cond3A = arith.constant 0 : i32
          %cond3A_187 = arith.cmpi ne, %convert_element_type3A, %cond3A : i32
          scf.if %cond3A_187 {
            %get3A_188 = arith.index_cast %add3A_164 : i32 to index
            %get3A_189 = arith.index_cast %mul3A_176 : i32 to index
            %get3A_190 = tpu.vector_load %arg7[%get3A_188, %get3A_189] {strides = array<i32>} : memref<4x2816xf32, #tpu.memory_space<vmem>>, vector<16xf32>,
            %get3A_191 = arith.constant 0 : i32
            %get3A_192 = arith.index_cast %get3A_191 : i32 to index
            %get3A_193 = arith.index_cast %mul3A_176 : i32 to index
            %get3A_194 = tpu.vector_load %arg8[%get3A_192, %get3A_193] {strides = array<i32>} : memref<4x2816xf32, #tpu.memory_space<vmem>>, vector<16xf32>,
            %mul3A_195 = arith.mulf %get3A_194, %get3A_190 : vector<16xf32>
            %broadcast_in_dim3A = arith.constant 0 : i32
            %broadcast_in_dim3A_196 = vector.broadcast %broadcast_in_dim3A : i32 to vector<16xi32>
            tpu.vector_store_idx %arg9[%broadcast_in_dim3A_196, %get3A_178], %mul3A_195 {add = true} : memref<4x16400xf32, #tpu.memory_space<vmem>>[vector<16xi32>, vector<16xi32>], vector<16xf32>,
            %get3A_197 = arith.constant 1 : i32
            %get3A_198 = arith.index_cast %get3A_197 : i32 to index
            %get3A_199 = arith.index_cast %mul3A_176 : i32 to index
            %get3A_200 = tpu.vector_load %arg8[%get3A_198, %get3A_199] {strides = array<i32>} : memref<4x2816xf32, #tpu.memory_space<vmem>>, vector<16xf32>,
            %mul3A_201 = arith.mulf %get3A_200, %get3A_190 : vector<16xf32>
            %broadcast_in_dim3A_202 = arith.constant 1 : i32
            %broadcast_in_dim3A_203 = vector.broadcast %broadcast_in_dim3A_202 : i32 to vector<16xi32>
            tpu.vector_store_idx %arg9[%broadcast_in_dim3A_203, %get3A_178], %mul3A_201 {add = true} : memref<4x16400xf32, #tpu.memory_space<vmem>>[vector<16xi32>, vector<16xi32>], vector<16xf32>,
            %get3A_204 = arith.constant 2 : i32
            %get3A_205 = arith.index_cast %get3A_204 : i32 to index
            %get3A_206 = arith.index_cast %mul3A_176 : i32 to index
            %get3A_207 = tpu.vector_load %arg8[%get3A_205, %get3A_206] {strides = array<i32>} : memref<4x2816xf32, #tpu.memory_space<vmem>>, vector<16xf32>,
            %mul3A_208 = arith.mulf %get3A_207, %get3A_190 : vector<16xf32>
            %broadcast_in_dim3A_209 = arith.constant 2 : i32
            %broadcast_in_dim3A_210 = vector.broadcast %broadcast_in_dim3A_209 : i32 to vector<16xi32>
            tpu.vector_store_idx %arg9[%broadcast_in_dim3A_210, %get3A_178], %mul3A_208 {add = true} : memref<4x16400xf32, #tpu.memory_space<vmem>>[vector<16xi32>, vector<16xi32>], vector<16xf32>,
            %get3A_211 = arith.constant 3 : i32
            %get3A_212 = arith.index_cast %get3A_211 : i32 to index
            %get3A_213 = arith.index_cast %mul3A_176 : i32 to index
            %get3A_214 = tpu.vector_load %arg8[%get3A_212, %get3A_213] {strides = array<i32>} : memref<4x2816xf32, #tpu.memory_space<vmem>>, vector<16xf32>,
            %mul3A_215 = arith.mulf %get3A_214, %get3A_190 : vector<16xf32>
            %broadcast_in_dim3A_216 = arith.constant 3 : i32
            %broadcast_in_dim3A_217 = vector.broadcast %broadcast_in_dim3A_216 : i32 to vector<16xi32>
            tpu.vector_store_idx %arg9[%broadcast_in_dim3A_217, %get3A_178], %mul3A_215 {add = true} : memref<4x16400xf32, #tpu.memory_space<vmem>>[vector<16xi32>, vector<16xi32>], vector<16xf32>,
          } else {
          }
        }
        %scan3A_169 = arith.constant 176 : i32
      }
      %scan3A_159 = arith.constant 4 : i32
    }
    %scan3A_88 = arith.constant 8 : i32
    %mul3A_89 = arith.constant 6 : i32
    %mul3A_90 = arith.muli %arg0, %mul3A_89 : i32
    %add3A_91 = arith.constant 1 : i32
    %add3A_92 = arith.addi %mul3A_90, %add3A_91 : i32
    "tpu.region"() ({
      %run_scoped3A_146 = tpu.sem_alloc : memref<!tpu.dma_semaphore, #tpu.memory_space<semaphore_mem>>
      %dma_start3A = arith.constant 0 : i32
      %dma_start3A_147 = tpu.memref_slice %arg2[%add3A_92, %add3A_74, %dma_start3A] : memref<12x128x2816xf32, #tpu.memory_space<hbm>> -> memref<1x4x2816xf32, #tpu.memory_space<hbm>>
      %dma_start3A_148 = tpu.memref_squeeze %dma_start3A_147 : memref<1x4x2816xf32, #tpu.memory_space<hbm>> -> memref<4x2816xf32, #tpu.memory_space<hbm>>
      %dma_start3A_149 = arith.constant 0 : i32
      %dma_start3A_150 = tpu.memref_slice %arg2[%add3A_92, %add3A_74, %dma_start3A_149] : memref<12x128x2816xf32, #tpu.memory_space<hbm>> -> memref<1x4x2816xf32, #tpu.memory_space<hbm>>
      %dma_start3A_151 = tpu.memref_squeeze %dma_start3A_150 : memref<1x4x2816xf32, #tpu.memory_space<hbm>> -> memref<4x2816xf32, #tpu.memory_space<hbm>>
      tpu.enqueue_dma source(%dma_start3A_151 : memref<4x2816xf32, #tpu.memory_space<hbm>>) target(%arg8 : memref<4x2816xf32, #tpu.memory_space<vmem>>) target_semaphore(%run_scoped3A_146 : memref<!tpu.dma_semaphore, #tpu.memory_space<semaphore_mem>>)
      %dma_wait3A = arith.constant 0 : i32
      %dma_wait3A_152 = tpu.memref_slice %arg2[%add3A_92, %add3A_74, %dma_wait3A] : memref<12x128x2816xf32, #tpu.memory_space<hbm>> -> memref<1x4x2816xf32, #tpu.memory_space<hbm>>
      %dma_wait3A_153 = tpu.memref_squeeze %dma_wait3A_152 : memref<1x4x2816xf32, #tpu.memory_space<hbm>> -> memref<4x2816xf32, #tpu.memory_space<hbm>>
      %dma_wait3A_154 = arith.constant 0 : i32
      %dma_wait3A_155 = tpu.memref_slice %arg2[%add3A_92, %add3A_74, %dma_wait3A_154] : memref<12x128x2816xf32, #tpu.memory_space<hbm>> -> memref<1x4x2816xf32, #tpu.memory_space<hbm>>
      %dma_wait3A_156 = tpu.memref_squeeze %dma_wait3A_155 : memref<1x4x2816xf32, #tpu.memory_space<hbm>> -> memref<4x2816xf32, #tpu.memory_space<hbm>>
      tpu.wait_dma2 semaphore(%run_scoped3A_146 : memref<!tpu.dma_semaphore, #tpu.memory_space<semaphore_mem>>) src(%dma_wait3A_156 : memref<4x2816xf32, #tpu.memory_space<hbm>>) dst(%arg8 : memref<4x2816xf32, #tpu.memory_space<vmem>>)
      tpu.yield
    }) : () -> ()
    %scan3A_93 = arith.constant 0 : i32
    %scan3A_94 = arith.constant 8 : i32
    %scan3A_95 = arith.addi %scan3A_93, %scan3A_94 : i32
    %scan3A_96 = arith.constant 1 : i32
    scf.for %scan3A_146 = %scan3A_93 to %scan3A_95 step %scan3A_96  : i32 {
      %mul3A_147 = arith.constant 1 : i32
      %mul3A_148 = arith.muli %scan3A_146, %mul3A_147 : i32
      %add3A_149 = arith.constant 0 : i32
      %add3A_150 = arith.addi %add3A_149, %mul3A_148 : i32
      %mul3A_151 = arith.constant 4 : i32
      %mul3A_152 = arith.muli %add3A_150, %mul3A_151 : i32
      "tpu.region"() ({
        %run_scoped3A_160 = tpu.sem_alloc : memref<!tpu.dma_semaphore, #tpu.memory_space<semaphore_mem>>
        %dma_start3A = arith.constant 0 : i32
        %dma_start3A_161 = tpu.memref_slice %arg4[%add3A_92, %mul3A_152, %dma_start3A] : memref<12x32x2816xi32, #tpu.memory_space<hbm>> -> memref<1x4x2816xi32, #tpu.memory_space<hbm>>
        %dma_start3A_162 = tpu.memref_squeeze %dma_start3A_161 : memref<1x4x2816xi32, #tpu.memory_space<hbm>> -> memref<4x2816xi32, #tpu.memory_space<hbm>>
        %dma_start3A_163 = arith.constant 0 : i32
        %dma_start3A_164 = tpu.memref_slice %arg4[%add3A_92, %mul3A_152, %dma_start3A_163] : memref<12x32x2816xi32, #tpu.memory_space<hbm>> -> memref<1x4x2816xi32, #tpu.memory_space<hbm>>
        %dma_start3A_165 = tpu.memref_squeeze %dma_start3A_164 : memref<1x4x2816xi32, #tpu.memory_space<hbm>> -> memref<4x2816xi32, #tpu.memory_space<hbm>>
        tpu.enqueue_dma source(%dma_start3A_165 : memref<4x2816xi32, #tpu.memory_space<hbm>>) target(%arg6 : memref<4x2816xi32, #tpu.memory_space<vmem>>) target_semaphore(%run_scoped3A_160 : memref<!tpu.dma_semaphore, #tpu.memory_space<semaphore_mem>>)
        %dma_wait3A = arith.constant 0 : i32
        %dma_wait3A_166 = tpu.memref_slice %arg4[%add3A_92, %mul3A_152, %dma_wait3A] : memref<12x32x2816xi32, #tpu.memory_space<hbm>> -> memref<1x4x2816xi32, #tpu.memory_space<hbm>>
        %dma_wait3A_167 = tpu.memref_squeeze %dma_wait3A_166 : memref<1x4x2816xi32, #tpu.memory_space<hbm>> -> memref<4x2816xi32, #tpu.memory_space<hbm>>
        %dma_wait3A_168 = arith.constant 0 : i32
        %dma_wait3A_169 = tpu.memref_slice %arg4[%add3A_92, %mul3A_152, %dma_wait3A_168] : memref<12x32x2816xi32, #tpu.memory_space<hbm>> -> memref<1x4x2816xi32, #tpu.memory_space<hbm>>
        %dma_wait3A_170 = tpu.memref_squeeze %dma_wait3A_169 : memref<1x4x2816xi32, #tpu.memory_space<hbm>> -> memref<4x2816xi32, #tpu.memory_space<hbm>>
        tpu.wait_dma2 semaphore(%run_scoped3A_160 : memref<!tpu.dma_semaphore, #tpu.memory_space<semaphore_mem>>) src(%dma_wait3A_170 : memref<4x2816xi32, #tpu.memory_space<hbm>>) dst(%arg6 : memref<4x2816xi32, #tpu.memory_space<vmem>>)
        tpu.yield
      }) : () -> ()
      %mul3A_153 = arith.constant 4 : i32
      %mul3A_154 = arith.muli %add3A_150, %mul3A_153 : i32
      "tpu.region"() ({
        %run_scoped3A_160 = tpu.sem_alloc : memref<!tpu.dma_semaphore, #tpu.memory_space<semaphore_mem>>
        %dma_start3A = arith.constant 0 : i32
        %dma_start3A_161 = tpu.memref_slice %arg3[%add3A_92, %mul3A_154, %dma_start3A] : memref<12x32x2816xf32, #tpu.memory_space<hbm>> -> memref<1x4x2816xf32, #tpu.memory_space<hbm>>
        %dma_start3A_162 = tpu.memref_squeeze %dma_start3A_161 : memref<1x4x2816xf32, #tpu.memory_space<hbm>> -> memref<4x2816xf32, #tpu.memory_space<hbm>>
        %dma_start3A_163 = arith.constant 0 : i32
        %dma_start3A_164 = tpu.memref_slice %arg3[%add3A_92, %mul3A_154, %dma_start3A_163] : memref<12x32x2816xf32, #tpu.memory_space<hbm>> -> memref<1x4x2816xf32, #tpu.memory_space<hbm>>
        %dma_start3A_165 = tpu.memref_squeeze %dma_start3A_164 : memref<1x4x2816xf32, #tpu.memory_space<hbm>> -> memref<4x2816xf32, #tpu.memory_space<hbm>>
        tpu.enqueue_dma source(%dma_start3A_165 : memref<4x2816xf32, #tpu.memory_space<hbm>>) target(%arg7 : memref<4x2816xf32, #tpu.memory_space<vmem>>) target_semaphore(%run_scoped3A_160 : memref<!tpu.dma_semaphore, #tpu.memory_space<semaphore_mem>>)
        %dma_wait3A = arith.constant 0 : i32
        %dma_wait3A_166 = tpu.memref_slice %arg3[%add3A_92, %mul3A_154, %dma_wait3A] : memref<12x32x2816xf32, #tpu.memory_space<hbm>> -> memref<1x4x2816xf32, #tpu.memory_space<hbm>>
        %dma_wait3A_167 = tpu.memref_squeeze %dma_wait3A_166 : memref<1x4x2816xf32, #tpu.memory_space<hbm>> -> memref<4x2816xf32, #tpu.memory_space<hbm>>
        %dma_wait3A_168 = arith.constant 0 : i32
        %dma_wait3A_169 = tpu.memref_slice %arg3[%add3A_92, %mul3A_154, %dma_wait3A_168] : memref<12x32x2816xf32, #tpu.memory_space<hbm>> -> memref<1x4x2816xf32, #tpu.memory_space<hbm>>
        %dma_wait3A_170 = tpu.memref_squeeze %dma_wait3A_169 : memref<1x4x2816xf32, #tpu.memory_space<hbm>> -> memref<4x2816xf32, #tpu.memory_space<hbm>>
        tpu.wait_dma2 semaphore(%run_scoped3A_160 : memref<!tpu.dma_semaphore, #tpu.memory_space<semaphore_mem>>) src(%dma_wait3A_170 : memref<4x2816xf32, #tpu.memory_space<hbm>>) dst(%arg7 : memref<4x2816xf32, #tpu.memory_space<vmem>>)
        tpu.yield
      }) : () -> ()
      %scan3A_155 = arith.constant 0 : i32
      %scan3A_156 = arith.constant 4 : i32
      %scan3A_157 = arith.addi %scan3A_155, %scan3A_156 : i32
      %scan3A_158 = arith.constant 1 : i32
      scf.for %scan3A_160 = %scan3A_155 to %scan3A_157 step %scan3A_158  : i32 {
        %mul3A_161 = arith.constant 1 : i32
        %mul3A_162 = arith.muli %scan3A_160, %mul3A_161 : i32
        %add3A_163 = arith.constant 0 : i32
        %add3A_164 = arith.addi %add3A_163, %mul3A_162 : i32
        %scan3A_165 = arith.constant 0 : i32
        %scan3A_166 = arith.constant 176 : i32
        %scan3A_167 = arith.addi %scan3A_165, %scan3A_166 : i32
        %scan3A_168 = arith.constant 1 : i32
        scf.for %scan3A_170 = %scan3A_165 to %scan3A_167 step %scan3A_168  : i32 {
          %mul3A_171 = arith.constant 1 : i32
          %mul3A_172 = arith.muli %scan3A_170, %mul3A_171 : i32
          %add3A_173 = arith.constant 0 : i32
          %add3A_174 = arith.addi %add3A_173, %mul3A_172 : i32
          %mul3A_175 = arith.constant 16 : i32
          %mul3A_176 = arith.muli %add3A_174, %mul3A_175 : i32
          %get3A = arith.index_cast %add3A_164 : i32 to index
          %get3A_177 = arith.index_cast %mul3A_176 : i32 to index
          %get3A_178 = tpu.vector_load %arg6[%get3A, %get3A_177] {strides = array<i32>} : memref<4x2816xi32, #tpu.memory_space<vmem>>, vector<16xi32>,
          %reduce_min3A = arith.constant true
          %reduce_min3A_179 = vector.broadcast %reduce_min3A : i1 to vector<16xi1>
          %reduce_min3A_180 = arith.constant -2147483648 : i32
          %reduce_min3A_181 = vector.broadcast %reduce_min3A_180 : i32 to vector<16xi32>
          %reduce_min3A_182 = arith.xori %get3A_178, %reduce_min3A_181 : vector<16xi32>
          %reduce_min3A_183 = tpu.scan <min>, %reduce_min3A_182 masked %reduce_min3A_179 : vector<16xi32>, vector<16xi1> -> vector<16xi32>
          %reduce_min3A_184 = arith.xori %reduce_min3A_183, %reduce_min3A_181 : vector<16xi32>
          %reduce_min3A_185 = vector.extract %reduce_min3A_184[15] : i32 from vector<16xi32>
          %lt3A = arith.constant 16384 : i32
          %lt3A_186 = arith.cmpi slt, %reduce_min3A_185, %lt3A : i32
          %convert_element_type3A = arith.extui %lt3A_186 : i1 to i32
          %cond3A = arith.constant 0 : i32
          %cond3A_187 = arith.cmpi ne, %convert_element_type3A, %cond3A : i32
          scf.if %cond3A_187 {
            %get3A_188 = arith.index_cast %add3A_164 : i32 to index
            %get3A_189 = arith.index_cast %mul3A_176 : i32 to index
            %get3A_190 = tpu.vector_load %arg7[%get3A_188, %get3A_189] {strides = array<i32>} : memref<4x2816xf32, #tpu.memory_space<vmem>>, vector<16xf32>,
            %get3A_191 = arith.constant 0 : i32
            %get3A_192 = arith.index_cast %get3A_191 : i32 to index
            %get3A_193 = arith.index_cast %mul3A_176 : i32 to index
            %get3A_194 = tpu.vector_load %arg8[%get3A_192, %get3A_193] {strides = array<i32>} : memref<4x2816xf32, #tpu.memory_space<vmem>>, vector<16xf32>,
            %mul3A_195 = arith.mulf %get3A_194, %get3A_190 : vector<16xf32>
            %broadcast_in_dim3A = arith.constant 0 : i32
            %broadcast_in_dim3A_196 = vector.broadcast %broadcast_in_dim3A : i32 to vector<16xi32>
            tpu.vector_store_idx %arg9[%broadcast_in_dim3A_196, %get3A_178], %mul3A_195 {add = true} : memref<4x16400xf32, #tpu.memory_space<vmem>>[vector<16xi32>, vector<16xi32>], vector<16xf32>,
            %get3A_197 = arith.constant 1 : i32
            %get3A_198 = arith.index_cast %get3A_197 : i32 to index
            %get3A_199 = arith.index_cast %mul3A_176 : i32 to index
            %get3A_200 = tpu.vector_load %arg8[%get3A_198, %get3A_199] {strides = array<i32>} : memref<4x2816xf32, #tpu.memory_space<vmem>>, vector<16xf32>,
            %mul3A_201 = arith.mulf %get3A_200, %get3A_190 : vector<16xf32>
            %broadcast_in_dim3A_202 = arith.constant 1 : i32
            %broadcast_in_dim3A_203 = vector.broadcast %broadcast_in_dim3A_202 : i32 to vector<16xi32>
            tpu.vector_store_idx %arg9[%broadcast_in_dim3A_203, %get3A_178], %mul3A_201 {add = true} : memref<4x16400xf32, #tpu.memory_space<vmem>>[vector<16xi32>, vector<16xi32>], vector<16xf32>,
            %get3A_204 = arith.constant 2 : i32
            %get3A_205 = arith.index_cast %get3A_204 : i32 to index
            %get3A_206 = arith.index_cast %mul3A_176 : i32 to index
            %get3A_207 = tpu.vector_load %arg8[%get3A_205, %get3A_206] {strides = array<i32>} : memref<4x2816xf32, #tpu.memory_space<vmem>>, vector<16xf32>,
            %mul3A_208 = arith.mulf %get3A_207, %get3A_190 : vector<16xf32>
            %broadcast_in_dim3A_209 = arith.constant 2 : i32
            %broadcast_in_dim3A_210 = vector.broadcast %broadcast_in_dim3A_209 : i32 to vector<16xi32>
            tpu.vector_store_idx %arg9[%broadcast_in_dim3A_210, %get3A_178], %mul3A_208 {add = true} : memref<4x16400xf32, #tpu.memory_space<vmem>>[vector<16xi32>, vector<16xi32>], vector<16xf32>,
            %get3A_211 = arith.constant 3 : i32
            %get3A_212 = arith.index_cast %get3A_211 : i32 to index
            %get3A_213 = arith.index_cast %mul3A_176 : i32 to index
            %get3A_214 = tpu.vector_load %arg8[%get3A_212, %get3A_213] {strides = array<i32>} : memref<4x2816xf32, #tpu.memory_space<vmem>>, vector<16xf32>,
            %mul3A_215 = arith.mulf %get3A_214, %get3A_190 : vector<16xf32>
            %broadcast_in_dim3A_216 = arith.constant 3 : i32
            %broadcast_in_dim3A_217 = vector.broadcast %broadcast_in_dim3A_216 : i32 to vector<16xi32>
            tpu.vector_store_idx %arg9[%broadcast_in_dim3A_217, %get3A_178], %mul3A_215 {add = true} : memref<4x16400xf32, #tpu.memory_space<vmem>>[vector<16xi32>, vector<16xi32>], vector<16xf32>,
          } else {
          }
        }
        %scan3A_169 = arith.constant 176 : i32
      }
      %scan3A_159 = arith.constant 4 : i32
    }
    %scan3A_97 = arith.constant 8 : i32
    %mul3A_98 = arith.constant 6 : i32
    %mul3A_99 = arith.muli %arg0, %mul3A_98 : i32
    %add3A_100 = arith.constant 2 : i32
    %add3A_101 = arith.addi %mul3A_99, %add3A_100 : i32
    "tpu.region"() ({
      %run_scoped3A_146 = tpu.sem_alloc : memref<!tpu.dma_semaphore, #tpu.memory_space<semaphore_mem>>
      %dma_start3A = arith.constant 0 : i32
      %dma_start3A_147 = tpu.memref_slice %arg2[%add3A_101, %add3A_74, %dma_start3A] : memref<12x128x2816xf32, #tpu.memory_space<hbm>> -> memref<1x4x2816xf32, #tpu.memory_space<hbm>>
      %dma_start3A_148 = tpu.memref_squeeze %dma_start3A_147 : memref<1x4x2816xf32, #tpu.memory_space<hbm>> -> memref<4x2816xf32, #tpu.memory_space<hbm>>
      %dma_start3A_149 = arith.constant 0 : i32
      %dma_start3A_150 = tpu.memref_slice %arg2[%add3A_101, %add3A_74, %dma_start3A_149] : memref<12x128x2816xf32, #tpu.memory_space<hbm>> -> memref<1x4x2816xf32, #tpu.memory_space<hbm>>
      %dma_start3A_151 = tpu.memref_squeeze %dma_start3A_150 : memref<1x4x2816xf32, #tpu.memory_space<hbm>> -> memref<4x2816xf32, #tpu.memory_space<hbm>>
      tpu.enqueue_dma source(%dma_start3A_151 : memref<4x2816xf32, #tpu.memory_space<hbm>>) target(%arg8 : memref<4x2816xf32, #tpu.memory_space<vmem>>) target_semaphore(%run_scoped3A_146 : memref<!tpu.dma_semaphore, #tpu.memory_space<semaphore_mem>>)
      %dma_wait3A = arith.constant 0 : i32
      %dma_wait3A_152 = tpu.memref_slice %arg2[%add3A_101, %add3A_74, %dma_wait3A] : memref<12x128x2816xf32, #tpu.memory_space<hbm>> -> memref<1x4x2816xf32, #tpu.memory_space<hbm>>
      %dma_wait3A_153 = tpu.memref_squeeze %dma_wait3A_152 : memref<1x4x2816xf32, #tpu.memory_space<hbm>> -> memref<4x2816xf32, #tpu.memory_space<hbm>>
      %dma_wait3A_154 = arith.constant 0 : i32
      %dma_wait3A_155 = tpu.memref_slice %arg2[%add3A_101, %add3A_74, %dma_wait3A_154] : memref<12x128x2816xf32, #tpu.memory_space<hbm>> -> memref<1x4x2816xf32, #tpu.memory_space<hbm>>
      %dma_wait3A_156 = tpu.memref_squeeze %dma_wait3A_155 : memref<1x4x2816xf32, #tpu.memory_space<hbm>> -> memref<4x2816xf32, #tpu.memory_space<hbm>>
      tpu.wait_dma2 semaphore(%run_scoped3A_146 : memref<!tpu.dma_semaphore, #tpu.memory_space<semaphore_mem>>) src(%dma_wait3A_156 : memref<4x2816xf32, #tpu.memory_space<hbm>>) dst(%arg8 : memref<4x2816xf32, #tpu.memory_space<vmem>>)
      tpu.yield
    }) : () -> ()
    %scan3A_102 = arith.constant 0 : i32
    %scan3A_103 = arith.constant 8 : i32
    %scan3A_104 = arith.addi %scan3A_102, %scan3A_103 : i32
    %scan3A_105 = arith.constant 1 : i32
    scf.for %scan3A_146 = %scan3A_102 to %scan3A_104 step %scan3A_105  : i32 {
      %mul3A_147 = arith.constant 1 : i32
      %mul3A_148 = arith.muli %scan3A_146, %mul3A_147 : i32
      %add3A_149 = arith.constant 0 : i32
      %add3A_150 = arith.addi %add3A_149, %mul3A_148 : i32
      %mul3A_151 = arith.constant 4 : i32
      %mul3A_152 = arith.muli %add3A_150, %mul3A_151 : i32
      "tpu.region"() ({
        %run_scoped3A_160 = tpu.sem_alloc : memref<!tpu.dma_semaphore, #tpu.memory_space<semaphore_mem>>
        %dma_start3A = arith.constant 0 : i32
        %dma_start3A_161 = tpu.memref_slice %arg4[%add3A_101, %mul3A_152, %dma_start3A] : memref<12x32x2816xi32, #tpu.memory_space<hbm>> -> memref<1x4x2816xi32, #tpu.memory_space<hbm>>
        %dma_start3A_162 = tpu.memref_squeeze %dma_start3A_161 : memref<1x4x2816xi32, #tpu.memory_space<hbm>> -> memref<4x2816xi32, #tpu.memory_space<hbm>>
        %dma_start3A_163 = arith.constant 0 : i32
        %dma_start3A_164 = tpu.memref_slice %arg4[%add3A_101, %mul3A_152, %dma_start3A_163] : memref<12x32x2816xi32, #tpu.memory_space<hbm>> -> memref<1x4x2816xi32, #tpu.memory_space<hbm>>
        %dma_start3A_165 = tpu.memref_squeeze %dma_start3A_164 : memref<1x4x2816xi32, #tpu.memory_space<hbm>> -> memref<4x2816xi32, #tpu.memory_space<hbm>>
        tpu.enqueue_dma source(%dma_start3A_165 : memref<4x2816xi32, #tpu.memory_space<hbm>>) target(%arg6 : memref<4x2816xi32, #tpu.memory_space<vmem>>) target_semaphore(%run_scoped3A_160 : memref<!tpu.dma_semaphore, #tpu.memory_space<semaphore_mem>>)
        %dma_wait3A = arith.constant 0 : i32
        %dma_wait3A_166 = tpu.memref_slice %arg4[%add3A_101, %mul3A_152, %dma_wait3A] : memref<12x32x2816xi32, #tpu.memory_space<hbm>> -> memref<1x4x2816xi32, #tpu.memory_space<hbm>>
        %dma_wait3A_167 = tpu.memref_squeeze %dma_wait3A_166 : memref<1x4x2816xi32, #tpu.memory_space<hbm>> -> memref<4x2816xi32, #tpu.memory_space<hbm>>
        %dma_wait3A_168 = arith.constant 0 : i32
        %dma_wait3A_169 = tpu.memref_slice %arg4[%add3A_101, %mul3A_152, %dma_wait3A_168] : memref<12x32x2816xi32, #tpu.memory_space<hbm>> -> memref<1x4x2816xi32, #tpu.memory_space<hbm>>
        %dma_wait3A_170 = tpu.memref_squeeze %dma_wait3A_169 : memref<1x4x2816xi32, #tpu.memory_space<hbm>> -> memref<4x2816xi32, #tpu.memory_space<hbm>>
        tpu.wait_dma2 semaphore(%run_scoped3A_160 : memref<!tpu.dma_semaphore, #tpu.memory_space<semaphore_mem>>) src(%dma_wait3A_170 : memref<4x2816xi32, #tpu.memory_space<hbm>>) dst(%arg6 : memref<4x2816xi32, #tpu.memory_space<vmem>>)
        tpu.yield
      }) : () -> ()
      %mul3A_153 = arith.constant 4 : i32
      %mul3A_154 = arith.muli %add3A_150, %mul3A_153 : i32
      "tpu.region"() ({
        %run_scoped3A_160 = tpu.sem_alloc : memref<!tpu.dma_semaphore, #tpu.memory_space<semaphore_mem>>
        %dma_start3A = arith.constant 0 : i32
        %dma_start3A_161 = tpu.memref_slice %arg3[%add3A_101, %mul3A_154, %dma_start3A] : memref<12x32x2816xf32, #tpu.memory_space<hbm>> -> memref<1x4x2816xf32, #tpu.memory_space<hbm>>
        %dma_start3A_162 = tpu.memref_squeeze %dma_start3A_161 : memref<1x4x2816xf32, #tpu.memory_space<hbm>> -> memref<4x2816xf32, #tpu.memory_space<hbm>>
        %dma_start3A_163 = arith.constant 0 : i32
        %dma_start3A_164 = tpu.memref_slice %arg3[%add3A_101, %mul3A_154, %dma_start3A_163] : memref<12x32x2816xf32, #tpu.memory_space<hbm>> -> memref<1x4x2816xf32, #tpu.memory_space<hbm>>
        %dma_start3A_165 = tpu.memref_squeeze %dma_start3A_164 : memref<1x4x2816xf32, #tpu.memory_space<hbm>> -> memref<4x2816xf32, #tpu.memory_space<hbm>>
        tpu.enqueue_dma source(%dma_start3A_165 : memref<4x2816xf32, #tpu.memory_space<hbm>>) target(%arg7 : memref<4x2816xf32, #tpu.memory_space<vmem>>) target_semaphore(%run_scoped3A_160 : memref<!tpu.dma_semaphore, #tpu.memory_space<semaphore_mem>>)
        %dma_wait3A = arith.constant 0 : i32
        %dma_wait3A_166 = tpu.memref_slice %arg3[%add3A_101, %mul3A_154, %dma_wait3A] : memref<12x32x2816xf32, #tpu.memory_space<hbm>> -> memref<1x4x2816xf32, #tpu.memory_space<hbm>>
        %dma_wait3A_167 = tpu.memref_squeeze %dma_wait3A_166 : memref<1x4x2816xf32, #tpu.memory_space<hbm>> -> memref<4x2816xf32, #tpu.memory_space<hbm>>
        %dma_wait3A_168 = arith.constant 0 : i32
        %dma_wait3A_169 = tpu.memref_slice %arg3[%add3A_101, %mul3A_154, %dma_wait3A_168] : memref<12x32x2816xf32, #tpu.memory_space<hbm>> -> memref<1x4x2816xf32, #tpu.memory_space<hbm>>
        %dma_wait3A_170 = tpu.memref_squeeze %dma_wait3A_169 : memref<1x4x2816xf32, #tpu.memory_space<hbm>> -> memref<4x2816xf32, #tpu.memory_space<hbm>>
        tpu.wait_dma2 semaphore(%run_scoped3A_160 : memref<!tpu.dma_semaphore, #tpu.memory_space<semaphore_mem>>) src(%dma_wait3A_170 : memref<4x2816xf32, #tpu.memory_space<hbm>>) dst(%arg7 : memref<4x2816xf32, #tpu.memory_space<vmem>>)
        tpu.yield
      }) : () -> ()
      %scan3A_155 = arith.constant 0 : i32
      %scan3A_156 = arith.constant 4 : i32
      %scan3A_157 = arith.addi %scan3A_155, %scan3A_156 : i32
      %scan3A_158 = arith.constant 1 : i32
      scf.for %scan3A_160 = %scan3A_155 to %scan3A_157 step %scan3A_158  : i32 {
        %mul3A_161 = arith.constant 1 : i32
        %mul3A_162 = arith.muli %scan3A_160, %mul3A_161 : i32
        %add3A_163 = arith.constant 0 : i32
        %add3A_164 = arith.addi %add3A_163, %mul3A_162 : i32
        %scan3A_165 = arith.constant 0 : i32
        %scan3A_166 = arith.constant 176 : i32
        %scan3A_167 = arith.addi %scan3A_165, %scan3A_166 : i32
        %scan3A_168 = arith.constant 1 : i32
        scf.for %scan3A_170 = %scan3A_165 to %scan3A_167 step %scan3A_168  : i32 {
          %mul3A_171 = arith.constant 1 : i32
          %mul3A_172 = arith.muli %scan3A_170, %mul3A_171 : i32
          %add3A_173 = arith.constant 0 : i32
          %add3A_174 = arith.addi %add3A_173, %mul3A_172 : i32
          %mul3A_175 = arith.constant 16 : i32
          %mul3A_176 = arith.muli %add3A_174, %mul3A_175 : i32
          %get3A = arith.index_cast %add3A_164 : i32 to index
          %get3A_177 = arith.index_cast %mul3A_176 : i32 to index
          %get3A_178 = tpu.vector_load %arg6[%get3A, %get3A_177] {strides = array<i32>} : memref<4x2816xi32, #tpu.memory_space<vmem>>, vector<16xi32>,
          %reduce_min3A = arith.constant true
          %reduce_min3A_179 = vector.broadcast %reduce_min3A : i1 to vector<16xi1>
          %reduce_min3A_180 = arith.constant -2147483648 : i32
          %reduce_min3A_181 = vector.broadcast %reduce_min3A_180 : i32 to vector<16xi32>
          %reduce_min3A_182 = arith.xori %get3A_178, %reduce_min3A_181 : vector<16xi32>
          %reduce_min3A_183 = tpu.scan <min>, %reduce_min3A_182 masked %reduce_min3A_179 : vector<16xi32>, vector<16xi1> -> vector<16xi32>
          %reduce_min3A_184 = arith.xori %reduce_min3A_183, %reduce_min3A_181 : vector<16xi32>
          %reduce_min3A_185 = vector.extract %reduce_min3A_184[15] : i32 from vector<16xi32>
          %lt3A = arith.constant 16384 : i32
          %lt3A_186 = arith.cmpi slt, %reduce_min3A_185, %lt3A : i32
          %convert_element_type3A = arith.extui %lt3A_186 : i1 to i32
          %cond3A = arith.constant 0 : i32
          %cond3A_187 = arith.cmpi ne, %convert_element_type3A, %cond3A : i32
          scf.if %cond3A_187 {
            %get3A_188 = arith.index_cast %add3A_164 : i32 to index
            %get3A_189 = arith.index_cast %mul3A_176 : i32 to index
            %get3A_190 = tpu.vector_load %arg7[%get3A_188, %get3A_189] {strides = array<i32>} : memref<4x2816xf32, #tpu.memory_space<vmem>>, vector<16xf32>,
            %get3A_191 = arith.constant 0 : i32
            %get3A_192 = arith.index_cast %get3A_191 : i32 to index
            %get3A_193 = arith.index_cast %mul3A_176 : i32 to index
            %get3A_194 = tpu.vector_load %arg8[%get3A_192, %get3A_193] {strides = array<i32>} : memref<4x2816xf32, #tpu.memory_space<vmem>>, vector<16xf32>,
            %mul3A_195 = arith.mulf %get3A_194, %get3A_190 : vector<16xf32>
            %broadcast_in_dim3A = arith.constant 0 : i32
            %broadcast_in_dim3A_196 = vector.broadcast %broadcast_in_dim3A : i32 to vector<16xi32>
            tpu.vector_store_idx %arg9[%broadcast_in_dim3A_196, %get3A_178], %mul3A_195 {add = true} : memref<4x16400xf32, #tpu.memory_space<vmem>>[vector<16xi32>, vector<16xi32>], vector<16xf32>,
            %get3A_197 = arith.constant 1 : i32
            %get3A_198 = arith.index_cast %get3A_197 : i32 to index
            %get3A_199 = arith.index_cast %mul3A_176 : i32 to index
            %get3A_200 = tpu.vector_load %arg8[%get3A_198, %get3A_199] {strides = array<i32>} : memref<4x2816xf32, #tpu.memory_space<vmem>>, vector<16xf32>,
            %mul3A_201 = arith.mulf %get3A_200, %get3A_190 : vector<16xf32>
            %broadcast_in_dim3A_202 = arith.constant 1 : i32
            %broadcast_in_dim3A_203 = vector.broadcast %broadcast_in_dim3A_202 : i32 to vector<16xi32>
            tpu.vector_store_idx %arg9[%broadcast_in_dim3A_203, %get3A_178], %mul3A_201 {add = true} : memref<4x16400xf32, #tpu.memory_space<vmem>>[vector<16xi32>, vector<16xi32>], vector<16xf32>,
            %get3A_204 = arith.constant 2 : i32
            %get3A_205 = arith.index_cast %get3A_204 : i32 to index
            %get3A_206 = arith.index_cast %mul3A_176 : i32 to index
            %get3A_207 = tpu.vector_load %arg8[%get3A_205, %get3A_206] {strides = array<i32>} : memref<4x2816xf32, #tpu.memory_space<vmem>>, vector<16xf32>,
            %mul3A_208 = arith.mulf %get3A_207, %get3A_190 : vector<16xf32>
            %broadcast_in_dim3A_209 = arith.constant 2 : i32
            %broadcast_in_dim3A_210 = vector.broadcast %broadcast_in_dim3A_209 : i32 to vector<16xi32>
            tpu.vector_store_idx %arg9[%broadcast_in_dim3A_210, %get3A_178], %mul3A_208 {add = true} : memref<4x16400xf32, #tpu.memory_space<vmem>>[vector<16xi32>, vector<16xi32>], vector<16xf32>,
            %get3A_211 = arith.constant 3 : i32
            %get3A_212 = arith.index_cast %get3A_211 : i32 to index
            %get3A_213 = arith.index_cast %mul3A_176 : i32 to index
            %get3A_214 = tpu.vector_load %arg8[%get3A_212, %get3A_213] {strides = array<i32>} : memref<4x2816xf32, #tpu.memory_space<vmem>>, vector<16xf32>,
            %mul3A_215 = arith.mulf %get3A_214, %get3A_190 : vector<16xf32>
            %broadcast_in_dim3A_216 = arith.constant 3 : i32
            %broadcast_in_dim3A_217 = vector.broadcast %broadcast_in_dim3A_216 : i32 to vector<16xi32>
            tpu.vector_store_idx %arg9[%broadcast_in_dim3A_217, %get3A_178], %mul3A_215 {add = true} : memref<4x16400xf32, #tpu.memory_space<vmem>>[vector<16xi32>, vector<16xi32>], vector<16xf32>,
          } else {
          }
        }
        %scan3A_169 = arith.constant 176 : i32
      }
      %scan3A_159 = arith.constant 4 : i32
    }
    %scan3A_106 = arith.constant 8 : i32
    %mul3A_107 = arith.constant 6 : i32
    %mul3A_108 = arith.muli %arg0, %mul3A_107 : i32
    %add3A_109 = arith.constant 3 : i32
    %add3A_110 = arith.addi %mul3A_108, %add3A_109 : i32
    "tpu.region"() ({
      %run_scoped3A_146 = tpu.sem_alloc : memref<!tpu.dma_semaphore, #tpu.memory_space<semaphore_mem>>
      %dma_start3A = arith.constant 0 : i32
      %dma_start3A_147 = tpu.memref_slice %arg2[%add3A_110, %add3A_74, %dma_start3A] : memref<12x128x2816xf32, #tpu.memory_space<hbm>> -> memref<1x4x2816xf32, #tpu.memory_space<hbm>>
      %dma_start3A_148 = tpu.memref_squeeze %dma_start3A_147 : memref<1x4x2816xf32, #tpu.memory_space<hbm>> -> memref<4x2816xf32, #tpu.memory_space<hbm>>
      %dma_start3A_149 = arith.constant 0 : i32
      %dma_start3A_150 = tpu.memref_slice %arg2[%add3A_110, %add3A_74, %dma_start3A_149] : memref<12x128x2816xf32, #tpu.memory_space<hbm>> -> memref<1x4x2816xf32, #tpu.memory_space<hbm>>
      %dma_start3A_151 = tpu.memref_squeeze %dma_start3A_150 : memref<1x4x2816xf32, #tpu.memory_space<hbm>> -> memref<4x2816xf32, #tpu.memory_space<hbm>>
      tpu.enqueue_dma source(%dma_start3A_151 : memref<4x2816xf32, #tpu.memory_space<hbm>>) target(%arg8 : memref<4x2816xf32, #tpu.memory_space<vmem>>) target_semaphore(%run_scoped3A_146 : memref<!tpu.dma_semaphore, #tpu.memory_space<semaphore_mem>>)
      %dma_wait3A = arith.constant 0 : i32
      %dma_wait3A_152 = tpu.memref_slice %arg2[%add3A_110, %add3A_74, %dma_wait3A] : memref<12x128x2816xf32, #tpu.memory_space<hbm>> -> memref<1x4x2816xf32, #tpu.memory_space<hbm>>
      %dma_wait3A_153 = tpu.memref_squeeze %dma_wait3A_152 : memref<1x4x2816xf32, #tpu.memory_space<hbm>> -> memref<4x2816xf32, #tpu.memory_space<hbm>>
      %dma_wait3A_154 = arith.constant 0 : i32
      %dma_wait3A_155 = tpu.memref_slice %arg2[%add3A_110, %add3A_74, %dma_wait3A_154] : memref<12x128x2816xf32, #tpu.memory_space<hbm>> -> memref<1x4x2816xf32, #tpu.memory_space<hbm>>
      %dma_wait3A_156 = tpu.memref_squeeze %dma_wait3A_155 : memref<1x4x2816xf32, #tpu.memory_space<hbm>> -> memref<4x2816xf32, #tpu.memory_space<hbm>>
      tpu.wait_dma2 semaphore(%run_scoped3A_146 : memref<!tpu.dma_semaphore, #tpu.memory_space<semaphore_mem>>) src(%dma_wait3A_156 : memref<4x2816xf32, #tpu.memory_space<hbm>>) dst(%arg8 : memref<4x2816xf32, #tpu.memory_space<vmem>>)
      tpu.yield
    }) : () -> ()
    %scan3A_111 = arith.constant 0 : i32
    %scan3A_112 = arith.constant 8 : i32
    %scan3A_113 = arith.addi %scan3A_111, %scan3A_112 : i32
    %scan3A_114 = arith.constant 1 : i32
    scf.for %scan3A_146 = %scan3A_111 to %scan3A_113 step %scan3A_114  : i32 {
      %mul3A_147 = arith.constant 1 : i32
      %mul3A_148 = arith.muli %scan3A_146, %mul3A_147 : i32
      %add3A_149 = arith.constant 0 : i32
      %add3A_150 = arith.addi %add3A_149, %mul3A_148 : i32
      %mul3A_151 = arith.constant 4 : i32
      %mul3A_152 = arith.muli %add3A_150, %mul3A_151 : i32
      "tpu.region"() ({
        %run_scoped3A_160 = tpu.sem_alloc : memref<!tpu.dma_semaphore, #tpu.memory_space<semaphore_mem>>
        %dma_start3A = arith.constant 0 : i32
        %dma_start3A_161 = tpu.memref_slice %arg4[%add3A_110, %mul3A_152, %dma_start3A] : memref<12x32x2816xi32, #tpu.memory_space<hbm>> -> memref<1x4x2816xi32, #tpu.memory_space<hbm>>
        %dma_start3A_162 = tpu.memref_squeeze %dma_start3A_161 : memref<1x4x2816xi32, #tpu.memory_space<hbm>> -> memref<4x2816xi32, #tpu.memory_space<hbm>>
        %dma_start3A_163 = arith.constant 0 : i32
        %dma_start3A_164 = tpu.memref_slice %arg4[%add3A_110, %mul3A_152, %dma_start3A_163] : memref<12x32x2816xi32, #tpu.memory_space<hbm>> -> memref<1x4x2816xi32, #tpu.memory_space<hbm>>
        %dma_start3A_165 = tpu.memref_squeeze %dma_start3A_164 : memref<1x4x2816xi32, #tpu.memory_space<hbm>> -> memref<4x2816xi32, #tpu.memory_space<hbm>>
        tpu.enqueue_dma source(%dma_start3A_165 : memref<4x2816xi32, #tpu.memory_space<hbm>>) target(%arg6 : memref<4x2816xi32, #tpu.memory_space<vmem>>) target_semaphore(%run_scoped3A_160 : memref<!tpu.dma_semaphore, #tpu.memory_space<semaphore_mem>>)
        %dma_wait3A = arith.constant 0 : i32
        %dma_wait3A_166 = tpu.memref_slice %arg4[%add3A_110, %mul3A_152, %dma_wait3A] : memref<12x32x2816xi32, #tpu.memory_space<hbm>> -> memref<1x4x2816xi32, #tpu.memory_space<hbm>>
        %dma_wait3A_167 = tpu.memref_squeeze %dma_wait3A_166 : memref<1x4x2816xi32, #tpu.memory_space<hbm>> -> memref<4x2816xi32, #tpu.memory_space<hbm>>
        %dma_wait3A_168 = arith.constant 0 : i32
        %dma_wait3A_169 = tpu.memref_slice %arg4[%add3A_110, %mul3A_152, %dma_wait3A_168] : memref<12x32x2816xi32, #tpu.memory_space<hbm>> -> memref<1x4x2816xi32, #tpu.memory_space<hbm>>
        %dma_wait3A_170 = tpu.memref_squeeze %dma_wait3A_169 : memref<1x4x2816xi32, #tpu.memory_space<hbm>> -> memref<4x2816xi32, #tpu.memory_space<hbm>>
        tpu.wait_dma2 semaphore(%run_scoped3A_160 : memref<!tpu.dma_semaphore, #tpu.memory_space<semaphore_mem>>) src(%dma_wait3A_170 : memref<4x2816xi32, #tpu.memory_space<hbm>>) dst(%arg6 : memref<4x2816xi32, #tpu.memory_space<vmem>>)
        tpu.yield
      }) : () -> ()
      %mul3A_153 = arith.constant 4 : i32
      %mul3A_154 = arith.muli %add3A_150, %mul3A_153 : i32
      "tpu.region"() ({
        %run_scoped3A_160 = tpu.sem_alloc : memref<!tpu.dma_semaphore, #tpu.memory_space<semaphore_mem>>
        %dma_start3A = arith.constant 0 : i32
        %dma_start3A_161 = tpu.memref_slice %arg3[%add3A_110, %mul3A_154, %dma_start3A] : memref<12x32x2816xf32, #tpu.memory_space<hbm>> -> memref<1x4x2816xf32, #tpu.memory_space<hbm>>
        %dma_start3A_162 = tpu.memref_squeeze %dma_start3A_161 : memref<1x4x2816xf32, #tpu.memory_space<hbm>> -> memref<4x2816xf32, #tpu.memory_space<hbm>>
        %dma_start3A_163 = arith.constant 0 : i32
        %dma_start3A_164 = tpu.memref_slice %arg3[%add3A_110, %mul3A_154, %dma_start3A_163] : memref<12x32x2816xf32, #tpu.memory_space<hbm>> -> memref<1x4x2816xf32, #tpu.memory_space<hbm>>
        %dma_start3A_165 = tpu.memref_squeeze %dma_start3A_164 : memref<1x4x2816xf32, #tpu.memory_space<hbm>> -> memref<4x2816xf32, #tpu.memory_space<hbm>>
        tpu.enqueue_dma source(%dma_start3A_165 : memref<4x2816xf32, #tpu.memory_space<hbm>>) target(%arg7 : memref<4x2816xf32, #tpu.memory_space<vmem>>) target_semaphore(%run_scoped3A_160 : memref<!tpu.dma_semaphore, #tpu.memory_space<semaphore_mem>>)
        %dma_wait3A = arith.constant 0 : i32
        %dma_wait3A_166 = tpu.memref_slice %arg3[%add3A_110, %mul3A_154, %dma_wait3A] : memref<12x32x2816xf32, #tpu.memory_space<hbm>> -> memref<1x4x2816xf32, #tpu.memory_space<hbm>>
        %dma_wait3A_167 = tpu.memref_squeeze %dma_wait3A_166 : memref<1x4x2816xf32, #tpu.memory_space<hbm>> -> memref<4x2816xf32, #tpu.memory_space<hbm>>
        %dma_wait3A_168 = arith.constant 0 : i32
        %dma_wait3A_169 = tpu.memref_slice %arg3[%add3A_110, %mul3A_154, %dma_wait3A_168] : memref<12x32x2816xf32, #tpu.memory_space<hbm>> -> memref<1x4x2816xf32, #tpu.memory_space<hbm>>
        %dma_wait3A_170 = tpu.memref_squeeze %dma_wait3A_169 : memref<1x4x2816xf32, #tpu.memory_space<hbm>> -> memref<4x2816xf32, #tpu.memory_space<hbm>>
        tpu.wait_dma2 semaphore(%run_scoped3A_160 : memref<!tpu.dma_semaphore, #tpu.memory_space<semaphore_mem>>) src(%dma_wait3A_170 : memref<4x2816xf32, #tpu.memory_space<hbm>>) dst(%arg7 : memref<4x2816xf32, #tpu.memory_space<vmem>>)
        tpu.yield
      }) : () -> ()
      %scan3A_155 = arith.constant 0 : i32
      %scan3A_156 = arith.constant 4 : i32
      %scan3A_157 = arith.addi %scan3A_155, %scan3A_156 : i32
      %scan3A_158 = arith.constant 1 : i32
      scf.for %scan3A_160 = %scan3A_155 to %scan3A_157 step %scan3A_158  : i32 {
        %mul3A_161 = arith.constant 1 : i32
        %mul3A_162 = arith.muli %scan3A_160, %mul3A_161 : i32
        %add3A_163 = arith.constant 0 : i32
        %add3A_164 = arith.addi %add3A_163, %mul3A_162 : i32
        %scan3A_165 = arith.constant 0 : i32
        %scan3A_166 = arith.constant 176 : i32
        %scan3A_167 = arith.addi %scan3A_165, %scan3A_166 : i32
        %scan3A_168 = arith.constant 1 : i32
        scf.for %scan3A_170 = %scan3A_165 to %scan3A_167 step %scan3A_168  : i32 {
          %mul3A_171 = arith.constant 1 : i32
          %mul3A_172 = arith.muli %scan3A_170, %mul3A_171 : i32
          %add3A_173 = arith.constant 0 : i32
          %add3A_174 = arith.addi %add3A_173, %mul3A_172 : i32
          %mul3A_175 = arith.constant 16 : i32
          %mul3A_176 = arith.muli %add3A_174, %mul3A_175 : i32
          %get3A = arith.index_cast %add3A_164 : i32 to index
          %get3A_177 = arith.index_cast %mul3A_176 : i32 to index
          %get3A_178 = tpu.vector_load %arg6[%get3A, %get3A_177] {strides = array<i32>} : memref<4x2816xi32, #tpu.memory_space<vmem>>, vector<16xi32>,
          %reduce_min3A = arith.constant true
          %reduce_min3A_179 = vector.broadcast %reduce_min3A : i1 to vector<16xi1>
          %reduce_min3A_180 = arith.constant -2147483648 : i32
          %reduce_min3A_181 = vector.broadcast %reduce_min3A_180 : i32 to vector<16xi32>
          %reduce_min3A_182 = arith.xori %get3A_178, %reduce_min3A_181 : vector<16xi32>
          %reduce_min3A_183 = tpu.scan <min>, %reduce_min3A_182 masked %reduce_min3A_179 : vector<16xi32>, vector<16xi1> -> vector<16xi32>
          %reduce_min3A_184 = arith.xori %reduce_min3A_183, %reduce_min3A_181 : vector<16xi32>
          %reduce_min3A_185 = vector.extract %reduce_min3A_184[15] : i32 from vector<16xi32>
          %lt3A = arith.constant 16384 : i32
          %lt3A_186 = arith.cmpi slt, %reduce_min3A_185, %lt3A : i32
          %convert_element_type3A = arith.extui %lt3A_186 : i1 to i32
          %cond3A = arith.constant 0 : i32
          %cond3A_187 = arith.cmpi ne, %convert_element_type3A, %cond3A : i32
          scf.if %cond3A_187 {
            %get3A_188 = arith.index_cast %add3A_164 : i32 to index
            %get3A_189 = arith.index_cast %mul3A_176 : i32 to index
            %get3A_190 = tpu.vector_load %arg7[%get3A_188, %get3A_189] {strides = array<i32>} : memref<4x2816xf32, #tpu.memory_space<vmem>>, vector<16xf32>,
            %get3A_191 = arith.constant 0 : i32
            %get3A_192 = arith.index_cast %get3A_191 : i32 to index
            %get3A_193 = arith.index_cast %mul3A_176 : i32 to index
            %get3A_194 = tpu.vector_load %arg8[%get3A_192, %get3A_193] {strides = array<i32>} : memref<4x2816xf32, #tpu.memory_space<vmem>>, vector<16xf32>,
            %mul3A_195 = arith.mulf %get3A_194, %get3A_190 : vector<16xf32>
            %broadcast_in_dim3A = arith.constant 0 : i32
            %broadcast_in_dim3A_196 = vector.broadcast %broadcast_in_dim3A : i32 to vector<16xi32>
            tpu.vector_store_idx %arg9[%broadcast_in_dim3A_196, %get3A_178], %mul3A_195 {add = true} : memref<4x16400xf32, #tpu.memory_space<vmem>>[vector<16xi32>, vector<16xi32>], vector<16xf32>,
            %get3A_197 = arith.constant 1 : i32
            %get3A_198 = arith.index_cast %get3A_197 : i32 to index
            %get3A_199 = arith.index_cast %mul3A_176 : i32 to index
            %get3A_200 = tpu.vector_load %arg8[%get3A_198, %get3A_199] {strides = array<i32>} : memref<4x2816xf32, #tpu.memory_space<vmem>>, vector<16xf32>,
            %mul3A_201 = arith.mulf %get3A_200, %get3A_190 : vector<16xf32>
            %broadcast_in_dim3A_202 = arith.constant 1 : i32
            %broadcast_in_dim3A_203 = vector.broadcast %broadcast_in_dim3A_202 : i32 to vector<16xi32>
            tpu.vector_store_idx %arg9[%broadcast_in_dim3A_203, %get3A_178], %mul3A_201 {add = true} : memref<4x16400xf32, #tpu.memory_space<vmem>>[vector<16xi32>, vector<16xi32>], vector<16xf32>,
            %get3A_204 = arith.constant 2 : i32
            %get3A_205 = arith.index_cast %get3A_204 : i32 to index
            %get3A_206 = arith.index_cast %mul3A_176 : i32 to index
            %get3A_207 = tpu.vector_load %arg8[%get3A_205, %get3A_206] {strides = array<i32>} : memref<4x2816xf32, #tpu.memory_space<vmem>>, vector<16xf32>,
            %mul3A_208 = arith.mulf %get3A_207, %get3A_190 : vector<16xf32>
            %broadcast_in_dim3A_209 = arith.constant 2 : i32
            %broadcast_in_dim3A_210 = vector.broadcast %broadcast_in_dim3A_209 : i32 to vector<16xi32>
            tpu.vector_store_idx %arg9[%broadcast_in_dim3A_210, %get3A_178], %mul3A_208 {add = true} : memref<4x16400xf32, #tpu.memory_space<vmem>>[vector<16xi32>, vector<16xi32>], vector<16xf32>,
            %get3A_211 = arith.constant 3 : i32
            %get3A_212 = arith.index_cast %get3A_211 : i32 to index
            %get3A_213 = arith.index_cast %mul3A_176 : i32 to index
            %get3A_214 = tpu.vector_load %arg8[%get3A_212, %get3A_213] {strides = array<i32>} : memref<4x2816xf32, #tpu.memory_space<vmem>>, vector<16xf32>,
            %mul3A_215 = arith.mulf %get3A_214, %get3A_190 : vector<16xf32>
            %broadcast_in_dim3A_216 = arith.constant 3 : i32
            %broadcast_in_dim3A_217 = vector.broadcast %broadcast_in_dim3A_216 : i32 to vector<16xi32>
            tpu.vector_store_idx %arg9[%broadcast_in_dim3A_217, %get3A_178], %mul3A_215 {add = true} : memref<4x16400xf32, #tpu.memory_space<vmem>>[vector<16xi32>, vector<16xi32>], vector<16xf32>,
          } else {
          }
        }
        %scan3A_169 = arith.constant 176 : i32
      }
      %scan3A_159 = arith.constant 4 : i32
    }
    %scan3A_115 = arith.constant 8 : i32
    %mul3A_116 = arith.constant 6 : i32
    %mul3A_117 = arith.muli %arg0, %mul3A_116 : i32
    %add3A_118 = arith.constant 4 : i32
    %add3A_119 = arith.addi %mul3A_117, %add3A_118 : i32
    "tpu.region"() ({
      %run_scoped3A_146 = tpu.sem_alloc : memref<!tpu.dma_semaphore, #tpu.memory_space<semaphore_mem>>
      %dma_start3A = arith.constant 0 : i32
      %dma_start3A_147 = tpu.memref_slice %arg2[%add3A_119, %add3A_74, %dma_start3A] : memref<12x128x2816xf32, #tpu.memory_space<hbm>> -> memref<1x4x2816xf32, #tpu.memory_space<hbm>>
      %dma_start3A_148 = tpu.memref_squeeze %dma_start3A_147 : memref<1x4x2816xf32, #tpu.memory_space<hbm>> -> memref<4x2816xf32, #tpu.memory_space<hbm>>
      %dma_start3A_149 = arith.constant 0 : i32
      %dma_start3A_150 = tpu.memref_slice %arg2[%add3A_119, %add3A_74, %dma_start3A_149] : memref<12x128x2816xf32, #tpu.memory_space<hbm>> -> memref<1x4x2816xf32, #tpu.memory_space<hbm>>
      %dma_start3A_151 = tpu.memref_squeeze %dma_start3A_150 : memref<1x4x2816xf32, #tpu.memory_space<hbm>> -> memref<4x2816xf32, #tpu.memory_space<hbm>>
      tpu.enqueue_dma source(%dma_start3A_151 : memref<4x2816xf32, #tpu.memory_space<hbm>>) target(%arg8 : memref<4x2816xf32, #tpu.memory_space<vmem>>) target_semaphore(%run_scoped3A_146 : memref<!tpu.dma_semaphore, #tpu.memory_space<semaphore_mem>>)
      %dma_wait3A = arith.constant 0 : i32
      %dma_wait3A_152 = tpu.memref_slice %arg2[%add3A_119, %add3A_74, %dma_wait3A] : memref<12x128x2816xf32, #tpu.memory_space<hbm>> -> memref<1x4x2816xf32, #tpu.memory_space<hbm>>
      %dma_wait3A_153 = tpu.memref_squeeze %dma_wait3A_152 : memref<1x4x2816xf32, #tpu.memory_space<hbm>> -> memref<4x2816xf32, #tpu.memory_space<hbm>>
      %dma_wait3A_154 = arith.constant 0 : i32
      %dma_wait3A_155 = tpu.memref_slice %arg2[%add3A_119, %add3A_74, %dma_wait3A_154] : memref<12x128x2816xf32, #tpu.memory_space<hbm>> -> memref<1x4x2816xf32, #tpu.memory_space<hbm>>
      %dma_wait3A_156 = tpu.memref_squeeze %dma_wait3A_155 : memref<1x4x2816xf32, #tpu.memory_space<hbm>> -> memref<4x2816xf32, #tpu.memory_space<hbm>>
      tpu.wait_dma2 semaphore(%run_scoped3A_146 : memref<!tpu.dma_semaphore, #tpu.memory_space<semaphore_mem>>) src(%dma_wait3A_156 : memref<4x2816xf32, #tpu.memory_space<hbm>>) dst(%arg8 : memref<4x2816xf32, #tpu.memory_space<vmem>>)
      tpu.yield
    }) : () -> ()
    %scan3A_120 = arith.constant 0 : i32
    %scan3A_121 = arith.constant 8 : i32
    %scan3A_122 = arith.addi %scan3A_120, %scan3A_121 : i32
    %scan3A_123 = arith.constant 1 : i32
    scf.for %scan3A_146 = %scan3A_120 to %scan3A_122 step %scan3A_123  : i32 {
      %mul3A_147 = arith.constant 1 : i32
      %mul3A_148 = arith.muli %scan3A_146, %mul3A_147 : i32
      %add3A_149 = arith.constant 0 : i32
      %add3A_150 = arith.addi %add3A_149, %mul3A_148 : i32
      %mul3A_151 = arith.constant 4 : i32
      %mul3A_152 = arith.muli %add3A_150, %mul3A_151 : i32
      "tpu.region"() ({
        %run_scoped3A_160 = tpu.sem_alloc : memref<!tpu.dma_semaphore, #tpu.memory_space<semaphore_mem>>
        %dma_start3A = arith.constant 0 : i32
        %dma_start3A_161 = tpu.memref_slice %arg4[%add3A_119, %mul3A_152, %dma_start3A] : memref<12x32x2816xi32, #tpu.memory_space<hbm>> -> memref<1x4x2816xi32, #tpu.memory_space<hbm>>
        %dma_start3A_162 = tpu.memref_squeeze %dma_start3A_161 : memref<1x4x2816xi32, #tpu.memory_space<hbm>> -> memref<4x2816xi32, #tpu.memory_space<hbm>>
        %dma_start3A_163 = arith.constant 0 : i32
        %dma_start3A_164 = tpu.memref_slice %arg4[%add3A_119, %mul3A_152, %dma_start3A_163] : memref<12x32x2816xi32, #tpu.memory_space<hbm>> -> memref<1x4x2816xi32, #tpu.memory_space<hbm>>
        %dma_start3A_165 = tpu.memref_squeeze %dma_start3A_164 : memref<1x4x2816xi32, #tpu.memory_space<hbm>> -> memref<4x2816xi32, #tpu.memory_space<hbm>>
        tpu.enqueue_dma source(%dma_start3A_165 : memref<4x2816xi32, #tpu.memory_space<hbm>>) target(%arg6 : memref<4x2816xi32, #tpu.memory_space<vmem>>) target_semaphore(%run_scoped3A_160 : memref<!tpu.dma_semaphore, #tpu.memory_space<semaphore_mem>>)
        %dma_wait3A = arith.constant 0 : i32
        %dma_wait3A_166 = tpu.memref_slice %arg4[%add3A_119, %mul3A_152, %dma_wait3A] : memref<12x32x2816xi32, #tpu.memory_space<hbm>> -> memref<1x4x2816xi32, #tpu.memory_space<hbm>>
        %dma_wait3A_167 = tpu.memref_squeeze %dma_wait3A_166 : memref<1x4x2816xi32, #tpu.memory_space<hbm>> -> memref<4x2816xi32, #tpu.memory_space<hbm>>
        %dma_wait3A_168 = arith.constant 0 : i32
        %dma_wait3A_169 = tpu.memref_slice %arg4[%add3A_119, %mul3A_152, %dma_wait3A_168] : memref<12x32x2816xi32, #tpu.memory_space<hbm>> -> memref<1x4x2816xi32, #tpu.memory_space<hbm>>
        %dma_wait3A_170 = tpu.memref_squeeze %dma_wait3A_169 : memref<1x4x2816xi32, #tpu.memory_space<hbm>> -> memref<4x2816xi32, #tpu.memory_space<hbm>>
        tpu.wait_dma2 semaphore(%run_scoped3A_160 : memref<!tpu.dma_semaphore, #tpu.memory_space<semaphore_mem>>) src(%dma_wait3A_170 : memref<4x2816xi32, #tpu.memory_space<hbm>>) dst(%arg6 : memref<4x2816xi32, #tpu.memory_space<vmem>>)
        tpu.yield
      }) : () -> ()
      %mul3A_153 = arith.constant 4 : i32
      %mul3A_154 = arith.muli %add3A_150, %mul3A_153 : i32
      "tpu.region"() ({
        %run_scoped3A_160 = tpu.sem_alloc : memref<!tpu.dma_semaphore, #tpu.memory_space<semaphore_mem>>
        %dma_start3A = arith.constant 0 : i32
        %dma_start3A_161 = tpu.memref_slice %arg3[%add3A_119, %mul3A_154, %dma_start3A] : memref<12x32x2816xf32, #tpu.memory_space<hbm>> -> memref<1x4x2816xf32, #tpu.memory_space<hbm>>
        %dma_start3A_162 = tpu.memref_squeeze %dma_start3A_161 : memref<1x4x2816xf32, #tpu.memory_space<hbm>> -> memref<4x2816xf32, #tpu.memory_space<hbm>>
        %dma_start3A_163 = arith.constant 0 : i32
        %dma_start3A_164 = tpu.memref_slice %arg3[%add3A_119, %mul3A_154, %dma_start3A_163] : memref<12x32x2816xf32, #tpu.memory_space<hbm>> -> memref<1x4x2816xf32, #tpu.memory_space<hbm>>
        %dma_start3A_165 = tpu.memref_squeeze %dma_start3A_164 : memref<1x4x2816xf32, #tpu.memory_space<hbm>> -> memref<4x2816xf32, #tpu.memory_space<hbm>>
        tpu.enqueue_dma source(%dma_start3A_165 : memref<4x2816xf32, #tpu.memory_space<hbm>>) target(%arg7 : memref<4x2816xf32, #tpu.memory_space<vmem>>) target_semaphore(%run_scoped3A_160 : memref<!tpu.dma_semaphore, #tpu.memory_space<semaphore_mem>>)
        %dma_wait3A = arith.constant 0 : i32
        %dma_wait3A_166 = tpu.memref_slice %arg3[%add3A_119, %mul3A_154, %dma_wait3A] : memref<12x32x2816xf32, #tpu.memory_space<hbm>> -> memref<1x4x2816xf32, #tpu.memory_space<hbm>>
        %dma_wait3A_167 = tpu.memref_squeeze %dma_wait3A_166 : memref<1x4x2816xf32, #tpu.memory_space<hbm>> -> memref<4x2816xf32, #tpu.memory_space<hbm>>
        %dma_wait3A_168 = arith.constant 0 : i32
        %dma_wait3A_169 = tpu.memref_slice %arg3[%add3A_119, %mul3A_154, %dma_wait3A_168] : memref<12x32x2816xf32, #tpu.memory_space<hbm>> -> memref<1x4x2816xf32, #tpu.memory_space<hbm>>
        %dma_wait3A_170 = tpu.memref_squeeze %dma_wait3A_169 : memref<1x4x2816xf32, #tpu.memory_space<hbm>> -> memref<4x2816xf32, #tpu.memory_space<hbm>>
        tpu.wait_dma2 semaphore(%run_scoped3A_160 : memref<!tpu.dma_semaphore, #tpu.memory_space<semaphore_mem>>) src(%dma_wait3A_170 : memref<4x2816xf32, #tpu.memory_space<hbm>>) dst(%arg7 : memref<4x2816xf32, #tpu.memory_space<vmem>>)
        tpu.yield
      }) : () -> ()
      %scan3A_155 = arith.constant 0 : i32
      %scan3A_156 = arith.constant 4 : i32
      %scan3A_157 = arith.addi %scan3A_155, %scan3A_156 : i32
      %scan3A_158 = arith.constant 1 : i32
      scf.for %scan3A_160 = %scan3A_155 to %scan3A_157 step %scan3A_158  : i32 {
        %mul3A_161 = arith.constant 1 : i32
        %mul3A_162 = arith.muli %scan3A_160, %mul3A_161 : i32
        %add3A_163 = arith.constant 0 : i32
        %add3A_164 = arith.addi %add3A_163, %mul3A_162 : i32
        %scan3A_165 = arith.constant 0 : i32
        %scan3A_166 = arith.constant 176 : i32
        %scan3A_167 = arith.addi %scan3A_165, %scan3A_166 : i32
        %scan3A_168 = arith.constant 1 : i32
        scf.for %scan3A_170 = %scan3A_165 to %scan3A_167 step %scan3A_168  : i32 {
          %mul3A_171 = arith.constant 1 : i32
          %mul3A_172 = arith.muli %scan3A_170, %mul3A_171 : i32
          %add3A_173 = arith.constant 0 : i32
          %add3A_174 = arith.addi %add3A_173, %mul3A_172 : i32
          %mul3A_175 = arith.constant 16 : i32
          %mul3A_176 = arith.muli %add3A_174, %mul3A_175 : i32
          %get3A = arith.index_cast %add3A_164 : i32 to index
          %get3A_177 = arith.index_cast %mul3A_176 : i32 to index
          %get3A_178 = tpu.vector_load %arg6[%get3A, %get3A_177] {strides = array<i32>} : memref<4x2816xi32, #tpu.memory_space<vmem>>, vector<16xi32>,
          %reduce_min3A = arith.constant true
          %reduce_min3A_179 = vector.broadcast %reduce_min3A : i1 to vector<16xi1>
          %reduce_min3A_180 = arith.constant -2147483648 : i32
          %reduce_min3A_181 = vector.broadcast %reduce_min3A_180 : i32 to vector<16xi32>
          %reduce_min3A_182 = arith.xori %get3A_178, %reduce_min3A_181 : vector<16xi32>
          %reduce_min3A_183 = tpu.scan <min>, %reduce_min3A_182 masked %reduce_min3A_179 : vector<16xi32>, vector<16xi1> -> vector<16xi32>
          %reduce_min3A_184 = arith.xori %reduce_min3A_183, %reduce_min3A_181 : vector<16xi32>
          %reduce_min3A_185 = vector.extract %reduce_min3A_184[15] : i32 from vector<16xi32>
          %lt3A = arith.constant 16384 : i32
          %lt3A_186 = arith.cmpi slt, %reduce_min3A_185, %lt3A : i32
          %convert_element_type3A = arith.extui %lt3A_186 : i1 to i32
          %cond3A = arith.constant 0 : i32
          %cond3A_187 = arith.cmpi ne, %convert_element_type3A, %cond3A : i32
          scf.if %cond3A_187 {
            %get3A_188 = arith.index_cast %add3A_164 : i32 to index
            %get3A_189 = arith.index_cast %mul3A_176 : i32 to index
            %get3A_190 = tpu.vector_load %arg7[%get3A_188, %get3A_189] {strides = array<i32>} : memref<4x2816xf32, #tpu.memory_space<vmem>>, vector<16xf32>,
            %get3A_191 = arith.constant 0 : i32
            %get3A_192 = arith.index_cast %get3A_191 : i32 to index
            %get3A_193 = arith.index_cast %mul3A_176 : i32 to index
            %get3A_194 = tpu.vector_load %arg8[%get3A_192, %get3A_193] {strides = array<i32>} : memref<4x2816xf32, #tpu.memory_space<vmem>>, vector<16xf32>,
            %mul3A_195 = arith.mulf %get3A_194, %get3A_190 : vector<16xf32>
            %broadcast_in_dim3A = arith.constant 0 : i32
            %broadcast_in_dim3A_196 = vector.broadcast %broadcast_in_dim3A : i32 to vector<16xi32>
            tpu.vector_store_idx %arg9[%broadcast_in_dim3A_196, %get3A_178], %mul3A_195 {add = true} : memref<4x16400xf32, #tpu.memory_space<vmem>>[vector<16xi32>, vector<16xi32>], vector<16xf32>,
            %get3A_197 = arith.constant 1 : i32
            %get3A_198 = arith.index_cast %get3A_197 : i32 to index
            %get3A_199 = arith.index_cast %mul3A_176 : i32 to index
            %get3A_200 = tpu.vector_load %arg8[%get3A_198, %get3A_199] {strides = array<i32>} : memref<4x2816xf32, #tpu.memory_space<vmem>>, vector<16xf32>,
            %mul3A_201 = arith.mulf %get3A_200, %get3A_190 : vector<16xf32>
            %broadcast_in_dim3A_202 = arith.constant 1 : i32
            %broadcast_in_dim3A_203 = vector.broadcast %broadcast_in_dim3A_202 : i32 to vector<16xi32>
            tpu.vector_store_idx %arg9[%broadcast_in_dim3A_203, %get3A_178], %mul3A_201 {add = true} : memref<4x16400xf32, #tpu.memory_space<vmem>>[vector<16xi32>, vector<16xi32>], vector<16xf32>,
            %get3A_204 = arith.constant 2 : i32
            %get3A_205 = arith.index_cast %get3A_204 : i32 to index
            %get3A_206 = arith.index_cast %mul3A_176 : i32 to index
            %get3A_207 = tpu.vector_load %arg8[%get3A_205, %get3A_206] {strides = array<i32>} : memref<4x2816xf32, #tpu.memory_space<vmem>>, vector<16xf32>,
            %mul3A_208 = arith.mulf %get3A_207, %get3A_190 : vector<16xf32>
            %broadcast_in_dim3A_209 = arith.constant 2 : i32
            %broadcast_in_dim3A_210 = vector.broadcast %broadcast_in_dim3A_209 : i32 to vector<16xi32>
            tpu.vector_store_idx %arg9[%broadcast_in_dim3A_210, %get3A_178], %mul3A_208 {add = true} : memref<4x16400xf32, #tpu.memory_space<vmem>>[vector<16xi32>, vector<16xi32>], vector<16xf32>,
            %get3A_211 = arith.constant 3 : i32
            %get3A_212 = arith.index_cast %get3A_211 : i32 to index
            %get3A_213 = arith.index_cast %mul3A_176 : i32 to index
            %get3A_214 = tpu.vector_load %arg8[%get3A_212, %get3A_213] {strides = array<i32>} : memref<4x2816xf32, #tpu.memory_space<vmem>>, vector<16xf32>,
            %mul3A_215 = arith.mulf %get3A_214, %get3A_190 : vector<16xf32>
            %broadcast_in_dim3A_216 = arith.constant 3 : i32
            %broadcast_in_dim3A_217 = vector.broadcast %broadcast_in_dim3A_216 : i32 to vector<16xi32>
            tpu.vector_store_idx %arg9[%broadcast_in_dim3A_217, %get3A_178], %mul3A_215 {add = true} : memref<4x16400xf32, #tpu.memory_space<vmem>>[vector<16xi32>, vector<16xi32>], vector<16xf32>,
          } else {
          }
        }
        %scan3A_169 = arith.constant 176 : i32
      }
      %scan3A_159 = arith.constant 4 : i32
    }
    %scan3A_124 = arith.constant 8 : i32
    %mul3A_125 = arith.constant 6 : i32
    %mul3A_126 = arith.muli %arg0, %mul3A_125 : i32
    %add3A_127 = arith.constant 5 : i32
    %add3A_128 = arith.addi %mul3A_126, %add3A_127 : i32
    "tpu.region"() ({
      %run_scoped3A_146 = tpu.sem_alloc : memref<!tpu.dma_semaphore, #tpu.memory_space<semaphore_mem>>
      %dma_start3A = arith.constant 0 : i32
      %dma_start3A_147 = tpu.memref_slice %arg2[%add3A_128, %add3A_74, %dma_start3A] : memref<12x128x2816xf32, #tpu.memory_space<hbm>> -> memref<1x4x2816xf32, #tpu.memory_space<hbm>>
      %dma_start3A_148 = tpu.memref_squeeze %dma_start3A_147 : memref<1x4x2816xf32, #tpu.memory_space<hbm>> -> memref<4x2816xf32, #tpu.memory_space<hbm>>
      %dma_start3A_149 = arith.constant 0 : i32
      %dma_start3A_150 = tpu.memref_slice %arg2[%add3A_128, %add3A_74, %dma_start3A_149] : memref<12x128x2816xf32, #tpu.memory_space<hbm>> -> memref<1x4x2816xf32, #tpu.memory_space<hbm>>
      %dma_start3A_151 = tpu.memref_squeeze %dma_start3A_150 : memref<1x4x2816xf32, #tpu.memory_space<hbm>> -> memref<4x2816xf32, #tpu.memory_space<hbm>>
      tpu.enqueue_dma source(%dma_start3A_151 : memref<4x2816xf32, #tpu.memory_space<hbm>>) target(%arg8 : memref<4x2816xf32, #tpu.memory_space<vmem>>) target_semaphore(%run_scoped3A_146 : memref<!tpu.dma_semaphore, #tpu.memory_space<semaphore_mem>>)
      %dma_wait3A = arith.constant 0 : i32
      %dma_wait3A_152 = tpu.memref_slice %arg2[%add3A_128, %add3A_74, %dma_wait3A] : memref<12x128x2816xf32, #tpu.memory_space<hbm>> -> memref<1x4x2816xf32, #tpu.memory_space<hbm>>
      %dma_wait3A_153 = tpu.memref_squeeze %dma_wait3A_152 : memref<1x4x2816xf32, #tpu.memory_space<hbm>> -> memref<4x2816xf32, #tpu.memory_space<hbm>>
      %dma_wait3A_154 = arith.constant 0 : i32
      %dma_wait3A_155 = tpu.memref_slice %arg2[%add3A_128, %add3A_74, %dma_wait3A_154] : memref<12x128x2816xf32, #tpu.memory_space<hbm>> -> memref<1x4x2816xf32, #tpu.memory_space<hbm>>
      %dma_wait3A_156 = tpu.memref_squeeze %dma_wait3A_155 : memref<1x4x2816xf32, #tpu.memory_space<hbm>> -> memref<4x2816xf32, #tpu.memory_space<hbm>>
      tpu.wait_dma2 semaphore(%run_scoped3A_146 : memref<!tpu.dma_semaphore, #tpu.memory_space<semaphore_mem>>) src(%dma_wait3A_156 : memref<4x2816xf32, #tpu.memory_space<hbm>>) dst(%arg8 : memref<4x2816xf32, #tpu.memory_space<vmem>>)
      tpu.yield
    }) : () -> ()
    %scan3A_129 = arith.constant 0 : i32
    %scan3A_130 = arith.constant 8 : i32
    %scan3A_131 = arith.addi %scan3A_129, %scan3A_130 : i32
    %scan3A_132 = arith.constant 1 : i32
    scf.for %scan3A_146 = %scan3A_129 to %scan3A_131 step %scan3A_132  : i32 {
      %mul3A_147 = arith.constant 1 : i32
      %mul3A_148 = arith.muli %scan3A_146, %mul3A_147 : i32
      %add3A_149 = arith.constant 0 : i32
      %add3A_150 = arith.addi %add3A_149, %mul3A_148 : i32
      %mul3A_151 = arith.constant 4 : i32
      %mul3A_152 = arith.muli %add3A_150, %mul3A_151 : i32
      "tpu.region"() ({
        %run_scoped3A_160 = tpu.sem_alloc : memref<!tpu.dma_semaphore, #tpu.memory_space<semaphore_mem>>
        %dma_start3A = arith.constant 0 : i32
        %dma_start3A_161 = tpu.memref_slice %arg4[%add3A_128, %mul3A_152, %dma_start3A] : memref<12x32x2816xi32, #tpu.memory_space<hbm>> -> memref<1x4x2816xi32, #tpu.memory_space<hbm>>
        %dma_start3A_162 = tpu.memref_squeeze %dma_start3A_161 : memref<1x4x2816xi32, #tpu.memory_space<hbm>> -> memref<4x2816xi32, #tpu.memory_space<hbm>>
        %dma_start3A_163 = arith.constant 0 : i32
        %dma_start3A_164 = tpu.memref_slice %arg4[%add3A_128, %mul3A_152, %dma_start3A_163] : memref<12x32x2816xi32, #tpu.memory_space<hbm>> -> memref<1x4x2816xi32, #tpu.memory_space<hbm>>
        %dma_start3A_165 = tpu.memref_squeeze %dma_start3A_164 : memref<1x4x2816xi32, #tpu.memory_space<hbm>> -> memref<4x2816xi32, #tpu.memory_space<hbm>>
        tpu.enqueue_dma source(%dma_start3A_165 : memref<4x2816xi32, #tpu.memory_space<hbm>>) target(%arg6 : memref<4x2816xi32, #tpu.memory_space<vmem>>) target_semaphore(%run_scoped3A_160 : memref<!tpu.dma_semaphore, #tpu.memory_space<semaphore_mem>>)
        %dma_wait3A = arith.constant 0 : i32
        %dma_wait3A_166 = tpu.memref_slice %arg4[%add3A_128, %mul3A_152, %dma_wait3A] : memref<12x32x2816xi32, #tpu.memory_space<hbm>> -> memref<1x4x2816xi32, #tpu.memory_space<hbm>>
        %dma_wait3A_167 = tpu.memref_squeeze %dma_wait3A_166 : memref<1x4x2816xi32, #tpu.memory_space<hbm>> -> memref<4x2816xi32, #tpu.memory_space<hbm>>
        %dma_wait3A_168 = arith.constant 0 : i32
        %dma_wait3A_169 = tpu.memref_slice %arg4[%add3A_128, %mul3A_152, %dma_wait3A_168] : memref<12x32x2816xi32, #tpu.memory_space<hbm>> -> memref<1x4x2816xi32, #tpu.memory_space<hbm>>
        %dma_wait3A_170 = tpu.memref_squeeze %dma_wait3A_169 : memref<1x4x2816xi32, #tpu.memory_space<hbm>> -> memref<4x2816xi32, #tpu.memory_space<hbm>>
        tpu.wait_dma2 semaphore(%run_scoped3A_160 : memref<!tpu.dma_semaphore, #tpu.memory_space<semaphore_mem>>) src(%dma_wait3A_170 : memref<4x2816xi32, #tpu.memory_space<hbm>>) dst(%arg6 : memref<4x2816xi32, #tpu.memory_space<vmem>>)
        tpu.yield
      }) : () -> ()
      %mul3A_153 = arith.constant 4 : i32
      %mul3A_154 = arith.muli %add3A_150, %mul3A_153 : i32
      "tpu.region"() ({
        %run_scoped3A_160 = tpu.sem_alloc : memref<!tpu.dma_semaphore, #tpu.memory_space<semaphore_mem>>
        %dma_start3A = arith.constant 0 : i32
        %dma_start3A_161 = tpu.memref_slice %arg3[%add3A_128, %mul3A_154, %dma_start3A] : memref<12x32x2816xf32, #tpu.memory_space<hbm>> -> memref<1x4x2816xf32, #tpu.memory_space<hbm>>
        %dma_start3A_162 = tpu.memref_squeeze %dma_start3A_161 : memref<1x4x2816xf32, #tpu.memory_space<hbm>> -> memref<4x2816xf32, #tpu.memory_space<hbm>>
        %dma_start3A_163 = arith.constant 0 : i32
        %dma_start3A_164 = tpu.memref_slice %arg3[%add3A_128, %mul3A_154, %dma_start3A_163] : memref<12x32x2816xf32, #tpu.memory_space<hbm>> -> memref<1x4x2816xf32, #tpu.memory_space<hbm>>
        %dma_start3A_165 = tpu.memref_squeeze %dma_start3A_164 : memref<1x4x2816xf32, #tpu.memory_space<hbm>> -> memref<4x2816xf32, #tpu.memory_space<hbm>>
        tpu.enqueue_dma source(%dma_start3A_165 : memref<4x2816xf32, #tpu.memory_space<hbm>>) target(%arg7 : memref<4x2816xf32, #tpu.memory_space<vmem>>) target_semaphore(%run_scoped3A_160 : memref<!tpu.dma_semaphore, #tpu.memory_space<semaphore_mem>>)
        %dma_wait3A = arith.constant 0 : i32
        %dma_wait3A_166 = tpu.memref_slice %arg3[%add3A_128, %mul3A_154, %dma_wait3A] : memref<12x32x2816xf32, #tpu.memory_space<hbm>> -> memref<1x4x2816xf32, #tpu.memory_space<hbm>>
        %dma_wait3A_167 = tpu.memref_squeeze %dma_wait3A_166 : memref<1x4x2816xf32, #tpu.memory_space<hbm>> -> memref<4x2816xf32, #tpu.memory_space<hbm>>
        %dma_wait3A_168 = arith.constant 0 : i32
        %dma_wait3A_169 = tpu.memref_slice %arg3[%add3A_128, %mul3A_154, %dma_wait3A_168] : memref<12x32x2816xf32, #tpu.memory_space<hbm>> -> memref<1x4x2816xf32, #tpu.memory_space<hbm>>
        %dma_wait3A_170 = tpu.memref_squeeze %dma_wait3A_169 : memref<1x4x2816xf32, #tpu.memory_space<hbm>> -> memref<4x2816xf32, #tpu.memory_space<hbm>>
        tpu.wait_dma2 semaphore(%run_scoped3A_160 : memref<!tpu.dma_semaphore, #tpu.memory_space<semaphore_mem>>) src(%dma_wait3A_170 : memref<4x2816xf32, #tpu.memory_space<hbm>>) dst(%arg7 : memref<4x2816xf32, #tpu.memory_space<vmem>>)
        tpu.yield
      }) : () -> ()
      %scan3A_155 = arith.constant 0 : i32
      %scan3A_156 = arith.constant 4 : i32
      %scan3A_157 = arith.addi %scan3A_155, %scan3A_156 : i32
      %scan3A_158 = arith.constant 1 : i32
      scf.for %scan3A_160 = %scan3A_155 to %scan3A_157 step %scan3A_158  : i32 {
        %mul3A_161 = arith.constant 1 : i32
        %mul3A_162 = arith.muli %scan3A_160, %mul3A_161 : i32
        %add3A_163 = arith.constant 0 : i32
        %add3A_164 = arith.addi %add3A_163, %mul3A_162 : i32
        %scan3A_165 = arith.constant 0 : i32
        %scan3A_166 = arith.constant 176 : i32
        %scan3A_167 = arith.addi %scan3A_165, %scan3A_166 : i32
        %scan3A_168 = arith.constant 1 : i32
        scf.for %scan3A_170 = %scan3A_165 to %scan3A_167 step %scan3A_168  : i32 {
          %mul3A_171 = arith.constant 1 : i32
          %mul3A_172 = arith.muli %scan3A_170, %mul3A_171 : i32
          %add3A_173 = arith.constant 0 : i32
          %add3A_174 = arith.addi %add3A_173, %mul3A_172 : i32
          %mul3A_175 = arith.constant 16 : i32
          %mul3A_176 = arith.muli %add3A_174, %mul3A_175 : i32
          %get3A = arith.index_cast %add3A_164 : i32 to index
          %get3A_177 = arith.index_cast %mul3A_176 : i32 to index
          %get3A_178 = tpu.vector_load %arg6[%get3A, %get3A_177] {strides = array<i32>} : memref<4x2816xi32, #tpu.memory_space<vmem>>, vector<16xi32>,
          %reduce_min3A = arith.constant true
          %reduce_min3A_179 = vector.broadcast %reduce_min3A : i1 to vector<16xi1>
          %reduce_min3A_180 = arith.constant -2147483648 : i32
          %reduce_min3A_181 = vector.broadcast %reduce_min3A_180 : i32 to vector<16xi32>
          %reduce_min3A_182 = arith.xori %get3A_178, %reduce_min3A_181 : vector<16xi32>
          %reduce_min3A_183 = tpu.scan <min>, %reduce_min3A_182 masked %reduce_min3A_179 : vector<16xi32>, vector<16xi1> -> vector<16xi32>
          %reduce_min3A_184 = arith.xori %reduce_min3A_183, %reduce_min3A_181 : vector<16xi32>
          %reduce_min3A_185 = vector.extract %reduce_min3A_184[15] : i32 from vector<16xi32>
          %lt3A = arith.constant 16384 : i32
          %lt3A_186 = arith.cmpi slt, %reduce_min3A_185, %lt3A : i32
          %convert_element_type3A = arith.extui %lt3A_186 : i1 to i32
          %cond3A = arith.constant 0 : i32
          %cond3A_187 = arith.cmpi ne, %convert_element_type3A, %cond3A : i32
          scf.if %cond3A_187 {
            %get3A_188 = arith.index_cast %add3A_164 : i32 to index
            %get3A_189 = arith.index_cast %mul3A_176 : i32 to index
            %get3A_190 = tpu.vector_load %arg7[%get3A_188, %get3A_189] {strides = array<i32>} : memref<4x2816xf32, #tpu.memory_space<vmem>>, vector<16xf32>,
            %get3A_191 = arith.constant 0 : i32
            %get3A_192 = arith.index_cast %get3A_191 : i32 to index
            %get3A_193 = arith.index_cast %mul3A_176 : i32 to index
            %get3A_194 = tpu.vector_load %arg8[%get3A_192, %get3A_193] {strides = array<i32>} : memref<4x2816xf32, #tpu.memory_space<vmem>>, vector<16xf32>,
            %mul3A_195 = arith.mulf %get3A_194, %get3A_190 : vector<16xf32>
            %broadcast_in_dim3A = arith.constant 0 : i32
            %broadcast_in_dim3A_196 = vector.broadcast %broadcast_in_dim3A : i32 to vector<16xi32>
            tpu.vector_store_idx %arg9[%broadcast_in_dim3A_196, %get3A_178], %mul3A_195 {add = true} : memref<4x16400xf32, #tpu.memory_space<vmem>>[vector<16xi32>, vector<16xi32>], vector<16xf32>,
            %get3A_197 = arith.constant 1 : i32
            %get3A_198 = arith.index_cast %get3A_197 : i32 to index
            %get3A_199 = arith.index_cast %mul3A_176 : i32 to index
            %get3A_200 = tpu.vector_load %arg8[%get3A_198, %get3A_199] {strides = array<i32>} : memref<4x2816xf32, #tpu.memory_space<vmem>>, vector<16xf32>,
            %mul3A_201 = arith.mulf %get3A_200, %get3A_190 : vector<16xf32>
            %broadcast_in_dim3A_202 = arith.constant 1 : i32
            %broadcast_in_dim3A_203 = vector.broadcast %broadcast_in_dim3A_202 : i32 to vector<16xi32>
            tpu.vector_store_idx %arg9[%broadcast_in_dim3A_203, %get3A_178], %mul3A_201 {add = true} : memref<4x16400xf32, #tpu.memory_space<vmem>>[vector<16xi32>, vector<16xi32>], vector<16xf32>,
            %get3A_204 = arith.constant 2 : i32
            %get3A_205 = arith.index_cast %get3A_204 : i32 to index
            %get3A_206 = arith.index_cast %mul3A_176 : i32 to index
            %get3A_207 = tpu.vector_load %arg8[%get3A_205, %get3A_206] {strides = array<i32>} : memref<4x2816xf32, #tpu.memory_space<vmem>>, vector<16xf32>,
            %mul3A_208 = arith.mulf %get3A_207, %get3A_190 : vector<16xf32>
            %broadcast_in_dim3A_209 = arith.constant 2 : i32
            %broadcast_in_dim3A_210 = vector.broadcast %broadcast_in_dim3A_209 : i32 to vector<16xi32>
            tpu.vector_store_idx %arg9[%broadcast_in_dim3A_210, %get3A_178], %mul3A_208 {add = true} : memref<4x16400xf32, #tpu.memory_space<vmem>>[vector<16xi32>, vector<16xi32>], vector<16xf32>,
            %get3A_211 = arith.constant 3 : i32
            %get3A_212 = arith.index_cast %get3A_211 : i32 to index
            %get3A_213 = arith.index_cast %mul3A_176 : i32 to index
            %get3A_214 = tpu.vector_load %arg8[%get3A_212, %get3A_213] {strides = array<i32>} : memref<4x2816xf32, #tpu.memory_space<vmem>>, vector<16xf32>,
            %mul3A_215 = arith.mulf %get3A_214, %get3A_190 : vector<16xf32>
            %broadcast_in_dim3A_216 = arith.constant 3 : i32
            %broadcast_in_dim3A_217 = vector.broadcast %broadcast_in_dim3A_216 : i32 to vector<16xi32>
            tpu.vector_store_idx %arg9[%broadcast_in_dim3A_217, %get3A_178], %mul3A_215 {add = true} : memref<4x16400xf32, #tpu.memory_space<vmem>>[vector<16xi32>, vector<16xi32>], vector<16xf32>,
          } else {
          }
        }
        %scan3A_169 = arith.constant 176 : i32
      }
      %scan3A_159 = arith.constant 4 : i32
    }
    %scan3A_133 = arith.constant 8 : i32
    %add3A_134 = arith.constant 0 : i32
    %add3A_135 = arith.addi %add3A_74, %add3A_134 : i32
    %run_scoped3A_136 = arith.constant 0 : i32
    "tpu.region"() ({
      %run_scoped3A_146 = tpu.sem_alloc : memref<!tpu.dma_semaphore, #tpu.memory_space<semaphore_mem>>
      %dma_start3A = arith.constant 0 : i32
      %dma_start3A_147 = tpu.memref_slice %arg9[%run_scoped3A_136, %dma_start3A] : memref<4x16400xf32, #tpu.memory_space<vmem>> -> memref<1x16384xf32, #tpu.memory_space<vmem>>
      %dma_start3A_148 = tpu.memref_squeeze %dma_start3A_147 : memref<1x16384xf32, #tpu.memory_space<vmem>> -> memref<16384xf32, #tpu.memory_space<vmem>>
      %dma_start3A_149 = arith.constant 0 : i32
      %dma_start3A_150 = tpu.memref_slice %arg5[%arg0, %add3A_135, %dma_start3A_149] : memref<2x128x16384xf32, #tpu.memory_space<hbm>> -> memref<1x1x16384xf32, #tpu.memory_space<hbm>>
      %dma_start3A_151 = tpu.memref_squeeze %dma_start3A_150 : memref<1x1x16384xf32, #tpu.memory_space<hbm>> -> memref<16384xf32, #tpu.memory_space<hbm>>
      %dma_start3A_152 = arith.constant 0 : i32
      %dma_start3A_153 = tpu.memref_slice %arg5[%arg0, %add3A_135, %dma_start3A_152] : memref<2x128x16384xf32, #tpu.memory_space<hbm>> -> memref<1x1x16384xf32, #tpu.memory_space<hbm>>
      %dma_start3A_154 = tpu.memref_squeeze %dma_start3A_153 : memref<1x1x16384xf32, #tpu.memory_space<hbm>> -> memref<16384xf32, #tpu.memory_space<hbm>>
      %dma_start3A_155 = arith.constant 0 : i32
      %dma_start3A_156 = tpu.memref_slice %arg9[%run_scoped3A_136, %dma_start3A_155] : memref<4x16400xf32, #tpu.memory_space<vmem>> -> memref<1x16384xf32, #tpu.memory_space<vmem>>
      %dma_start3A_157 = tpu.memref_squeeze %dma_start3A_156 : memref<1x16384xf32, #tpu.memory_space<vmem>> -> memref<16384xf32, #tpu.memory_space<vmem>>
      tpu.enqueue_dma source(%dma_start3A_157 : memref<16384xf32, #tpu.memory_space<vmem>>) target(%dma_start3A_154 : memref<16384xf32, #tpu.memory_space<hbm>>) target_semaphore(%run_scoped3A_146 : memref<!tpu.dma_semaphore, #tpu.memory_space<semaphore_mem>>)
      %dma_wait3A = arith.constant 0 : i32
      %dma_wait3A_158 = tpu.memref_slice %arg9[%run_scoped3A_136, %dma_wait3A] : memref<4x16400xf32, #tpu.memory_space<vmem>> -> memref<1x16384xf32, #tpu.memory_space<vmem>>
      %dma_wait3A_159 = tpu.memref_squeeze %dma_wait3A_158 : memref<1x16384xf32, #tpu.memory_space<vmem>> -> memref<16384xf32, #tpu.memory_space<vmem>>
      %dma_wait3A_160 = arith.constant 0 : i32
      %dma_wait3A_161 = tpu.memref_slice %arg5[%arg0, %add3A_135, %dma_wait3A_160] : memref<2x128x16384xf32, #tpu.memory_space<hbm>> -> memref<1x1x16384xf32, #tpu.memory_space<hbm>>
      %dma_wait3A_162 = tpu.memref_squeeze %dma_wait3A_161 : memref<1x1x16384xf32, #tpu.memory_space<hbm>> -> memref<16384xf32, #tpu.memory_space<hbm>>
      %dma_wait3A_163 = arith.constant 0 : i32
      %dma_wait3A_164 = tpu.memref_slice %arg5[%arg0, %add3A_135, %dma_wait3A_163] : memref<2x128x16384xf32, #tpu.memory_space<hbm>> -> memref<1x1x16384xf32, #tpu.memory_space<hbm>>
      %dma_wait3A_165 = tpu.memref_squeeze %dma_wait3A_164 : memref<1x1x16384xf32, #tpu.memory_space<hbm>> -> memref<16384xf32, #tpu.memory_space<hbm>>
      %dma_wait3A_166 = arith.constant 0 : i32
      %dma_wait3A_167 = tpu.memref_slice %arg9[%run_scoped3A_136, %dma_wait3A_166] : memref<4x16400xf32, #tpu.memory_space<vmem>> -> memref<1x16384xf32, #tpu.memory_space<vmem>>
      %dma_wait3A_168 = tpu.memref_squeeze %dma_wait3A_167 : memref<1x16384xf32, #tpu.memory_space<vmem>> -> memref<16384xf32, #tpu.memory_space<vmem>>
      tpu.wait_dma2 semaphore(%run_scoped3A_146 : memref<!tpu.dma_semaphore, #tpu.memory_space<semaphore_mem>>) src(%dma_wait3A_168 : memref<16384xf32, #tpu.memory_space<vmem>>) dst(%dma_wait3A_165 : memref<16384xf32, #tpu.memory_space<hbm>>)
      tpu.yield
    }) : () -> ()
    %add3A_137 = arith.constant 1 : i32
    %add3A_138 = arith.addi %add3A_74, %add3A_137 : i32
    %run_scoped3A_139 = arith.constant 1 : i32
    "tpu.region"() ({
      %run_scoped3A_146 = tpu.sem_alloc : memref<!tpu.dma_semaphore, #tpu.memory_space<semaphore_mem>>
      %dma_start3A = arith.constant 0 : i32
      %dma_start3A_147 = tpu.memref_slice %arg9[%run_scoped3A_139, %dma_start3A] : memref<4x16400xf32, #tpu.memory_space<vmem>> -> memref<1x16384xf32, #tpu.memory_space<vmem>>
      %dma_start3A_148 = tpu.memref_squeeze %dma_start3A_147 : memref<1x16384xf32, #tpu.memory_space<vmem>> -> memref<16384xf32, #tpu.memory_space<vmem>>
      %dma_start3A_149 = arith.constant 0 : i32
      %dma_start3A_150 = tpu.memref_slice %arg5[%arg0, %add3A_138, %dma_start3A_149] : memref<2x128x16384xf32, #tpu.memory_space<hbm>> -> memref<1x1x16384xf32, #tpu.memory_space<hbm>>
      %dma_start3A_151 = tpu.memref_squeeze %dma_start3A_150 : memref<1x1x16384xf32, #tpu.memory_space<hbm>> -> memref<16384xf32, #tpu.memory_space<hbm>>
      %dma_start3A_152 = arith.constant 0 : i32
      %dma_start3A_153 = tpu.memref_slice %arg5[%arg0, %add3A_138, %dma_start3A_152] : memref<2x128x16384xf32, #tpu.memory_space<hbm>> -> memref<1x1x16384xf32, #tpu.memory_space<hbm>>
      %dma_start3A_154 = tpu.memref_squeeze %dma_start3A_153 : memref<1x1x16384xf32, #tpu.memory_space<hbm>> -> memref<16384xf32, #tpu.memory_space<hbm>>
      %dma_start3A_155 = arith.constant 0 : i32
      %dma_start3A_156 = tpu.memref_slice %arg9[%run_scoped3A_139, %dma_start3A_155] : memref<4x16400xf32, #tpu.memory_space<vmem>> -> memref<1x16384xf32, #tpu.memory_space<vmem>>
      %dma_start3A_157 = tpu.memref_squeeze %dma_start3A_156 : memref<1x16384xf32, #tpu.memory_space<vmem>> -> memref<16384xf32, #tpu.memory_space<vmem>>
      tpu.enqueue_dma source(%dma_start3A_157 : memref<16384xf32, #tpu.memory_space<vmem>>) target(%dma_start3A_154 : memref<16384xf32, #tpu.memory_space<hbm>>) target_semaphore(%run_scoped3A_146 : memref<!tpu.dma_semaphore, #tpu.memory_space<semaphore_mem>>)
      %dma_wait3A = arith.constant 0 : i32
      %dma_wait3A_158 = tpu.memref_slice %arg9[%run_scoped3A_139, %dma_wait3A] : memref<4x16400xf32, #tpu.memory_space<vmem>> -> memref<1x16384xf32, #tpu.memory_space<vmem>>
      %dma_wait3A_159 = tpu.memref_squeeze %dma_wait3A_158 : memref<1x16384xf32, #tpu.memory_space<vmem>> -> memref<16384xf32, #tpu.memory_space<vmem>>
      %dma_wait3A_160 = arith.constant 0 : i32
      %dma_wait3A_161 = tpu.memref_slice %arg5[%arg0, %add3A_138, %dma_wait3A_160] : memref<2x128x16384xf32, #tpu.memory_space<hbm>> -> memref<1x1x16384xf32, #tpu.memory_space<hbm>>
      %dma_wait3A_162 = tpu.memref_squeeze %dma_wait3A_161 : memref<1x1x16384xf32, #tpu.memory_space<hbm>> -> memref<16384xf32, #tpu.memory_space<hbm>>
      %dma_wait3A_163 = arith.constant 0 : i32
      %dma_wait3A_164 = tpu.memref_slice %arg5[%arg0, %add3A_138, %dma_wait3A_163] : memref<2x128x16384xf32, #tpu.memory_space<hbm>> -> memref<1x1x16384xf32, #tpu.memory_space<hbm>>
      %dma_wait3A_165 = tpu.memref_squeeze %dma_wait3A_164 : memref<1x1x16384xf32, #tpu.memory_space<hbm>> -> memref<16384xf32, #tpu.memory_space<hbm>>
      %dma_wait3A_166 = arith.constant 0 : i32
      %dma_wait3A_167 = tpu.memref_slice %arg9[%run_scoped3A_139, %dma_wait3A_166] : memref<4x16400xf32, #tpu.memory_space<vmem>> -> memref<1x16384xf32, #tpu.memory_space<vmem>>
      %dma_wait3A_168 = tpu.memref_squeeze %dma_wait3A_167 : memref<1x16384xf32, #tpu.memory_space<vmem>> -> memref<16384xf32, #tpu.memory_space<vmem>>
      tpu.wait_dma2 semaphore(%run_scoped3A_146 : memref<!tpu.dma_semaphore, #tpu.memory_space<semaphore_mem>>) src(%dma_wait3A_168 : memref<16384xf32, #tpu.memory_space<vmem>>) dst(%dma_wait3A_165 : memref<16384xf32, #tpu.memory_space<hbm>>)
      tpu.yield
    }) : () -> ()
    %add3A_140 = arith.constant 2 : i32
    %add3A_141 = arith.addi %add3A_74, %add3A_140 : i32
    %run_scoped3A_142 = arith.constant 2 : i32
    "tpu.region"() ({
      %run_scoped3A_146 = tpu.sem_alloc : memref<!tpu.dma_semaphore, #tpu.memory_space<semaphore_mem>>
      %dma_start3A = arith.constant 0 : i32
      %dma_start3A_147 = tpu.memref_slice %arg9[%run_scoped3A_142, %dma_start3A] : memref<4x16400xf32, #tpu.memory_space<vmem>> -> memref<1x16384xf32, #tpu.memory_space<vmem>>
      %dma_start3A_148 = tpu.memref_squeeze %dma_start3A_147 : memref<1x16384xf32, #tpu.memory_space<vmem>> -> memref<16384xf32, #tpu.memory_space<vmem>>
      %dma_start3A_149 = arith.constant 0 : i32
      %dma_start3A_150 = tpu.memref_slice %arg5[%arg0, %add3A_141, %dma_start3A_149] : memref<2x128x16384xf32, #tpu.memory_space<hbm>> -> memref<1x1x16384xf32, #tpu.memory_space<hbm>>
      %dma_start3A_151 = tpu.memref_squeeze %dma_start3A_150 : memref<1x1x16384xf32, #tpu.memory_space<hbm>> -> memref<16384xf32, #tpu.memory_space<hbm>>
      %dma_start3A_152 = arith.constant 0 : i32
      %dma_start3A_153 = tpu.memref_slice %arg5[%arg0, %add3A_141, %dma_start3A_152] : memref<2x128x16384xf32, #tpu.memory_space<hbm>> -> memref<1x1x16384xf32, #tpu.memory_space<hbm>>
      %dma_start3A_154 = tpu.memref_squeeze %dma_start3A_153 : memref<1x1x16384xf32, #tpu.memory_space<hbm>> -> memref<16384xf32, #tpu.memory_space<hbm>>
      %dma_start3A_155 = arith.constant 0 : i32
      %dma_start3A_156 = tpu.memref_slice %arg9[%run_scoped3A_142, %dma_start3A_155] : memref<4x16400xf32, #tpu.memory_space<vmem>> -> memref<1x16384xf32, #tpu.memory_space<vmem>>
      %dma_start3A_157 = tpu.memref_squeeze %dma_start3A_156 : memref<1x16384xf32, #tpu.memory_space<vmem>> -> memref<16384xf32, #tpu.memory_space<vmem>>
      tpu.enqueue_dma source(%dma_start3A_157 : memref<16384xf32, #tpu.memory_space<vmem>>) target(%dma_start3A_154 : memref<16384xf32, #tpu.memory_space<hbm>>) target_semaphore(%run_scoped3A_146 : memref<!tpu.dma_semaphore, #tpu.memory_space<semaphore_mem>>)
      %dma_wait3A = arith.constant 0 : i32
      %dma_wait3A_158 = tpu.memref_slice %arg9[%run_scoped3A_142, %dma_wait3A] : memref<4x16400xf32, #tpu.memory_space<vmem>> -> memref<1x16384xf32, #tpu.memory_space<vmem>>
      %dma_wait3A_159 = tpu.memref_squeeze %dma_wait3A_158 : memref<1x16384xf32, #tpu.memory_space<vmem>> -> memref<16384xf32, #tpu.memory_space<vmem>>
      %dma_wait3A_160 = arith.constant 0 : i32
      %dma_wait3A_161 = tpu.memref_slice %arg5[%arg0, %add3A_141, %dma_wait3A_160] : memref<2x128x16384xf32, #tpu.memory_space<hbm>> -> memref<1x1x16384xf32, #tpu.memory_space<hbm>>
      %dma_wait3A_162 = tpu.memref_squeeze %dma_wait3A_161 : memref<1x1x16384xf32, #tpu.memory_space<hbm>> -> memref<16384xf32, #tpu.memory_space<hbm>>
      %dma_wait3A_163 = arith.constant 0 : i32
      %dma_wait3A_164 = tpu.memref_slice %arg5[%arg0, %add3A_141, %dma_wait3A_163] : memref<2x128x16384xf32, #tpu.memory_space<hbm>> -> memref<1x1x16384xf32, #tpu.memory_space<hbm>>
      %dma_wait3A_165 = tpu.memref_squeeze %dma_wait3A_164 : memref<1x1x16384xf32, #tpu.memory_space<hbm>> -> memref<16384xf32, #tpu.memory_space<hbm>>
      %dma_wait3A_166 = arith.constant 0 : i32
      %dma_wait3A_167 = tpu.memref_slice %arg9[%run_scoped3A_142, %dma_wait3A_166] : memref<4x16400xf32, #tpu.memory_space<vmem>> -> memref<1x16384xf32, #tpu.memory_space<vmem>>
      %dma_wait3A_168 = tpu.memref_squeeze %dma_wait3A_167 : memref<1x16384xf32, #tpu.memory_space<vmem>> -> memref<16384xf32, #tpu.memory_space<vmem>>
      tpu.wait_dma2 semaphore(%run_scoped3A_146 : memref<!tpu.dma_semaphore, #tpu.memory_space<semaphore_mem>>) src(%dma_wait3A_168 : memref<16384xf32, #tpu.memory_space<vmem>>) dst(%dma_wait3A_165 : memref<16384xf32, #tpu.memory_space<hbm>>)
      tpu.yield
    }) : () -> ()
    %add3A_143 = arith.constant 3 : i32
    %add3A_144 = arith.addi %add3A_74, %add3A_143 : i32
    %run_scoped3A_145 = arith.constant 3 : i32
    "tpu.region"() ({
      %run_scoped3A_146 = tpu.sem_alloc : memref<!tpu.dma_semaphore, #tpu.memory_space<semaphore_mem>>
      %dma_start3A = arith.constant 0 : i32
      %dma_start3A_147 = tpu.memref_slice %arg9[%run_scoped3A_145, %dma_start3A] : memref<4x16400xf32, #tpu.memory_space<vmem>> -> memref<1x16384xf32, #tpu.memory_space<vmem>>
      %dma_start3A_148 = tpu.memref_squeeze %dma_start3A_147 : memref<1x16384xf32, #tpu.memory_space<vmem>> -> memref<16384xf32, #tpu.memory_space<vmem>>
      %dma_start3A_149 = arith.constant 0 : i32
      %dma_start3A_150 = tpu.memref_slice %arg5[%arg0, %add3A_144, %dma_start3A_149] : memref<2x128x16384xf32, #tpu.memory_space<hbm>> -> memref<1x1x16384xf32, #tpu.memory_space<hbm>>
      %dma_start3A_151 = tpu.memref_squeeze %dma_start3A_150 : memref<1x1x16384xf32, #tpu.memory_space<hbm>> -> memref<16384xf32, #tpu.memory_space<hbm>>
      %dma_start3A_152 = arith.constant 0 : i32
      %dma_start3A_153 = tpu.memref_slice %arg5[%arg0, %add3A_144, %dma_start3A_152] : memref<2x128x16384xf32, #tpu.memory_space<hbm>> -> memref<1x1x16384xf32, #tpu.memory_space<hbm>>
      %dma_start3A_154 = tpu.memref_squeeze %dma_start3A_153 : memref<1x1x16384xf32, #tpu.memory_space<hbm>> -> memref<16384xf32, #tpu.memory_space<hbm>>
      %dma_start3A_155 = arith.constant 0 : i32
      %dma_start3A_156 = tpu.memref_slice %arg9[%run_scoped3A_145, %dma_start3A_155] : memref<4x16400xf32, #tpu.memory_space<vmem>> -> memref<1x16384xf32, #tpu.memory_space<vmem>>
      %dma_start3A_157 = tpu.memref_squeeze %dma_start3A_156 : memref<1x16384xf32, #tpu.memory_space<vmem>> -> memref<16384xf32, #tpu.memory_space<vmem>>
      tpu.enqueue_dma source(%dma_start3A_157 : memref<16384xf32, #tpu.memory_space<vmem>>) target(%dma_start3A_154 : memref<16384xf32, #tpu.memory_space<hbm>>) target_semaphore(%run_scoped3A_146 : memref<!tpu.dma_semaphore, #tpu.memory_space<semaphore_mem>>)
      %dma_wait3A = arith.constant 0 : i32
      %dma_wait3A_158 = tpu.memref_slice %arg9[%run_scoped3A_145, %dma_wait3A] : memref<4x16400xf32, #tpu.memory_space<vmem>> -> memref<1x16384xf32, #tpu.memory_space<vmem>>
      %dma_wait3A_159 = tpu.memref_squeeze %dma_wait3A_158 : memref<1x16384xf32, #tpu.memory_space<vmem>> -> memref<16384xf32, #tpu.memory_space<vmem>>
      %dma_wait3A_160 = arith.constant 0 : i32
      %dma_wait3A_161 = tpu.memref_slice %arg5[%arg0, %add3A_144, %dma_wait3A_160] : memref<2x128x16384xf32, #tpu.memory_space<hbm>> -> memref<1x1x16384xf32, #tpu.memory_space<hbm>>
      %dma_wait3A_162 = tpu.memref_squeeze %dma_wait3A_161 : memref<1x1x16384xf32, #tpu.memory_space<hbm>> -> memref<16384xf32, #tpu.memory_space<hbm>>
      %dma_wait3A_163 = arith.constant 0 : i32
      %dma_wait3A_164 = tpu.memref_slice %arg5[%arg0, %add3A_144, %dma_wait3A_163] : memref<2x128x16384xf32, #tpu.memory_space<hbm>> -> memref<1x1x16384xf32, #tpu.memory_space<hbm>>
      %dma_wait3A_165 = tpu.memref_squeeze %dma_wait3A_164 : memref<1x1x16384xf32, #tpu.memory_space<hbm>> -> memref<16384xf32, #tpu.memory_space<hbm>>
      %dma_wait3A_166 = arith.constant 0 : i32
      %dma_wait3A_167 = tpu.memref_slice %arg9[%run_scoped3A_145, %dma_wait3A_166] : memref<4x16400xf32, #tpu.memory_space<vmem>> -> memref<1x16384xf32, #tpu.memory_space<vmem>>
      %dma_wait3A_168 = tpu.memref_squeeze %dma_wait3A_167 : memref<1x16384xf32, #tpu.memory_space<vmem>> -> memref<16384xf32, #tpu.memory_space<vmem>>
      tpu.wait_dma2 semaphore(%run_scoped3A_146 : memref<!tpu.dma_semaphore, #tpu.memory_space<semaphore_mem>>) src(%dma_wait3A_168 : memref<16384xf32, #tpu.memory_space<vmem>>) dst(%dma_wait3A_165 : memref<16384xf32, #tpu.memory_space<hbm>>)
      tpu.yield
    }) : () -> ()
    return
  }
}

module attributes {stable_mosaic.version = 14 : i64} {
  func.func @_cam1_kernel(%arg0: i32, %arg1: memref<1x34x90x64xf32, #tpu.memory_space<vmem>>, %arg2: memref<9x64x64xf32, #tpu.memory_space<vmem>>, %arg3: memref<1x64xf32, #tpu.memory_space<vmem>>, %arg4: memref<64x128xf32, #tpu.memory_space<vmem>>, %arg5: memref<1x128xf32, #tpu.memory_space<vmem>>, %arg6: memref<1x32x88x64xf32, #tpu.memory_space<vmem>>, %arg7: memref<1x2816x128xf32, #tpu.memory_space<vmem>>, %arg8: memref<2x64xf32, #tpu.memory_space<vmem>>, %arg9: memref<2x128xf32, #tpu.memory_space<vmem>>, %arg10: memref<2x64xf32, #tpu.memory_space<vmem>>, %arg11: memref<2x128xf32, #tpu.memory_space<vmem>>) attributes {dimension_semantics = [#tpu.dimension_semantics<arbitrary>], iteration_bounds = array<i64: 12>, scalar_prefetch = 0 : i64, scratch_operands = 2 : i64, tpu.core_type = #tpu.core_type<tc>, window_params = [{transform_indices = @transform_0, window_bounds = array<i64: 1, 34, 90, 64>}, {pipeline_mode = #tpu.pipeline_mode<synchronous>, transform_indices = @transform_1, window_bounds = array<i64: 9, 64, 64>}, {pipeline_mode = #tpu.pipeline_mode<synchronous>, transform_indices = @transform_2, window_bounds = array<i64: 1, 64>}, {pipeline_mode = #tpu.pipeline_mode<synchronous>, transform_indices = @transform_3, window_bounds = array<i64: 64, 128>}, {pipeline_mode = #tpu.pipeline_mode<synchronous>, transform_indices = @transform_4, window_bounds = array<i64: 1, 128>}, {transform_indices = @transform_5, window_bounds = array<i64: 1, 32, 88, 64>}, {transform_indices = @transform_6, window_bounds = array<i64: 1, 2816, 128>}, {pipeline_mode = #tpu.pipeline_mode<synchronous>, transform_indices = @transform_7, window_bounds = array<i64: 2, 64>}, {pipeline_mode = #tpu.pipeline_mode<synchronous>, transform_indices = @transform_8, window_bounds = array<i64: 2, 128>}]} {
    %get3A = arith.constant 0 : index
    %get3A_0 = arith.constant 1 : index
    %get3A_1 = arith.constant 1 : index
    %get3A_2 = arith.constant 0 : index
    %get3A_3 = vector.load %arg1[%get3A, %get3A_0, %get3A_1, %get3A_2] : memref<1x34x90x64xf32, #tpu.memory_space<vmem>>, vector<1x32x88x64xf32>
    %get3A_4 = vector.shape_cast %get3A_3 : vector<1x32x88x64xf32> to vector<32x88x64xf32>
    %get3A_5 = arith.constant 0 : index
    %get3A_6 = arith.constant 0 : index
    %get3A_7 = vector.load %arg3[%get3A_5, %get3A_6] : memref<1x64xf32, #tpu.memory_space<vmem>>, vector<1x64xf32>
    %get3A_8 = vector.shape_cast %get3A_7 : vector<1x64xf32> to vector<64xf32>
    %broadcast_in_dim3A = vector.shape_cast %get3A_8 : vector<64xf32> to vector<1x1x64xf32>
    %broadcast_in_dim3A_9 = vector.broadcast %broadcast_in_dim3A : vector<1x1x64xf32> to vector<32x88x64xf32>
    %get3A_10 = arith.constant 0 : index
    %get3A_11 = arith.constant 0 : index
    %get3A_12 = arith.constant 0 : index
    %get3A_13 = arith.constant 0 : index
    %get3A_14 = vector.load %arg1[%get3A_10, %get3A_11, %get3A_12, %get3A_13] : memref<1x34x90x64xf32, #tpu.memory_space<vmem>>, vector<1x32x88x64xf32>
    %get3A_15 = vector.shape_cast %get3A_14 : vector<1x32x88x64xf32> to vector<32x88x64xf32>
    %get3A_16 = arith.constant 0 : index
    %get3A_17 = arith.constant 0 : index
    %get3A_18 = arith.constant 0 : index
    %get3A_19 = vector.load %arg2[%get3A_16, %get3A_17, %get3A_18] : memref<9x64x64xf32, #tpu.memory_space<vmem>>, vector<1x64x64xf32>
    %get3A_20 = vector.shape_cast %get3A_19 : vector<1x64x64xf32> to vector<64x64xf32>
    %dot_general3A = arith.constant dense<0.000000e+00> : vector<32x88x64xf32>
    %dot_general3A_21 = tpu.matmul %get3A_15, %get3A_20, %dot_general3A {dimension_numbers = #tpu.dot_dimension_numbers<[2], [0], [0, 1], [1], [0, 0, 0, 1, 1, 1], [], []>, precision = #tpu.contract_precision<fp32>, transpose_lhs_hint = false} : vector<32x88x64xf32>, vector<64x64xf32>, vector<32x88x64xf32> -> vector<32x88x64xf32>
    %add3A = arith.addf %broadcast_in_dim3A_9, %dot_general3A_21 : vector<32x88x64xf32>
    %get3A_22 = arith.constant 0 : index
    %get3A_23 = arith.constant 0 : index
    %get3A_24 = arith.constant 1 : index
    %get3A_25 = arith.constant 0 : index
    %get3A_26 = vector.load %arg1[%get3A_22, %get3A_23, %get3A_24, %get3A_25] : memref<1x34x90x64xf32, #tpu.memory_space<vmem>>, vector<1x32x88x64xf32>
    %get3A_27 = vector.shape_cast %get3A_26 : vector<1x32x88x64xf32> to vector<32x88x64xf32>
    %get3A_28 = arith.constant 1 : index
    %get3A_29 = arith.constant 0 : index
    %get3A_30 = arith.constant 0 : index
    %get3A_31 = vector.load %arg2[%get3A_28, %get3A_29, %get3A_30] : memref<9x64x64xf32, #tpu.memory_space<vmem>>, vector<1x64x64xf32>
    %get3A_32 = vector.shape_cast %get3A_31 : vector<1x64x64xf32> to vector<64x64xf32>
    %dot_general3A_33 = arith.constant dense<0.000000e+00> : vector<32x88x64xf32>
    %dot_general3A_34 = tpu.matmul %get3A_27, %get3A_32, %dot_general3A_33 {dimension_numbers = #tpu.dot_dimension_numbers<[2], [0], [0, 1], [1], [0, 0, 0, 1, 1, 1], [], []>, precision = #tpu.contract_precision<fp32>, transpose_lhs_hint = false} : vector<32x88x64xf32>, vector<64x64xf32>, vector<32x88x64xf32> -> vector<32x88x64xf32>
    %add3A_35 = arith.addf %add3A, %dot_general3A_34 : vector<32x88x64xf32>
    %get3A_36 = arith.constant 0 : index
    %get3A_37 = arith.constant 0 : index
    %get3A_38 = arith.constant 2 : index
    %get3A_39 = arith.constant 0 : index
    %get3A_40 = vector.load %arg1[%get3A_36, %get3A_37, %get3A_38, %get3A_39] : memref<1x34x90x64xf32, #tpu.memory_space<vmem>>, vector<1x32x88x64xf32>
    %get3A_41 = vector.shape_cast %get3A_40 : vector<1x32x88x64xf32> to vector<32x88x64xf32>
    %get3A_42 = arith.constant 2 : index
    %get3A_43 = arith.constant 0 : index
    %get3A_44 = arith.constant 0 : index
    %get3A_45 = vector.load %arg2[%get3A_42, %get3A_43, %get3A_44] : memref<9x64x64xf32, #tpu.memory_space<vmem>>, vector<1x64x64xf32>
    %get3A_46 = vector.shape_cast %get3A_45 : vector<1x64x64xf32> to vector<64x64xf32>
    %dot_general3A_47 = arith.constant dense<0.000000e+00> : vector<32x88x64xf32>
    %dot_general3A_48 = tpu.matmul %get3A_41, %get3A_46, %dot_general3A_47 {dimension_numbers = #tpu.dot_dimension_numbers<[2], [0], [0, 1], [1], [0, 0, 0, 1, 1, 1], [], []>, precision = #tpu.contract_precision<fp32>, transpose_lhs_hint = false} : vector<32x88x64xf32>, vector<64x64xf32>, vector<32x88x64xf32> -> vector<32x88x64xf32>
    %add3A_49 = arith.addf %add3A_35, %dot_general3A_48 : vector<32x88x64xf32>
    %get3A_50 = arith.constant 0 : index
    %get3A_51 = arith.constant 1 : index
    %get3A_52 = arith.constant 0 : index
    %get3A_53 = arith.constant 0 : index
    %get3A_54 = vector.load %arg1[%get3A_50, %get3A_51, %get3A_52, %get3A_53] : memref<1x34x90x64xf32, #tpu.memory_space<vmem>>, vector<1x32x88x64xf32>
    %get3A_55 = vector.shape_cast %get3A_54 : vector<1x32x88x64xf32> to vector<32x88x64xf32>
    %get3A_56 = arith.constant 3 : index
    %get3A_57 = arith.constant 0 : index
    %get3A_58 = arith.constant 0 : index
    %get3A_59 = vector.load %arg2[%get3A_56, %get3A_57, %get3A_58] : memref<9x64x64xf32, #tpu.memory_space<vmem>>, vector<1x64x64xf32>
    %get3A_60 = vector.shape_cast %get3A_59 : vector<1x64x64xf32> to vector<64x64xf32>
    %dot_general3A_61 = arith.constant dense<0.000000e+00> : vector<32x88x64xf32>
    %dot_general3A_62 = tpu.matmul %get3A_55, %get3A_60, %dot_general3A_61 {dimension_numbers = #tpu.dot_dimension_numbers<[2], [0], [0, 1], [1], [0, 0, 0, 1, 1, 1], [], []>, precision = #tpu.contract_precision<fp32>, transpose_lhs_hint = false} : vector<32x88x64xf32>, vector<64x64xf32>, vector<32x88x64xf32> -> vector<32x88x64xf32>
    %add3A_63 = arith.addf %add3A_49, %dot_general3A_62 : vector<32x88x64xf32>
    %get3A_64 = arith.constant 0 : index
    %get3A_65 = arith.constant 1 : index
    %get3A_66 = arith.constant 1 : index
    %get3A_67 = arith.constant 0 : index
    %get3A_68 = vector.load %arg1[%get3A_64, %get3A_65, %get3A_66, %get3A_67] : memref<1x34x90x64xf32, #tpu.memory_space<vmem>>, vector<1x32x88x64xf32>
    %get3A_69 = vector.shape_cast %get3A_68 : vector<1x32x88x64xf32> to vector<32x88x64xf32>
    %get3A_70 = arith.constant 4 : index
    %get3A_71 = arith.constant 0 : index
    %get3A_72 = arith.constant 0 : index
    %get3A_73 = vector.load %arg2[%get3A_70, %get3A_71, %get3A_72] : memref<9x64x64xf32, #tpu.memory_space<vmem>>, vector<1x64x64xf32>
    %get3A_74 = vector.shape_cast %get3A_73 : vector<1x64x64xf32> to vector<64x64xf32>
    %dot_general3A_75 = arith.constant dense<0.000000e+00> : vector<32x88x64xf32>
    %dot_general3A_76 = tpu.matmul %get3A_69, %get3A_74, %dot_general3A_75 {dimension_numbers = #tpu.dot_dimension_numbers<[2], [0], [0, 1], [1], [0, 0, 0, 1, 1, 1], [], []>, precision = #tpu.contract_precision<fp32>, transpose_lhs_hint = false} : vector<32x88x64xf32>, vector<64x64xf32>, vector<32x88x64xf32> -> vector<32x88x64xf32>
    %add3A_77 = arith.addf %add3A_63, %dot_general3A_76 : vector<32x88x64xf32>
    %get3A_78 = arith.constant 0 : index
    %get3A_79 = arith.constant 1 : index
    %get3A_80 = arith.constant 2 : index
    %get3A_81 = arith.constant 0 : index
    %get3A_82 = vector.load %arg1[%get3A_78, %get3A_79, %get3A_80, %get3A_81] : memref<1x34x90x64xf32, #tpu.memory_space<vmem>>, vector<1x32x88x64xf32>
    %get3A_83 = vector.shape_cast %get3A_82 : vector<1x32x88x64xf32> to vector<32x88x64xf32>
    %get3A_84 = arith.constant 5 : index
    %get3A_85 = arith.constant 0 : index
    %get3A_86 = arith.constant 0 : index
    %get3A_87 = vector.load %arg2[%get3A_84, %get3A_85, %get3A_86] : memref<9x64x64xf32, #tpu.memory_space<vmem>>, vector<1x64x64xf32>
    %get3A_88 = vector.shape_cast %get3A_87 : vector<1x64x64xf32> to vector<64x64xf32>
    %dot_general3A_89 = arith.constant dense<0.000000e+00> : vector<32x88x64xf32>
    %dot_general3A_90 = tpu.matmul %get3A_83, %get3A_88, %dot_general3A_89 {dimension_numbers = #tpu.dot_dimension_numbers<[2], [0], [0, 1], [1], [0, 0, 0, 1, 1, 1], [], []>, precision = #tpu.contract_precision<fp32>, transpose_lhs_hint = false} : vector<32x88x64xf32>, vector<64x64xf32>, vector<32x88x64xf32> -> vector<32x88x64xf32>
    %add3A_91 = arith.addf %add3A_77, %dot_general3A_90 : vector<32x88x64xf32>
    %get3A_92 = arith.constant 0 : index
    %get3A_93 = arith.constant 2 : index
    %get3A_94 = arith.constant 0 : index
    %get3A_95 = arith.constant 0 : index
    %get3A_96 = vector.load %arg1[%get3A_92, %get3A_93, %get3A_94, %get3A_95] : memref<1x34x90x64xf32, #tpu.memory_space<vmem>>, vector<1x32x88x64xf32>
    %get3A_97 = vector.shape_cast %get3A_96 : vector<1x32x88x64xf32> to vector<32x88x64xf32>
    %get3A_98 = arith.constant 6 : index
    %get3A_99 = arith.constant 0 : index
    %get3A_100 = arith.constant 0 : index
    %get3A_101 = vector.load %arg2[%get3A_98, %get3A_99, %get3A_100] : memref<9x64x64xf32, #tpu.memory_space<vmem>>, vector<1x64x64xf32>
    %get3A_102 = vector.shape_cast %get3A_101 : vector<1x64x64xf32> to vector<64x64xf32>
    %dot_general3A_103 = arith.constant dense<0.000000e+00> : vector<32x88x64xf32>
    %dot_general3A_104 = tpu.matmul %get3A_97, %get3A_102, %dot_general3A_103 {dimension_numbers = #tpu.dot_dimension_numbers<[2], [0], [0, 1], [1], [0, 0, 0, 1, 1, 1], [], []>, precision = #tpu.contract_precision<fp32>, transpose_lhs_hint = false} : vector<32x88x64xf32>, vector<64x64xf32>, vector<32x88x64xf32> -> vector<32x88x64xf32>
    %add3A_105 = arith.addf %add3A_91, %dot_general3A_104 : vector<32x88x64xf32>
    %get3A_106 = arith.constant 0 : index
    %get3A_107 = arith.constant 2 : index
    %get3A_108 = arith.constant 1 : index
    %get3A_109 = arith.constant 0 : index
    %get3A_110 = vector.load %arg1[%get3A_106, %get3A_107, %get3A_108, %get3A_109] : memref<1x34x90x64xf32, #tpu.memory_space<vmem>>, vector<1x32x88x64xf32>
    %get3A_111 = vector.shape_cast %get3A_110 : vector<1x32x88x64xf32> to vector<32x88x64xf32>
    %get3A_112 = arith.constant 7 : index
    %get3A_113 = arith.constant 0 : index
    %get3A_114 = arith.constant 0 : index
    %get3A_115 = vector.load %arg2[%get3A_112, %get3A_113, %get3A_114] : memref<9x64x64xf32, #tpu.memory_space<vmem>>, vector<1x64x64xf32>
    %get3A_116 = vector.shape_cast %get3A_115 : vector<1x64x64xf32> to vector<64x64xf32>
    %dot_general3A_117 = arith.constant dense<0.000000e+00> : vector<32x88x64xf32>
    %dot_general3A_118 = tpu.matmul %get3A_111, %get3A_116, %dot_general3A_117 {dimension_numbers = #tpu.dot_dimension_numbers<[2], [0], [0, 1], [1], [0, 0, 0, 1, 1, 1], [], []>, precision = #tpu.contract_precision<fp32>, transpose_lhs_hint = false} : vector<32x88x64xf32>, vector<64x64xf32>, vector<32x88x64xf32> -> vector<32x88x64xf32>
    %add3A_119 = arith.addf %add3A_105, %dot_general3A_118 : vector<32x88x64xf32>
    %get3A_120 = arith.constant 0 : index
    %get3A_121 = arith.constant 2 : index
    %get3A_122 = arith.constant 2 : index
    %get3A_123 = arith.constant 0 : index
    %get3A_124 = vector.load %arg1[%get3A_120, %get3A_121, %get3A_122, %get3A_123] : memref<1x34x90x64xf32, #tpu.memory_space<vmem>>, vector<1x32x88x64xf32>
    %get3A_125 = vector.shape_cast %get3A_124 : vector<1x32x88x64xf32> to vector<32x88x64xf32>
    %get3A_126 = arith.constant 8 : index
    %get3A_127 = arith.constant 0 : index
    %get3A_128 = arith.constant 0 : index
    %get3A_129 = vector.load %arg2[%get3A_126, %get3A_127, %get3A_128] : memref<9x64x64xf32, #tpu.memory_space<vmem>>, vector<1x64x64xf32>
    %get3A_130 = vector.shape_cast %get3A_129 : vector<1x64x64xf32> to vector<64x64xf32>
    %dot_general3A_131 = arith.constant dense<0.000000e+00> : vector<32x88x64xf32>
    %dot_general3A_132 = tpu.matmul %get3A_125, %get3A_130, %dot_general3A_131 {dimension_numbers = #tpu.dot_dimension_numbers<[2], [0], [0, 1], [1], [0, 0, 0, 1, 1, 1], [], []>, precision = #tpu.contract_precision<fp32>, transpose_lhs_hint = false} : vector<32x88x64xf32>, vector<64x64xf32>, vector<32x88x64xf32> -> vector<32x88x64xf32>
    %add3A_133 = arith.addf %add3A_119, %dot_general3A_132 : vector<32x88x64xf32>
    %swap3A = arith.constant 0 : index
    %swap3A_134 = arith.constant 0 : index
    %swap3A_135 = arith.constant 0 : index
    %swap3A_136 = arith.constant 0 : index
    %swap3A_137 = vector.load %arg6[%swap3A, %swap3A_134, %swap3A_135, %swap3A_136] : memref<1x32x88x64xf32, #tpu.memory_space<vmem>>, vector<1x32x88x64xf32>
    %swap3A_138 = vector.shape_cast %swap3A_137 : vector<1x32x88x64xf32> to vector<32x88x64xf32>
    %swap3A_139 = vector.shape_cast %add3A_133 : vector<32x88x64xf32> to vector<1x32x88x64xf32>
    tpu.vector_store %arg6[%swap3A, %swap3A_134, %swap3A_135, %swap3A_136], %swap3A_139 {strides = array<i32>} : memref<1x32x88x64xf32, #tpu.memory_space<vmem>>, vector<1x32x88x64xf32>,
    %get3A_140 = arith.constant 0 : index
    %get3A_141 = arith.constant 0 : index
    %get3A_142 = vector.load %arg4[%get3A_140, %get3A_141] : memref<64x128xf32, #tpu.memory_space<vmem>>, vector<64x128xf32>
    %dot_general3A_143 = arith.constant dense<0.000000e+00> : vector<32x88x128xf32>
    %dot_general3A_144 = tpu.matmul %get3A_4, %get3A_142, %dot_general3A_143 {dimension_numbers = #tpu.dot_dimension_numbers<[2], [0], [0, 1], [1], [0, 0, 0, 1, 1, 1], [], []>, precision = #tpu.contract_precision<fp32>, transpose_lhs_hint = false} : vector<32x88x64xf32>, vector<64x128xf32>, vector<32x88x128xf32> -> vector<32x88x128xf32>
    %get3A_145 = arith.constant 0 : index
    %get3A_146 = arith.constant 0 : index
    %get3A_147 = vector.load %arg5[%get3A_145, %get3A_146] : memref<1x128xf32, #tpu.memory_space<vmem>>, vector<1x128xf32>
    %get3A_148 = vector.shape_cast %get3A_147 : vector<1x128xf32> to vector<128xf32>
    %broadcast_in_dim3A_149 = vector.shape_cast %get3A_148 : vector<128xf32> to vector<1x1x128xf32>
    %add3A_150 = vector.broadcast %broadcast_in_dim3A_149 : vector<1x1x128xf32> to vector<32x88x128xf32>
    %add3A_151 = arith.addf %dot_general3A_144, %add3A_150 : vector<32x88x128xf32>
    %reshape3A = vector.shape_cast %add3A_151 : vector<32x88x128xf32> to vector<2816x128xf32>
    %swap3A_152 = arith.constant 0 : index
    %swap3A_153 = arith.constant 0 : index
    %swap3A_154 = arith.constant 0 : index
    %swap3A_155 = vector.load %arg7[%swap3A_152, %swap3A_153, %swap3A_154] : memref<1x2816x128xf32, #tpu.memory_space<vmem>>, vector<1x2816x128xf32>
    %swap3A_156 = vector.shape_cast %swap3A_155 : vector<1x2816x128xf32> to vector<2816x128xf32>
    %swap3A_157 = vector.shape_cast %reshape3A : vector<2816x128xf32> to vector<1x2816x128xf32>
    tpu.vector_store %arg7[%swap3A_152, %swap3A_153, %swap3A_154], %swap3A_157 {strides = array<i32>} : memref<1x2816x128xf32, #tpu.memory_space<vmem>>, vector<1x2816x128xf32>,
    %eq3A = arith.constant 0 : i32
    %eq3A_158 = arith.cmpi eq, %arg0, %eq3A : i32
    %convert_element_type3A = arith.extui %eq3A_158 : i1 to i32
    %cond3A = arith.constant 0 : i32
    %cond3A_159 = arith.cmpi ne, %convert_element_type3A, %cond3A : i32
    scf.if %cond3A_159 {
      %broadcast_in_dim3A_206 = arith.constant 0.000000e+00 : f32
      %broadcast_in_dim3A_207 = vector.broadcast %broadcast_in_dim3A_206 : f32 to vector<2x64xf32>
      %swap3A_208 = arith.constant 0 : index
      %swap3A_209 = arith.constant 0 : index
      %swap3A_210 = vector.load %arg10[%swap3A_208, %swap3A_209] : memref<2x64xf32, #tpu.memory_space<vmem>>, vector<2x64xf32>
      tpu.vector_store %arg10[%swap3A_208, %swap3A_209], %broadcast_in_dim3A_207 {strides = array<i32>} : memref<2x64xf32, #tpu.memory_space<vmem>>, vector<2x64xf32>,
      %broadcast_in_dim3A_211 = arith.constant 0.000000e+00 : f32
      %broadcast_in_dim3A_212 = vector.broadcast %broadcast_in_dim3A_211 : f32 to vector<2x128xf32>
      %swap3A_213 = arith.constant 0 : index
      %swap3A_214 = arith.constant 0 : index
      %swap3A_215 = vector.load %arg11[%swap3A_213, %swap3A_214] : memref<2x128xf32, #tpu.memory_space<vmem>>, vector<2x128xf32>
      tpu.vector_store %arg11[%swap3A_213, %swap3A_214], %broadcast_in_dim3A_212 {strides = array<i32>} : memref<2x128xf32, #tpu.memory_space<vmem>>, vector<2x128xf32>,
    } else {
    }
    %reshape3A_160 = vector.shape_cast %add3A_133 : vector<32x88x64xf32> to vector<2816x64xf32>
    %get3A_161 = arith.constant 0 : index
    %get3A_162 = arith.constant 0 : index
    %get3A_163 = vector.load %arg10[%get3A_161, %get3A_162] : memref<2x64xf32, #tpu.memory_space<vmem>>, vector<1x64xf32>
    %reduce_sum3A = arith.constant dense<0.000000e+00> : vector<64xf32>
    %reduce_sum3A_164 = vector.multi_reduction <add>, %reshape3A_160, %reduce_sum3A [0] : vector<2816x64xf32> to vector<64xf32>
    %broadcast_in_dim3A_165 = vector.shape_cast %reduce_sum3A_164 : vector<64xf32> to vector<1x64xf32>
    %add3A_166 = arith.addf %get3A_163, %broadcast_in_dim3A_165 : vector<1x64xf32>
    %swap3A_167 = arith.constant 0 : index
    %swap3A_168 = arith.constant 0 : index
    %swap3A_169 = vector.load %arg10[%swap3A_167, %swap3A_168] : memref<2x64xf32, #tpu.memory_space<vmem>>, vector<1x64xf32>
    tpu.vector_store %arg10[%swap3A_167, %swap3A_168], %add3A_166 {strides = array<i32>} : memref<2x64xf32, #tpu.memory_space<vmem>>, vector<1x64xf32>,
    %get3A_170 = arith.constant 1 : index
    %get3A_171 = arith.constant 0 : index
    %get3A_172 = vector.load %arg10[%get3A_170, %get3A_171] : memref<2x64xf32, #tpu.memory_space<vmem>>, vector<1x64xf32>
    %mul3A = arith.mulf %reshape3A_160, %reshape3A_160 : vector<2816x64xf32>
    %reduce_sum3A_173 = arith.constant dense<0.000000e+00> : vector<64xf32>
    %reduce_sum3A_174 = vector.multi_reduction <add>, %mul3A, %reduce_sum3A_173 [0] : vector<2816x64xf32> to vector<64xf32>
    %broadcast_in_dim3A_175 = vector.shape_cast %reduce_sum3A_174 : vector<64xf32> to vector<1x64xf32>
    %add3A_176 = arith.addf %get3A_172, %broadcast_in_dim3A_175 : vector<1x64xf32>
    %swap3A_177 = arith.constant 1 : index
    %swap3A_178 = arith.constant 0 : index
    %swap3A_179 = vector.load %arg10[%swap3A_177, %swap3A_178] : memref<2x64xf32, #tpu.memory_space<vmem>>, vector<1x64xf32>
    tpu.vector_store %arg10[%swap3A_177, %swap3A_178], %add3A_176 {strides = array<i32>} : memref<2x64xf32, #tpu.memory_space<vmem>>, vector<1x64xf32>,
    %get3A_180 = arith.constant 0 : index
    %get3A_181 = arith.constant 0 : index
    %get3A_182 = vector.load %arg11[%get3A_180, %get3A_181] : memref<2x128xf32, #tpu.memory_space<vmem>>, vector<1x128xf32>
    %reduce_sum3A_183 = arith.constant dense<0.000000e+00> : vector<128xf32>
    %reduce_sum3A_184 = vector.multi_reduction <add>, %reshape3A, %reduce_sum3A_183 [0] : vector<2816x128xf32> to vector<128xf32>
    %broadcast_in_dim3A_185 = vector.shape_cast %reduce_sum3A_184 : vector<128xf32> to vector<1x128xf32>
    %add3A_186 = arith.addf %get3A_182, %broadcast_in_dim3A_185 : vector<1x128xf32>
    %swap3A_187 = arith.constant 0 : index
    %swap3A_188 = arith.constant 0 : index
    %swap3A_189 = vector.load %arg11[%swap3A_187, %swap3A_188] : memref<2x128xf32, #tpu.memory_space<vmem>>, vector<1x128xf32>
    tpu.vector_store %arg11[%swap3A_187, %swap3A_188], %add3A_186 {strides = array<i32>} : memref<2x128xf32, #tpu.memory_space<vmem>>, vector<1x128xf32>,
    %get3A_190 = arith.constant 1 : index
    %get3A_191 = arith.constant 0 : index
    %get3A_192 = vector.load %arg11[%get3A_190, %get3A_191] : memref<2x128xf32, #tpu.memory_space<vmem>>, vector<1x128xf32>
    %mul3A_193 = arith.mulf %reshape3A, %reshape3A : vector<2816x128xf32>
    %reduce_sum3A_194 = arith.constant dense<0.000000e+00> : vector<128xf32>
    %reduce_sum3A_195 = vector.multi_reduction <add>, %mul3A_193, %reduce_sum3A_194 [0] : vector<2816x128xf32> to vector<128xf32>
    %broadcast_in_dim3A_196 = vector.shape_cast %reduce_sum3A_195 : vector<128xf32> to vector<1x128xf32>
    %add3A_197 = arith.addf %get3A_192, %broadcast_in_dim3A_196 : vector<1x128xf32>
    %swap3A_198 = arith.constant 1 : index
    %swap3A_199 = arith.constant 0 : index
    %swap3A_200 = vector.load %arg11[%swap3A_198, %swap3A_199] : memref<2x128xf32, #tpu.memory_space<vmem>>, vector<1x128xf32>
    tpu.vector_store %arg11[%swap3A_198, %swap3A_199], %add3A_197 {strides = array<i32>} : memref<2x128xf32, #tpu.memory_space<vmem>>, vector<1x128xf32>,
    %eq3A_201 = arith.constant 11 : i32
    %eq3A_202 = arith.cmpi eq, %arg0, %eq3A_201 : i32
    %convert_element_type3A_203 = arith.extui %eq3A_202 : i1 to i32
    %cond3A_204 = arith.constant 0 : i32
    %cond3A_205 = arith.cmpi ne, %convert_element_type3A_203, %cond3A_204 : i32
    scf.if %cond3A_205 {
      %get3A_206 = arith.constant 0 : index
      %get3A_207 = arith.constant 0 : index
      %get3A_208 = vector.load %arg10[%get3A_206, %get3A_207] : memref<2x64xf32, #tpu.memory_space<vmem>>, vector<2x64xf32>
      %swap3A_209 = arith.constant 0 : index
      %swap3A_210 = arith.constant 0 : index
      %swap3A_211 = vector.load %arg8[%swap3A_209, %swap3A_210] : memref<2x64xf32, #tpu.memory_space<vmem>>, vector<2x64xf32>
      tpu.vector_store %arg8[%swap3A_209, %swap3A_210], %get3A_208 {strides = array<i32>} : memref<2x64xf32, #tpu.memory_space<vmem>>, vector<2x64xf32>,
      %get3A_212 = arith.constant 0 : index
      %get3A_213 = arith.constant 0 : index
      %get3A_214 = vector.load %arg11[%get3A_212, %get3A_213] : memref<2x128xf32, #tpu.memory_space<vmem>>, vector<2x128xf32>
      %swap3A_215 = arith.constant 0 : index
      %swap3A_216 = arith.constant 0 : index
      %swap3A_217 = vector.load %arg9[%swap3A_215, %swap3A_216] : memref<2x128xf32, #tpu.memory_space<vmem>>, vector<2x128xf32>
      tpu.vector_store %arg9[%swap3A_215, %swap3A_216], %get3A_214 {strides = array<i32>} : memref<2x128xf32, #tpu.memory_space<vmem>>, vector<2x128xf32>,
    } else {
    }
    return
  }
  func.func @transform_0(%arg0: i32) -> (i32, i32, i32, i32) {
    %c0_i32 = arith.constant 0 : i32
    %c0_i32_0 = arith.constant 0 : i32
    %c0_i32_1 = arith.constant 0 : i32
    %c0_i32_2 = arith.constant 0 : i32
    return %arg0, %c0_i32, %c0_i32_0, %c0_i32_1 : i32, i32, i32, i32
  }
  func.func @transform_1(%arg0: i32) -> (i32, i32, i32) {
    %c0_i32 = arith.constant 0 : i32
    %c0_i32_0 = arith.constant 0 : i32
    %c0_i32_1 = arith.constant 0 : i32
    %c0_i32_2 = arith.constant 0 : i32
    return %c0_i32, %c0_i32_0, %c0_i32_1 : i32, i32, i32
  }
  func.func @transform_2(%arg0: i32) -> (i32, i32) {
    %c0_i32 = arith.constant 0 : i32
    %c0_i32_0 = arith.constant 0 : i32
    %c0_i32_1 = arith.constant 0 : i32
    return %c0_i32, %c0_i32_0 : i32, i32
  }
  func.func @transform_3(%arg0: i32) -> (i32, i32) {
    %c0_i32 = arith.constant 0 : i32
    %c0_i32_0 = arith.constant 0 : i32
    %c0_i32_1 = arith.constant 0 : i32
    return %c0_i32, %c0_i32_0 : i32, i32
  }
  func.func @transform_4(%arg0: i32) -> (i32, i32) {
    %c0_i32 = arith.constant 0 : i32
    %c0_i32_0 = arith.constant 0 : i32
    %c0_i32_1 = arith.constant 0 : i32
    return %c0_i32, %c0_i32_0 : i32, i32
  }
  func.func @transform_5(%arg0: i32) -> (i32, i32, i32, i32) {
    %c0_i32 = arith.constant 0 : i32
    %c0_i32_0 = arith.constant 0 : i32
    %c0_i32_1 = arith.constant 0 : i32
    %c0_i32_2 = arith.constant 0 : i32
    return %arg0, %c0_i32, %c0_i32_0, %c0_i32_1 : i32, i32, i32, i32
  }
  func.func @transform_6(%arg0: i32) -> (i32, i32, i32) {
    %c0_i32 = arith.constant 0 : i32
    %c0_i32_0 = arith.constant 0 : i32
    %c0_i32_1 = arith.constant 0 : i32
    return %arg0, %c0_i32, %c0_i32_0 : i32, i32, i32
  }
  func.func @transform_7(%arg0: i32) -> (i32, i32) {
    %c0_i32 = arith.constant 0 : i32
    %c0_i32_0 = arith.constant 0 : i32
    %c0_i32_1 = arith.constant 0 : i32
    return %c0_i32, %c0_i32_0 : i32, i32
  }
  func.func @transform_8(%arg0: i32) -> (i32, i32) {
    %c0_i32 = arith.constant 0 : i32
    %c0_i32_0 = arith.constant 0 : i32
    %c0_i32_1 = arith.constant 0 : i32
    return %c0_i32, %c0_i32_0 : i32, i32
  }
}

module attributes {stable_mosaic.version = 14 : i64} {
  func.func @_cam2_kernel(%arg0: i32, %arg1: memref<1x32x88x64xf32, #tpu.memory_space<vmem>>, %arg2: memref<1x2816x128xf32, #tpu.memory_space<vmem>>, %arg3: memref<2x64xf32, #tpu.memory_space<vmem>>, %arg4: memref<2x128xf32, #tpu.memory_space<vmem>>, %arg5: memref<1x64xf32, #tpu.memory_space<vmem>>, %arg6: memref<1x64xf32, #tpu.memory_space<vmem>>, %arg7: memref<64x32xf32, #tpu.memory_space<vmem>>, %arg8: memref<1x32xf32, #tpu.memory_space<vmem>>, %arg9: memref<1x128xf32, #tpu.memory_space<vmem>>, %arg10: memref<1x128xf32, #tpu.memory_space<vmem>>, %arg11: memref<1x2816x32xf32, #tpu.memory_space<vmem>>, %arg12: memref<1x2816x128xf32, #tpu.memory_space<vmem>>, %arg13: memref<1x2816x32xf32, #tpu.memory_space<vmem>>) attributes {dimension_semantics = [#tpu.dimension_semantics<arbitrary>], iteration_bounds = array<i64: 12>, scalar_prefetch = 0 : i64, scratch_operands = 0 : i64, tpu.core_type = #tpu.core_type<tc>, window_params = [{transform_indices = @transform_0, window_bounds = array<i64: 1, 32, 88, 64>}, {transform_indices = @transform_1, window_bounds = array<i64: 1, 2816, 128>}, {pipeline_mode = #tpu.pipeline_mode<synchronous>, transform_indices = @transform_2, window_bounds = array<i64: 2, 64>}, {pipeline_mode = #tpu.pipeline_mode<synchronous>, transform_indices = @transform_3, window_bounds = array<i64: 2, 128>}, {pipeline_mode = #tpu.pipeline_mode<synchronous>, transform_indices = @transform_4, window_bounds = array<i64: 1, 64>}, {pipeline_mode = #tpu.pipeline_mode<synchronous>, transform_indices = @transform_5, window_bounds = array<i64: 1, 64>}, {pipeline_mode = #tpu.pipeline_mode<synchronous>, transform_indices = @transform_6, window_bounds = array<i64: 64, 32>}, {pipeline_mode = #tpu.pipeline_mode<synchronous>, transform_indices = @transform_7, window_bounds = array<i64: 1, 32>}, {pipeline_mode = #tpu.pipeline_mode<synchronous>, transform_indices = @transform_8, window_bounds = array<i64: 1, 128>}, {pipeline_mode = #tpu.pipeline_mode<synchronous>, transform_indices = @transform_9, window_bounds = array<i64: 1, 128>}, {transform_indices = @transform_10, window_bounds = array<i64: 1, 2816, 32>}, {transform_indices = @transform_11, window_bounds = array<i64: 1, 2816, 128>}, {transform_indices = @transform_12, window_bounds = array<i64: 1, 2816, 32>}]} {
    %get3A = arith.constant 0 : index
    %get3A_0 = arith.constant 0 : index
    %get3A_1 = vector.load %arg3[%get3A, %get3A_0] : memref<2x64xf32, #tpu.memory_space<vmem>>, vector<1x64xf32>
    %get3A_2 = vector.shape_cast %get3A_1 : vector<1x64xf32> to vector<64xf32>
    %div3A = arith.constant 3.379200e+04 : f32
    %div3A_3 = vector.broadcast %div3A : f32 to vector<64xf32>
    %div3A_4 = arith.divf %get3A_2, %div3A_3 : vector<64xf32>
    %get3A_5 = arith.constant 1 : index
    %get3A_6 = arith.constant 0 : index
    %get3A_7 = vector.load %arg3[%get3A_5, %get3A_6] : memref<2x64xf32, #tpu.memory_space<vmem>>, vector<1x64xf32>
    %get3A_8 = vector.shape_cast %get3A_7 : vector<1x64xf32> to vector<64xf32>
    %div3A_9 = arith.constant 3.379200e+04 : f32
    %div3A_10 = vector.broadcast %div3A_9 : f32 to vector<64xf32>
    %div3A_11 = arith.divf %get3A_8, %div3A_10 : vector<64xf32>
    %mul3A = arith.mulf %div3A_4, %div3A_4 : vector<64xf32>
    %sub3A = arith.subf %div3A_11, %mul3A : vector<64xf32>
    %get3A_12 = arith.constant 0 : index
    %get3A_13 = arith.constant 0 : index
    %get3A_14 = arith.constant 0 : index
    %get3A_15 = arith.constant 0 : index
    %get3A_16 = vector.load %arg1[%get3A_12, %get3A_13, %get3A_14, %get3A_15] : memref<1x32x88x64xf32, #tpu.memory_space<vmem>>, vector<1x32x88x64xf32>
    %get3A_17 = vector.shape_cast %get3A_16 : vector<1x32x88x64xf32> to vector<32x88x64xf32>
    %broadcast_in_dim3A = vector.shape_cast %div3A_4 : vector<64xf32> to vector<1x1x64xf32>
    %sub3A_18 = vector.broadcast %broadcast_in_dim3A : vector<1x1x64xf32> to vector<32x88x64xf32>
    %sub3A_19 = arith.subf %get3A_17, %sub3A_18 : vector<32x88x64xf32>
    %add3A = arith.constant 9.99999974E-6 : f32
    %add3A_20 = vector.broadcast %add3A : f32 to vector<64xf32>
    %add3A_21 = arith.addf %sub3A, %add3A_20 : vector<64xf32>
    %sqrt3A = math.sqrt %add3A_21 : vector<64xf32>
    %broadcast_in_dim3A_22 = vector.shape_cast %sqrt3A : vector<64xf32> to vector<1x1x64xf32>
    %div3A_23 = vector.broadcast %broadcast_in_dim3A_22 : vector<1x1x64xf32> to vector<32x88x64xf32>
    %div3A_24 = arith.divf %sub3A_19, %div3A_23 : vector<32x88x64xf32>
    %get3A_25 = arith.constant 0 : index
    %get3A_26 = arith.constant 0 : index
    %get3A_27 = vector.load %arg5[%get3A_25, %get3A_26] : memref<1x64xf32, #tpu.memory_space<vmem>>, vector<1x64xf32>
    %get3A_28 = vector.shape_cast %get3A_27 : vector<1x64xf32> to vector<64xf32>
    %broadcast_in_dim3A_29 = vector.shape_cast %get3A_28 : vector<64xf32> to vector<1x1x64xf32>
    %mul3A_30 = vector.broadcast %broadcast_in_dim3A_29 : vector<1x1x64xf32> to vector<32x88x64xf32>
    %mul3A_31 = arith.mulf %div3A_24, %mul3A_30 : vector<32x88x64xf32>
    %get3A_32 = arith.constant 0 : index
    %get3A_33 = arith.constant 0 : index
    %get3A_34 = vector.load %arg6[%get3A_32, %get3A_33] : memref<1x64xf32, #tpu.memory_space<vmem>>, vector<1x64xf32>
    %get3A_35 = vector.shape_cast %get3A_34 : vector<1x64xf32> to vector<64xf32>
    %broadcast_in_dim3A_36 = vector.shape_cast %get3A_35 : vector<64xf32> to vector<1x1x64xf32>
    %add3A_37 = vector.broadcast %broadcast_in_dim3A_36 : vector<1x1x64xf32> to vector<32x88x64xf32>
    %add3A_38 = arith.addf %mul3A_31, %add3A_37 : vector<32x88x64xf32>
    %mul3A_39 = arith.constant 5.000000e-01 : f32
    %mul3A_40 = vector.broadcast %mul3A_39 : f32 to vector<32x88x64xf32>
    %mul3A_41 = arith.mulf %mul3A_40, %add3A_38 : vector<32x88x64xf32>
    %sqrt3A_42 = arith.constant 2.000000e+00 : f32
    %sqrt3A_43 = math.sqrt %sqrt3A_42 : f32
    %div3A_44 = arith.constant 1.000000e+00 : f32
    %div3A_45 = arith.divf %div3A_44, %sqrt3A_43 : f32
    %mul3A_46 = vector.broadcast %div3A_45 : f32 to vector<32x88x64xf32>
    %mul3A_47 = arith.mulf %add3A_38, %mul3A_46 : vector<32x88x64xf32>
    %erf3A = math.erf %mul3A_47 : vector<32x88x64xf32>
    %add3A_48 = arith.constant 1.000000e+00 : f32
    %add3A_49 = vector.broadcast %add3A_48 : f32 to vector<32x88x64xf32>
    %add3A_50 = arith.addf %add3A_49, %erf3A : vector<32x88x64xf32>
    %mul3A_51 = arith.mulf %mul3A_41, %add3A_50 : vector<32x88x64xf32>
    %get3A_52 = arith.constant 0 : index
    %get3A_53 = arith.constant 0 : index
    %get3A_54 = vector.load %arg7[%get3A_52, %get3A_53] : memref<64x32xf32, #tpu.memory_space<vmem>>, vector<64x32xf32>
    %dot_general3A = arith.constant dense<0.000000e+00> : vector<32x88x32xf32>
    %dot_general3A_55 = tpu.matmul %mul3A_51, %get3A_54, %dot_general3A {dimension_numbers = #tpu.dot_dimension_numbers<[2], [0], [0, 1], [1], [0, 0, 0, 1, 1, 1], [], []>, precision = #tpu.contract_precision<fp32>, transpose_lhs_hint = false} : vector<32x88x64xf32>, vector<64x32xf32>, vector<32x88x32xf32> -> vector<32x88x32xf32>
    %get3A_56 = arith.constant 0 : index
    %get3A_57 = arith.constant 0 : index
    %get3A_58 = vector.load %arg8[%get3A_56, %get3A_57] : memref<1x32xf32, #tpu.memory_space<vmem>>, vector<1x32xf32>
    %get3A_59 = vector.shape_cast %get3A_58 : vector<1x32xf32> to vector<32xf32>
    %broadcast_in_dim3A_60 = vector.shape_cast %get3A_59 : vector<32xf32> to vector<1x1x32xf32>
    %add3A_61 = vector.broadcast %broadcast_in_dim3A_60 : vector<1x1x32xf32> to vector<32x88x32xf32>
    %add3A_62 = arith.addf %dot_general3A_55, %add3A_61 : vector<32x88x32xf32>
    %reduce_max3A = arith.constant dense<0xFF800000> : vector<32x88xf32>
    %reduce_max3A_63 = vector.multi_reduction <maximumf>, %add3A_62, %reduce_max3A [2] : vector<32x88x32xf32> to vector<32x88xf32>
    %max3A = arith.constant 0xFF800000 : f32
    %max3A_64 = vector.broadcast %max3A : f32 to vector<32x88xf32>
    %max3A_65 = arith.maximumf %max3A_64, %reduce_max3A_63 : vector<32x88xf32>
    %broadcast_in_dim3A_66 = vector.shape_cast %max3A_65 : vector<32x88xf32> to vector<32x88x1xf32>
    %sub3A_67 = vector.broadcast %broadcast_in_dim3A_66 : vector<32x88x1xf32> to vector<32x88x32xf32>
    %sub3A_68 = arith.subf %add3A_62, %sub3A_67 : vector<32x88x32xf32>
    %exp3A = math.exp %sub3A_68 : vector<32x88x32xf32>
    %reduce_sum3A = arith.constant dense<0.000000e+00> : vector<32x88xf32>
    %reduce_sum3A_69 = vector.multi_reduction <add>, %exp3A, %reduce_sum3A [2] : vector<32x88x32xf32> to vector<32x88xf32>
    %broadcast_in_dim3A_70 = vector.shape_cast %reduce_sum3A_69 : vector<32x88xf32> to vector<32x88x1xf32>
    %div3A_71 = vector.broadcast %broadcast_in_dim3A_70 : vector<32x88x1xf32> to vector<32x88x32xf32>
    %div3A_72 = arith.divf %exp3A, %div3A_71 : vector<32x88x32xf32>
    %reshape3A = vector.shape_cast %div3A_72 : vector<32x88x32xf32> to vector<2816x32xf32>
    %get3A_73 = arith.constant 0 : index
    %get3A_74 = arith.constant 0 : index
    %get3A_75 = arith.constant 0 : index
    %get3A_76 = vector.load %arg11[%get3A_73, %get3A_74, %get3A_75] : memref<1x2816x32xf32, #tpu.memory_space<vmem>>, vector<1x2816x32xf32>
    %get3A_77 = vector.shape_cast %get3A_76 : vector<1x2816x32xf32> to vector<2816x32xf32>
    %mul3A_78 = arith.mulf %reshape3A, %get3A_77 : vector<2816x32xf32>
    %swap3A = arith.constant 0 : index
    %swap3A_79 = arith.constant 0 : index
    %swap3A_80 = arith.constant 0 : index
    %swap3A_81 = vector.load %arg13[%swap3A, %swap3A_79, %swap3A_80] : memref<1x2816x32xf32, #tpu.memory_space<vmem>>, vector<1x2816x32xf32>
    %swap3A_82 = vector.shape_cast %swap3A_81 : vector<1x2816x32xf32> to vector<2816x32xf32>
    %swap3A_83 = vector.shape_cast %mul3A_78 : vector<2816x32xf32> to vector<1x2816x32xf32>
    tpu.vector_store %arg13[%swap3A, %swap3A_79, %swap3A_80], %swap3A_83 {strides = array<i32>} : memref<1x2816x32xf32, #tpu.memory_space<vmem>>, vector<1x2816x32xf32>,
    %get3A_84 = arith.constant 0 : index
    %get3A_85 = arith.constant 0 : index
    %get3A_86 = vector.load %arg4[%get3A_84, %get3A_85] : memref<2x128xf32, #tpu.memory_space<vmem>>, vector<1x128xf32>
    %get3A_87 = vector.shape_cast %get3A_86 : vector<1x128xf32> to vector<128xf32>
    %div3A_88 = arith.constant 3.379200e+04 : f32
    %div3A_89 = vector.broadcast %div3A_88 : f32 to vector<128xf32>
    %div3A_90 = arith.divf %get3A_87, %div3A_89 : vector<128xf32>
    %get3A_91 = arith.constant 1 : index
    %get3A_92 = arith.constant 0 : index
    %get3A_93 = vector.load %arg4[%get3A_91, %get3A_92] : memref<2x128xf32, #tpu.memory_space<vmem>>, vector<1x128xf32>
    %get3A_94 = vector.shape_cast %get3A_93 : vector<1x128xf32> to vector<128xf32>
    %div3A_95 = arith.constant 3.379200e+04 : f32
    %div3A_96 = vector.broadcast %div3A_95 : f32 to vector<128xf32>
    %div3A_97 = arith.divf %get3A_94, %div3A_96 : vector<128xf32>
    %mul3A_98 = arith.mulf %div3A_90, %div3A_90 : vector<128xf32>
    %sub3A_99 = arith.subf %div3A_97, %mul3A_98 : vector<128xf32>
    %get3A_100 = arith.constant 0 : index
    %get3A_101 = arith.constant 0 : index
    %get3A_102 = arith.constant 0 : index
    %get3A_103 = vector.load %arg2[%get3A_100, %get3A_101, %get3A_102] : memref<1x2816x128xf32, #tpu.memory_space<vmem>>, vector<1x2816x128xf32>
    %get3A_104 = vector.shape_cast %get3A_103 : vector<1x2816x128xf32> to vector<2816x128xf32>
    %broadcast_in_dim3A_105 = vector.shape_cast %div3A_90 : vector<128xf32> to vector<1x128xf32>
    %sub3A_106 = vector.broadcast %broadcast_in_dim3A_105 : vector<1x128xf32> to vector<2816x128xf32>
    %sub3A_107 = arith.subf %get3A_104, %sub3A_106 : vector<2816x128xf32>
    %add3A_108 = arith.constant 9.99999974E-6 : f32
    %add3A_109 = vector.broadcast %add3A_108 : f32 to vector<128xf32>
    %add3A_110 = arith.addf %sub3A_99, %add3A_109 : vector<128xf32>
    %sqrt3A_111 = math.sqrt %add3A_110 : vector<128xf32>
    %broadcast_in_dim3A_112 = vector.shape_cast %sqrt3A_111 : vector<128xf32> to vector<1x128xf32>
    %div3A_113 = vector.broadcast %broadcast_in_dim3A_112 : vector<1x128xf32> to vector<2816x128xf32>
    %div3A_114 = arith.divf %sub3A_107, %div3A_113 : vector<2816x128xf32>
    %get3A_115 = arith.constant 0 : index
    %get3A_116 = arith.constant 0 : index
    %get3A_117 = vector.load %arg9[%get3A_115, %get3A_116] : memref<1x128xf32, #tpu.memory_space<vmem>>, vector<1x128xf32>
    %get3A_118 = vector.shape_cast %get3A_117 : vector<1x128xf32> to vector<128xf32>
    %broadcast_in_dim3A_119 = vector.shape_cast %get3A_118 : vector<128xf32> to vector<1x128xf32>
    %mul3A_120 = vector.broadcast %broadcast_in_dim3A_119 : vector<1x128xf32> to vector<2816x128xf32>
    %mul3A_121 = arith.mulf %div3A_114, %mul3A_120 : vector<2816x128xf32>
    %get3A_122 = arith.constant 0 : index
    %get3A_123 = arith.constant 0 : index
    %get3A_124 = vector.load %arg10[%get3A_122, %get3A_123] : memref<1x128xf32, #tpu.memory_space<vmem>>, vector<1x128xf32>
    %get3A_125 = vector.shape_cast %get3A_124 : vector<1x128xf32> to vector<128xf32>
    %broadcast_in_dim3A_126 = vector.shape_cast %get3A_125 : vector<128xf32> to vector<1x128xf32>
    %add3A_127 = vector.broadcast %broadcast_in_dim3A_126 : vector<1x128xf32> to vector<2816x128xf32>
    %add3A_128 = arith.addf %mul3A_121, %add3A_127 : vector<2816x128xf32>
    %mul3A_129 = arith.constant 5.000000e-01 : f32
    %mul3A_130 = vector.broadcast %mul3A_129 : f32 to vector<2816x128xf32>
    %mul3A_131 = arith.mulf %mul3A_130, %add3A_128 : vector<2816x128xf32>
    %sqrt3A_132 = arith.constant 2.000000e+00 : f32
    %sqrt3A_133 = math.sqrt %sqrt3A_132 : f32
    %div3A_134 = arith.constant 1.000000e+00 : f32
    %div3A_135 = arith.divf %div3A_134, %sqrt3A_133 : f32
    %mul3A_136 = vector.broadcast %div3A_135 : f32 to vector<2816x128xf32>
    %mul3A_137 = arith.mulf %add3A_128, %mul3A_136 : vector<2816x128xf32>
    %erf3A_138 = math.erf %mul3A_137 : vector<2816x128xf32>
    %add3A_139 = arith.constant 1.000000e+00 : f32
    %add3A_140 = vector.broadcast %add3A_139 : f32 to vector<2816x128xf32>
    %add3A_141 = arith.addf %add3A_140, %erf3A_138 : vector<2816x128xf32>
    %mul3A_142 = arith.mulf %mul3A_131, %add3A_141 : vector<2816x128xf32>
    %swap3A_143 = arith.constant 0 : index
    %swap3A_144 = arith.constant 0 : index
    %swap3A_145 = arith.constant 0 : index
    %swap3A_146 = vector.load %arg12[%swap3A_143, %swap3A_144, %swap3A_145] : memref<1x2816x128xf32, #tpu.memory_space<vmem>>, vector<1x2816x128xf32>
    %swap3A_147 = vector.shape_cast %swap3A_146 : vector<1x2816x128xf32> to vector<2816x128xf32>
    %swap3A_148 = vector.shape_cast %mul3A_142 : vector<2816x128xf32> to vector<1x2816x128xf32>
    tpu.vector_store %arg12[%swap3A_143, %swap3A_144, %swap3A_145], %swap3A_148 {strides = array<i32>} : memref<1x2816x128xf32, #tpu.memory_space<vmem>>, vector<1x2816x128xf32>,
    return
  }
  func.func @transform_0(%arg0: i32) -> (i32, i32, i32, i32) {
    %c0_i32 = arith.constant 0 : i32
    %c0_i32_0 = arith.constant 0 : i32
    %c0_i32_1 = arith.constant 0 : i32
    %c0_i32_2 = arith.constant 0 : i32
    return %arg0, %c0_i32, %c0_i32_0, %c0_i32_1 : i32, i32, i32, i32
  }
  func.func @transform_1(%arg0: i32) -> (i32, i32, i32) {
    %c0_i32 = arith.constant 0 : i32
    %c0_i32_0 = arith.constant 0 : i32
    %c0_i32_1 = arith.constant 0 : i32
    return %arg0, %c0_i32, %c0_i32_0 : i32, i32, i32
  }
  func.func @transform_2(%arg0: i32) -> (i32, i32) {
    %c0_i32 = arith.constant 0 : i32
    %c0_i32_0 = arith.constant 0 : i32
    %c0_i32_1 = arith.constant 0 : i32
    return %c0_i32, %c0_i32_0 : i32, i32
  }
  func.func @transform_3(%arg0: i32) -> (i32, i32) {
    %c0_i32 = arith.constant 0 : i32
    %c0_i32_0 = arith.constant 0 : i32
    %c0_i32_1 = arith.constant 0 : i32
    return %c0_i32, %c0_i32_0 : i32, i32
  }
  func.func @transform_4(%arg0: i32) -> (i32, i32) {
    %c0_i32 = arith.constant 0 : i32
    %c0_i32_0 = arith.constant 0 : i32
    %c0_i32_1 = arith.constant 0 : i32
    return %c0_i32, %c0_i32_0 : i32, i32
  }
  func.func @transform_5(%arg0: i32) -> (i32, i32) {
    %c0_i32 = arith.constant 0 : i32
    %c0_i32_0 = arith.constant 0 : i32
    %c0_i32_1 = arith.constant 0 : i32
    return %c0_i32, %c0_i32_0 : i32, i32
  }
  func.func @transform_6(%arg0: i32) -> (i32, i32) {
    %c0_i32 = arith.constant 0 : i32
    %c0_i32_0 = arith.constant 0 : i32
    %c0_i32_1 = arith.constant 0 : i32
    return %c0_i32, %c0_i32_0 : i32, i32
  }
  func.func @transform_7(%arg0: i32) -> (i32, i32) {
    %c0_i32 = arith.constant 0 : i32
    %c0_i32_0 = arith.constant 0 : i32
    %c0_i32_1 = arith.constant 0 : i32
    return %c0_i32, %c0_i32_0 : i32, i32
  }
  func.func @transform_8(%arg0: i32) -> (i32, i32) {
    %c0_i32 = arith.constant 0 : i32
    %c0_i32_0 = arith.constant 0 : i32
    %c0_i32_1 = arith.constant 0 : i32
    return %c0_i32, %c0_i32_0 : i32, i32
  }
  func.func @transform_9(%arg0: i32) -> (i32, i32) {
    %c0_i32 = arith.constant 0 : i32
    %c0_i32_0 = arith.constant 0 : i32
    %c0_i32_1 = arith.constant 0 : i32
    return %c0_i32, %c0_i32_0 : i32, i32
  }
  func.func @transform_10(%arg0: i32) -> (i32, i32, i32) {
    %c0_i32 = arith.constant 0 : i32
    %c0_i32_0 = arith.constant 0 : i32
    %c0_i32_1 = arith.constant 0 : i32
    return %arg0, %c0_i32, %c0_i32_0 : i32, i32, i32
  }
  func.func @transform_11(%arg0: i32) -> (i32, i32, i32) {
    %c0_i32 = arith.constant 0 : i32
    %c0_i32_0 = arith.constant 0 : i32
    %c0_i32_1 = arith.constant 0 : i32
    return %arg0, %c0_i32, %c0_i32_0 : i32, i32, i32
  }
  func.func @transform_12(%arg0: i32) -> (i32, i32, i32) {
    %c0_i32 = arith.constant 0 : i32
    %c0_i32_0 = arith.constant 0 : i32
    %c0_i32_1 = arith.constant 0 : i32
    return %arg0, %c0_i32, %c0_i32_0 : i32, i32, i32
  }
}

module attributes {stable_mosaic.version = 14 : i64} {
  func.func @_rconv_kernel(%arg0: i32, %arg1: i32, %arg2: memref<1x130x130x128xf32, #tpu.memory_space<vmem>>, %arg3: memref<9x128x128xf32, #tpu.memory_space<vmem>>, %arg4: memref<1x128xf32, #tpu.memory_space<vmem>>, %arg5: memref<1x8x128x128xf32, #tpu.memory_space<vmem>>, %arg6: memref<2x128xf32, #tpu.memory_space<vmem>>, %arg7: memref<2x128xf32, #tpu.memory_space<vmem>>) attributes {dimension_semantics = [#tpu.dimension_semantics<arbitrary>, #tpu.dimension_semantics<arbitrary>], iteration_bounds = array<i64: 2, 16>, scalar_prefetch = 0 : i64, scratch_operands = 1 : i64, tpu.core_type = #tpu.core_type<tc>, window_params = [{transform_indices = @transform_0, window_bounds = array<i64: 1, 130, 130, 128>}, {pipeline_mode = #tpu.pipeline_mode<synchronous>, transform_indices = @transform_1, window_bounds = array<i64: 9, 128, 128>}, {pipeline_mode = #tpu.pipeline_mode<synchronous>, transform_indices = @transform_2, window_bounds = array<i64: 1, 128>}, {transform_indices = @transform_3, window_bounds = array<i64: 1, 8, 128, 128>}, {pipeline_mode = #tpu.pipeline_mode<synchronous>, transform_indices = @transform_4, window_bounds = array<i64: 2, 128>}]} {
    %get3A = arith.constant 0 : index
    %get3A_0 = arith.constant 0 : index
    %get3A_1 = vector.load %arg4[%get3A, %get3A_0] : memref<1x128xf32, #tpu.memory_space<vmem>>, vector<1x128xf32>
    %get3A_2 = vector.shape_cast %get3A_1 : vector<1x128xf32> to vector<128xf32>
    %broadcast_in_dim3A = vector.shape_cast %get3A_2 : vector<128xf32> to vector<1x1x128xf32>
    %broadcast_in_dim3A_3 = vector.broadcast %broadcast_in_dim3A : vector<1x1x128xf32> to vector<8x128x128xf32>
    %mul3A = arith.constant 8 : i32
    %mul3A_4 = arith.muli %arg1, %mul3A : i32
    %add3A = arith.constant 0 : i32
    %add3A_5 = arith.addi %mul3A_4, %add3A : i32
    %get3A_6 = arith.constant 0 : index
    %get3A_7 = arith.index_cast %add3A_5 : i32 to index
    %get3A_8 = arith.constant 0 : index
    %get3A_9 = arith.constant 0 : index
    %get3A_10 = vector.load %arg2[%get3A_6, %get3A_7, %get3A_8, %get3A_9] : memref<1x130x130x128xf32, #tpu.memory_space<vmem>>, vector<1x8x128x128xf32>
    %get3A_11 = vector.shape_cast %get3A_10 : vector<1x8x128x128xf32> to vector<8x128x128xf32>
    %get3A_12 = arith.constant 0 : index
    %get3A_13 = arith.constant 0 : index
    %get3A_14 = arith.constant 0 : index
    %get3A_15 = vector.load %arg3[%get3A_12, %get3A_13, %get3A_14] : memref<9x128x128xf32, #tpu.memory_space<vmem>>, vector<1x128x128xf32>
    %get3A_16 = vector.shape_cast %get3A_15 : vector<1x128x128xf32> to vector<128x128xf32>
    %dot_general3A = arith.constant dense<0.000000e+00> : vector<8x128x128xf32>
    %dot_general3A_17 = tpu.matmul %get3A_11, %get3A_16, %dot_general3A {dimension_numbers = #tpu.dot_dimension_numbers<[2], [0], [0, 1], [1], [0, 0, 0, 1, 1, 1], [], []>, precision = #tpu.contract_precision<fp32>, transpose_lhs_hint = false} : vector<8x128x128xf32>, vector<128x128xf32>, vector<8x128x128xf32> -> vector<8x128x128xf32>
    %add3A_18 = arith.addf %broadcast_in_dim3A_3, %dot_general3A_17 : vector<8x128x128xf32>
    %mul3A_19 = arith.constant 8 : i32
    %mul3A_20 = arith.muli %arg1, %mul3A_19 : i32
    %add3A_21 = arith.constant 0 : i32
    %add3A_22 = arith.addi %mul3A_20, %add3A_21 : i32
    %get3A_23 = arith.constant 0 : index
    %get3A_24 = arith.index_cast %add3A_22 : i32 to index
    %get3A_25 = arith.constant 1 : index
    %get3A_26 = arith.constant 0 : index
    %get3A_27 = vector.load %arg2[%get3A_23, %get3A_24, %get3A_25, %get3A_26] : memref<1x130x130x128xf32, #tpu.memory_space<vmem>>, vector<1x8x128x128xf32>
    %get3A_28 = vector.shape_cast %get3A_27 : vector<1x8x128x128xf32> to vector<8x128x128xf32>
    %get3A_29 = arith.constant 1 : index
    %get3A_30 = arith.constant 0 : index
    %get3A_31 = arith.constant 0 : index
    %get3A_32 = vector.load %arg3[%get3A_29, %get3A_30, %get3A_31] : memref<9x128x128xf32, #tpu.memory_space<vmem>>, vector<1x128x128xf32>
    %get3A_33 = vector.shape_cast %get3A_32 : vector<1x128x128xf32> to vector<128x128xf32>
    %dot_general3A_34 = arith.constant dense<0.000000e+00> : vector<8x128x128xf32>
    %dot_general3A_35 = tpu.matmul %get3A_28, %get3A_33, %dot_general3A_34 {dimension_numbers = #tpu.dot_dimension_numbers<[2], [0], [0, 1], [1], [0, 0, 0, 1, 1, 1], [], []>, precision = #tpu.contract_precision<fp32>, transpose_lhs_hint = false} : vector<8x128x128xf32>, vector<128x128xf32>, vector<8x128x128xf32> -> vector<8x128x128xf32>
    %add3A_36 = arith.addf %add3A_18, %dot_general3A_35 : vector<8x128x128xf32>
    %mul3A_37 = arith.constant 8 : i32
    %mul3A_38 = arith.muli %arg1, %mul3A_37 : i32
    %add3A_39 = arith.constant 0 : i32
    %add3A_40 = arith.addi %mul3A_38, %add3A_39 : i32
    %get3A_41 = arith.constant 0 : index
    %get3A_42 = arith.index_cast %add3A_40 : i32 to index
    %get3A_43 = arith.constant 2 : index
    %get3A_44 = arith.constant 0 : index
    %get3A_45 = vector.load %arg2[%get3A_41, %get3A_42, %get3A_43, %get3A_44] : memref<1x130x130x128xf32, #tpu.memory_space<vmem>>, vector<1x8x128x128xf32>
    %get3A_46 = vector.shape_cast %get3A_45 : vector<1x8x128x128xf32> to vector<8x128x128xf32>
    %get3A_47 = arith.constant 2 : index
    %get3A_48 = arith.constant 0 : index
    %get3A_49 = arith.constant 0 : index
    %get3A_50 = vector.load %arg3[%get3A_47, %get3A_48, %get3A_49] : memref<9x128x128xf32, #tpu.memory_space<vmem>>, vector<1x128x128xf32>
    %get3A_51 = vector.shape_cast %get3A_50 : vector<1x128x128xf32> to vector<128x128xf32>
    %dot_general3A_52 = arith.constant dense<0.000000e+00> : vector<8x128x128xf32>
    %dot_general3A_53 = tpu.matmul %get3A_46, %get3A_51, %dot_general3A_52 {dimension_numbers = #tpu.dot_dimension_numbers<[2], [0], [0, 1], [1], [0, 0, 0, 1, 1, 1], [], []>, precision = #tpu.contract_precision<fp32>, transpose_lhs_hint = false} : vector<8x128x128xf32>, vector<128x128xf32>, vector<8x128x128xf32> -> vector<8x128x128xf32>
    %add3A_54 = arith.addf %add3A_36, %dot_general3A_53 : vector<8x128x128xf32>
    %mul3A_55 = arith.constant 8 : i32
    %mul3A_56 = arith.muli %arg1, %mul3A_55 : i32
    %add3A_57 = arith.constant 1 : i32
    %add3A_58 = arith.addi %mul3A_56, %add3A_57 : i32
    %get3A_59 = arith.constant 0 : index
    %get3A_60 = arith.index_cast %add3A_58 : i32 to index
    %get3A_61 = arith.constant 0 : index
    %get3A_62 = arith.constant 0 : index
    %get3A_63 = vector.load %arg2[%get3A_59, %get3A_60, %get3A_61, %get3A_62] : memref<1x130x130x128xf32, #tpu.memory_space<vmem>>, vector<1x8x128x128xf32>
    %get3A_64 = vector.shape_cast %get3A_63 : vector<1x8x128x128xf32> to vector<8x128x128xf32>
    %get3A_65 = arith.constant 3 : index
    %get3A_66 = arith.constant 0 : index
    %get3A_67 = arith.constant 0 : index
    %get3A_68 = vector.load %arg3[%get3A_65, %get3A_66, %get3A_67] : memref<9x128x128xf32, #tpu.memory_space<vmem>>, vector<1x128x128xf32>
    %get3A_69 = vector.shape_cast %get3A_68 : vector<1x128x128xf32> to vector<128x128xf32>
    %dot_general3A_70 = arith.constant dense<0.000000e+00> : vector<8x128x128xf32>
    %dot_general3A_71 = tpu.matmul %get3A_64, %get3A_69, %dot_general3A_70 {dimension_numbers = #tpu.dot_dimension_numbers<[2], [0], [0, 1], [1], [0, 0, 0, 1, 1, 1], [], []>, precision = #tpu.contract_precision<fp32>, transpose_lhs_hint = false} : vector<8x128x128xf32>, vector<128x128xf32>, vector<8x128x128xf32> -> vector<8x128x128xf32>
    %add3A_72 = arith.addf %add3A_54, %dot_general3A_71 : vector<8x128x128xf32>
    %mul3A_73 = arith.constant 8 : i32
    %mul3A_74 = arith.muli %arg1, %mul3A_73 : i32
    %add3A_75 = arith.constant 1 : i32
    %add3A_76 = arith.addi %mul3A_74, %add3A_75 : i32
    %get3A_77 = arith.constant 0 : index
    %get3A_78 = arith.index_cast %add3A_76 : i32 to index
    %get3A_79 = arith.constant 1 : index
    %get3A_80 = arith.constant 0 : index
    %get3A_81 = vector.load %arg2[%get3A_77, %get3A_78, %get3A_79, %get3A_80] : memref<1x130x130x128xf32, #tpu.memory_space<vmem>>, vector<1x8x128x128xf32>
    %get3A_82 = vector.shape_cast %get3A_81 : vector<1x8x128x128xf32> to vector<8x128x128xf32>
    %get3A_83 = arith.constant 4 : index
    %get3A_84 = arith.constant 0 : index
    %get3A_85 = arith.constant 0 : index
    %get3A_86 = vector.load %arg3[%get3A_83, %get3A_84, %get3A_85] : memref<9x128x128xf32, #tpu.memory_space<vmem>>, vector<1x128x128xf32>
    %get3A_87 = vector.shape_cast %get3A_86 : vector<1x128x128xf32> to vector<128x128xf32>
    %dot_general3A_88 = arith.constant dense<0.000000e+00> : vector<8x128x128xf32>
    %dot_general3A_89 = tpu.matmul %get3A_82, %get3A_87, %dot_general3A_88 {dimension_numbers = #tpu.dot_dimension_numbers<[2], [0], [0, 1], [1], [0, 0, 0, 1, 1, 1], [], []>, precision = #tpu.contract_precision<fp32>, transpose_lhs_hint = false} : vector<8x128x128xf32>, vector<128x128xf32>, vector<8x128x128xf32> -> vector<8x128x128xf32>
    %add3A_90 = arith.addf %add3A_72, %dot_general3A_89 : vector<8x128x128xf32>
    %mul3A_91 = arith.constant 8 : i32
    %mul3A_92 = arith.muli %arg1, %mul3A_91 : i32
    %add3A_93 = arith.constant 1 : i32
    %add3A_94 = arith.addi %mul3A_92, %add3A_93 : i32
    %get3A_95 = arith.constant 0 : index
    %get3A_96 = arith.index_cast %add3A_94 : i32 to index
    %get3A_97 = arith.constant 2 : index
    %get3A_98 = arith.constant 0 : index
    %get3A_99 = vector.load %arg2[%get3A_95, %get3A_96, %get3A_97, %get3A_98] : memref<1x130x130x128xf32, #tpu.memory_space<vmem>>, vector<1x8x128x128xf32>
    %get3A_100 = vector.shape_cast %get3A_99 : vector<1x8x128x128xf32> to vector<8x128x128xf32>
    %get3A_101 = arith.constant 5 : index
    %get3A_102 = arith.constant 0 : index
    %get3A_103 = arith.constant 0 : index
    %get3A_104 = vector.load %arg3[%get3A_101, %get3A_102, %get3A_103] : memref<9x128x128xf32, #tpu.memory_space<vmem>>, vector<1x128x128xf32>
    %get3A_105 = vector.shape_cast %get3A_104 : vector<1x128x128xf32> to vector<128x128xf32>
    %dot_general3A_106 = arith.constant dense<0.000000e+00> : vector<8x128x128xf32>
    %dot_general3A_107 = tpu.matmul %get3A_100, %get3A_105, %dot_general3A_106 {dimension_numbers = #tpu.dot_dimension_numbers<[2], [0], [0, 1], [1], [0, 0, 0, 1, 1, 1], [], []>, precision = #tpu.contract_precision<fp32>, transpose_lhs_hint = false} : vector<8x128x128xf32>, vector<128x128xf32>, vector<8x128x128xf32> -> vector<8x128x128xf32>
    %add3A_108 = arith.addf %add3A_90, %dot_general3A_107 : vector<8x128x128xf32>
    %mul3A_109 = arith.constant 8 : i32
    %mul3A_110 = arith.muli %arg1, %mul3A_109 : i32
    %add3A_111 = arith.constant 2 : i32
    %add3A_112 = arith.addi %mul3A_110, %add3A_111 : i32
    %get3A_113 = arith.constant 0 : index
    %get3A_114 = arith.index_cast %add3A_112 : i32 to index
    %get3A_115 = arith.constant 0 : index
    %get3A_116 = arith.constant 0 : index
    %get3A_117 = vector.load %arg2[%get3A_113, %get3A_114, %get3A_115, %get3A_116] : memref<1x130x130x128xf32, #tpu.memory_space<vmem>>, vector<1x8x128x128xf32>
    %get3A_118 = vector.shape_cast %get3A_117 : vector<1x8x128x128xf32> to vector<8x128x128xf32>
    %get3A_119 = arith.constant 6 : index
    %get3A_120 = arith.constant 0 : index
    %get3A_121 = arith.constant 0 : index
    %get3A_122 = vector.load %arg3[%get3A_119, %get3A_120, %get3A_121] : memref<9x128x128xf32, #tpu.memory_space<vmem>>, vector<1x128x128xf32>
    %get3A_123 = vector.shape_cast %get3A_122 : vector<1x128x128xf32> to vector<128x128xf32>
    %dot_general3A_124 = arith.constant dense<0.000000e+00> : vector<8x128x128xf32>
    %dot_general3A_125 = tpu.matmul %get3A_118, %get3A_123, %dot_general3A_124 {dimension_numbers = #tpu.dot_dimension_numbers<[2], [0], [0, 1], [1], [0, 0, 0, 1, 1, 1], [], []>, precision = #tpu.contract_precision<fp32>, transpose_lhs_hint = false} : vector<8x128x128xf32>, vector<128x128xf32>, vector<8x128x128xf32> -> vector<8x128x128xf32>
    %add3A_126 = arith.addf %add3A_108, %dot_general3A_125 : vector<8x128x128xf32>
    %mul3A_127 = arith.constant 8 : i32
    %mul3A_128 = arith.muli %arg1, %mul3A_127 : i32
    %add3A_129 = arith.constant 2 : i32
    %add3A_130 = arith.addi %mul3A_128, %add3A_129 : i32
    %get3A_131 = arith.constant 0 : index
    %get3A_132 = arith.index_cast %add3A_130 : i32 to index
    %get3A_133 = arith.constant 1 : index
    %get3A_134 = arith.constant 0 : index
    %get3A_135 = vector.load %arg2[%get3A_131, %get3A_132, %get3A_133, %get3A_134] : memref<1x130x130x128xf32, #tpu.memory_space<vmem>>, vector<1x8x128x128xf32>
    %get3A_136 = vector.shape_cast %get3A_135 : vector<1x8x128x128xf32> to vector<8x128x128xf32>
    %get3A_137 = arith.constant 7 : index
    %get3A_138 = arith.constant 0 : index
    %get3A_139 = arith.constant 0 : index
    %get3A_140 = vector.load %arg3[%get3A_137, %get3A_138, %get3A_139] : memref<9x128x128xf32, #tpu.memory_space<vmem>>, vector<1x128x128xf32>
    %get3A_141 = vector.shape_cast %get3A_140 : vector<1x128x128xf32> to vector<128x128xf32>
    %dot_general3A_142 = arith.constant dense<0.000000e+00> : vector<8x128x128xf32>
    %dot_general3A_143 = tpu.matmul %get3A_136, %get3A_141, %dot_general3A_142 {dimension_numbers = #tpu.dot_dimension_numbers<[2], [0], [0, 1], [1], [0, 0, 0, 1, 1, 1], [], []>, precision = #tpu.contract_precision<fp32>, transpose_lhs_hint = false} : vector<8x128x128xf32>, vector<128x128xf32>, vector<8x128x128xf32> -> vector<8x128x128xf32>
    %add3A_144 = arith.addf %add3A_126, %dot_general3A_143 : vector<8x128x128xf32>
    %mul3A_145 = arith.constant 8 : i32
    %mul3A_146 = arith.muli %arg1, %mul3A_145 : i32
    %add3A_147 = arith.constant 2 : i32
    %add3A_148 = arith.addi %mul3A_146, %add3A_147 : i32
    %get3A_149 = arith.constant 0 : index
    %get3A_150 = arith.index_cast %add3A_148 : i32 to index
    %get3A_151 = arith.constant 2 : index
    %get3A_152 = arith.constant 0 : index
    %get3A_153 = vector.load %arg2[%get3A_149, %get3A_150, %get3A_151, %get3A_152] : memref<1x130x130x128xf32, #tpu.memory_space<vmem>>, vector<1x8x128x128xf32>
    %get3A_154 = vector.shape_cast %get3A_153 : vector<1x8x128x128xf32> to vector<8x128x128xf32>
    %get3A_155 = arith.constant 8 : index
    %get3A_156 = arith.constant 0 : index
    %get3A_157 = arith.constant 0 : index
    %get3A_158 = vector.load %arg3[%get3A_155, %get3A_156, %get3A_157] : memref<9x128x128xf32, #tpu.memory_space<vmem>>, vector<1x128x128xf32>
    %get3A_159 = vector.shape_cast %get3A_158 : vector<1x128x128xf32> to vector<128x128xf32>
    %dot_general3A_160 = arith.constant dense<0.000000e+00> : vector<8x128x128xf32>
    %dot_general3A_161 = tpu.matmul %get3A_154, %get3A_159, %dot_general3A_160 {dimension_numbers = #tpu.dot_dimension_numbers<[2], [0], [0, 1], [1], [0, 0, 0, 1, 1, 1], [], []>, precision = #tpu.contract_precision<fp32>, transpose_lhs_hint = false} : vector<8x128x128xf32>, vector<128x128xf32>, vector<8x128x128xf32> -> vector<8x128x128xf32>
    %add3A_162 = arith.addf %add3A_144, %dot_general3A_161 : vector<8x128x128xf32>
    %swap3A = arith.constant 0 : index
    %swap3A_163 = arith.constant 0 : index
    %swap3A_164 = arith.constant 0 : index
    %swap3A_165 = arith.constant 0 : index
    %swap3A_166 = vector.load %arg5[%swap3A, %swap3A_163, %swap3A_164, %swap3A_165] : memref<1x8x128x128xf32, #tpu.memory_space<vmem>>, vector<1x8x128x128xf32>
    %swap3A_167 = vector.shape_cast %swap3A_166 : vector<1x8x128x128xf32> to vector<8x128x128xf32>
    %swap3A_168 = vector.shape_cast %add3A_162 : vector<8x128x128xf32> to vector<1x8x128x128xf32>
    tpu.vector_store %arg5[%swap3A, %swap3A_163, %swap3A_164, %swap3A_165], %swap3A_168 {strides = array<i32>} : memref<1x8x128x128xf32, #tpu.memory_space<vmem>>, vector<1x8x128x128xf32>,
    %eq3A = arith.constant 0 : i32
    %eq3A_169 = arith.cmpi eq, %arg0, %eq3A : i32
    %eq3A_170 = arith.constant 0 : i32
    %eq3A_171 = arith.cmpi eq, %arg1, %eq3A_170 : i32
    %and3A = arith.andi %eq3A_169, %eq3A_171 : i1
    %convert_element_type3A = arith.extui %and3A : i1 to i32
    %cond3A = arith.constant 0 : i32
    %cond3A_172 = arith.cmpi ne, %convert_element_type3A, %cond3A : i32
    scf.if %cond3A_172 {
      %broadcast_in_dim3A_201 = arith.constant 0.000000e+00 : f32
      %broadcast_in_dim3A_202 = vector.broadcast %broadcast_in_dim3A_201 : f32 to vector<2x128xf32>
      %swap3A_203 = arith.constant 0 : index
      %swap3A_204 = arith.constant 0 : index
      %swap3A_205 = vector.load %arg7[%swap3A_203, %swap3A_204] : memref<2x128xf32, #tpu.memory_space<vmem>>, vector<2x128xf32>
      tpu.vector_store %arg7[%swap3A_203, %swap3A_204], %broadcast_in_dim3A_202 {strides = array<i32>} : memref<2x128xf32, #tpu.memory_space<vmem>>, vector<2x128xf32>,
    } else {
    }
    %reshape3A = vector.shape_cast %add3A_162 : vector<8x128x128xf32> to vector<1024x128xf32>
    %get3A_173 = arith.constant 0 : index
    %get3A_174 = arith.constant 0 : index
    %get3A_175 = vector.load %arg7[%get3A_173, %get3A_174] : memref<2x128xf32, #tpu.memory_space<vmem>>, vector<1x128xf32>
    %reduce_sum3A = arith.constant dense<0.000000e+00> : vector<128xf32>
    %reduce_sum3A_176 = vector.multi_reduction <add>, %reshape3A, %reduce_sum3A [0] : vector<1024x128xf32> to vector<128xf32>
    %broadcast_in_dim3A_177 = vector.shape_cast %reduce_sum3A_176 : vector<128xf32> to vector<1x128xf32>
    %add3A_178 = arith.addf %get3A_175, %broadcast_in_dim3A_177 : vector<1x128xf32>
    %swap3A_179 = arith.constant 0 : index
    %swap3A_180 = arith.constant 0 : index
    %swap3A_181 = vector.load %arg7[%swap3A_179, %swap3A_180] : memref<2x128xf32, #tpu.memory_space<vmem>>, vector<1x128xf32>
    tpu.vector_store %arg7[%swap3A_179, %swap3A_180], %add3A_178 {strides = array<i32>} : memref<2x128xf32, #tpu.memory_space<vmem>>, vector<1x128xf32>,
    %get3A_182 = arith.constant 1 : index
    %get3A_183 = arith.constant 0 : index
    %get3A_184 = vector.load %arg7[%get3A_182, %get3A_183] : memref<2x128xf32, #tpu.memory_space<vmem>>, vector<1x128xf32>
    %mul3A_185 = arith.mulf %reshape3A, %reshape3A : vector<1024x128xf32>
    %reduce_sum3A_186 = arith.constant dense<0.000000e+00> : vector<128xf32>
    %reduce_sum3A_187 = vector.multi_reduction <add>, %mul3A_185, %reduce_sum3A_186 [0] : vector<1024x128xf32> to vector<128xf32>
    %broadcast_in_dim3A_188 = vector.shape_cast %reduce_sum3A_187 : vector<128xf32> to vector<1x128xf32>
    %add3A_189 = arith.addf %get3A_184, %broadcast_in_dim3A_188 : vector<1x128xf32>
    %swap3A_190 = arith.constant 1 : index
    %swap3A_191 = arith.constant 0 : index
    %swap3A_192 = vector.load %arg7[%swap3A_190, %swap3A_191] : memref<2x128xf32, #tpu.memory_space<vmem>>, vector<1x128xf32>
    tpu.vector_store %arg7[%swap3A_190, %swap3A_191], %add3A_189 {strides = array<i32>} : memref<2x128xf32, #tpu.memory_space<vmem>>, vector<1x128xf32>,
    %eq3A_193 = arith.constant 1 : i32
    %eq3A_194 = arith.cmpi eq, %arg0, %eq3A_193 : i32
    %eq3A_195 = arith.constant 15 : i32
    %eq3A_196 = arith.cmpi eq, %arg1, %eq3A_195 : i32
    %and3A_197 = arith.andi %eq3A_194, %eq3A_196 : i1
    %convert_element_type3A_198 = arith.extui %and3A_197 : i1 to i32
    %cond3A_199 = arith.constant 0 : i32
    %cond3A_200 = arith.cmpi ne, %convert_element_type3A_198, %cond3A_199 : i32
    scf.if %cond3A_200 {
      %get3A_201 = arith.constant 0 : index
      %get3A_202 = arith.constant 0 : index
      %get3A_203 = vector.load %arg7[%get3A_201, %get3A_202] : memref<2x128xf32, #tpu.memory_space<vmem>>, vector<2x128xf32>
      %swap3A_204 = arith.constant 0 : index
      %swap3A_205 = arith.constant 0 : index
      %swap3A_206 = vector.load %arg6[%swap3A_204, %swap3A_205] : memref<2x128xf32, #tpu.memory_space<vmem>>, vector<2x128xf32>
      tpu.vector_store %arg6[%swap3A_204, %swap3A_205], %get3A_203 {strides = array<i32>} : memref<2x128xf32, #tpu.memory_space<vmem>>, vector<2x128xf32>,
    } else {
    }
    return
  }
  func.func @transform_0(%arg0: i32, %arg1: i32) -> (i32, i32, i32, i32) {
    %c0_i32 = arith.constant 0 : i32
    %c0_i32_0 = arith.constant 0 : i32
    %c0_i32_1 = arith.constant 0 : i32
    %c0_i32_2 = arith.constant 0 : i32
    return %arg0, %c0_i32, %c0_i32_0, %c0_i32_1 : i32, i32, i32, i32
  }
  func.func @transform_1(%arg0: i32, %arg1: i32) -> (i32, i32, i32) {
    %c0_i32 = arith.constant 0 : i32
    %c0_i32_0 = arith.constant 0 : i32
    %c0_i32_1 = arith.constant 0 : i32
    %c0_i32_2 = arith.constant 0 : i32
    return %c0_i32, %c0_i32_0, %c0_i32_1 : i32, i32, i32
  }
  func.func @transform_2(%arg0: i32, %arg1: i32) -> (i32, i32) {
    %c0_i32 = arith.constant 0 : i32
    %c0_i32_0 = arith.constant 0 : i32
    %c0_i32_1 = arith.constant 0 : i32
    return %c0_i32, %c0_i32_0 : i32, i32
  }
  func.func @transform_3(%arg0: i32, %arg1: i32) -> (i32, i32, i32, i32) {
    %c0_i32 = arith.constant 0 : i32
    %c0_i32_0 = arith.constant 0 : i32
    %c0_i32_1 = arith.constant 0 : i32
    return %arg0, %arg1, %c0_i32, %c0_i32_0 : i32, i32, i32, i32
  }
  func.func @transform_4(%arg0: i32, %arg1: i32) -> (i32, i32) {
    %c0_i32 = arith.constant 0 : i32
    %c0_i32_0 = arith.constant 0 : i32
    %c0_i32_1 = arith.constant 0 : i32
    return %c0_i32, %c0_i32_0 : i32, i32
  }
}

module attributes {stable_mosaic.version = 14 : i64} {
  func.func @_rnorm_kernel(%arg0: i32, %arg1: i32, %arg2: memref<1x8x128x128xf32, #tpu.memory_space<vmem>>, %arg3: memref<2x128xf32, #tpu.memory_space<vmem>>, %arg4: memref<1x128xf32, #tpu.memory_space<vmem>>, %arg5: memref<1x128xf32, #tpu.memory_space<vmem>>, %arg6: memref<1x8x128x128xf32, #tpu.memory_space<vmem>>) attributes {dimension_semantics = [#tpu.dimension_semantics<arbitrary>, #tpu.dimension_semantics<arbitrary>], iteration_bounds = array<i64: 2, 16>, scalar_prefetch = 0 : i64, scratch_operands = 0 : i64, tpu.core_type = #tpu.core_type<tc>, window_params = [{transform_indices = @transform_0, window_bounds = array<i64: 1, 8, 128, 128>}, {pipeline_mode = #tpu.pipeline_mode<synchronous>, transform_indices = @transform_1, window_bounds = array<i64: 2, 128>}, {pipeline_mode = #tpu.pipeline_mode<synchronous>, transform_indices = @transform_2, window_bounds = array<i64: 1, 128>}, {pipeline_mode = #tpu.pipeline_mode<synchronous>, transform_indices = @transform_3, window_bounds = array<i64: 1, 128>}, {transform_indices = @transform_4, window_bounds = array<i64: 1, 8, 128, 128>}]} {
    %get3A = arith.constant 0 : index
    %get3A_0 = arith.constant 0 : index
    %get3A_1 = vector.load %arg3[%get3A, %get3A_0] : memref<2x128xf32, #tpu.memory_space<vmem>>, vector<1x128xf32>
    %get3A_2 = vector.shape_cast %get3A_1 : vector<1x128xf32> to vector<128xf32>
    %div3A = arith.constant 3.276800e+04 : f32
    %div3A_3 = vector.broadcast %div3A : f32 to vector<128xf32>
    %div3A_4 = arith.divf %get3A_2, %div3A_3 : vector<128xf32>
    %get3A_5 = arith.constant 1 : index
    %get3A_6 = arith.constant 0 : index
    %get3A_7 = vector.load %arg3[%get3A_5, %get3A_6] : memref<2x128xf32, #tpu.memory_space<vmem>>, vector<1x128xf32>
    %get3A_8 = vector.shape_cast %get3A_7 : vector<1x128xf32> to vector<128xf32>
    %div3A_9 = arith.constant 3.276800e+04 : f32
    %div3A_10 = vector.broadcast %div3A_9 : f32 to vector<128xf32>
    %div3A_11 = arith.divf %get3A_8, %div3A_10 : vector<128xf32>
    %mul3A = arith.mulf %div3A_4, %div3A_4 : vector<128xf32>
    %sub3A = arith.subf %div3A_11, %mul3A : vector<128xf32>
    %get3A_12 = arith.constant 0 : index
    %get3A_13 = arith.constant 0 : index
    %get3A_14 = arith.constant 0 : index
    %get3A_15 = arith.constant 0 : index
    %get3A_16 = vector.load %arg2[%get3A_12, %get3A_13, %get3A_14, %get3A_15] : memref<1x8x128x128xf32, #tpu.memory_space<vmem>>, vector<1x8x128x128xf32>
    %get3A_17 = vector.shape_cast %get3A_16 : vector<1x8x128x128xf32> to vector<8x128x128xf32>
    %broadcast_in_dim3A = vector.shape_cast %div3A_4 : vector<128xf32> to vector<1x1x128xf32>
    %sub3A_18 = vector.broadcast %broadcast_in_dim3A : vector<1x1x128xf32> to vector<8x128x128xf32>
    %sub3A_19 = arith.subf %get3A_17, %sub3A_18 : vector<8x128x128xf32>
    %add3A = arith.constant 9.99999974E-6 : f32
    %add3A_20 = vector.broadcast %add3A : f32 to vector<128xf32>
    %add3A_21 = arith.addf %sub3A, %add3A_20 : vector<128xf32>
    %sqrt3A = math.sqrt %add3A_21 : vector<128xf32>
    %broadcast_in_dim3A_22 = vector.shape_cast %sqrt3A : vector<128xf32> to vector<1x1x128xf32>
    %div3A_23 = vector.broadcast %broadcast_in_dim3A_22 : vector<1x1x128xf32> to vector<8x128x128xf32>
    %div3A_24 = arith.divf %sub3A_19, %div3A_23 : vector<8x128x128xf32>
    %get3A_25 = arith.constant 0 : index
    %get3A_26 = arith.constant 0 : index
    %get3A_27 = vector.load %arg4[%get3A_25, %get3A_26] : memref<1x128xf32, #tpu.memory_space<vmem>>, vector<1x128xf32>
    %get3A_28 = vector.shape_cast %get3A_27 : vector<1x128xf32> to vector<128xf32>
    %broadcast_in_dim3A_29 = vector.shape_cast %get3A_28 : vector<128xf32> to vector<1x1x128xf32>
    %mul3A_30 = vector.broadcast %broadcast_in_dim3A_29 : vector<1x1x128xf32> to vector<8x128x128xf32>
    %mul3A_31 = arith.mulf %div3A_24, %mul3A_30 : vector<8x128x128xf32>
    %get3A_32 = arith.constant 0 : index
    %get3A_33 = arith.constant 0 : index
    %get3A_34 = vector.load %arg5[%get3A_32, %get3A_33] : memref<1x128xf32, #tpu.memory_space<vmem>>, vector<1x128xf32>
    %get3A_35 = vector.shape_cast %get3A_34 : vector<1x128xf32> to vector<128xf32>
    %broadcast_in_dim3A_36 = vector.shape_cast %get3A_35 : vector<128xf32> to vector<1x1x128xf32>
    %add3A_37 = vector.broadcast %broadcast_in_dim3A_36 : vector<1x1x128xf32> to vector<8x128x128xf32>
    %add3A_38 = arith.addf %mul3A_31, %add3A_37 : vector<8x128x128xf32>
    %mul3A_39 = arith.constant 5.000000e-01 : f32
    %mul3A_40 = vector.broadcast %mul3A_39 : f32 to vector<8x128x128xf32>
    %mul3A_41 = arith.mulf %mul3A_40, %add3A_38 : vector<8x128x128xf32>
    %sqrt3A_42 = arith.constant 2.000000e+00 : f32
    %sqrt3A_43 = math.sqrt %sqrt3A_42 : f32
    %div3A_44 = arith.constant 1.000000e+00 : f32
    %div3A_45 = arith.divf %div3A_44, %sqrt3A_43 : f32
    %mul3A_46 = vector.broadcast %div3A_45 : f32 to vector<8x128x128xf32>
    %mul3A_47 = arith.mulf %add3A_38, %mul3A_46 : vector<8x128x128xf32>
    %erf3A = math.erf %mul3A_47 : vector<8x128x128xf32>
    %add3A_48 = arith.constant 1.000000e+00 : f32
    %add3A_49 = vector.broadcast %add3A_48 : f32 to vector<8x128x128xf32>
    %add3A_50 = arith.addf %add3A_49, %erf3A : vector<8x128x128xf32>
    %mul3A_51 = arith.mulf %mul3A_41, %add3A_50 : vector<8x128x128xf32>
    %swap3A = arith.constant 0 : index
    %swap3A_52 = arith.constant 0 : index
    %swap3A_53 = arith.constant 0 : index
    %swap3A_54 = arith.constant 0 : index
    %swap3A_55 = vector.load %arg6[%swap3A, %swap3A_52, %swap3A_53, %swap3A_54] : memref<1x8x128x128xf32, #tpu.memory_space<vmem>>, vector<1x8x128x128xf32>
    %swap3A_56 = vector.shape_cast %swap3A_55 : vector<1x8x128x128xf32> to vector<8x128x128xf32>
    %swap3A_57 = vector.shape_cast %mul3A_51 : vector<8x128x128xf32> to vector<1x8x128x128xf32>
    tpu.vector_store %arg6[%swap3A, %swap3A_52, %swap3A_53, %swap3A_54], %swap3A_57 {strides = array<i32>} : memref<1x8x128x128xf32, #tpu.memory_space<vmem>>, vector<1x8x128x128xf32>,
    return
  }
  func.func @transform_0(%arg0: i32, %arg1: i32) -> (i32, i32, i32, i32) {
    %c0_i32 = arith.constant 0 : i32
    %c0_i32_0 = arith.constant 0 : i32
    %c0_i32_1 = arith.constant 0 : i32
    return %arg0, %arg1, %c0_i32, %c0_i32_0 : i32, i32, i32, i32
  }
  func.func @transform_1(%arg0: i32, %arg1: i32) -> (i32, i32) {
    %c0_i32 = arith.constant 0 : i32
    %c0_i32_0 = arith.constant 0 : i32
    %c0_i32_1 = arith.constant 0 : i32
    return %c0_i32, %c0_i32_0 : i32, i32
  }
  func.func @transform_2(%arg0: i32, %arg1: i32) -> (i32, i32) {
    %c0_i32 = arith.constant 0 : i32
    %c0_i32_0 = arith.constant 0 : i32
    %c0_i32_1 = arith.constant 0 : i32
    return %c0_i32, %c0_i32_0 : i32, i32
  }
  func.func @transform_3(%arg0: i32, %arg1: i32) -> (i32, i32) {
    %c0_i32 = arith.constant 0 : i32
    %c0_i32_0 = arith.constant 0 : i32
    %c0_i32_1 = arith.constant 0 : i32
    return %c0_i32, %c0_i32_0 : i32, i32
  }
  func.func @transform_4(%arg0: i32, %arg1: i32) -> (i32, i32, i32, i32) {
    %c0_i32 = arith.constant 0 : i32
    %c0_i32_0 = arith.constant 0 : i32
    %c0_i32_1 = arith.constant 0 : i32
    return %arg0, %arg1, %c0_i32, %c0_i32_0 : i32, i32, i32, i32
  }
}

</mosaic_0001>

<sc_bundles>
// kernel: kernel.9.cloned.1.call-start
scs
__scs_entry_jumppad:
0x0: {  	(pc) =	sbr.rel $0x88, $3  }
0x1: {  	(tag) =	ssettag $0x0;
	lr =	simm.s32 $0x1  }
0x2: {  	[smem:$0x3F8B] =	sst lr;
	_ =	strace $0xD0000000  }
0x3: {  	_ = 	snop  }
0x4: {  	_ = 	snop  }
0x5: {  	_ = 	snop  }
0x6: {  	_ = 	snop  }
0x7: {  	_ = 	snop  }
__scs_overlays_trampoline_lowered:
0x8: {  	[smem:$0x3F9A] =	sst s0  }
0x9: {  	[smem:$0x3F9B] =	sst s1  }
0xa: {  	[smem:$0x3F9C] =	sst s2  }
0xb: {  	[smem:$0x3F9D] =	sst s3  }
0xc: {  	[smem:$0x3F9E] =	sst s4  }
0xd: {  	[smem:$0x3F9F] =	sst s5  }
0xe: {  	[smem:$0x3FA0] =	sst s6  }
0xf: {  	[smem:$0x3FA1] =	sst s7  }
0x10: {  	[smem:$0x3FA2] =	sst s8  }
0x11: {  	[smem:$0x3FA3] =	sst s9;
	s0 =	simm.s32 @!p0 $0x0  }
0x12: {  	s1 =	sld [smem:$0x3F89];
	s0 =	simm.s32 @p0 $0x1  }
0x13: {  	[smem:$0x3FA4] =	sst s0;
	s0 =	simm.s32 @!p1 $0x0  }
0x14: {  	s2 =	sld [smem:$0x3F88];
	s0 =	simm.s32 @p1 $0x1  }
0x15: {  	[smem:$0x3FA5] =	sst s0;
	s0 =	simm.s32 @!p2 $0x0  }
0x16: {  	s3 =	sld [smem:$0x3FDB];
	s0 =	simm.s32 @p2 $0x1  }
0x17: {  	s4 =	simm.s32 $0x1BF5;
	[smem:$0x3FA7] =	sst s0  }
0x18: {  	s0 =	sld [smem:$0x3F8A];
	_ =	swait.ge [sflag:s4], $0x0  }
0x19: {  	s7 =	sld [smem:$0x3F8B]  }
0x1a: {  	s8 =	sadd.s32 $0xFFFFE003, lr  }
0x1b: {  	s9 =	sadd.s32 $0xFFFFFEF7, lr;
	s5 =	simm.s32 $0xFFFFFFFF;
	p2 =	slt.u32 s8, $0xFFFFF086  }
0x1c: {  	p1 =	slt.u32 s9, $0xF7A;
	s5 =	simm.s32 @!p2 $0x0  }
0x1d: {  	s5 =	simm.s32 @p1 $0x1;
	p0 =	seq.s32 s7, s2  }
0x1e: {  	s7 =	smul.u32 @!p0 $0xF7A, s2;
	p2 =	seq.s32 @!p0 s5, $0x0  }
0x1f: {  	s9 =	smul.u32 $0xF7A, s1;
	s8 =	simm.s32 @!p0 $0x1BF5;
	p2 =	por !p2, p0  }
0x20: {  	[sflag:s8] =	ssyncset.s32 @!p0 $0xFFFFF086;
	s6 =	sadd.s32 @!p0 s3, s7;
	s7 =	simm.s32 @!p0 $0x108  }
0x21: {  	s3 =	sadd.s32 s3, s9;
	s6 =	sadd.s32 @!p0 $0x88, s6;
	s7 =	simm.s32 @p2 $0x1082  }
0x22: {  	[simem:s7], [sflag:s8] =	dma.local @!p0 [hbm:s6], $0xF7A  }
0x23: {  	s9 =	sor.u32 $0xD0000000, s2;
	s6 =	simm.s32 $0x108;
	_ =	swait.ge @!p0 [sflag:s8], $0x0  }
0x24: {  	s3 =	sadd.s32 $0x88, s3;
	s6 =	simm.s32 @!p1 $0x1082;
	[sflag:s4] =	ssyncset.s32 $0xFFFFF086  }
0x25: {  	[simem:s6], [sflag:s4] =	dma.local [hbm:s3], $0xF7A  }
0x26: {  	[smem:$0x3F8B] =	sst s1;
	(tag) =	ssettag s2;
	_ =	strace s9  }
0x27: {  	s1 =	sld [smem:$0x3F9B]  }
0x28: {  	s2 =	sld [smem:$0x3F9C]  }
0x29: {  	s4 =	sld [smem:$0x3F9E]  }
0x2a: {  	p0 =	seq.s32 s5, $0x0;
	s5 =	sld [smem:$0x3F9F]  }
0x2b: {  	s6 =	sld [smem:$0x3FA0]  }
0x2c: {  	s7 =	sld [smem:$0x3FA1]  }
0x2d: {  	s3 =	simm.s32 $0x108;
	s8 =	sld [smem:$0x3FA2]  }
0x2e: {  	s3 =	simm.s32 @!p0 $0x1082;
	s9 =	sld [smem:$0x3FA3]  }
0x2f: {  	lr =	sadd.s32 s0, s3;
	s0 =	sld [smem:$0x3F9A]  }
0x30: {  	s3 =	sld [smem:$0x3F9D]  }
0x31: {  	[smem:$0x3FA6] =	sst s10  }
0x32: {  	s10 =	sld [smem:$0x3FA4];
	_ =	sdelay $0x3  }
0x33: {  	p0 =	seq.s32 s10, $0x1;
	s10 =	sld [smem:$0x3FA6];
	_ =	sdelay $0x3  }
0x34: {  	[smem:$0x3FA6] =	sst s10  }
0x35: {  	s10 =	sld [smem:$0x3FA5];
	_ =	sdelay $0x3  }
0x36: {  	p1 =	seq.s32 s10, $0x1;
	s10 =	sld [smem:$0x3FA6];
	_ =	sdelay $0x3  }
0x37: {  	[smem:$0x3FA6] =	sst s10  }
0x38: {  	s10 =	sld [smem:$0x3FA7]  }
0x39: {  	_ = 	snop;
	(pc) =	sbr.ind lr, $3  }
0x3a: {  	_ = 	snop  }
0x3b: {  	_ = 	snop  }
0x3c: {  	p2 =	seq.s32 s10, $0x1;
	s10 =	sld [smem:$0x3FA6]  }
0x3d: {  	_ =	shalt  }
0x3e: {  	_ =	shalt  }
0x3f: {  	_ =	shalt  }
0x40: {  	_ =	shalt  }
0x41: {  	_ =	shalt  }
0x42: {  	_ =	shalt  }
0x43: {  	_ =	shalt  }
0x44: {  	_ =	shalt  }
0x45: {  	_ =	shalt  }
0x46: {  	_ =	shalt  }
0x47: {  	_ =	shalt  }
0x48: {  	_ =	shalt  }
0x49: {  	_ =	shalt  }
0x4a: {  	_ =	shalt  }
0x4b: {  	_ =	shalt  }
0x4c: {  	_ =	shalt  }
0x4d: {  	_ =	shalt  }
0x4e: {  	_ =	shalt  }
0x4f: {  	_ =	shalt  }
0x50: {  	_ =	shalt  }
0x51: {  	_ =	shalt  }
0x52: {  	_ =	shalt  }
0x53: {  	_ =	shalt  }
0x54: {  	_ =	shalt  }
0x55: {  	_ =	shalt  }
0x56: {  	_ =	shalt  }
0x57: {  	_ =	shalt  }
0x58: {  	_ =	shalt  }
0x59: {  	_ =	shalt  }
0x5a: {  	_ =	shalt  }
0x5b: {  	_ =	shalt  }
0x5c: {  	_ =	shalt  }
0x5d: {  	_ =	shalt  }
0x5e: {  	_ =	shalt  }
0x5f: {  	_ =	shalt  }
0x60: {  	_ =	shalt  }
0x61: {  	_ =	shalt  }
0x62: {  	_ =	shalt  }
0x63: {  	_ =	shalt  }
0x64: {  	_ =	shalt  }
0x65: {  	_ =	shalt  }
0x66: {  	_ =	shalt  }
0x67: {  	_ =	shalt  }
0x68: {  	_ =	shalt  }
0x69: {  	_ =	shalt  }
0x6a: {  	_ =	shalt  }
0x6b: {  	_ =	shalt  }
0x6c: {  	_ =	shalt  }
0x6d: {  	_ =	shalt  }
0x6e: {  	_ =	shalt  }
0x6f: {  	_ =	shalt  }
0x70: {  	_ =	shalt  }
0x71: {  	_ =	shalt  }
0x72: {  	_ =	shalt  }
0x73: {  	_ =	shalt  }
0x74: {  	_ =	shalt  }
0x75: {  	_ =	shalt  }
0x76: {  	_ =	shalt  }
0x77: {  	_ =	shalt  }
0x78: {  	_ =	shalt  }
0x79: {  	_ =	shalt  }
0x7a: {  	_ =	shalt  }
0x7b: {  	_ =	shalt  }
0x7c: {  	_ =	shalt  }
0x7d: {  	_ =	shalt  }
0x7e: {  	_ =	shalt  }
0x7f: {  	_ =	shalt  }
0x80: {  	_ =	shalt  }
0x81: {  	_ =	shalt  }
0x82: {  	_ =	shalt  }
0x83: {  	_ =	shalt  }
0x84: {  	_ =	shalt  }
0x85: {  	_ =	shalt  }
0x86: {  	_ =	shalt  }
0x87: {  	_ =	shalt  }
.Lfunc_end0:
.L_simem_size_0:
called_computation_lowered:
.L_overlay_start_0:
0x88: {  	s2 =	sld [smem:$0x3FD9]  }
0x89: {  	s3 =	sld [smem:$0x3FFE];
	_ =	sdelay $0x1  }
0x8a: {  	s1 =	srdreg.scid  }
0x8b: {  	s0 =	sand.u32 $0x1, s1  }
0x8c: {  	s17 =	sshll.u32 s0, $0xA;
	s2 =	sadd.s32 s3, s2  }
0x8d: {  	s2 =	sadd.s32 s2, s17  }
0x8e: {  	[smem:$0x3FB2] =	sst s2  }
0x8f: {  	_ = 	snop  }
0x90: {  	s2 =	sld [smem:$0x3FD0];
	(tm) =	ssettm $0x1  }
0x91: {  	s18 =	sld [smem:$0x3FFB];
	_ =	sdelay $0x3  }
0x92: {  	_ =	strace s18  }
0x93: {  	s3 =	sld [smem:$0x3FFC];
	_ =	sdelay $0x3  }
0x94: {  	_ =	strace s3  }
0x95: {  	s3 =	sld [smem:$0x3FFD];
	_ =	sdelay $0x3  }
0x96: {  	_ =	strace s3  }
0x97: {  	_ =	strace $0x8FFFFFFF  }
0x98: {  	s19 =	sld [smem:$0x3FDB];
	_ =	sdelay $0x1  }
0x99: {  	s4 =	simm.s32 $_scs_section_size  }
0x9a: {  	s5 =	simm.s32 $_size__tile_overlayer_lowered;
	s6 =	simm.s32 $_tile_overlayer_lowered  }
0x9b: {  	s22 =	simm.s32 $0x1BFF;
	s21 =	sshll.u32 s6, $0x1;
	s3 =	sadd.s32 s4, s19  }
0x9c: {  	s7 =	simm.s32 $0x0;
	s20 =	sshll.u32 s5, $0x1;
	s5 =	sadd.s32 s21, s3  }
0x9d: {  	[timem:s7], [sflag:s22] =	dma.local [hbm:s5], s20  }
0x9e: {  	_ =	swait.ge [sflag:s22], s20  }
0x9f: {  	s4 =	ssub.s32 $0x0, s20;
	[sflag:s22] =	ssyncset.done $0x0  }
0xa0: {  	[sflag:s22] =	ssyncadd.s32 s4;
	_ =	sdelay $0x1  }
0xa1: {  	s23 =	simm.s32 $0x1B8B  }
0xa2: {  	_ =	swait.ge [sflag:s23], $0x1  }
0xa3: {  	[sflag:s23] =	ssyncset.done $0x0  }
0xa4: {  	s25 =	simm.s32 $0x1B8E;
	s24 =	sld [smem:$0x3FFE];
	[sflag:s23] =	ssyncadd.s32 $0xFFFFFFFF  }
0xa5: {  	s26 =	simm.s32 $execute0_lowered;
	[smem:$0x3FD2] =	sst s25  }
0xa6: {  	s5 =	sshll.u32 s26, $0x1;
	_ =	strace $0x80000046;
	[dreg:$0x1] =	wrdreg $0xFFFFFFFF  }
0xa7: {  	s28 =	simm.s32 $_size_execute0_lowered;
	s3 =	sadd.s32 s3, s5;
	[dreg:$0x0] =	wrdreg $0x0  }
0xa8: {  	s5 =	sshll.u32 s28, $0x1;
	[dreg:$0x2] =	wrdreg s3  }
0xa9: {  	[dreg:$0x3] =	wrdreg s5  }
0xaa: {  	[dreg:$0x4] =	wrdreg $0xC0  }
0xab: {  	_ =	task [dreg:s7], $0x5FFFF  }
0xac: {  	[dreg:$0x1] =	wrdreg $0xFFFFFFFF  }
0xad: {  	[dreg:$0x0] =	wrdreg $0x60  }
0xae: {  	[dreg:$0x2] =	wrdreg s24  }
0xaf: {  	[dreg:$0x3] =	wrdreg s2  }
0xb0: {  	[dreg:$0x4] =	wrdreg $0x9  }
0xb1: {  	_ =	task.clear_ibuf [dreg:s7], $0x5FFFF;
	_ =	strace $0x90000046  }
0xb2: {  	s29 =	simm.s32 $0x9;
	_ =	strace $0x80000048  }
0xb3: {  	_ =	swait.ge [sflag:s29], $0x1  }
0xb4: {  	[sflag:s29] =	ssyncadd.s32 $0xFFFFFFFF  }
0xb5: {  	_ =	strace $0x90000048  }
0xb6: {  	_ =	sfence  }
0xb7: {  	s30 =	sld [smem:$0x0];
	_ =	sdelay $0x2  }
0xb8: {  	s31 =	sshll.u32 s1, $0xD;
	s1 =	sshrl.u32 s1, $0x2  }
0xb9: {  	s3 =	sand.u32 $0x4000, s31;
	s1 =	sadd.s32 s1, s30  }
0xba: {  	s0 =	sor.u32 s3, s0;
	s1 =	sshll.u32 s1, $0x11  }
0xbb: {  	s0 =	sor.u32 s1, s0  }
0xbc: {  	s0 =	sadd.s32 $0x8F2B, s0  }
0xbd: {  	[sflag:s0] =	ssyncadd.remote.s32 $0x1  }
0xbe: {  	_ =	sfence.sel $0xFFFF  }
0xbf: {  	[dreg:$0x0] =	wrdreg $0xFFFFFFFF;
	(pc) =	sbr.abs _section_cstart, $3  }
0xc0: {  	[dreg:$0x1] =	wrdreg $0xFFFFFFFF  }
0xc1: {  	_ =	task.clear_ibuf [dreg:s7], $0x2FFFF;
	_ =	strace $0x9FFFFFFF  }
0xc2: {  	(tm) =	ssettm $0x7FFFFFFF  }
0xc3: {  	_ =	shalt  }
tec
execute0_lowered:
.L_overlay_start_1:
0x0: {  	(tag) =	ssettag $0x1  }
0x1: {  	s1 =	srdreg.scid  }
0x2: {  	s0 =	rddreg [dreg:$0x0];
	s18 =	stileid.u32;
	s2 =	sand.u32 $0x1, s1  }
0x3: {  	s5 =	sadd.s32 $0x2C00, s0;
	s8 =	sshrl.u32 s18, $0x1;
	s4 =	smul.u32 $0x6, s2  }
0x4: {  	s6 =	sshll.u32 s18, $0x9;
	s1 =	ssub.s32 $0x2, s2;
	s9 =	smul.u32 $0x210000, s2  }
0x5: {  	s10 =	smul.u32 $0x5800, s8;
	s7 =	sand.u32 $0x200, s6;
	s6 =	sshll.u32 s18, $0x2  }
0x6: {  	s21 =	sshll.u32 s8, $0x11;
	s18 =	sshll.u32 s18, $0x10;
	s8 =	sor.u32 $0x8, s8  }
0x7: {  	s3 =	sshrl.u32 s1, $0x1;
	s18 =	sand.u32 $0xE0000, s18;
	s19 =	smul.u32 $0x5800, s8  }
0x8: {  	s1 =	ssub.s32 s1, s3;
	s3 =	sor.u32 $0x1, s4;
	s4 =	sadd.s32 $0x2, s4  }
0x9: {  	s12 =	sadd.s32 s9, s10;
	s25 =	sadd.s32 $0x108000, s9;
	s11 =	smul.u32 $0x58000, s3  }
0xa: {  	s29 =	sadd.s32 $0x160000, s9;
	s17 =	sadd.s32 $0x1B8000, s9;
	s13 =	smul.u32 $0x58000, s4  }
0xb: {  	s12 =	sor.u32 s7, s12;
	s26 =	sadd.s32 s10, s25;
	s16 =	sadd.s32 s10, s29  }
0xc: {  	s9 =	sadd.s32 s9, s19;
	s25 =	sadd.s32 s19, s25;
	s12 =	sshrl.u32 s12, $0x3  }
0xd: {  	s16 =	sor.u32 s7, s16;
	s9 =	sor.u32 s7, s9;
	s14 =	sadd.s32 s10, s11  }
0xe: {  	s15 =	sadd.s32 s10, s13;
	s12 =	sadd.s32 s5, s12;
	s10 =	sadd.s32 s10, s17  }
0xf: {  	s20 =	sshrl.u32 s16, $0x3;
	s11 =	sadd.s32 s19, s11;
	s13 =	sadd.s32 s19, s13  }
0x10: {  	s9 =	sshrl.u32 s9, $0x3;
	s14 =	sor.u32 s7, s14;
	[dreg:$0x3] =	wrdreg s12  }
0x11: {  	s23 =	sor.u32 s7, s15;
	s10 =	sor.u32 s7, s10;
	s11 =	sor.u32 s7, s11  }
0x12: {  	s13 =	sor.u32 s7, s13;
	s9 =	sadd.s32 s5, s9;
	s15 =	sor.u32 $0x41, s6  }
0x13: {  	s22 =	sshrl.u32 s14, $0x3;
	s24 =	sshrl.u32 s23, $0x3;
	s10 =	sshrl.u32 s10, $0x3  }
0x14: {  	s11 =	sshrl.u32 s11, $0x3;
	[dreg:$0x9] =	wrdreg s9;
	s12 =	sadd.s32 s5, s22  }
0x15: {  	s14 =	sshll.u32 s8, $0x11;
	s10 =	sadd.s32 s5, s10;
	[dreg:$0x4] =	wrdreg s12  }
0x16: {  	s8 =	sshll.u32 s15, $0x7;
	s23 =	sadd.s32 s5, s11;
	[dreg:$0x8] =	wrdreg s10  }
0x17: {  	s12 =	sadd.s32 s5, s24;
	[dreg:$0xa] =	wrdreg s23;
	s24 =	sshrl.u32 s13, $0x3  }
0x18: {  	[dreg:$0x5] =	wrdreg s12;
	s12 =	sor.u32 s7, s26;
	s9 =	sadd.s32 s5, s24  }
0x19: {  	s26 =	sadd.s32 s19, s29;
	s29 =	sadd.s32 s19, s17;
	s17 =	sshll.u32 s15, $0xE  }
0x1a: {  	s19 =	sor.u32 $0x42, s6;
	s6 =	sor.u32 $0x43, s6;
	s12 =	sshrl.u32 s12, $0x3  }
0x1b: {  	[dreg:$0xb] =	wrdreg s9;
	s9 =	sor.u32 s7, s25;
	s11 =	sor.u32 s7, s26  }
0x1c: {  	s13 =	sor.u32 s7, s29;
	s26 =	smul.u32 $0x16000, s3;
	s29 =	smax.u32 s1, $0x1  }
0x1d: {  	s1 =	simm.s32 $0x400;
	s3 =	simm.s32 $0x1;
	s12 =	sadd.s32 s5, s12  }
0x1e: {  	s9 =	sshrl.u32 s9, $0x3;
	[dreg:$0x6] =	wrdreg s12;
	s12 =	sadd.s32 s5, s20  }
0x1f: {  	s11 =	sshrl.u32 s11, $0x3;
	s9 =	sadd.s32 s5, s9;
	[dreg:$0x7] =	wrdreg s12  }
0x20: {  	s13 =	sshrl.u32 s13, $0x3;
	s11 =	sadd.s32 s5, s11;
	[dreg:$0xc] =	wrdreg s9  }
0x21: {  	s5 =	sadd.s32 s5, s13;
	s12 =	sshll.u32 s2, $0x15;
	[dreg:$0xd] =	wrdreg s11  }
0x22: {  	s20 =	sshll.u32 s19, $0xE;
	[dreg:$0xe] =	wrdreg s5;
	s16 =	sor.u32 s12, s21  }
0x23: {  	s22 =	sor.u32 s12, s18;
	s5 =	sor.u32 s12, s14;
	s18 =	sor.u32 s17, s8  }
0x24: {  	s8 =	sshll.u32 s19, $0x7;
	s21 =	sshll.u32 s6, $0xE;
	s6 =	sshll.u32 s6, $0x7  }
0x25: {  	s10 =	sor.u32 s7, s16;
	s16 =	sor.u32 s22, s7;
	s5 =	sor.u32 s7, s5  }
0x26: {  	s8 =	sor.u32 s20, s8;
	s6 =	sor.u32 s21, s6;
	s22 =	rddreg [dreg:$0x1]  }
0x27: {  	s7 =	sand.u32 $0x1E0280, s18;
	s18 =	simm.s32 $0x0;
	s20 =	smul.u32 $0x84000, s2  }
0x28: {  	s10 =	sshrl.u32 s10, $0x3;
	s8 =	sand.u32 $0x1E0300, s8;
	s6 =	sand.u32 $0x1E0380, s6  }
0x29: {  	s7 =	sor.u32 s12, s7;
	s23 =	sshrl.u32 s16, $0x3;
	s5 =	sshrl.u32 s5, $0x3  }
0x2a: {  	[smem:$0x7FF] =	sst s18;
	s8 =	sor.u32 s12, s8;
	s6 =	sor.u32 s12, s6  }
0x2b: {  	s14 =	sadd.s32 s22, s10;
	s10 =	sadd.s32 s23, s22;
	s7 =	sshrl.u32 s7, $0x3  }
0x2c: {  	s15 =	sadd.s32 s22, s5;
	_ =	strace $0x80000047;
	[dreg:$0xf] =	wrdreg s26  }
0x2d: {  	s23 =	sadd.s32 $0x86C00, s0;
	[dreg:$0x10] =	wrdreg s29;
	s30 =	sadd.s32 $0x42000, s20  }
0x2e: {  	s31 =	sadd.s32 $0x58000, s20;
	s13 =	sadd.s32 $0x6E000, s20;
	s5 =	simm.s32 $0x0  }
0x2f: {  	s16 =	sadd.s32 s22, s7;
	s24 =	sshrl.u32 s8, $0x3;
	s25 =	sshrl.u32 s6, $0x3  }
0x30: {  	s26 =	sadd.s32 $0x20, s10;
	s28 =	sadd.s32 $0x30, s10;
	s17 =	sadd.s32 s22, s24  }
0x31: {  	s19 =	sadd.s32 s22, s25;
	s22 =	sadd.s32 $0xE5A00, s0;
	s24 =	smul.u32 $0x16000, s4  }
0x32: {  	v0 =	vimm.f32 $0.0e+00;
	s25 =	sadd.s32 $0x10, s10;
	s0 =	simm.s32 $0x200;
	s4 =	simm.s32 $0x2C00  }
.LBB2_1:
0x33: {  	s2 =	sand.u32 $0x70, s18;
	s29 =	sand.u32 $0x1FE00, s18  }
0x34: {  	s6 =	sor.u32 s2, s29  }
0x35: {  	[tilespmem:s6+$0x8580] =	vst v0  }
0x36: {  	[tilespmem:s6+$0x8400] =	vst v0  }
0x37: {  	[dreg:$0x11] =	wrdreg s5;
	s5 =	simm.s32 $0x0;
	s2 =	simm.s32 $0x10;
	[tilespmem:s6+$0x8480] =	vst v0  }
.LBB2_2:
0x38: {  	s7 =	sand.u32 $0x70, s2;
	[tilespmem:s6+$0x8500] =	vst v0;
	s5 =	sadd.s32 $0x40, s5;
	p0 =	sne.s32 s2, $0x4000  }
.Ltmp0:
0x39: {  	s2 =	sadd.s32 $0x10, s2;
	s6 =	sand.u32 $0x1FE00, s5;
	(pc) =	sbr.rel @p0 .LBB2_2-.Ltmp0, $4  }
0x3a: {  	s6 =	sor.u32 s7, s6  }
0x3b: {  	[tilespmem:s6+$0x8580] =	vst v0  }
0x3c: {  	[tilespmem:s6+$0x8400] =	vst v0  }
0x3d: {  	[tilespmem:s6+$0x8480] =	vst v0  }
0x3e: {  	[tilespmem:s6+$0x8500] =	vst v0;
	s2 =	rddreg [dreg:$0x3];
	s5 =	simm.s32 $0x5800  }
0x3f: {  	[tilespmem:s5], [sflag:$0x1] =	stream.strided.gather [hbm4b:s2+s0], $0x2C00, s1, s0, $0x38;
	[tilespmem:$0x18600] =	vst v63  }
0x40: {  	_ =	swait.ge [sflag:s3], $0x2C00  }
0x41: {  	[sflag:s3] =	ssyncset.done $0x0  }
0x42: {  	s6 =	simm.s32 $0x0;
	s7 =	simm.s32 $0x0;
	[sflag:s3] =	ssyncadd.s32 $0xFFFFD400  }
.LBB2_4:
0x43: {  	s2 =	sshrl.u32 s7, $0x1  }
0x44: {  	s2 =	smul.u32 $0x5800, s2  }
0x45: {  	s5 =	sshll.u32 s7, $0x9  }
0x46: {  	s5 =	sand.u32 $0x200, s5;
	s2 =	sadd.s32 s20, s2  }
0x47: {  	s2 =	sor.u32 s5, s2  }
0x48: {  	s2 =	sshrl.u32 s2, $0x3  }
0x49: {  	s29 =	sadd.s32 s23, s2  }
0x4a: {  	[tilespmem:s6], [sflag:$0x1] =	stream.strided.gather [hbm4b:s29+s0], $0x2C00, s1, s0, $0x38;
	[tilespmem:$0x18600] =	vst v63  }
0x4b: {  	_ =	swait.ge [sflag:s3], $0x2C00  }
0x4c: {  	[sflag:s3] =	ssyncset.done $0x0  }
0x4d: {  	s2 =	sadd.s32 s22, s2;
	[sflag:s3] =	ssyncadd.s32 $0xFFFFD400  }
0x4e: {  	[tilespmem:s4], [sflag:$0x1] =	stream.strided.gather [hbm4b:s2+s0], $0x2C00, s1, s0, $0x38;
	[tilespmem:$0x18600] =	vst v63  }
0x4f: {  	_ =	swait.ge [sflag:s3], $0x2C00  }
0x50: {  	[sflag:s3] =	ssyncset.done $0x0  }
0x51: {  	s8 =	simm.s32 $0x0;
	[sflag:s3] =	ssyncadd.s32 $0xFFFFD400  }
.LBB2_5:
0x52: {  	s2 =	simm.s32 $0x0  }
0x53: {  	s9 =	sshll.u32 s8, $0x7;
	s5 =	sand.u32 $0x3E00, s2  }
0x54: {  	s2 =	sand.u32 $0x70, s2;
	s10 =	sadd.s32 s9, s5  }
0x55: {  	s10 =	sor.u32 s2, s10  }
0x56: {  	v1 =	vld [tilespmem:s10+$0x0];
	_ =	sdelay $0x4  }
0x57: {  	v2 =	vxor.u32 $0x80000000, v1  }
0x58: {  	(xrf0) =	vmin.scan.msk.u32 $0xffff, v2;
	_ =	sdelay $0x5  }
0x59: {  	v2, _, _ =	vpop (xrf0)  }
0x5a: {  	(v2sf) =	vpush v2, $0xF;
	_ =	sdelay $0xe  }
0x5b: {  	s11 =	spop (v2sf)  }
0x5c: {  	p1 =	sgt.u32 s11, $0x80003FFF  }
0x5d: {  	v2 =	vld @!p1 [tilespmem:s10+$0x2C00];
	s5 =	sadd.s32 @!p1 s2, s5  }
0x5e: {  	v3 =	vshll.u32 @!p1 v1, $0x2;
	v4 =	vld @!p1 [tilespmem:s5+$0x5800]  }
0x5f: {  	v1 =	vand.u32 @!p1 $0x7F, v1;
	v3 =	vand.u32 @!p1 $0xFFFFFE00, v3  }
0x60: {  	v1 =	vor.u32 @!p1 v1, v3;
	_ =	sdelay $0x2  }
0x61: {  	v3 =	vmul.f32 @!p1 v4, v2  }
0x62: {  	s2 =	simm.s32 @!p1 $0x8400  }
0x63: {  	[tilespmem:v1+s2+$0x0] =	vst.idx.add.f32.msk @!p1 $0xffff, v3  }
0x64: {  	v3 =	vld @!p1 [tilespmem:s5+$0x5880];
	_ =	sdelay $0x1  }
0x65: {  	v4 =	vor.u32 @!p1 $0x80, v1;
	_ =	sdelay $0x2  }
0x66: {  	v3 =	vmul.f32 @!p1 v3, v2;
	_ =	sdelay $0x1  }
0x67: {  	[tilespmem:v4+s2+$0x0] =	vst.idx.add.f32.msk @!p1 $0xffff, v3  }
0x68: {  	v3 =	vld @!p1 [tilespmem:s5+$0x5900];
	_ =	sdelay $0x1  }
0x69: {  	v4 =	vor.u32 @!p1 $0x100, v1;
	_ =	sdelay $0x2  }
0x6a: {  	v3 =	vmul.f32 @!p1 v3, v2;
	_ =	sdelay $0x1  }
0x6b: {  	[tilespmem:v4+s2+$0x0] =	vst.idx.add.f32.msk @!p1 $0xffff, v3  }
0x6c: {  	v3 =	vld @!p1 [tilespmem:s5+$0x5980];
	_ =	sdelay $0x1  }
0x6d: {  	v1 =	vor.u32 @!p1 $0x180, v1;
	_ =	sdelay $0x1  }
0x6e: {  	s10 =	simm.s32 $0x40  }
0x6f: {  	s21 =	simm.s32 $0x10;
	s29 =	sand.u32 $0x3E00, s10;
	v2 =	vmul.f32 @!p1 v3, v2  }
0x70: {  	s11 =	simm.s32 $0x20;
	s12 =	sadd.s32 s9, s29;
	s5 =	sand.u32 $0x70, s21  }
.LBB2_6:
0x71: {  	s21 =	sor.u32 s5, s12;
	[tilespmem:v1+s2+$0x0] =	vst.idx.add.f32.msk @!p1 $0xffff, v2;
	s12 =	smov.u32 s11;
	s11 =	sadd.s32 $0x10, s11  }
0x72: {  	p0 =	sne.s32 s11, $0xB00;
	v1 =	vld [tilespmem:s21+$0x0];
	_ =	sdelay $0x4  }
0x73: {  	v2 =	vxor.u32 $0x80000000, v1  }
0x74: {  	(xrf0) =	vmin.scan.msk.u32 $0xffff, v2;
	_ =	sdelay $0x5  }
0x75: {  	v2, _, _ =	vpop (xrf0)  }
0x76: {  	(v2sf) =	vpush v2, $0xF;
	_ =	sdelay $0xe  }
0x77: {  	s2 =	spop (v2sf)  }
0x78: {  	p1 =	sgt.u32 s2, $0x80003FFF  }
0x79: {  	v2 =	vld @!p1 [tilespmem:s21+$0x2C00];
	s5 =	sadd.s32 @!p1 s5, s29;
	v3 =	vand.u32 @!p1 $0x7F, v1;
	v1 =	vshll.u32 @!p1 v1, $0x2  }
0x7a: {  	v4 =	vld @!p1 [tilespmem:s5+$0x5800];
	v1 =	vand.u32 @!p1 $0xFFFFFE00, v1  }
0x7b: {  	v3 =	vor.u32 @!p1 v3, v1  }
0x7c: {  	v5 =	vor.u32 @!p1 $0x80, v3;
	v6 =	vor.u32 @!p1 $0x100, v3;
	v1 =	vor.u32 @!p1 $0x180, v3;
	_ =	sdelay $0x2  }
0x7d: {  	v4 =	vmul.f32 @!p1 v4, v2  }
0x7e: {  	s2 =	simm.s32 @!p1 $0x8400  }
0x7f: {  	[tilespmem:v3+s2+$0x0] =	vst.idx.add.f32.msk @!p1 $0xffff, v4  }
0x80: {  	v3 =	vld @!p1 [tilespmem:s5+$0x5880];
	_ =	sdelay $0x4  }
0x81: {  	v3 =	vmul.f32 @!p1 v3, v2;
	_ =	sdelay $0x1  }
0x82: {  	[tilespmem:v5+s2+$0x0] =	vst.idx.add.f32.msk @!p1 $0xffff, v3  }
0x83: {  	v3 =	vld @!p1 [tilespmem:s5+$0x5900];
	_ =	sdelay $0x4  }
0x84: {  	v3 =	vmul.f32 @!p1 v3, v2;
	_ =	sdelay $0x1  }
0x85: {  	[tilespmem:v6+s2+$0x0] =	vst.idx.add.f32.msk @!p1 $0xffff, v3  }
0x86: {  	v3 =	vld @!p1 [tilespmem:s5+$0x5980];
	_ =	sdelay $0x1  }
.Ltmp1:
0x87: {  	(pc) =	sbr.rel @p0 .LBB2_6-.Ltmp1, $4  }
0x88: {  	_ = 	snop  }
0x89: {  	s10 =	sadd.s32 $0x40, s10  }
0x8a: {  	s29 =	sand.u32 $0x3E00, s10;
	v2 =	vmul.f32 @!p1 v3, v2  }
0x8b: {  	s5 =	sand.u32 $0x70, s12;
	s12 =	sadd.s32 s9, s29  }
0x8c: {  	_ =	sdelay $0x3  }
0x8d: {  	s9 =	sor.u32 s5, s12;
	[tilespmem:v1+s2+$0x0] =	vst.idx.add.f32.msk @!p1 $0xffff, v2  }
0x8e: {  	v1 =	vld [tilespmem:s9+$0x0];
	_ =	sdelay $0x4  }
0x8f: {  	v2 =	vxor.u32 $0x80000000, v1  }
0x90: {  	(xrf0) =	vmin.scan.msk.u32 $0xffff, v2;
	_ =	sdelay $0x5  }
0x91: {  	v2, _, _ =	vpop (xrf0)  }
0x92: {  	(v2sf) =	vpush v2, $0xF;
	_ =	sdelay $0xe  }
0x93: {  	s21 =	spop (v2sf)  }
0x94: {  	p0 =	sgt.u32 s21, $0x80003FFF  }
0x95: {  	v2 =	vld @!p0 [tilespmem:s9+$0x2C00];
	s2 =	sadd.s32 @!p0 s5, s29  }
0x96: {  	v3 =	vshll.u32 @!p0 v1, $0x2;
	v4 =	vld @!p0 [tilespmem:s2+$0x5800]  }
0x97: {  	v1 =	vand.u32 @!p0 $0x7F, v1;
	v3 =	vand.u32 @!p0 $0xFFFFFE00, v3  }
0x98: {  	v1 =	vor.u32 @!p0 v1, v3;
	_ =	sdelay $0x2  }
0x99: {  	v3 =	vmul.f32 @!p0 v4, v2  }
0x9a: {  	s5 =	simm.s32 @!p0 $0x8400  }
0x9b: {  	[tilespmem:v1+s5+$0x0] =	vst.idx.add.f32.msk @!p0 $0xffff, v3  }
0x9c: {  	v3 =	vld @!p0 [tilespmem:s2+$0x5880];
	_ =	sdelay $0x1  }
0x9d: {  	v4 =	vor.u32 @!p0 $0x80, v1;
	_ =	sdelay $0x2  }
0x9e: {  	v3 =	vmul.f32 @!p0 v3, v2;
	_ =	sdelay $0x1  }
0x9f: {  	[tilespmem:v4+s5+$0x0] =	vst.idx.add.f32.msk @!p0 $0xffff, v3  }
0xa0: {  	v3 =	vld @!p0 [tilespmem:s2+$0x5900];
	_ =	sdelay $0x1  }
0xa1: {  	v4 =	vor.u32 @!p0 $0x100, v1;
	_ =	sdelay $0x2  }
0xa2: {  	v3 =	vmul.f32 @!p0 v3, v2;
	_ =	sdelay $0x1  }
0xa3: {  	[tilespmem:v4+s5+$0x0] =	vst.idx.add.f32.msk @!p0 $0xffff, v3  }
0xa4: {  	v3 =	vld @!p0 [tilespmem:s2+$0x5980]  }
0xa5: {  	s8 =	sadd.s32 $0x1, s8  }
0xa6: {  	p1 =	sne.s32 s8, $0x4;
	v1 =	vor.u32 @!p0 $0x180, v1  }
.Ltmp2:
0xa7: {  	_ = 	snop;
	(pc) =	sbr.rel @p1 .LBB2_5-.Ltmp2, $3  }
0xa8: {  	_ = 	snop  }
0xa9: {  	v2 =	vmul.f32 @!p0 v3, v2;
	_ =	sdelay $0x1  }
0xaa: {  	[tilespmem:v1+s5+$0x0] =	vst.idx.add.f32.msk @!p0 $0xffff, v2  }
0xab: {  	s7 =	sadd.s32 $0x1, s7  }
0xac: {  	p0 =	sne.s32 s7, $0x8  }
.Ltmp3:
0xad: {  	_ = 	snop;
	(pc) =	sbr.rel @p0 .LBB2_4-.Ltmp3, $1  }
0xae: {  	_ =	sdelay $0x3  }
0xaf: {  	s2 =	rddreg [dreg:$0x4];
	s5 =	simm.s32 $0x5800  }
0xb0: {  	[tilespmem:s5], [sflag:$0x1] =	stream.strided.gather [hbm4b:s2+s0], $0x2C00, s1, s0, $0x38;
	[tilespmem:$0x18600] =	vst v63  }
0xb1: {  	_ =	swait.ge [sflag:s3], $0x2C00  }
0xb2: {  	[sflag:s3] =	ssyncset.done $0x0  }
0xb3: {  	s6 =	simm.s32 $0x0;
	s7 =	simm.s32 $0x0;
	[sflag:s3] =	ssyncadd.s32 $0xFFFFD400  }
.LBB2_10:
0xb4: {  	s2 =	sshrl.u32 s7, $0x1  }
0xb5: {  	s2 =	smul.u32 $0x5800, s2  }
0xb6: {  	s5 =	sshll.u32 s7, $0x9;
	s8 =	rddreg [dreg:$0xf]  }
0xb7: {  	s5 =	sand.u32 $0x200, s5;
	s2 =	sadd.s32 s8, s2  }
0xb8: {  	s2 =	sor.u32 s5, s2  }
0xb9: {  	s2 =	sshrl.u32 s2, $0x3  }
0xba: {  	s29 =	sadd.s32 s23, s2  }
0xbb: {  	[tilespmem:s6], [sflag:$0x1] =	stream.strided.gather [hbm4b:s29+s0], $0x2C00, s1, s0, $0x38;
	[tilespmem:$0x18600] =	vst v63  }
0xbc: {  	_ =	swait.ge [sflag:s3], $0x2C00  }
0xbd: {  	[sflag:s3] =	ssyncset.done $0x0  }
0xbe: {  	s2 =	sadd.s32 s22, s2;
	[sflag:s3] =	ssyncadd.s32 $0xFFFFD400  }
0xbf: {  	[tilespmem:s4], [sflag:$0x1] =	stream.strided.gather [hbm4b:s2+s0], $0x2C00, s1, s0, $0x38;
	[tilespmem:$0x18600] =	vst v63  }
0xc0: {  	_ =	swait.ge [sflag:s3], $0x2C00  }
0xc1: {  	[sflag:s3] =	ssyncset.done $0x0  }
0xc2: {  	s8 =	simm.s32 $0x0;
	[sflag:s3] =	ssyncadd.s32 $0xFFFFD400  }
.LBB2_11:
0xc3: {  	s2 =	simm.s32 $0x0  }
0xc4: {  	s9 =	sshll.u32 s8, $0x7;
	s5 =	sand.u32 $0x3E00, s2  }
0xc5: {  	s2 =	sand.u32 $0x70, s2;
	s10 =	sadd.s32 s9, s5  }
0xc6: {  	s10 =	sor.u32 s2, s10  }
0xc7: {  	v1 =	vld [tilespmem:s10+$0x0];
	_ =	sdelay $0x4  }
0xc8: {  	v2 =	vxor.u32 $0x80000000, v1  }
0xc9: {  	(xrf0) =	vmin.scan.msk.u32 $0xffff, v2;
	_ =	sdelay $0x5  }
0xca: {  	v2, _, _ =	vpop (xrf0)  }
0xcb: {  	(v2sf) =	vpush v2, $0xF;
	_ =	sdelay $0xe  }
0xcc: {  	s11 =	spop (v2sf)  }
0xcd: {  	p1 =	sgt.u32 s11, $0x80003FFF  }
0xce: {  	v2 =	vld @!p1 [tilespmem:s10+$0x2C00];
	s5 =	sadd.s32 @!p1 s2, s5  }
0xcf: {  	v3 =	vshll.u32 @!p1 v1, $0x2;
	v4 =	vld @!p1 [tilespmem:s5+$0x5800]  }
0xd0: {  	v1 =	vand.u32 @!p1 $0x7F, v1;
	v3 =	vand.u32 @!p1 $0xFFFFFE00, v3  }
0xd1: {  	v1 =	vor.u32 @!p1 v1, v3;
	_ =	sdelay $0x2  }
0xd2: {  	v3 =	vmul.f32 @!p1 v4, v2  }
0xd3: {  	s2 =	simm.s32 @!p1 $0x8400  }
0xd4: {  	[tilespmem:v1+s2+$0x0] =	vst.idx.add.f32.msk @!p1 $0xffff, v3  }
0xd5: {  	v3 =	vld @!p1 [tilespmem:s5+$0x5880];
	_ =	sdelay $0x1  }
0xd6: {  	v4 =	vor.u32 @!p1 $0x80, v1;
	_ =	sdelay $0x2  }
0xd7: {  	v3 =	vmul.f32 @!p1 v3, v2;
	_ =	sdelay $0x1  }
0xd8: {  	[tilespmem:v4+s2+$0x0] =	vst.idx.add.f32.msk @!p1 $0xffff, v3  }
0xd9: {  	v3 =	vld @!p1 [tilespmem:s5+$0x5900];
	_ =	sdelay $0x1  }
0xda: {  	v4 =	vor.u32 @!p1 $0x100, v1;
	_ =	sdelay $0x2  }
0xdb: {  	v3 =	vmul.f32 @!p1 v3, v2;
	_ =	sdelay $0x1  }
0xdc: {  	[tilespmem:v4+s2+$0x0] =	vst.idx.add.f32.msk @!p1 $0xffff, v3  }
0xdd: {  	v3 =	vld @!p1 [tilespmem:s5+$0x5980];
	_ =	sdelay $0x1  }
0xde: {  	v1 =	vor.u32 @!p1 $0x180, v1;
	_ =	sdelay $0x1  }
0xdf: {  	s10 =	simm.s32 $0x40  }
0xe0: {  	s21 =	simm.s32 $0x10;
	s29 =	sand.u32 $0x3E00, s10;
	v2 =	vmul.f32 @!p1 v3, v2  }
0xe1: {  	s11 =	simm.s32 $0x20;
	s12 =	sadd.s32 s9, s29;
	s5 =	sand.u32 $0x70, s21  }
.LBB2_12:
0xe2: {  	s21 =	sor.u32 s5, s12;
	[tilespmem:v1+s2+$0x0] =	vst.idx.add.f32.msk @!p1 $0xffff, v2;
	s12 =	smov.u32 s11;
	s11 =	sadd.s32 $0x10, s11  }
0xe3: {  	p0 =	sne.s32 s11, $0xB00;
	v1 =	vld [tilespmem:s21+$0x0];
	_ =	sdelay $0x4  }
0xe4: {  	v2 =	vxor.u32 $0x80000000, v1  }
0xe5: {  	(xrf0) =	vmin.scan.msk.u32 $0xffff, v2;
	_ =	sdelay $0x5  }
0xe6: {  	v2, _, _ =	vpop (xrf0)  }
0xe7: {  	(v2sf) =	vpush v2, $0xF;
	_ =	sdelay $0xe  }
0xe8: {  	s2 =	spop (v2sf)  }
0xe9: {  	p1 =	sgt.u32 s2, $0x80003FFF  }
0xea: {  	v2 =	vld @!p1 [tilespmem:s21+$0x2C00];
	s5 =	sadd.s32 @!p1 s5, s29;
	v3 =	vand.u32 @!p1 $0x7F, v1;
	v1 =	vshll.u32 @!p1 v1, $0x2  }
0xeb: {  	v4 =	vld @!p1 [tilespmem:s5+$0x5800];
	v1 =	vand.u32 @!p1 $0xFFFFFE00, v1  }
0xec: {  	v3 =	vor.u32 @!p1 v3, v1  }
0xed: {  	v5 =	vor.u32 @!p1 $0x80, v3;
	v6 =	vor.u32 @!p1 $0x100, v3;
	v1 =	vor.u32 @!p1 $0x180, v3;
	_ =	sdelay $0x2  }
0xee: {  	v4 =	vmul.f32 @!p1 v4, v2  }
0xef: {  	s2 =	simm.s32 @!p1 $0x8400  }
0xf0: {  	[tilespmem:v3+s2+$0x0] =	vst.idx.add.f32.msk @!p1 $0xffff, v4  }
0xf1: {  	v3 =	vld @!p1 [tilespmem:s5+$0x5880];
	_ =	sdelay $0x4  }
0xf2: {  	v3 =	vmul.f32 @!p1 v3, v2;
	_ =	sdelay $0x1  }
0xf3: {  	[tilespmem:v5+s2+$0x0] =	vst.idx.add.f32.msk @!p1 $0xffff, v3  }
0xf4: {  	v3 =	vld @!p1 [tilespmem:s5+$0x5900];
	_ =	sdelay $0x4  }
0xf5: {  	v3 =	vmul.f32 @!p1 v3, v2;
	_ =	sdelay $0x1  }
0xf6: {  	[tilespmem:v6+s2+$0x0] =	vst.idx.add.f32.msk @!p1 $0xffff, v3  }
0xf7: {  	v3 =	vld @!p1 [tilespmem:s5+$0x5980];
	_ =	sdelay $0x1  }
.Ltmp4:
0xf8: {  	(pc) =	sbr.rel @p0 .LBB2_12-.Ltmp4, $4  }
0xf9: {  	_ = 	snop  }
0xfa: {  	s10 =	sadd.s32 $0x40, s10  }
0xfb: {  	s29 =	sand.u32 $0x3E00, s10;
	v2 =	vmul.f32 @!p1 v3, v2  }
0xfc: {  	s5 =	sand.u32 $0x70, s12;
	s12 =	sadd.s32 s9, s29  }
0xfd: {  	_ =	sdelay $0x3  }
0xfe: {  	s9 =	sor.u32 s5, s12;
	[tilespmem:v1+s2+$0x0] =	vst.idx.add.f32.msk @!p1 $0xffff, v2  }
0xff: {  	v1 =	vld [tilespmem:s9+$0x0];
	_ =	sdelay $0x4  }
0x100: {  	v2 =	vxor.u32 $0x80000000, v1  }
0x101: {  	(xrf0) =	vmin.scan.msk.u32 $0xffff, v2;
	_ =	sdelay $0x5  }
0x102: {  	v2, _, _ =	vpop (xrf0)  }
0x103: {  	(v2sf) =	vpush v2, $0xF;
	_ =	sdelay $0xe  }
0x104: {  	s21 =	spop (v2sf)  }
0x105: {  	p0 =	sgt.u32 s21, $0x80003FFF  }
0x106: {  	v2 =	vld @!p0 [tilespmem:s9+$0x2C00];
	s2 =	sadd.s32 @!p0 s5, s29  }
0x107: {  	v3 =	vshll.u32 @!p0 v1, $0x2;
	v4 =	vld @!p0 [tilespmem:s2+$0x5800]  }
0x108: {  	v1 =	vand.u32 @!p0 $0x7F, v1;
	v3 =	vand.u32 @!p0 $0xFFFFFE00, v3  }
0x109: {  	v1 =	vor.u32 @!p0 v1, v3;
	_ =	sdelay $0x2  }
0x10a: {  	v3 =	vmul.f32 @!p0 v4, v2  }
0x10b: {  	s5 =	simm.s32 @!p0 $0x8400  }
0x10c: {  	[tilespmem:v1+s5+$0x0] =	vst.idx.add.f32.msk @!p0 $0xffff, v3  }
0x10d: {  	v3 =	vld @!p0 [tilespmem:s2+$0x5880];
	_ =	sdelay $0x1  }
0x10e: {  	v4 =	vor.u32 @!p0 $0x80, v1;
	_ =	sdelay $0x2  }
0x10f: {  	v3 =	vmul.f32 @!p0 v3, v2;
	_ =	sdelay $0x1  }
0x110: {  	[tilespmem:v4+s5+$0x0] =	vst.idx.add.f32.msk @!p0 $0xffff, v3  }
0x111: {  	v3 =	vld @!p0 [tilespmem:s2+$0x5900];
	_ =	sdelay $0x1  }
0x112: {  	v4 =	vor.u32 @!p0 $0x100, v1;
	_ =	sdelay $0x2  }
0x113: {  	v3 =	vmul.f32 @!p0 v3, v2;
	_ =	sdelay $0x1  }
0x114: {  	[tilespmem:v4+s5+$0x0] =	vst.idx.add.f32.msk @!p0 $0xffff, v3  }
0x115: {  	v3 =	vld @!p0 [tilespmem:s2+$0x5980]  }
0x116: {  	s8 =	sadd.s32 $0x1, s8  }
0x117: {  	p1 =	sne.s32 s8, $0x4;
	v1 =	vor.u32 @!p0 $0x180, v1  }
.Ltmp5:
0x118: {  	_ = 	snop;
	(pc) =	sbr.rel @p1 .LBB2_11-.Ltmp5, $3  }
0x119: {  	_ = 	snop  }
0x11a: {  	v2 =	vmul.f32 @!p0 v3, v2;
	_ =	sdelay $0x1  }
0x11b: {  	[tilespmem:v1+s5+$0x0] =	vst.idx.add.f32.msk @!p0 $0xffff, v2  }
0x11c: {  	s7 =	sadd.s32 $0x1, s7  }
0x11d: {  	p0 =	sne.s32 s7, $0x8  }
.Ltmp6:
0x11e: {  	_ = 	snop;
	(pc) =	sbr.rel @p0 .LBB2_10-.Ltmp6, $1  }
0x11f: {  	_ =	sdelay $0x3  }
0x120: {  	s2 =	rddreg [dreg:$0x5];
	s5 =	simm.s32 $0x5800  }
0x121: {  	[tilespmem:s5], [sflag:$0x1] =	stream.strided.gather [hbm4b:s2+s0], $0x2C00, s1, s0, $0x38;
	[tilespmem:$0x18600] =	vst v63  }
0x122: {  	_ =	swait.ge [sflag:s3], $0x2C00  }
0x123: {  	[sflag:s3] =	ssyncset.done $0x0  }
0x124: {  	s6 =	simm.s32 $0x0;
	s7 =	simm.s32 $0x0;
	[sflag:s3] =	ssyncadd.s32 $0xFFFFD400  }
.LBB2_16:
0x125: {  	s2 =	sshrl.u32 s7, $0x1  }
0x126: {  	s2 =	smul.u32 $0x5800, s2  }
0x127: {  	s5 =	sshll.u32 s7, $0x9  }
0x128: {  	s5 =	sand.u32 $0x200, s5;
	s2 =	sadd.s32 s24, s2  }
0x129: {  	s2 =	sor.u32 s5, s2  }
0x12a: {  	s2 =	sshrl.u32 s2, $0x3  }
0x12b: {  	s29 =	sadd.s32 s23, s2  }
0x12c: {  	[tilespmem:s6], [sflag:$0x1] =	stream.strided.gather [hbm4b:s29+s0], $0x2C00, s1, s0, $0x38;
	[tilespmem:$0x18600] =	vst v63  }
0x12d: {  	_ =	swait.ge [sflag:s3], $0x2C00  }
0x12e: {  	[sflag:s3] =	ssyncset.done $0x0  }
0x12f: {  	s2 =	sadd.s32 s22, s2;
	[sflag:s3] =	ssyncadd.s32 $0xFFFFD400  }
0x130: {  	[tilespmem:s4], [sflag:$0x1] =	stream.strided.gather [hbm4b:s2+s0], $0x2C00, s1, s0, $0x38;
	[tilespmem:$0x18600] =	vst v63  }
0x131: {  	_ =	swait.ge [sflag:s3], $0x2C00  }
0x132: {  	[sflag:s3] =	ssyncset.done $0x0  }
0x133: {  	s8 =	simm.s32 $0x0;
	[sflag:s3] =	ssyncadd.s32 $0xFFFFD400  }
.LBB2_17:
0x134: {  	s2 =	simm.s32 $0x0  }
0x135: {  	s9 =	sshll.u32 s8, $0x7;
	s5 =	sand.u32 $0x3E00, s2  }
0x136: {  	s2 =	sand.u32 $0x70, s2;
	s10 =	sadd.s32 s9, s5  }
0x137: {  	s10 =	sor.u32 s2, s10  }
0x138: {  	v1 =	vld [tilespmem:s10+$0x0];
	_ =	sdelay $0x4  }
0x139: {  	v2 =	vxor.u32 $0x80000000, v1  }
0x13a: {  	(xrf0) =	vmin.scan.msk.u32 $0xffff, v2;
	_ =	sdelay $0x5  }
0x13b: {  	v2, _, _ =	vpop (xrf0)  }
0x13c: {  	(v2sf) =	vpush v2, $0xF;
	_ =	sdelay $0xe  }
0x13d: {  	s11 =	spop (v2sf)  }
0x13e: {  	p1 =	sgt.u32 s11, $0x80003FFF  }
0x13f: {  	v2 =	vld @!p1 [tilespmem:s10+$0x2C00];
	s5 =	sadd.s32 @!p1 s2, s5  }
0x140: {  	v3 =	vshll.u32 @!p1 v1, $0x2;
	v4 =	vld @!p1 [tilespmem:s5+$0x5800]  }
0x141: {  	v1 =	vand.u32 @!p1 $0x7F, v1;
	v3 =	vand.u32 @!p1 $0xFFFFFE00, v3  }
0x142: {  	v1 =	vor.u32 @!p1 v1, v3;
	_ =	sdelay $0x2  }
0x143: {  	v3 =	vmul.f32 @!p1 v4, v2  }
0x144: {  	s2 =	simm.s32 @!p1 $0x8400  }
0x145: {  	[tilespmem:v1+s2+$0x0] =	vst.idx.add.f32.msk @!p1 $0xffff, v3  }
0x146: {  	v3 =	vld @!p1 [tilespmem:s5+$0x5880];
	_ =	sdelay $0x1  }
0x147: {  	v4 =	vor.u32 @!p1 $0x80, v1;
	_ =	sdelay $0x2  }
0x148: {  	v3 =	vmul.f32 @!p1 v3, v2;
	_ =	sdelay $0x1  }
0x149: {  	[tilespmem:v4+s2+$0x0] =	vst.idx.add.f32.msk @!p1 $0xffff, v3  }
0x14a: {  	v3 =	vld @!p1 [tilespmem:s5+$0x5900];
	_ =	sdelay $0x1  }
0x14b: {  	v4 =	vor.u32 @!p1 $0x100, v1;
	_ =	sdelay $0x2  }
0x14c: {  	v3 =	vmul.f32 @!p1 v3, v2;
	_ =	sdelay $0x1  }
0x14d: {  	[tilespmem:v4+s2+$0x0] =	vst.idx.add.f32.msk @!p1 $0xffff, v3  }
0x14e: {  	v3 =	vld @!p1 [tilespmem:s5+$0x5980];
	_ =	sdelay $0x1  }
0x14f: {  	v1 =	vor.u32 @!p1 $0x180, v1;
	_ =	sdelay $0x1  }
0x150: {  	s10 =	simm.s32 $0x40  }
0x151: {  	s21 =	simm.s32 $0x10;
	s29 =	sand.u32 $0x3E00, s10;
	v2 =	vmul.f32 @!p1 v3, v2  }
0x152: {  	s11 =	simm.s32 $0x20;
	s12 =	sadd.s32 s9, s29;
	s5 =	sand.u32 $0x70, s21  }
.LBB2_18:
0x153: {  	s21 =	sor.u32 s5, s12;
	[tilespmem:v1+s2+$0x0] =	vst.idx.add.f32.msk @!p1 $0xffff, v2;
	s12 =	smov.u32 s11;
	s11 =	sadd.s32 $0x10, s11  }
0x154: {  	p0 =	sne.s32 s11, $0xB00;
	v1 =	vld [tilespmem:s21+$0x0];
	_ =	sdelay $0x4  }
0x155: {  	v2 =	vxor.u32 $0x80000000, v1  }
0x156: {  	(xrf0) =	vmin.scan.msk.u32 $0xffff, v2;
	_ =	sdelay $0x5  }
0x157: {  	v2, _, _ =	vpop (xrf0)  }
0x158: {  	(v2sf) =	vpush v2, $0xF;
	_ =	sdelay $0xe  }
0x159: {  	s2 =	spop (v2sf)  }
0x15a: {  	p1 =	sgt.u32 s2, $0x80003FFF  }
0x15b: {  	v2 =	vld @!p1 [tilespmem:s21+$0x2C00];
	s5 =	sadd.s32 @!p1 s5, s29;
	v3 =	vand.u32 @!p1 $0x7F, v1;
	v1 =	vshll.u32 @!p1 v1, $0x2  }
0x15c: {  	v4 =	vld @!p1 [tilespmem:s5+$0x5800];
	v1 =	vand.u32 @!p1 $0xFFFFFE00, v1  }
0x15d: {  	v3 =	vor.u32 @!p1 v3, v1  }
0x15e: {  	v5 =	vor.u32 @!p1 $0x80, v3;
	v6 =	vor.u32 @!p1 $0x100, v3;
	v1 =	vor.u32 @!p1 $0x180, v3;
	_ =	sdelay $0x2  }
0x15f: {  	v4 =	vmul.f32 @!p1 v4, v2  }
0x160: {  	s2 =	simm.s32 @!p1 $0x8400  }
0x161: {  	[tilespmem:v3+s2+$0x0] =	vst.idx.add.f32.msk @!p1 $0xffff, v4  }
0x162: {  	v3 =	vld @!p1 [tilespmem:s5+$0x5880];
	_ =	sdelay $0x4  }
0x163: {  	v3 =	vmul.f32 @!p1 v3, v2;
	_ =	sdelay $0x1  }
0x164: {  	[tilespmem:v5+s2+$0x0] =	vst.idx.add.f32.msk @!p1 $0xffff, v3  }
0x165: {  	v3 =	vld @!p1 [tilespmem:s5+$0x5900];
	_ =	sdelay $0x4  }
0x166: {  	v3 =	vmul.f32 @!p1 v3, v2;
	_ =	sdelay $0x1  }
0x167: {  	[tilespmem:v6+s2+$0x0] =	vst.idx.add.f32.msk @!p1 $0xffff, v3  }
0x168: {  	v3 =	vld @!p1 [tilespmem:s5+$0x5980];
	_ =	sdelay $0x1  }
.Ltmp7:
0x169: {  	(pc) =	sbr.rel @p0 .LBB2_18-.Ltmp7, $4  }
0x16a: {  	_ = 	snop  }
0x16b: {  	s10 =	sadd.s32 $0x40, s10  }
0x16c: {  	s29 =	sand.u32 $0x3E00, s10;
	v2 =	vmul.f32 @!p1 v3, v2  }
0x16d: {  	s5 =	sand.u32 $0x70, s12;
	s12 =	sadd.s32 s9, s29  }
0x16e: {  	_ =	sdelay $0x3  }
0x16f: {  	s9 =	sor.u32 s5, s12;
	[tilespmem:v1+s2+$0x0] =	vst.idx.add.f32.msk @!p1 $0xffff, v2  }
0x170: {  	v1 =	vld [tilespmem:s9+$0x0];
	_ =	sdelay $0x4  }
0x171: {  	v2 =	vxor.u32 $0x80000000, v1  }
0x172: {  	(xrf0) =	vmin.scan.msk.u32 $0xffff, v2;
	_ =	sdelay $0x5  }
0x173: {  	v2, _, _ =	vpop (xrf0)  }
0x174: {  	(v2sf) =	vpush v2, $0xF;
	_ =	sdelay $0xe  }
0x175: {  	s21 =	spop (v2sf)  }
0x176: {  	p0 =	sgt.u32 s21, $0x80003FFF  }
0x177: {  	v2 =	vld @!p0 [tilespmem:s9+$0x2C00];
	s2 =	sadd.s32 @!p0 s5, s29  }
0x178: {  	v3 =	vshll.u32 @!p0 v1, $0x2;
	v4 =	vld @!p0 [tilespmem:s2+$0x5800]  }
0x179: {  	v1 =	vand.u32 @!p0 $0x7F, v1;
	v3 =	vand.u32 @!p0 $0xFFFFFE00, v3  }
0x17a: {  	v1 =	vor.u32 @!p0 v1, v3;
	_ =	sdelay $0x2  }
0x17b: {  	v3 =	vmul.f32 @!p0 v4, v2  }
0x17c: {  	s5 =	simm.s32 @!p0 $0x8400  }
0x17d: {  	[tilespmem:v1+s5+$0x0] =	vst.idx.add.f32.msk @!p0 $0xffff, v3  }
0x17e: {  	v3 =	vld @!p0 [tilespmem:s2+$0x5880];
	_ =	sdelay $0x1  }
0x17f: {  	v4 =	vor.u32 @!p0 $0x80, v1;
	_ =	sdelay $0x2  }
0x180: {  	v3 =	vmul.f32 @!p0 v3, v2;
	_ =	sdelay $0x1  }
0x181: {  	[tilespmem:v4+s5+$0x0] =	vst.idx.add.f32.msk @!p0 $0xffff, v3  }
0x182: {  	v3 =	vld @!p0 [tilespmem:s2+$0x5900];
	_ =	sdelay $0x1  }
0x183: {  	v4 =	vor.u32 @!p0 $0x100, v1;
	_ =	sdelay $0x2  }
0x184: {  	v3 =	vmul.f32 @!p0 v3, v2;
	_ =	sdelay $0x1  }
0x185: {  	[tilespmem:v4+s5+$0x0] =	vst.idx.add.f32.msk @!p0 $0xffff, v3  }
0x186: {  	v3 =	vld @!p0 [tilespmem:s2+$0x5980]  }
0x187: {  	s8 =	sadd.s32 $0x1, s8  }
0x188: {  	p1 =	sne.s32 s8, $0x4;
	v1 =	vor.u32 @!p0 $0x180, v1  }
.Ltmp8:
0x189: {  	_ = 	snop;
	(pc) =	sbr.rel @p1 .LBB2_17-.Ltmp8, $3  }
0x18a: {  	_ = 	snop  }
0x18b: {  	v2 =	vmul.f32 @!p0 v3, v2;
	_ =	sdelay $0x1  }
0x18c: {  	[tilespmem:v1+s5+$0x0] =	vst.idx.add.f32.msk @!p0 $0xffff, v2  }
0x18d: {  	s7 =	sadd.s32 $0x1, s7  }
0x18e: {  	p0 =	sne.s32 s7, $0x8  }
.Ltmp9:
0x18f: {  	_ = 	snop;
	(pc) =	sbr.rel @p0 .LBB2_16-.Ltmp9, $1  }
0x190: {  	_ =	sdelay $0x3  }
0x191: {  	s2 =	rddreg [dreg:$0x6];
	s5 =	simm.s32 $0x5800  }
0x192: {  	[tilespmem:s5], [sflag:$0x1] =	stream.strided.gather [hbm4b:s2+s0], $0x2C00, s1, s0, $0x38;
	[tilespmem:$0x18600] =	vst v63  }
0x193: {  	_ =	swait.ge [sflag:s3], $0x2C00  }
0x194: {  	[sflag:s3] =	ssyncset.done $0x0  }
0x195: {  	s6 =	simm.s32 $0x0;
	s7 =	simm.s32 $0x0;
	[sflag:s3] =	ssyncadd.s32 $0xFFFFD400  }
.LBB2_22:
0x196: {  	s2 =	sshrl.u32 s7, $0x1  }
0x197: {  	s2 =	smul.u32 $0x5800, s2  }
0x198: {  	s5 =	sshll.u32 s7, $0x9  }
0x199: {  	s5 =	sand.u32 $0x200, s5;
	s2 =	sadd.s32 s30, s2  }
0x19a: {  	s2 =	sor.u32 s5, s2  }
0x19b: {  	s2 =	sshrl.u32 s2, $0x3  }
0x19c: {  	s29 =	sadd.s32 s23, s2  }
0x19d: {  	[tilespmem:s6], [sflag:$0x1] =	stream.strided.gather [hbm4b:s29+s0], $0x2C00, s1, s0, $0x38;
	[tilespmem:$0x18600] =	vst v63  }
0x19e: {  	_ =	swait.ge [sflag:s3], $0x2C00  }
0x19f: {  	[sflag:s3] =	ssyncset.done $0x0  }
0x1a0: {  	s2 =	sadd.s32 s22, s2;
	[sflag:s3] =	ssyncadd.s32 $0xFFFFD400  }
0x1a1: {  	[tilespmem:s4], [sflag:$0x1] =	stream.strided.gather [hbm4b:s2+s0], $0x2C00, s1, s0, $0x38;
	[tilespmem:$0x18600] =	vst v63  }
0x1a2: {  	_ =	swait.ge [sflag:s3], $0x2C00  }
0x1a3: {  	[sflag:s3] =	ssyncset.done $0x0  }
0x1a4: {  	s8 =	simm.s32 $0x0;
	[sflag:s3] =	ssyncadd.s32 $0xFFFFD400  }
.LBB2_23:
0x1a5: {  	s2 =	simm.s32 $0x0  }
0x1a6: {  	s9 =	sshll.u32 s8, $0x7;
	s5 =	sand.u32 $0x3E00, s2  }
0x1a7: {  	s2 =	sand.u32 $0x70, s2;
	s10 =	sadd.s32 s9, s5  }
0x1a8: {  	s10 =	sor.u32 s2, s10  }
0x1a9: {  	v1 =	vld [tilespmem:s10+$0x0];
	_ =	sdelay $0x4  }
0x1aa: {  	v2 =	vxor.u32 $0x80000000, v1  }
0x1ab: {  	(xrf0) =	vmin.scan.msk.u32 $0xffff, v2;
	_ =	sdelay $0x5  }
0x1ac: {  	v2, _, _ =	vpop (xrf0)  }
0x1ad: {  	(v2sf) =	vpush v2, $0xF;
	_ =	sdelay $0xe  }
0x1ae: {  	s11 =	spop (v2sf)  }
0x1af: {  	p1 =	sgt.u32 s11, $0x80003FFF  }
0x1b0: {  	v2 =	vld @!p1 [tilespmem:s10+$0x2C00];
	s5 =	sadd.s32 @!p1 s2, s5  }
0x1b1: {  	v3 =	vshll.u32 @!p1 v1, $0x2;
	v4 =	vld @!p1 [tilespmem:s5+$0x5800]  }
0x1b2: {  	v1 =	vand.u32 @!p1 $0x7F, v1;
	v3 =	vand.u32 @!p1 $0xFFFFFE00, v3  }
0x1b3: {  	v1 =	vor.u32 @!p1 v1, v3;
	_ =	sdelay $0x2  }
0x1b4: {  	v3 =	vmul.f32 @!p1 v4, v2  }
0x1b5: {  	s2 =	simm.s32 @!p1 $0x8400  }
0x1b6: {  	[tilespmem:v1+s2+$0x0] =	vst.idx.add.f32.msk @!p1 $0xffff, v3  }
0x1b7: {  	v3 =	vld @!p1 [tilespmem:s5+$0x5880];
	_ =	sdelay $0x1  }
0x1b8: {  	v4 =	vor.u32 @!p1 $0x80, v1;
	_ =	sdelay $0x2  }
0x1b9: {  	v3 =	vmul.f32 @!p1 v3, v2;
	_ =	sdelay $0x1  }
0x1ba: {  	[tilespmem:v4+s2+$0x0] =	vst.idx.add.f32.msk @!p1 $0xffff, v3  }
0x1bb: {  	v3 =	vld @!p1 [tilespmem:s5+$0x5900];
	_ =	sdelay $0x1  }
0x1bc: {  	v4 =	vor.u32 @!p1 $0x100, v1;
	_ =	sdelay $0x2  }
0x1bd: {  	v3 =	vmul.f32 @!p1 v3, v2;
	_ =	sdelay $0x1  }
0x1be: {  	[tilespmem:v4+s2+$0x0] =	vst.idx.add.f32.msk @!p1 $0xffff, v3  }
0x1bf: {  	v3 =	vld @!p1 [tilespmem:s5+$0x5980];
	_ =	sdelay $0x1  }
0x1c0: {  	v1 =	vor.u32 @!p1 $0x180, v1;
	_ =	sdelay $0x1  }
0x1c1: {  	s10 =	simm.s32 $0x40  }
0x1c2: {  	s21 =	simm.s32 $0x10;
	s29 =	sand.u32 $0x3E00, s10;
	v2 =	vmul.f32 @!p1 v3, v2  }
0x1c3: {  	s11 =	simm.s32 $0x20;
	s12 =	sadd.s32 s9, s29;
	s5 =	sand.u32 $0x70, s21  }
.LBB2_24:
0x1c4: {  	s21 =	sor.u32 s5, s12;
	[tilespmem:v1+s2+$0x0] =	vst.idx.add.f32.msk @!p1 $0xffff, v2;
	s12 =	smov.u32 s11;
	s11 =	sadd.s32 $0x10, s11  }
0x1c5: {  	p0 =	sne.s32 s11, $0xB00;
	v1 =	vld [tilespmem:s21+$0x0];
	_ =	sdelay $0x4  }
0x1c6: {  	v2 =	vxor.u32 $0x80000000, v1  }
0x1c7: {  	(xrf0) =	vmin.scan.msk.u32 $0xffff, v2;
	_ =	sdelay $0x5  }
0x1c8: {  	v2, _, _ =	vpop (xrf0)  }
0x1c9: {  	(v2sf) =	vpush v2, $0xF;
	_ =	sdelay $0xe  }
0x1ca: {  	s2 =	spop (v2sf)  }
0x1cb: {  	p1 =	sgt.u32 s2, $0x80003FFF  }
0x1cc: {  	v2 =	vld @!p1 [tilespmem:s21+$0x2C00];
	s5 =	sadd.s32 @!p1 s5, s29;
	v3 =	vand.u32 @!p1 $0x7F, v1;
	v1 =	vshll.u32 @!p1 v1, $0x2  }
0x1cd: {  	v4 =	vld @!p1 [tilespmem:s5+$0x5800];
	v1 =	vand.u32 @!p1 $0xFFFFFE00, v1  }
0x1ce: {  	v3 =	vor.u32 @!p1 v3, v1  }
0x1cf: {  	v5 =	vor.u32 @!p1 $0x80, v3;
	v6 =	vor.u32 @!p1 $0x100, v3;
	v1 =	vor.u32 @!p1 $0x180, v3;
	_ =	sdelay $0x2  }
0x1d0: {  	v4 =	vmul.f32 @!p1 v4, v2  }
0x1d1: {  	s2 =	simm.s32 @!p1 $0x8400  }
0x1d2: {  	[tilespmem:v3+s2+$0x0] =	vst.idx.add.f32.msk @!p1 $0xffff, v4  }
0x1d3: {  	v3 =	vld @!p1 [tilespmem:s5+$0x5880];
	_ =	sdelay $0x4  }
0x1d4: {  	v3 =	vmul.f32 @!p1 v3, v2;
	_ =	sdelay $0x1  }
0x1d5: {  	[tilespmem:v5+s2+$0x0] =	vst.idx.add.f32.msk @!p1 $0xffff, v3  }
0x1d6: {  	v3 =	vld @!p1 [tilespmem:s5+$0x5900];
	_ =	sdelay $0x4  }
0x1d7: {  	v3 =	vmul.f32 @!p1 v3, v2;
	_ =	sdelay $0x1  }
0x1d8: {  	[tilespmem:v6+s2+$0x0] =	vst.idx.add.f32.msk @!p1 $0xffff, v3  }
0x1d9: {  	v3 =	vld @!p1 [tilespmem:s5+$0x5980];
	_ =	sdelay $0x1  }
.Ltmp10:
0x1da: {  	(pc) =	sbr.rel @p0 .LBB2_24-.Ltmp10, $4  }
0x1db: {  	_ = 	snop  }
0x1dc: {  	s10 =	sadd.s32 $0x40, s10  }
0x1dd: {  	s29 =	sand.u32 $0x3E00, s10;
	v2 =	vmul.f32 @!p1 v3, v2  }
0x1de: {  	s5 =	sand.u32 $0x70, s12;
	s12 =	sadd.s32 s9, s29  }
0x1df: {  	_ =	sdelay $0x3  }
0x1e0: {  	s9 =	sor.u32 s5, s12;
	[tilespmem:v1+s2+$0x0] =	vst.idx.add.f32.msk @!p1 $0xffff, v2  }
0x1e1: {  	v1 =	vld [tilespmem:s9+$0x0];
	_ =	sdelay $0x4  }
0x1e2: {  	v2 =	vxor.u32 $0x80000000, v1  }
0x1e3: {  	(xrf0) =	vmin.scan.msk.u32 $0xffff, v2;
	_ =	sdelay $0x5  }
0x1e4: {  	v2, _, _ =	vpop (xrf0)  }
0x1e5: {  	(v2sf) =	vpush v2, $0xF;
	_ =	sdelay $0xe  }
0x1e6: {  	s21 =	spop (v2sf)  }
0x1e7: {  	p0 =	sgt.u32 s21, $0x80003FFF  }
0x1e8: {  	v2 =	vld @!p0 [tilespmem:s9+$0x2C00];
	s2 =	sadd.s32 @!p0 s5, s29  }
0x1e9: {  	v3 =	vshll.u32 @!p0 v1, $0x2;
	v4 =	vld @!p0 [tilespmem:s2+$0x5800]  }
0x1ea: {  	v1 =	vand.u32 @!p0 $0x7F, v1;
	v3 =	vand.u32 @!p0 $0xFFFFFE00, v3  }
0x1eb: {  	v1 =	vor.u32 @!p0 v1, v3;
	_ =	sdelay $0x2  }
0x1ec: {  	v3 =	vmul.f32 @!p0 v4, v2  }
0x1ed: {  	s5 =	simm.s32 @!p0 $0x8400  }
0x1ee: {  	[tilespmem:v1+s5+$0x0] =	vst.idx.add.f32.msk @!p0 $0xffff, v3  }
0x1ef: {  	v3 =	vld @!p0 [tilespmem:s2+$0x5880];
	_ =	sdelay $0x1  }
0x1f0: {  	v4 =	vor.u32 @!p0 $0x80, v1;
	_ =	sdelay $0x2  }
0x1f1: {  	v3 =	vmul.f32 @!p0 v3, v2;
	_ =	sdelay $0x1  }
0x1f2: {  	[tilespmem:v4+s5+$0x0] =	vst.idx.add.f32.msk @!p0 $0xffff, v3  }
0x1f3: {  	v3 =	vld @!p0 [tilespmem:s2+$0x5900];
	_ =	sdelay $0x1  }
0x1f4: {  	v4 =	vor.u32 @!p0 $0x100, v1;
	_ =	sdelay $0x2  }
0x1f5: {  	v3 =	vmul.f32 @!p0 v3, v2;
	_ =	sdelay $0x1  }
0x1f6: {  	[tilespmem:v4+s5+$0x0] =	vst.idx.add.f32.msk @!p0 $0xffff, v3  }
0x1f7: {  	v3 =	vld @!p0 [tilespmem:s2+$0x5980]  }
0x1f8: {  	s8 =	sadd.s32 $0x1, s8  }
0x1f9: {  	p1 =	sne.s32 s8, $0x4;
	v1 =	vor.u32 @!p0 $0x180, v1  }
.Ltmp11:
0x1fa: {  	_ = 	snop;
	(pc) =	sbr.rel @p1 .LBB2_23-.Ltmp11, $3  }
0x1fb: {  	_ = 	snop  }
0x1fc: {  	v2 =	vmul.f32 @!p0 v3, v2;
	_ =	sdelay $0x1  }
0x1fd: {  	[tilespmem:v1+s5+$0x0] =	vst.idx.add.f32.msk @!p0 $0xffff, v2  }
0x1fe: {  	s7 =	sadd.s32 $0x1, s7  }
0x1ff: {  	p0 =	sne.s32 s7, $0x8  }
.Ltmp12:
0x200: {  	_ = 	snop;
	(pc) =	sbr.rel @p0 .LBB2_22-.Ltmp12, $1  }
0x201: {  	_ =	sdelay $0x3  }
0x202: {  	s2 =	rddreg [dreg:$0x7];
	s5 =	simm.s32 $0x5800  }
0x203: {  	[tilespmem:s5], [sflag:$0x1] =	stream.strided.gather [hbm4b:s2+s0], $0x2C00, s1, s0, $0x38;
	[tilespmem:$0x18600] =	vst v63  }
0x204: {  	_ =	swait.ge [sflag:s3], $0x2C00  }
0x205: {  	[sflag:s3] =	ssyncset.done $0x0  }
0x206: {  	s6 =	simm.s32 $0x0;
	s7 =	simm.s32 $0x0;
	[sflag:s3] =	ssyncadd.s32 $0xFFFFD400  }
.LBB2_28:
0x207: {  	s2 =	sshrl.u32 s7, $0x1  }
0x208: {  	s2 =	smul.u32 $0x5800, s2  }
0x209: {  	s5 =	sshll.u32 s7, $0x9  }
0x20a: {  	s5 =	sand.u32 $0x200, s5;
	s2 =	sadd.s32 s31, s2  }
0x20b: {  	s2 =	sor.u32 s5, s2  }
0x20c: {  	s2 =	sshrl.u32 s2, $0x3  }
0x20d: {  	s29 =	sadd.s32 s23, s2  }
0x20e: {  	[tilespmem:s6], [sflag:$0x1] =	stream.strided.gather [hbm4b:s29+s0], $0x2C00, s1, s0, $0x38;
	[tilespmem:$0x18600] =	vst v63  }
0x20f: {  	_ =	swait.ge [sflag:s3], $0x2C00  }
0x210: {  	[sflag:s3] =	ssyncset.done $0x0  }
0x211: {  	s2 =	sadd.s32 s22, s2;
	[sflag:s3] =	ssyncadd.s32 $0xFFFFD400  }
0x212: {  	[tilespmem:s4], [sflag:$0x1] =	stream.strided.gather [hbm4b:s2+s0], $0x2C00, s1, s0, $0x38;
	[tilespmem:$0x18600] =	vst v63  }
0x213: {  	_ =	swait.ge [sflag:s3], $0x2C00  }
0x214: {  	[sflag:s3] =	ssyncset.done $0x0  }
0x215: {  	s8 =	simm.s32 $0x0;
	[sflag:s3] =	ssyncadd.s32 $0xFFFFD400  }
.LBB2_29:
0x216: {  	s2 =	simm.s32 $0x0  }
0x217: {  	s9 =	sshll.u32 s8, $0x7;
	s5 =	sand.u32 $0x3E00, s2  }
0x218: {  	s2 =	sand.u32 $0x70, s2;
	s10 =	sadd.s32 s9, s5  }
0x219: {  	s10 =	sor.u32 s2, s10  }
0x21a: {  	v1 =	vld [tilespmem:s10+$0x0];
	_ =	sdelay $0x4  }
0x21b: {  	v2 =	vxor.u32 $0x80000000, v1  }
0x21c: {  	(xrf0) =	vmin.scan.msk.u32 $0xffff, v2;
	_ =	sdelay $0x5  }
0x21d: {  	v2, _, _ =	vpop (xrf0)  }
0x21e: {  	(v2sf) =	vpush v2, $0xF;
	_ =	sdelay $0xe  }
0x21f: {  	s11 =	spop (v2sf)  }
0x220: {  	p1 =	sgt.u32 s11, $0x80003FFF  }
0x221: {  	v2 =	vld @!p1 [tilespmem:s10+$0x2C00];
	s5 =	sadd.s32 @!p1 s2, s5  }
0x222: {  	v3 =	vshll.u32 @!p1 v1, $0x2;
	v4 =	vld @!p1 [tilespmem:s5+$0x5800]  }
0x223: {  	v1 =	vand.u32 @!p1 $0x7F, v1;
	v3 =	vand.u32 @!p1 $0xFFFFFE00, v3  }
0x224: {  	v1 =	vor.u32 @!p1 v1, v3;
	_ =	sdelay $0x2  }
0x225: {  	v3 =	vmul.f32 @!p1 v4, v2  }
0x226: {  	s2 =	simm.s32 @!p1 $0x8400  }
0x227: {  	[tilespmem:v1+s2+$0x0] =	vst.idx.add.f32.msk @!p1 $0xffff, v3  }
0x228: {  	v3 =	vld @!p1 [tilespmem:s5+$0x5880];
	_ =	sdelay $0x1  }
0x229: {  	v4 =	vor.u32 @!p1 $0x80, v1;
	_ =	sdelay $0x2  }
0x22a: {  	v3 =	vmul.f32 @!p1 v3, v2;
	_ =	sdelay $0x1  }
0x22b: {  	[tilespmem:v4+s2+$0x0] =	vst.idx.add.f32.msk @!p1 $0xffff, v3  }
0x22c: {  	v3 =	vld @!p1 [tilespmem:s5+$0x5900];
	_ =	sdelay $0x1  }
0x22d: {  	v4 =	vor.u32 @!p1 $0x100, v1;
	_ =	sdelay $0x2  }
0x22e: {  	v3 =	vmul.f32 @!p1 v3, v2;
	_ =	sdelay $0x1  }
0x22f: {  	[tilespmem:v4+s2+$0x0] =	vst.idx.add.f32.msk @!p1 $0xffff, v3  }
0x230: {  	v3 =	vld @!p1 [tilespmem:s5+$0x5980];
	_ =	sdelay $0x1  }
0x231: {  	v1 =	vor.u32 @!p1 $0x180, v1;
	_ =	sdelay $0x1  }
0x232: {  	s10 =	simm.s32 $0x40  }
0x233: {  	s21 =	simm.s32 $0x10;
	s29 =	sand.u32 $0x3E00, s10;
	v2 =	vmul.f32 @!p1 v3, v2  }
0x234: {  	s11 =	simm.s32 $0x20;
	s12 =	sadd.s32 s9, s29;
	s5 =	sand.u32 $0x70, s21  }
.LBB2_30:
0x235: {  	s21 =	sor.u32 s5, s12;
	[tilespmem:v1+s2+$0x0] =	vst.idx.add.f32.msk @!p1 $0xffff, v2;
	s12 =	smov.u32 s11;
	s11 =	sadd.s32 $0x10, s11  }
0x236: {  	p0 =	sne.s32 s11, $0xB00;
	v1 =	vld [tilespmem:s21+$0x0];
	_ =	sdelay $0x4  }
0x237: {  	v2 =	vxor.u32 $0x80000000, v1  }
0x238: {  	(xrf0) =	vmin.scan.msk.u32 $0xffff, v2;
	_ =	sdelay $0x5  }
0x239: {  	v2, _, _ =	vpop (xrf0)  }
0x23a: {  	(v2sf) =	vpush v2, $0xF;
	_ =	sdelay $0xe  }
0x23b: {  	s2 =	spop (v2sf)  }
0x23c: {  	p1 =	sgt.u32 s2, $0x80003FFF  }
0x23d: {  	v2 =	vld @!p1 [tilespmem:s21+$0x2C00];
	s5 =	sadd.s32 @!p1 s5, s29;
	v3 =	vand.u32 @!p1 $0x7F, v1;
	v1 =	vshll.u32 @!p1 v1, $0x2  }
0x23e: {  	v4 =	vld @!p1 [tilespmem:s5+$0x5800];
	v1 =	vand.u32 @!p1 $0xFFFFFE00, v1  }
0x23f: {  	v3 =	vor.u32 @!p1 v3, v1  }
0x240: {  	v5 =	vor.u32 @!p1 $0x80, v3;
	v6 =	vor.u32 @!p1 $0x100, v3;
	v1 =	vor.u32 @!p1 $0x180, v3;
	_ =	sdelay $0x2  }
0x241: {  	v4 =	vmul.f32 @!p1 v4, v2  }
0x242: {  	s2 =	simm.s32 @!p1 $0x8400  }
0x243: {  	[tilespmem:v3+s2+$0x0] =	vst.idx.add.f32.msk @!p1 $0xffff, v4  }
0x244: {  	v3 =	vld @!p1 [tilespmem:s5+$0x5880];
	_ =	sdelay $0x4  }
0x245: {  	v3 =	vmul.f32 @!p1 v3, v2;
	_ =	sdelay $0x1  }
0x246: {  	[tilespmem:v5+s2+$0x0] =	vst.idx.add.f32.msk @!p1 $0xffff, v3  }
0x247: {  	v3 =	vld @!p1 [tilespmem:s5+$0x5900];
	_ =	sdelay $0x4  }
0x248: {  	v3 =	vmul.f32 @!p1 v3, v2;
	_ =	sdelay $0x1  }
0x249: {  	[tilespmem:v6+s2+$0x0] =	vst.idx.add.f32.msk @!p1 $0xffff, v3  }
0x24a: {  	v3 =	vld @!p1 [tilespmem:s5+$0x5980];
	_ =	sdelay $0x1  }
.Ltmp13:
0x24b: {  	(pc) =	sbr.rel @p0 .LBB2_30-.Ltmp13, $4  }
0x24c: {  	_ = 	snop  }
0x24d: {  	s10 =	sadd.s32 $0x40, s10  }
0x24e: {  	s29 =	sand.u32 $0x3E00, s10;
	v2 =	vmul.f32 @!p1 v3, v2  }
0x24f: {  	s5 =	sand.u32 $0x70, s12;
	s12 =	sadd.s32 s9, s29  }
0x250: {  	_ =	sdelay $0x3  }
0x251: {  	s9 =	sor.u32 s5, s12;
	[tilespmem:v1+s2+$0x0] =	vst.idx.add.f32.msk @!p1 $0xffff, v2  }
0x252: {  	v1 =	vld [tilespmem:s9+$0x0];
	_ =	sdelay $0x4  }
0x253: {  	v2 =	vxor.u32 $0x80000000, v1  }
0x254: {  	(xrf0) =	vmin.scan.msk.u32 $0xffff, v2;
	_ =	sdelay $0x5  }
0x255: {  	v2, _, _ =	vpop (xrf0)  }
0x256: {  	(v2sf) =	vpush v2, $0xF;
	_ =	sdelay $0xe  }
0x257: {  	s21 =	spop (v2sf)  }
0x258: {  	p0 =	sgt.u32 s21, $0x80003FFF  }
0x259: {  	v2 =	vld @!p0 [tilespmem:s9+$0x2C00];
	s2 =	sadd.s32 @!p0 s5, s29  }
0x25a: {  	v3 =	vshll.u32 @!p0 v1, $0x2;
	v4 =	vld @!p0 [tilespmem:s2+$0x5800]  }
0x25b: {  	v1 =	vand.u32 @!p0 $0x7F, v1;
	v3 =	vand.u32 @!p0 $0xFFFFFE00, v3  }
0x25c: {  	v1 =	vor.u32 @!p0 v1, v3;
	_ =	sdelay $0x2  }
0x25d: {  	v3 =	vmul.f32 @!p0 v4, v2  }
0x25e: {  	s5 =	simm.s32 @!p0 $0x8400  }
0x25f: {  	[tilespmem:v1+s5+$0x0] =	vst.idx.add.f32.msk @!p0 $0xffff, v3  }
0x260: {  	v3 =	vld @!p0 [tilespmem:s2+$0x5880];
	_ =	sdelay $0x1  }
0x261: {  	v4 =	vor.u32 @!p0 $0x80, v1;
	_ =	sdelay $0x2  }
0x262: {  	v3 =	vmul.f32 @!p0 v3, v2;
	_ =	sdelay $0x1  }
0x263: {  	[tilespmem:v4+s5+$0x0] =	vst.idx.add.f32.msk @!p0 $0xffff, v3  }
0x264: {  	v3 =	vld @!p0 [tilespmem:s2+$0x5900];
	_ =	sdelay $0x1  }
0x265: {  	v4 =	vor.u32 @!p0 $0x100, v1;
	_ =	sdelay $0x2  }
0x266: {  	v3 =	vmul.f32 @!p0 v3, v2;
	_ =	sdelay $0x1  }
0x267: {  	[tilespmem:v4+s5+$0x0] =	vst.idx.add.f32.msk @!p0 $0xffff, v3  }
0x268: {  	v3 =	vld @!p0 [tilespmem:s2+$0x5980]  }
0x269: {  	s8 =	sadd.s32 $0x1, s8  }
0x26a: {  	p1 =	sne.s32 s8, $0x4;
	v1 =	vor.u32 @!p0 $0x180, v1  }
.Ltmp14:
0x26b: {  	_ = 	snop;
	(pc) =	sbr.rel @p1 .LBB2_29-.Ltmp14, $3  }
0x26c: {  	_ = 	snop  }
0x26d: {  	v2 =	vmul.f32 @!p0 v3, v2;
	_ =	sdelay $0x1  }
0x26e: {  	[tilespmem:v1+s5+$0x0] =	vst.idx.add.f32.msk @!p0 $0xffff, v2  }
0x26f: {  	s7 =	sadd.s32 $0x1, s7  }
0x270: {  	p0 =	sne.s32 s7, $0x8  }
.Ltmp15:
0x271: {  	_ = 	snop;
	(pc) =	sbr.rel @p0 .LBB2_28-.Ltmp15, $1  }
0x272: {  	_ =	sdelay $0x3  }
0x273: {  	s2 =	rddreg [dreg:$0x8];
	s5 =	simm.s32 $0x5800  }
0x274: {  	[tilespmem:s5], [sflag:$0x1] =	stream.strided.gather [hbm4b:s2+s0], $0x2C00, s1, s0, $0x38;
	[tilespmem:$0x18600] =	vst v63  }
0x275: {  	_ =	swait.ge [sflag:s3], $0x2C00  }
0x276: {  	[sflag:s3] =	ssyncset.done $0x0  }
0x277: {  	s6 =	simm.s32 $0x0;
	s7 =	simm.s32 $0x0;
	[sflag:s3] =	ssyncadd.s32 $0xFFFFD400  }
.LBB2_34:
0x278: {  	s2 =	sshrl.u32 s7, $0x1  }
0x279: {  	s2 =	smul.u32 $0x5800, s2  }
0x27a: {  	s5 =	sshll.u32 s7, $0x9  }
0x27b: {  	s5 =	sand.u32 $0x200, s5;
	s2 =	sadd.s32 s13, s2  }
0x27c: {  	s2 =	sor.u32 s5, s2  }
0x27d: {  	s2 =	sshrl.u32 s2, $0x3  }
0x27e: {  	s29 =	sadd.s32 s23, s2  }
0x27f: {  	[tilespmem:s6], [sflag:$0x1] =	stream.strided.gather [hbm4b:s29+s0], $0x2C00, s1, s0, $0x38;
	[tilespmem:$0x18600] =	vst v63  }
0x280: {  	_ =	swait.ge [sflag:s3], $0x2C00  }
0x281: {  	[sflag:s3] =	ssyncset.done $0x0  }
0x282: {  	s2 =	sadd.s32 s22, s2;
	[sflag:s3] =	ssyncadd.s32 $0xFFFFD400  }
0x283: {  	[tilespmem:s4], [sflag:$0x1] =	stream.strided.gather [hbm4b:s2+s0], $0x2C00, s1, s0, $0x38;
	[tilespmem:$0x18600] =	vst v63  }
0x284: {  	_ =	swait.ge [sflag:s3], $0x2C00  }
0x285: {  	[sflag:s3] =	ssyncset.done $0x0  }
0x286: {  	s8 =	simm.s32 $0x0;
	[sflag:s3] =	ssyncadd.s32 $0xFFFFD400  }
.LBB2_35:
0x287: {  	s2 =	simm.s32 $0x0  }
0x288: {  	s9 =	sshll.u32 s8, $0x7;
	s5 =	sand.u32 $0x3E00, s2  }
0x289: {  	s2 =	sand.u32 $0x70, s2;
	s10 =	sadd.s32 s9, s5  }
0x28a: {  	s10 =	sor.u32 s2, s10  }
0x28b: {  	v1 =	vld [tilespmem:s10+$0x0];
	_ =	sdelay $0x4  }
0x28c: {  	v2 =	vxor.u32 $0x80000000, v1  }
0x28d: {  	(xrf0) =	vmin.scan.msk.u32 $0xffff, v2;
	_ =	sdelay $0x5  }
0x28e: {  	v2, _, _ =	vpop (xrf0)  }
0x28f: {  	(v2sf) =	vpush v2, $0xF;
	_ =	sdelay $0xe  }
0x290: {  	s11 =	spop (v2sf)  }
0x291: {  	p1 =	sgt.u32 s11, $0x80003FFF  }
0x292: {  	v2 =	vld @!p1 [tilespmem:s10+$0x2C00];
	s5 =	sadd.s32 @!p1 s2, s5  }
0x293: {  	v3 =	vshll.u32 @!p1 v1, $0x2;
	v4 =	vld @!p1 [tilespmem:s5+$0x5800]  }
0x294: {  	v1 =	vand.u32 @!p1 $0x7F, v1;
	v3 =	vand.u32 @!p1 $0xFFFFFE00, v3  }
0x295: {  	v1 =	vor.u32 @!p1 v1, v3;
	_ =	sdelay $0x2  }
0x296: {  	v3 =	vmul.f32 @!p1 v4, v2  }
0x297: {  	s2 =	simm.s32 @!p1 $0x8400  }
0x298: {  	[tilespmem:v1+s2+$0x0] =	vst.idx.add.f32.msk @!p1 $0xffff, v3  }
0x299: {  	v3 =	vld @!p1 [tilespmem:s5+$0x5880];
	_ =	sdelay $0x1  }
0x29a: {  	v4 =	vor.u32 @!p1 $0x80, v1;
	_ =	sdelay $0x2  }
0x29b: {  	v3 =	vmul.f32 @!p1 v3, v2;
	_ =	sdelay $0x1  }
0x29c: {  	[tilespmem:v4+s2+$0x0] =	vst.idx.add.f32.msk @!p1 $0xffff, v3  }
0x29d: {  	v3 =	vld @!p1 [tilespmem:s5+$0x5900];
	_ =	sdelay $0x1  }
0x29e: {  	v4 =	vor.u32 @!p1 $0x100, v1;
	_ =	sdelay $0x2  }
0x29f: {  	v3 =	vmul.f32 @!p1 v3, v2;
	_ =	sdelay $0x1  }
0x2a0: {  	[tilespmem:v4+s2+$0x0] =	vst.idx.add.f32.msk @!p1 $0xffff, v3  }
0x2a1: {  	v3 =	vld @!p1 [tilespmem:s5+$0x5980];
	_ =	sdelay $0x1  }
0x2a2: {  	v1 =	vor.u32 @!p1 $0x180, v1;
	_ =	sdelay $0x1  }
0x2a3: {  	s10 =	simm.s32 $0x40  }
0x2a4: {  	s21 =	simm.s32 $0x10;
	s29 =	sand.u32 $0x3E00, s10;
	v2 =	vmul.f32 @!p1 v3, v2  }
0x2a5: {  	s11 =	simm.s32 $0x20;
	s12 =	sadd.s32 s9, s29;
	s5 =	sand.u32 $0x70, s21  }
.LBB2_36:
0x2a6: {  	s21 =	sor.u32 s5, s12;
	[tilespmem:v1+s2+$0x0] =	vst.idx.add.f32.msk @!p1 $0xffff, v2;
	s12 =	smov.u32 s11;
	s11 =	sadd.s32 $0x10, s11  }
0x2a7: {  	p0 =	sne.s32 s11, $0xB00;
	v1 =	vld [tilespmem:s21+$0x0];
	_ =	sdelay $0x4  }
0x2a8: {  	v2 =	vxor.u32 $0x80000000, v1  }
0x2a9: {  	(xrf0) =	vmin.scan.msk.u32 $0xffff, v2;
	_ =	sdelay $0x5  }
0x2aa: {  	v2, _, _ =	vpop (xrf0)  }
0x2ab: {  	(v2sf) =	vpush v2, $0xF;
	_ =	sdelay $0xe  }
0x2ac: {  	s2 =	spop (v2sf)  }
0x2ad: {  	p1 =	sgt.u32 s2, $0x80003FFF  }
0x2ae: {  	v2 =	vld @!p1 [tilespmem:s21+$0x2C00];
	s5 =	sadd.s32 @!p1 s5, s29;
	v3 =	vand.u32 @!p1 $0x7F, v1;
	v1 =	vshll.u32 @!p1 v1, $0x2  }
0x2af: {  	v4 =	vld @!p1 [tilespmem:s5+$0x5800];
	v1 =	vand.u32 @!p1 $0xFFFFFE00, v1  }
0x2b0: {  	v3 =	vor.u32 @!p1 v3, v1  }
0x2b1: {  	v5 =	vor.u32 @!p1 $0x80, v3;
	v6 =	vor.u32 @!p1 $0x100, v3;
	v1 =	vor.u32 @!p1 $0x180, v3;
	_ =	sdelay $0x2  }
0x2b2: {  	v4 =	vmul.f32 @!p1 v4, v2  }
0x2b3: {  	s2 =	simm.s32 @!p1 $0x8400  }
0x2b4: {  	[tilespmem:v3+s2+$0x0] =	vst.idx.add.f32.msk @!p1 $0xffff, v4  }
0x2b5: {  	v3 =	vld @!p1 [tilespmem:s5+$0x5880];
	_ =	sdelay $0x4  }
0x2b6: {  	v3 =	vmul.f32 @!p1 v3, v2;
	_ =	sdelay $0x1  }
0x2b7: {  	[tilespmem:v5+s2+$0x0] =	vst.idx.add.f32.msk @!p1 $0xffff, v3  }
0x2b8: {  	v3 =	vld @!p1 [tilespmem:s5+$0x5900];
	_ =	sdelay $0x4  }
0x2b9: {  	v3 =	vmul.f32 @!p1 v3, v2;
	_ =	sdelay $0x1  }
0x2ba: {  	[tilespmem:v6+s2+$0x0] =	vst.idx.add.f32.msk @!p1 $0xffff, v3  }
0x2bb: {  	v3 =	vld @!p1 [tilespmem:s5+$0x5980];
	_ =	sdelay $0x1  }
.Ltmp16:
0x2bc: {  	(pc) =	sbr.rel @p0 .LBB2_36-.Ltmp16, $4  }
0x2bd: {  	_ = 	snop  }
0x2be: {  	s10 =	sadd.s32 $0x40, s10  }
0x2bf: {  	s29 =	sand.u32 $0x3E00, s10;
	v2 =	vmul.f32 @!p1 v3, v2  }
0x2c0: {  	s5 =	sand.u32 $0x70, s12;
	s12 =	sadd.s32 s9, s29  }
0x2c1: {  	_ =	sdelay $0x3  }
0x2c2: {  	s9 =	sor.u32 s5, s12;
	[tilespmem:v1+s2+$0x0] =	vst.idx.add.f32.msk @!p1 $0xffff, v2  }
0x2c3: {  	v1 =	vld [tilespmem:s9+$0x0];
	_ =	sdelay $0x4  }
0x2c4: {  	v2 =	vxor.u32 $0x80000000, v1  }
0x2c5: {  	(xrf0) =	vmin.scan.msk.u32 $0xffff, v2;
	_ =	sdelay $0x5  }
0x2c6: {  	v2, _, _ =	vpop (xrf0)  }
0x2c7: {  	(v2sf) =	vpush v2, $0xF;
	_ =	sdelay $0xe  }
0x2c8: {  	s21 =	spop (v2sf)  }
0x2c9: {  	p0 =	sgt.u32 s21, $0x80003FFF  }
0x2ca: {  	v2 =	vld @!p0 [tilespmem:s9+$0x2C00];
	s2 =	sadd.s32 @!p0 s5, s29  }
0x2cb: {  	v3 =	vshll.u32 @!p0 v1, $0x2;
	v4 =	vld @!p0 [tilespmem:s2+$0x5800]  }
0x2cc: {  	v1 =	vand.u32 @!p0 $0x7F, v1;
	v3 =	vand.u32 @!p0 $0xFFFFFE00, v3  }
0x2cd: {  	v1 =	vor.u32 @!p0 v1, v3;
	_ =	sdelay $0x2  }
0x2ce: {  	v3 =	vmul.f32 @!p0 v4, v2  }
0x2cf: {  	s5 =	simm.s32 @!p0 $0x8400  }
0x2d0: {  	[tilespmem:v1+s5+$0x0] =	vst.idx.add.f32.msk @!p0 $0xffff, v3  }
0x2d1: {  	v3 =	vld @!p0 [tilespmem:s2+$0x5880];
	_ =	sdelay $0x1  }
0x2d2: {  	v4 =	vor.u32 @!p0 $0x80, v1;
	_ =	sdelay $0x2  }
0x2d3: {  	v3 =	vmul.f32 @!p0 v3, v2;
	_ =	sdelay $0x1  }
0x2d4: {  	[tilespmem:v4+s5+$0x0] =	vst.idx.add.f32.msk @!p0 $0xffff, v3  }
0x2d5: {  	v3 =	vld @!p0 [tilespmem:s2+$0x5900];
	_ =	sdelay $0x1  }
0x2d6: {  	v4 =	vor.u32 @!p0 $0x100, v1;
	_ =	sdelay $0x2  }
0x2d7: {  	v3 =	vmul.f32 @!p0 v3, v2;
	_ =	sdelay $0x1  }
0x2d8: {  	[tilespmem:v4+s5+$0x0] =	vst.idx.add.f32.msk @!p0 $0xffff, v3  }
0x2d9: {  	v3 =	vld @!p0 [tilespmem:s2+$0x5980]  }
0x2da: {  	s8 =	sadd.s32 $0x1, s8  }
0x2db: {  	p1 =	sne.s32 s8, $0x4;
	v1 =	vor.u32 @!p0 $0x180, v1  }
.Ltmp17:
0x2dc: {  	_ = 	snop;
	(pc) =	sbr.rel @p1 .LBB2_35-.Ltmp17, $3  }
0x2dd: {  	_ = 	snop  }
0x2de: {  	v2 =	vmul.f32 @!p0 v3, v2;
	_ =	sdelay $0x1  }
0x2df: {  	[tilespmem:v1+s5+$0x0] =	vst.idx.add.f32.msk @!p0 $0xffff, v2  }
0x2e0: {  	s7 =	sadd.s32 $0x1, s7  }
0x2e1: {  	p0 =	sne.s32 s7, $0x8  }
.Ltmp18:
0x2e2: {  	_ = 	snop;
	(pc) =	sbr.rel @p0 .LBB2_34-.Ltmp18, $1  }
0x2e3: {  	_ =	sdelay $0x3  }
0x2e4: {  	s2 =	simm.s32 $0x8400  }
0x2e5: {  	s5 =	simm.s32 $0x80;
	s7 =	sadd.s32 $0x0, s14;
	s6 =	simm.s32 $0x8600  }
.LBB2_40:
0x2e6: {  	[hbm4b:s7+s18] =	stream.linear.scatter [tilespmem:s2], [sflag:$0x1], $0x80, $0x38;
	[tilespmem:$0x18600] =	vst v63  }
0x2e7: {  	s7 =	smov.u32 s5;
	s2 =	smov.u32 s6;
	p0 =	sne.s32 s5, $0x3F80  }
.Ltmp19:
0x2e8: {  	s5 =	sadd.s32 $0x80, s5;
	(pc) =	sbr.rel @p0 .LBB2_40-.Ltmp19, $2  }
0x2e9: {  	_ =	sdelay $0x2  }
0x2ea: {  	s6 =	sadd.s32 $0x200, s6;
	s7 =	sadd.s32 s7, s14  }
0x2eb: {  	[hbm4b:s7+s18] =	stream.linear.scatter [tilespmem:s2], [sflag:$0x1], $0x80, $0x38;
	[tilespmem:$0x18600] =	vst v63  }
0x2ec: {  	_ =	swait.ge [sflag:s3], $0x4000  }
0x2ed: {  	s2 =	simm.s32 $0x8480;
	s5 =	simm.s32 $0x80;
	[sflag:s3] =	ssyncset.done $0x0  }
0x2ee: {  	s7 =	sadd.s32 $0x0, s25;
	s6 =	simm.s32 $0x8680;
	[sflag:s3] =	ssyncadd.s32 $0xFFFFC000  }
.LBB2_42:
0x2ef: {  	[hbm4b:s7+s18] =	stream.linear.scatter [tilespmem:s2], [sflag:$0x1], $0x80, $0x38;
	[tilespmem:$0x18600] =	vst v63  }
0x2f0: {  	s7 =	smov.u32 s5;
	s2 =	smov.u32 s6;
	p0 =	sne.s32 s5, $0x3F80  }
.Ltmp20:
0x2f1: {  	s5 =	sadd.s32 $0x80, s5;
	(pc) =	sbr.rel @p0 .LBB2_42-.Ltmp20, $2  }
0x2f2: {  	_ =	sdelay $0x2  }
0x2f3: {  	s6 =	sadd.s32 $0x200, s6;
	s7 =	sadd.s32 s7, s25  }
0x2f4: {  	[hbm4b:s7+s18] =	stream.linear.scatter [tilespmem:s2], [sflag:$0x1], $0x80, $0x38;
	[tilespmem:$0x18600] =	vst v63  }
0x2f5: {  	_ =	swait.ge [sflag:s3], $0x4000  }
0x2f6: {  	s2 =	simm.s32 $0x8500;
	s5 =	simm.s32 $0x80;
	[sflag:s3] =	ssyncset.done $0x0  }
0x2f7: {  	s7 =	sadd.s32 $0x0, s26;
	s6 =	simm.s32 $0x8700;
	[sflag:s3] =	ssyncadd.s32 $0xFFFFC000  }
.LBB2_44:
0x2f8: {  	[hbm4b:s7+s18] =	stream.linear.scatter [tilespmem:s2], [sflag:$0x1], $0x80, $0x38;
	[tilespmem:$0x18600] =	vst v63  }
0x2f9: {  	s7 =	smov.u32 s5;
	s2 =	smov.u32 s6;
	p0 =	sne.s32 s5, $0x3F80  }
.Ltmp21:
0x2fa: {  	s5 =	sadd.s32 $0x80, s5;
	(pc) =	sbr.rel @p0 .LBB2_44-.Ltmp21, $2  }
0x2fb: {  	_ =	sdelay $0x2  }
0x2fc: {  	s6 =	sadd.s32 $0x200, s6;
	s7 =	sadd.s32 s7, s26  }
0x2fd: {  	[hbm4b:s7+s18] =	stream.linear.scatter [tilespmem:s2], [sflag:$0x1], $0x80, $0x38;
	[tilespmem:$0x18600] =	vst v63  }
0x2fe: {  	_ =	swait.ge [sflag:s3], $0x4000  }
0x2ff: {  	s2 =	simm.s32 $0x8580;
	s5 =	simm.s32 $0x80;
	[sflag:s3] =	ssyncset.done $0x0  }
0x300: {  	s7 =	sadd.s32 $0x0, s28;
	s6 =	simm.s32 $0x8780;
	[sflag:s3] =	ssyncadd.s32 $0xFFFFC000  }
.LBB2_46:
0x301: {  	[hbm4b:s7+s18] =	stream.linear.scatter [tilespmem:s2], [sflag:$0x1], $0x80, $0x38;
	[tilespmem:$0x18600] =	vst v63  }
0x302: {  	s7 =	smov.u32 s5;
	s2 =	smov.u32 s6;
	p0 =	sne.s32 s5, $0x3F80  }
.Ltmp22:
0x303: {  	s5 =	sadd.s32 $0x80, s5;
	(pc) =	sbr.rel @p0 .LBB2_46-.Ltmp22, $2  }
0x304: {  	_ =	sdelay $0x2  }
0x305: {  	s6 =	sadd.s32 $0x200, s6;
	s7 =	sadd.s32 s7, s28  }
0x306: {  	[hbm4b:s7+s18] =	stream.linear.scatter [tilespmem:s2], [sflag:$0x1], $0x80, $0x38;
	[tilespmem:$0x18600] =	vst v63  }
0x307: {  	s2 =	simm.s32 $0x0;
	_ =	swait.ge [sflag:s3], $0x4000  }
0x308: {  	s5 =	sand.u32 $0x70, s2;
	s6 =	sand.u32 $0x1FE00, s2;
	[sflag:s3] =	ssyncset.done $0x0  }
0x309: {  	s6 =	sor.u32 s5, s6;
	[sflag:s3] =	ssyncadd.s32 $0xFFFFC000  }
0x30a: {  	[tilespmem:s6+$0x8580] =	vst v0  }
0x30b: {  	[tilespmem:s6+$0x8400] =	vst v0  }
0x30c: {  	s5 =	simm.s32 $0x10;
	[tilespmem:s6+$0x8480] =	vst v0  }
.LBB2_48:
0x30d: {  	s7 =	sand.u32 $0x70, s5;
	[tilespmem:s6+$0x8500] =	vst v0;
	s2 =	sadd.s32 $0x40, s2;
	p0 =	sne.s32 s5, $0x4000  }
.Ltmp23:
0x30e: {  	s5 =	sadd.s32 $0x10, s5;
	s6 =	sand.u32 $0x1FE00, s2;
	(pc) =	sbr.rel @p0 .LBB2_48-.Ltmp23, $4  }
0x30f: {  	s6 =	sor.u32 s7, s6  }
0x310: {  	[tilespmem:s6+$0x8580] =	vst v0  }
0x311: {  	[tilespmem:s6+$0x8400] =	vst v0  }
0x312: {  	[tilespmem:s6+$0x8480] =	vst v0  }
0x313: {  	[tilespmem:s6+$0x8500] =	vst v0;
	s2 =	rddreg [dreg:$0x9];
	s5 =	simm.s32 $0x5800  }
0x314: {  	[tilespmem:s5], [sflag:$0x1] =	stream.strided.gather [hbm4b:s2+s0], $0x2C00, s1, s0, $0x38;
	[tilespmem:$0x18600] =	vst v63  }
0x315: {  	_ =	swait.ge [sflag:s3], $0x2C00  }
0x316: {  	[sflag:s3] =	ssyncset.done $0x0  }
0x317: {  	s6 =	simm.s32 $0x0;
	s7 =	simm.s32 $0x0;
	[sflag:s3] =	ssyncadd.s32 $0xFFFFD400  }
.LBB2_50:
0x318: {  	s2 =	sshrl.u32 s7, $0x1  }
0x319: {  	s2 =	smul.u32 $0x5800, s2  }
0x31a: {  	s5 =	sshll.u32 s7, $0x9  }
0x31b: {  	s5 =	sand.u32 $0x200, s5;
	s2 =	sadd.s32 s20, s2  }
0x31c: {  	s2 =	sor.u32 s5, s2  }
0x31d: {  	s2 =	sshrl.u32 s2, $0x3  }
0x31e: {  	s29 =	sadd.s32 s23, s2  }
0x31f: {  	[tilespmem:s6], [sflag:$0x1] =	stream.strided.gather [hbm4b:s29+s0], $0x2C00, s1, s0, $0x38;
	[tilespmem:$0x18600] =	vst v63  }
0x320: {  	_ =	swait.ge [sflag:s3], $0x2C00  }
0x321: {  	[sflag:s3] =	ssyncset.done $0x0  }
0x322: {  	s2 =	sadd.s32 s22, s2;
	[sflag:s3] =	ssyncadd.s32 $0xFFFFD400  }
0x323: {  	[tilespmem:s4], [sflag:$0x1] =	stream.strided.gather [hbm4b:s2+s0], $0x2C00, s1, s0, $0x38;
	[tilespmem:$0x18600] =	vst v63  }
0x324: {  	_ =	swait.ge [sflag:s3], $0x2C00  }
0x325: {  	[sflag:s3] =	ssyncset.done $0x0  }
0x326: {  	s8 =	simm.s32 $0x0;
	[sflag:s3] =	ssyncadd.s32 $0xFFFFD400  }
.LBB2_51:
0x327: {  	s2 =	simm.s32 $0x0  }
0x328: {  	s9 =	sshll.u32 s8, $0x7;
	s5 =	sand.u32 $0x3E00, s2  }
0x329: {  	s2 =	sand.u32 $0x70, s2;
	s10 =	sadd.s32 s9, s5  }
0x32a: {  	s10 =	sor.u32 s2, s10  }
0x32b: {  	v1 =	vld [tilespmem:s10+$0x0];
	_ =	sdelay $0x4  }
0x32c: {  	v2 =	vxor.u32 $0x80000000, v1  }
0x32d: {  	(xrf0) =	vmin.scan.msk.u32 $0xffff, v2;
	_ =	sdelay $0x5  }
0x32e: {  	v2, _, _ =	vpop (xrf0)  }
0x32f: {  	(v2sf) =	vpush v2, $0xF;
	_ =	sdelay $0xe  }
0x330: {  	s11 =	spop (v2sf)  }
0x331: {  	p1 =	sgt.u32 s11, $0x80003FFF  }
0x332: {  	v2 =	vld @!p1 [tilespmem:s10+$0x2C00];
	s5 =	sadd.s32 @!p1 s2, s5  }
0x333: {  	v3 =	vshll.u32 @!p1 v1, $0x2;
	v4 =	vld @!p1 [tilespmem:s5+$0x5800]  }
0x334: {  	v1 =	vand.u32 @!p1 $0x7F, v1;
	v3 =	vand.u32 @!p1 $0xFFFFFE00, v3  }
0x335: {  	v1 =	vor.u32 @!p1 v1, v3;
	_ =	sdelay $0x2  }
0x336: {  	v3 =	vmul.f32 @!p1 v4, v2  }
0x337: {  	s2 =	simm.s32 @!p1 $0x8400  }
0x338: {  	[tilespmem:v1+s2+$0x0] =	vst.idx.add.f32.msk @!p1 $0xffff, v3  }
0x339: {  	v3 =	vld @!p1 [tilespmem:s5+$0x5880];
	_ =	sdelay $0x1  }
0x33a: {  	v4 =	vor.u32 @!p1 $0x80, v1;
	_ =	sdelay $0x2  }
0x33b: {  	v3 =	vmul.f32 @!p1 v3, v2;
	_ =	sdelay $0x1  }
0x33c: {  	[tilespmem:v4+s2+$0x0] =	vst.idx.add.f32.msk @!p1 $0xffff, v3  }
0x33d: {  	v3 =	vld @!p1 [tilespmem:s5+$0x5900];
	_ =	sdelay $0x1  }
0x33e: {  	v4 =	vor.u32 @!p1 $0x100, v1;
	_ =	sdelay $0x2  }
0x33f: {  	v3 =	vmul.f32 @!p1 v3, v2;
	_ =	sdelay $0x1  }
0x340: {  	[tilespmem:v4+s2+$0x0] =	vst.idx.add.f32.msk @!p1 $0xffff, v3  }
0x341: {  	v3 =	vld @!p1 [tilespmem:s5+$0x5980];
	_ =	sdelay $0x1  }
0x342: {  	v1 =	vor.u32 @!p1 $0x180, v1;
	_ =	sdelay $0x1  }
0x343: {  	s10 =	simm.s32 $0x40  }
0x344: {  	s21 =	simm.s32 $0x10;
	s29 =	sand.u32 $0x3E00, s10;
	v2 =	vmul.f32 @!p1 v3, v2  }
0x345: {  	s11 =	simm.s32 $0x20;
	s12 =	sadd.s32 s9, s29;
	s5 =	sand.u32 $0x70, s21  }
.LBB2_52:
0x346: {  	s21 =	sor.u32 s5, s12;
	[tilespmem:v1+s2+$0x0] =	vst.idx.add.f32.msk @!p1 $0xffff, v2;
	s12 =	smov.u32 s11;
	s11 =	sadd.s32 $0x10, s11  }
0x347: {  	p0 =	sne.s32 s11, $0xB00;
	v1 =	vld [tilespmem:s21+$0x0];
	_ =	sdelay $0x4  }
0x348: {  	v2 =	vxor.u32 $0x80000000, v1  }
0x349: {  	(xrf0) =	vmin.scan.msk.u32 $0xffff, v2;
	_ =	sdelay $0x5  }
0x34a: {  	v2, _, _ =	vpop (xrf0)  }
0x34b: {  	(v2sf) =	vpush v2, $0xF;
	_ =	sdelay $0xe  }
0x34c: {  	s2 =	spop (v2sf)  }
0x34d: {  	p1 =	sgt.u32 s2, $0x80003FFF  }
0x34e: {  	v2 =	vld @!p1 [tilespmem:s21+$0x2C00];
	s5 =	sadd.s32 @!p1 s5, s29;
	v3 =	vand.u32 @!p1 $0x7F, v1;
	v1 =	vshll.u32 @!p1 v1, $0x2  }
0x34f: {  	v4 =	vld @!p1 [tilespmem:s5+$0x5800];
	v1 =	vand.u32 @!p1 $0xFFFFFE00, v1  }
0x350: {  	v3 =	vor.u32 @!p1 v3, v1  }
0x351: {  	v5 =	vor.u32 @!p1 $0x80, v3;
	v6 =	vor.u32 @!p1 $0x100, v3;
	v1 =	vor.u32 @!p1 $0x180, v3;
	_ =	sdelay $0x2  }
0x352: {  	v4 =	vmul.f32 @!p1 v4, v2  }
0x353: {  	s2 =	simm.s32 @!p1 $0x8400  }
0x354: {  	[tilespmem:v3+s2+$0x0] =	vst.idx.add.f32.msk @!p1 $0xffff, v4  }
0x355: {  	v3 =	vld @!p1 [tilespmem:s5+$0x5880];
	_ =	sdelay $0x4  }
0x356: {  	v3 =	vmul.f32 @!p1 v3, v2;
	_ =	sdelay $0x1  }
0x357: {  	[tilespmem:v5+s2+$0x0] =	vst.idx.add.f32.msk @!p1 $0xffff, v3  }
0x358: {  	v3 =	vld @!p1 [tilespmem:s5+$0x5900];
	_ =	sdelay $0x4  }
0x359: {  	v3 =	vmul.f32 @!p1 v3, v2;
	_ =	sdelay $0x1  }
0x35a: {  	[tilespmem:v6+s2+$0x0] =	vst.idx.add.f32.msk @!p1 $0xffff, v3  }
0x35b: {  	v3 =	vld @!p1 [tilespmem:s5+$0x5980];
	_ =	sdelay $0x1  }
.Ltmp24:
0x35c: {  	(pc) =	sbr.rel @p0 .LBB2_52-.Ltmp24, $4  }
0x35d: {  	_ = 	snop  }
0x35e: {  	s10 =	sadd.s32 $0x40, s10  }
0x35f: {  	s29 =	sand.u32 $0x3E00, s10;
	v2 =	vmul.f32 @!p1 v3, v2  }
0x360: {  	s5 =	sand.u32 $0x70, s12;
	s12 =	sadd.s32 s9, s29  }
0x361: {  	_ =	sdelay $0x3  }
0x362: {  	s9 =	sor.u32 s5, s12;
	[tilespmem:v1+s2+$0x0] =	vst.idx.add.f32.msk @!p1 $0xffff, v2  }
0x363: {  	v1 =	vld [tilespmem:s9+$0x0];
	_ =	sdelay $0x4  }
0x364: {  	v2 =	vxor.u32 $0x80000000, v1  }
0x365: {  	(xrf0) =	vmin.scan.msk.u32 $0xffff, v2;
	_ =	sdelay $0x5  }
0x366: {  	v2, _, _ =	vpop (xrf0)  }
0x367: {  	(v2sf) =	vpush v2, $0xF;
	_ =	sdelay $0xe  }
0x368: {  	s21 =	spop (v2sf)  }
0x369: {  	p0 =	sgt.u32 s21, $0x80003FFF  }
0x36a: {  	v2 =	vld @!p0 [tilespmem:s9+$0x2C00];
	s2 =	sadd.s32 @!p0 s5, s29  }
0x36b: {  	v3 =	vshll.u32 @!p0 v1, $0x2;
	v4 =	vld @!p0 [tilespmem:s2+$0x5800]  }
0x36c: {  	v1 =	vand.u32 @!p0 $0x7F, v1;
	v3 =	vand.u32 @!p0 $0xFFFFFE00, v3  }
0x36d: {  	v1 =	vor.u32 @!p0 v1, v3;
	_ =	sdelay $0x2  }
0x36e: {  	v3 =	vmul.f32 @!p0 v4, v2  }
0x36f: {  	s5 =	simm.s32 @!p0 $0x8400  }
0x370: {  	[tilespmem:v1+s5+$0x0] =	vst.idx.add.f32.msk @!p0 $0xffff, v3  }
0x371: {  	v3 =	vld @!p0 [tilespmem:s2+$0x5880];
	_ =	sdelay $0x1  }
0x372: {  	v4 =	vor.u32 @!p0 $0x80, v1;
	_ =	sdelay $0x2  }
0x373: {  	v3 =	vmul.f32 @!p0 v3, v2;
	_ =	sdelay $0x1  }
0x374: {  	[tilespmem:v4+s5+$0x0] =	vst.idx.add.f32.msk @!p0 $0xffff, v3  }
0x375: {  	v3 =	vld @!p0 [tilespmem:s2+$0x5900];
	_ =	sdelay $0x1  }
0x376: {  	v4 =	vor.u32 @!p0 $0x100, v1;
	_ =	sdelay $0x2  }
0x377: {  	v3 =	vmul.f32 @!p0 v3, v2;
	_ =	sdelay $0x1  }
0x378: {  	[tilespmem:v4+s5+$0x0] =	vst.idx.add.f32.msk @!p0 $0xffff, v3  }
0x379: {  	v3 =	vld @!p0 [tilespmem:s2+$0x5980]  }
0x37a: {  	s8 =	sadd.s32 $0x1, s8  }
0x37b: {  	p1 =	sne.s32 s8, $0x4;
	v1 =	vor.u32 @!p0 $0x180, v1  }
.Ltmp25:
0x37c: {  	_ = 	snop;
	(pc) =	sbr.rel @p1 .LBB2_51-.Ltmp25, $3  }
0x37d: {  	_ = 	snop  }
0x37e: {  	v2 =	vmul.f32 @!p0 v3, v2;
	_ =	sdelay $0x1  }
0x37f: {  	[tilespmem:v1+s5+$0x0] =	vst.idx.add.f32.msk @!p0 $0xffff, v2  }
0x380: {  	s7 =	sadd.s32 $0x1, s7  }
0x381: {  	p0 =	sne.s32 s7, $0x8  }
.Ltmp26:
0x382: {  	_ = 	snop;
	(pc) =	sbr.rel @p0 .LBB2_50-.Ltmp26, $1  }
0x383: {  	_ =	sdelay $0x3  }
0x384: {  	s2 =	rddreg [dreg:$0xa];
	s5 =	simm.s32 $0x5800  }
0x385: {  	[tilespmem:s5], [sflag:$0x1] =	stream.strided.gather [hbm4b:s2+s0], $0x2C00, s1, s0, $0x38;
	[tilespmem:$0x18600] =	vst v63  }
0x386: {  	_ =	swait.ge [sflag:s3], $0x2C00  }
0x387: {  	[sflag:s3] =	ssyncset.done $0x0  }
0x388: {  	s6 =	simm.s32 $0x0;
	s7 =	simm.s32 $0x0;
	[sflag:s3] =	ssyncadd.s32 $0xFFFFD400  }
.LBB2_56:
0x389: {  	s2 =	sshrl.u32 s7, $0x1  }
0x38a: {  	s2 =	smul.u32 $0x5800, s2  }
0x38b: {  	s5 =	sshll.u32 s7, $0x9;
	s8 =	rddreg [dreg:$0xf]  }
0x38c: {  	s5 =	sand.u32 $0x200, s5;
	s2 =	sadd.s32 s8, s2  }
0x38d: {  	s2 =	sor.u32 s5, s2  }
0x38e: {  	s2 =	sshrl.u32 s2, $0x3  }
0x38f: {  	s29 =	sadd.s32 s23, s2  }
0x390: {  	[tilespmem:s6], [sflag:$0x1] =	stream.strided.gather [hbm4b:s29+s0], $0x2C00, s1, s0, $0x38;
	[tilespmem:$0x18600] =	vst v63  }
0x391: {  	_ =	swait.ge [sflag:s3], $0x2C00  }
0x392: {  	[sflag:s3] =	ssyncset.done $0x0  }
0x393: {  	s2 =	sadd.s32 s22, s2;
	[sflag:s3] =	ssyncadd.s32 $0xFFFFD400  }
0x394: {  	[tilespmem:s4], [sflag:$0x1] =	stream.strided.gather [hbm4b:s2+s0], $0x2C00, s1, s0, $0x38;
	[tilespmem:$0x18600] =	vst v63  }
0x395: {  	_ =	swait.ge [sflag:s3], $0x2C00  }
0x396: {  	[sflag:s3] =	ssyncset.done $0x0  }
0x397: {  	s8 =	simm.s32 $0x0;
	[sflag:s3] =	ssyncadd.s32 $0xFFFFD400  }
.LBB2_57:
0x398: {  	s2 =	simm.s32 $0x0  }
0x399: {  	s9 =	sshll.u32 s8, $0x7;
	s5 =	sand.u32 $0x3E00, s2  }
0x39a: {  	s2 =	sand.u32 $0x70, s2;
	s10 =	sadd.s32 s9, s5  }
0x39b: {  	s10 =	sor.u32 s2, s10  }
0x39c: {  	v1 =	vld [tilespmem:s10+$0x0];
	_ =	sdelay $0x4  }
0x39d: {  	v2 =	vxor.u32 $0x80000000, v1  }
0x39e: {  	(xrf0) =	vmin.scan.msk.u32 $0xffff, v2;
	_ =	sdelay $0x5  }
0x39f: {  	v2, _, _ =	vpop (xrf0)  }
0x3a0: {  	(v2sf) =	vpush v2, $0xF;
	_ =	sdelay $0xe  }
0x3a1: {  	s11 =	spop (v2sf)  }
0x3a2: {  	p1 =	sgt.u32 s11, $0x80003FFF  }
0x3a3: {  	v2 =	vld @!p1 [tilespmem:s10+$0x2C00];
	s5 =	sadd.s32 @!p1 s2, s5  }
0x3a4: {  	v3 =	vshll.u32 @!p1 v1, $0x2;
	v4 =	vld @!p1 [tilespmem:s5+$0x5800]  }
0x3a5: {  	v1 =	vand.u32 @!p1 $0x7F, v1;
	v3 =	vand.u32 @!p1 $0xFFFFFE00, v3  }
0x3a6: {  	v1 =	vor.u32 @!p1 v1, v3;
	_ =	sdelay $0x2  }
0x3a7: {  	v3 =	vmul.f32 @!p1 v4, v2  }
0x3a8: {  	s2 =	simm.s32 @!p1 $0x8400  }
0x3a9: {  	[tilespmem:v1+s2+$0x0] =	vst.idx.add.f32.msk @!p1 $0xffff, v3  }
0x3aa: {  	v3 =	vld @!p1 [tilespmem:s5+$0x5880];
	_ =	sdelay $0x1  }
0x3ab: {  	v4 =	vor.u32 @!p1 $0x80, v1;
	_ =	sdelay $0x2  }
0x3ac: {  	v3 =	vmul.f32 @!p1 v3, v2;
	_ =	sdelay $0x1  }
0x3ad: {  	[tilespmem:v4+s2+$0x0] =	vst.idx.add.f32.msk @!p1 $0xffff, v3  }
0x3ae: {  	v3 =	vld @!p1 [tilespmem:s5+$0x5900];
	_ =	sdelay $0x1  }
0x3af: {  	v4 =	vor.u32 @!p1 $0x100, v1;
	_ =	sdelay $0x2  }
0x3b0: {  	v3 =	vmul.f32 @!p1 v3, v2;
	_ =	sdelay $0x1  }
0x3b1: {  	[tilespmem:v4+s2+$0x0] =	vst.idx.add.f32.msk @!p1 $0xffff, v3  }
0x3b2: {  	v3 =	vld @!p1 [tilespmem:s5+$0x5980];
	_ =	sdelay $0x1  }
0x3b3: {  	v1 =	vor.u32 @!p1 $0x180, v1;
	_ =	sdelay $0x1  }
0x3b4: {  	s10 =	simm.s32 $0x40  }
0x3b5: {  	s21 =	simm.s32 $0x10;
	s29 =	sand.u32 $0x3E00, s10;
	v2 =	vmul.f32 @!p1 v3, v2  }
0x3b6: {  	s11 =	simm.s32 $0x20;
	s12 =	sadd.s32 s9, s29;
	s5 =	sand.u32 $0x70, s21  }
.LBB2_58:
0x3b7: {  	s21 =	sor.u32 s5, s12;
	[tilespmem:v1+s2+$0x0] =	vst.idx.add.f32.msk @!p1 $0xffff, v2;
	s12 =	smov.u32 s11;
	s11 =	sadd.s32 $0x10, s11  }
0x3b8: {  	p0 =	sne.s32 s11, $0xB00;
	v1 =	vld [tilespmem:s21+$0x0];
	_ =	sdelay $0x4  }
0x3b9: {  	v2 =	vxor.u32 $0x80000000, v1  }
0x3ba: {  	(xrf0) =	vmin.scan.msk.u32 $0xffff, v2;
	_ =	sdelay $0x5  }
0x3bb: {  	v2, _, _ =	vpop (xrf0)  }
0x3bc: {  	(v2sf) =	vpush v2, $0xF;
	_ =	sdelay $0xe  }
0x3bd: {  	s2 =	spop (v2sf)  }
0x3be: {  	p1 =	sgt.u32 s2, $0x80003FFF  }
0x3bf: {  	v2 =	vld @!p1 [tilespmem:s21+$0x2C00];
	s5 =	sadd.s32 @!p1 s5, s29;
	v3 =	vand.u32 @!p1 $0x7F, v1;
	v1 =	vshll.u32 @!p1 v1, $0x2  }
0x3c0: {  	v4 =	vld @!p1 [tilespmem:s5+$0x5800];
	v1 =	vand.u32 @!p1 $0xFFFFFE00, v1  }
0x3c1: {  	v3 =	vor.u32 @!p1 v3, v1  }
0x3c2: {  	v5 =	vor.u32 @!p1 $0x80, v3;
	v6 =	vor.u32 @!p1 $0x100, v3;
	v1 =	vor.u32 @!p1 $0x180, v3;
	_ =	sdelay $0x2  }
0x3c3: {  	v4 =	vmul.f32 @!p1 v4, v2  }
0x3c4: {  	s2 =	simm.s32 @!p1 $0x8400  }
0x3c5: {  	[tilespmem:v3+s2+$0x0] =	vst.idx.add.f32.msk @!p1 $0xffff, v4  }
0x3c6: {  	v3 =	vld @!p1 [tilespmem:s5+$0x5880];
	_ =	sdelay $0x4  }
0x3c7: {  	v3 =	vmul.f32 @!p1 v3, v2;
	_ =	sdelay $0x1  }
0x3c8: {  	[tilespmem:v5+s2+$0x0] =	vst.idx.add.f32.msk @!p1 $0xffff, v3  }
0x3c9: {  	v3 =	vld @!p1 [tilespmem:s5+$0x5900];
	_ =	sdelay $0x4  }
0x3ca: {  	v3 =	vmul.f32 @!p1 v3, v2;
	_ =	sdelay $0x1  }
0x3cb: {  	[tilespmem:v6+s2+$0x0] =	vst.idx.add.f32.msk @!p1 $0xffff, v3  }
0x3cc: {  	v3 =	vld @!p1 [tilespmem:s5+$0x5980];
	_ =	sdelay $0x1  }
.Ltmp27:
0x3cd: {  	(pc) =	sbr.rel @p0 .LBB2_58-.Ltmp27, $4  }
0x3ce: {  	_ = 	snop  }
0x3cf: {  	s10 =	sadd.s32 $0x40, s10  }
0x3d0: {  	s29 =	sand.u32 $0x3E00, s10;
	v2 =	vmul.f32 @!p1 v3, v2  }
0x3d1: {  	s5 =	sand.u32 $0x70, s12;
	s12 =	sadd.s32 s9, s29  }
0x3d2: {  	_ =	sdelay $0x3  }
0x3d3: {  	s9 =	sor.u32 s5, s12;
	[tilespmem:v1+s2+$0x0] =	vst.idx.add.f32.msk @!p1 $0xffff, v2  }
0x3d4: {  	v1 =	vld [tilespmem:s9+$0x0];
	_ =	sdelay $0x4  }
0x3d5: {  	v2 =	vxor.u32 $0x80000000, v1  }
0x3d6: {  	(xrf0) =	vmin.scan.msk.u32 $0xffff, v2;
	_ =	sdelay $0x5  }
0x3d7: {  	v2, _, _ =	vpop (xrf0)  }
0x3d8: {  	(v2sf) =	vpush v2, $0xF;
	_ =	sdelay $0xe  }
0x3d9: {  	s21 =	spop (v2sf)  }
0x3da: {  	p0 =	sgt.u32 s21, $0x80003FFF  }
0x3db: {  	v2 =	vld @!p0 [tilespmem:s9+$0x2C00];
	s2 =	sadd.s32 @!p0 s5, s29  }
0x3dc: {  	v3 =	vshll.u32 @!p0 v1, $0x2;
	v4 =	vld @!p0 [tilespmem:s2+$0x5800]  }
0x3dd: {  	v1 =	vand.u32 @!p0 $0x7F, v1;
	v3 =	vand.u32 @!p0 $0xFFFFFE00, v3  }
0x3de: {  	v1 =	vor.u32 @!p0 v1, v3;
	_ =	sdelay $0x2  }
0x3df: {  	v3 =	vmul.f32 @!p0 v4, v2  }
0x3e0: {  	s5 =	simm.s32 @!p0 $0x8400  }
0x3e1: {  	[tilespmem:v1+s5+$0x0] =	vst.idx.add.f32.msk @!p0 $0xffff, v3  }
0x3e2: {  	v3 =	vld @!p0 [tilespmem:s2+$0x5880];
	_ =	sdelay $0x1  }
0x3e3: {  	v4 =	vor.u32 @!p0 $0x80, v1;
	_ =	sdelay $0x2  }
0x3e4: {  	v3 =	vmul.f32 @!p0 v3, v2;
	_ =	sdelay $0x1  }
0x3e5: {  	[tilespmem:v4+s5+$0x0] =	vst.idx.add.f32.msk @!p0 $0xffff, v3  }
0x3e6: {  	v3 =	vld @!p0 [tilespmem:s2+$0x5900];
	_ =	sdelay $0x1  }
0x3e7: {  	v4 =	vor.u32 @!p0 $0x100, v1;
	_ =	sdelay $0x2  }
0x3e8: {  	v3 =	vmul.f32 @!p0 v3, v2;
	_ =	sdelay $0x1  }
0x3e9: {  	[tilespmem:v4+s5+$0x0] =	vst.idx.add.f32.msk @!p0 $0xffff, v3  }
0x3ea: {  	v3 =	vld @!p0 [tilespmem:s2+$0x5980]  }
0x3eb: {  	s8 =	sadd.s32 $0x1, s8  }
0x3ec: {  	p1 =	sne.s32 s8, $0x4;
	v1 =	vor.u32 @!p0 $0x180, v1  }
.Ltmp28:
0x3ed: {  	_ = 	snop;
	(pc) =	sbr.rel @p1 .LBB2_57-.Ltmp28, $3  }
0x3ee: {  	_ = 	snop  }
0x3ef: {  	v2 =	vmul.f32 @!p0 v3, v2;
	_ =	sdelay $0x1  }
0x3f0: {  	[tilespmem:v1+s5+$0x0] =	vst.idx.add.f32.msk @!p0 $0xffff, v2  }
0x3f1: {  	s7 =	sadd.s32 $0x1, s7  }
0x3f2: {  	p0 =	sne.s32 s7, $0x8  }
.Ltmp29:
0x3f3: {  	_ = 	snop;
	(pc) =	sbr.rel @p0 .LBB2_56-.Ltmp29, $1  }
0x3f4: {  	_ =	sdelay $0x3  }
0x3f5: {  	s2 =	rddreg [dreg:$0xb];
	s5 =	simm.s32 $0x5800  }
0x3f6: {  	[tilespmem:s5], [sflag:$0x1] =	stream.strided.gather [hbm4b:s2+s0], $0x2C00, s1, s0, $0x38;
	[tilespmem:$0x18600] =	vst v63  }
0x3f7: {  	_ =	swait.ge [sflag:s3], $0x2C00  }
0x3f8: {  	[sflag:s3] =	ssyncset.done $0x0  }
0x3f9: {  	s6 =	simm.s32 $0x0;
	s7 =	simm.s32 $0x0;
	[sflag:s3] =	ssyncadd.s32 $0xFFFFD400  }
.LBB2_62:
0x3fa: {  	s2 =	sshrl.u32 s7, $0x1  }
0x3fb: {  	s2 =	smul.u32 $0x5800, s2  }
0x3fc: {  	s5 =	sshll.u32 s7, $0x9  }
0x3fd: {  	s5 =	sand.u32 $0x200, s5;
	s2 =	sadd.s32 s24, s2  }
0x3fe: {  	s2 =	sor.u32 s5, s2  }
0x3ff: {  	s2 =	sshrl.u32 s2, $0x3  }
0x400: {  	s29 =	sadd.s32 s23, s2  }
0x401: {  	[tilespmem:s6], [sflag:$0x1] =	stream.strided.gather [hbm4b:s29+s0], $0x2C00, s1, s0, $0x38;
	[tilespmem:$0x18600] =	vst v63  }
0x402: {  	_ =	swait.ge [sflag:s3], $0x2C00  }
0x403: {  	[sflag:s3] =	ssyncset.done $0x0  }
0x404: {  	s2 =	sadd.s32 s22, s2;
	[sflag:s3] =	ssyncadd.s32 $0xFFFFD400  }
0x405: {  	[tilespmem:s4], [sflag:$0x1] =	stream.strided.gather [hbm4b:s2+s0], $0x2C00, s1, s0, $0x38;
	[tilespmem:$0x18600] =	vst v63  }
0x406: {  	_ =	swait.ge [sflag:s3], $0x2C00  }
0x407: {  	[sflag:s3] =	ssyncset.done $0x0  }
0x408: {  	s8 =	simm.s32 $0x0;
	[sflag:s3] =	ssyncadd.s32 $0xFFFFD400  }
.LBB2_63:
0x409: {  	s2 =	simm.s32 $0x0  }
0x40a: {  	s9 =	sshll.u32 s8, $0x7;
	s5 =	sand.u32 $0x3E00, s2  }
0x40b: {  	s2 =	sand.u32 $0x70, s2;
	s10 =	sadd.s32 s9, s5  }
0x40c: {  	s10 =	sor.u32 s2, s10  }
0x40d: {  	v1 =	vld [tilespmem:s10+$0x0];
	_ =	sdelay $0x4  }
0x40e: {  	v2 =	vxor.u32 $0x80000000, v1  }
0x40f: {  	(xrf0) =	vmin.scan.msk.u32 $0xffff, v2;
	_ =	sdelay $0x5  }
0x410: {  	v2, _, _ =	vpop (xrf0)  }
0x411: {  	(v2sf) =	vpush v2, $0xF;
	_ =	sdelay $0xe  }
0x412: {  	s11 =	spop (v2sf)  }
0x413: {  	p1 =	sgt.u32 s11, $0x80003FFF  }
0x414: {  	v2 =	vld @!p1 [tilespmem:s10+$0x2C00];
	s5 =	sadd.s32 @!p1 s2, s5  }
0x415: {  	v3 =	vshll.u32 @!p1 v1, $0x2;
	v4 =	vld @!p1 [tilespmem:s5+$0x5800]  }
0x416: {  	v1 =	vand.u32 @!p1 $0x7F, v1;
	v3 =	vand.u32 @!p1 $0xFFFFFE00, v3  }
0x417: {  	v1 =	vor.u32 @!p1 v1, v3;
	_ =	sdelay $0x2  }
0x418: {  	v3 =	vmul.f32 @!p1 v4, v2  }
0x419: {  	s2 =	simm.s32 @!p1 $0x8400  }
0x41a: {  	[tilespmem:v1+s2+$0x0] =	vst.idx.add.f32.msk @!p1 $0xffff, v3  }
0x41b: {  	v3 =	vld @!p1 [tilespmem:s5+$0x5880];
	_ =	sdelay $0x1  }
0x41c: {  	v4 =	vor.u32 @!p1 $0x80, v1;
	_ =	sdelay $0x2  }
0x41d: {  	v3 =	vmul.f32 @!p1 v3, v2;
	_ =	sdelay $0x1  }
0x41e: {  	[tilespmem:v4+s2+$0x0] =	vst.idx.add.f32.msk @!p1 $0xffff, v3  }
0x41f: {  	v3 =	vld @!p1 [tilespmem:s5+$0x5900];
	_ =	sdelay $0x1  }
0x420: {  	v4 =	vor.u32 @!p1 $0x100, v1;
	_ =	sdelay $0x2  }
0x421: {  	v3 =	vmul.f32 @!p1 v3, v2;
	_ =	sdelay $0x1  }
0x422: {  	[tilespmem:v4+s2+$0x0] =	vst.idx.add.f32.msk @!p1 $0xffff, v3  }
0x423: {  	v3 =	vld @!p1 [tilespmem:s5+$0x5980];
	_ =	sdelay $0x1  }
0x424: {  	v1 =	vor.u32 @!p1 $0x180, v1;
	_ =	sdelay $0x1  }
0x425: {  	s10 =	simm.s32 $0x40  }
0x426: {  	s21 =	simm.s32 $0x10;
	s29 =	sand.u32 $0x3E00, s10;
	v2 =	vmul.f32 @!p1 v3, v2  }
0x427: {  	s11 =	simm.s32 $0x20;
	s12 =	sadd.s32 s9, s29;
	s5 =	sand.u32 $0x70, s21  }
.LBB2_64:
0x428: {  	s21 =	sor.u32 s5, s12;
	[tilespmem:v1+s2+$0x0] =	vst.idx.add.f32.msk @!p1 $0xffff, v2;
	s12 =	smov.u32 s11;
	s11 =	sadd.s32 $0x10, s11  }
0x429: {  	p0 =	sne.s32 s11, $0xB00;
	v1 =	vld [tilespmem:s21+$0x0];
	_ =	sdelay $0x4  }
0x42a: {  	v2 =	vxor.u32 $0x80000000, v1  }
0x42b: {  	(xrf0) =	vmin.scan.msk.u32 $0xffff, v2;
	_ =	sdelay $0x5  }
0x42c: {  	v2, _, _ =	vpop (xrf0)  }
0x42d: {  	(v2sf) =	vpush v2, $0xF;
	_ =	sdelay $0xe  }
0x42e: {  	s2 =	spop (v2sf)  }
0x42f: {  	p1 =	sgt.u32 s2, $0x80003FFF  }
0x430: {  	v2 =	vld @!p1 [tilespmem:s21+$0x2C00];
	s5 =	sadd.s32 @!p1 s5, s29;
	v3 =	vand.u32 @!p1 $0x7F, v1;
	v1 =	vshll.u32 @!p1 v1, $0x2  }
0x431: {  	v4 =	vld @!p1 [tilespmem:s5+$0x5800];
	v1 =	vand.u32 @!p1 $0xFFFFFE00, v1  }
0x432: {  	v3 =	vor.u32 @!p1 v3, v1  }
0x433: {  	v5 =	vor.u32 @!p1 $0x80, v3;
	v6 =	vor.u32 @!p1 $0x100, v3;
	v1 =	vor.u32 @!p1 $0x180, v3;
	_ =	sdelay $0x2  }
0x434: {  	v4 =	vmul.f32 @!p1 v4, v2  }
0x435: {  	s2 =	simm.s32 @!p1 $0x8400  }
0x436: {  	[tilespmem:v3+s2+$0x0] =	vst.idx.add.f32.msk @!p1 $0xffff, v4  }
0x437: {  	v3 =	vld @!p1 [tilespmem:s5+$0x5880];
	_ =	sdelay $0x4  }
0x438: {  	v3 =	vmul.f32 @!p1 v3, v2;
	_ =	sdelay $0x1  }
0x439: {  	[tilespmem:v5+s2+$0x0] =	vst.idx.add.f32.msk @!p1 $0xffff, v3  }
0x43a: {  	v3 =	vld @!p1 [tilespmem:s5+$0x5900];
	_ =	sdelay $0x4  }
0x43b: {  	v3 =	vmul.f32 @!p1 v3, v2;
	_ =	sdelay $0x1  }
0x43c: {  	[tilespmem:v6+s2+$0x0] =	vst.idx.add.f32.msk @!p1 $0xffff, v3  }
0x43d: {  	v3 =	vld @!p1 [tilespmem:s5+$0x5980];
	_ =	sdelay $0x1  }
.Ltmp30:
0x43e: {  	(pc) =	sbr.rel @p0 .LBB2_64-.Ltmp30, $4  }
0x43f: {  	_ = 	snop  }
0x440: {  	s10 =	sadd.s32 $0x40, s10  }
0x441: {  	s29 =	sand.u32 $0x3E00, s10;
	v2 =	vmul.f32 @!p1 v3, v2  }
0x442: {  	s5 =	sand.u32 $0x70, s12;
	s12 =	sadd.s32 s9, s29  }
0x443: {  	_ =	sdelay $0x3  }
0x444: {  	s9 =	sor.u32 s5, s12;
	[tilespmem:v1+s2+$0x0] =	vst.idx.add.f32.msk @!p1 $0xffff, v2  }
0x445: {  	v1 =	vld [tilespmem:s9+$0x0];
	_ =	sdelay $0x4  }
0x446: {  	v2 =	vxor.u32 $0x80000000, v1  }
0x447: {  	(xrf0) =	vmin.scan.msk.u32 $0xffff, v2;
	_ =	sdelay $0x5  }
0x448: {  	v2, _, _ =	vpop (xrf0)  }
0x449: {  	(v2sf) =	vpush v2, $0xF;
	_ =	sdelay $0xe  }
0x44a: {  	s21 =	spop (v2sf)  }
0x44b: {  	p0 =	sgt.u32 s21, $0x80003FFF  }
0x44c: {  	v2 =	vld @!p0 [tilespmem:s9+$0x2C00];
	s2 =	sadd.s32 @!p0 s5, s29  }
0x44d: {  	v3 =	vshll.u32 @!p0 v1, $0x2;
	v4 =	vld @!p0 [tilespmem:s2+$0x5800]  }
0x44e: {  	v1 =	vand.u32 @!p0 $0x7F, v1;
	v3 =	vand.u32 @!p0 $0xFFFFFE00, v3  }
0x44f: {  	v1 =	vor.u32 @!p0 v1, v3;
	_ =	sdelay $0x2  }
0x450: {  	v3 =	vmul.f32 @!p0 v4, v2  }
0x451: {  	s5 =	simm.s32 @!p0 $0x8400  }
0x452: {  	[tilespmem:v1+s5+$0x0] =	vst.idx.add.f32.msk @!p0 $0xffff, v3  }
0x453: {  	v3 =	vld @!p0 [tilespmem:s2+$0x5880];
	_ =	sdelay $0x1  }
0x454: {  	v4 =	vor.u32 @!p0 $0x80, v1;
	_ =	sdelay $0x2  }
0x455: {  	v3 =	vmul.f32 @!p0 v3, v2;
	_ =	sdelay $0x1  }
0x456: {  	[tilespmem:v4+s5+$0x0] =	vst.idx.add.f32.msk @!p0 $0xffff, v3  }
0x457: {  	v3 =	vld @!p0 [tilespmem:s2+$0x5900];
	_ =	sdelay $0x1  }
0x458: {  	v4 =	vor.u32 @!p0 $0x100, v1;
	_ =	sdelay $0x2  }
0x459: {  	v3 =	vmul.f32 @!p0 v3, v2;
	_ =	sdelay $0x1  }
0x45a: {  	[tilespmem:v4+s5+$0x0] =	vst.idx.add.f32.msk @!p0 $0xffff, v3  }
0x45b: {  	v3 =	vld @!p0 [tilespmem:s2+$0x5980]  }
0x45c: {  	s8 =	sadd.s32 $0x1, s8  }
0x45d: {  	p1 =	sne.s32 s8, $0x4;
	v1 =	vor.u32 @!p0 $0x180, v1  }
.Ltmp31:
0x45e: {  	_ = 	snop;
	(pc) =	sbr.rel @p1 .LBB2_63-.Ltmp31, $3  }
0x45f: {  	_ = 	snop  }
0x460: {  	v2 =	vmul.f32 @!p0 v3, v2;
	_ =	sdelay $0x1  }
0x461: {  	[tilespmem:v1+s5+$0x0] =	vst.idx.add.f32.msk @!p0 $0xffff, v2  }
0x462: {  	s7 =	sadd.s32 $0x1, s7  }
0x463: {  	p0 =	sne.s32 s7, $0x8  }
.Ltmp32:
0x464: {  	_ = 	snop;
	(pc) =	sbr.rel @p0 .LBB2_62-.Ltmp32, $1  }
0x465: {  	_ =	sdelay $0x3  }
0x466: {  	s2 =	rddreg [dreg:$0xc];
	s5 =	simm.s32 $0x5800  }
0x467: {  	[tilespmem:s5], [sflag:$0x1] =	stream.strided.gather [hbm4b:s2+s0], $0x2C00, s1, s0, $0x38;
	[tilespmem:$0x18600] =	vst v63  }
0x468: {  	_ =	swait.ge [sflag:s3], $0x2C00  }
0x469: {  	[sflag:s3] =	ssyncset.done $0x0  }
0x46a: {  	s6 =	simm.s32 $0x0;
	s7 =	simm.s32 $0x0;
	[sflag:s3] =	ssyncadd.s32 $0xFFFFD400  }
.LBB2_68:
0x46b: {  	s2 =	sshrl.u32 s7, $0x1  }
0x46c: {  	s2 =	smul.u32 $0x5800, s2  }
0x46d: {  	s5 =	sshll.u32 s7, $0x9  }
0x46e: {  	s5 =	sand.u32 $0x200, s5;
	s2 =	sadd.s32 s30, s2  }
0x46f: {  	s2 =	sor.u32 s5, s2  }
0x470: {  	s2 =	sshrl.u32 s2, $0x3  }
0x471: {  	s29 =	sadd.s32 s23, s2  }
0x472: {  	[tilespmem:s6], [sflag:$0x1] =	stream.strided.gather [hbm4b:s29+s0], $0x2C00, s1, s0, $0x38;
	[tilespmem:$0x18600] =	vst v63  }
0x473: {  	_ =	swait.ge [sflag:s3], $0x2C00  }
0x474: {  	[sflag:s3] =	ssyncset.done $0x0  }
0x475: {  	s2 =	sadd.s32 s22, s2;
	[sflag:s3] =	ssyncadd.s32 $0xFFFFD400  }
0x476: {  	[tilespmem:s4], [sflag:$0x1] =	stream.strided.gather [hbm4b:s2+s0], $0x2C00, s1, s0, $0x38;
	[tilespmem:$0x18600] =	vst v63  }
0x477: {  	_ =	swait.ge [sflag:s3], $0x2C00  }
0x478: {  	[sflag:s3] =	ssyncset.done $0x0  }
0x479: {  	s8 =	simm.s32 $0x0;
	[sflag:s3] =	ssyncadd.s32 $0xFFFFD400  }
.LBB2_69:
0x47a: {  	s2 =	simm.s32 $0x0  }
0x47b: {  	s9 =	sshll.u32 s8, $0x7;
	s5 =	sand.u32 $0x3E00, s2  }
0x47c: {  	s2 =	sand.u32 $0x70, s2;
	s10 =	sadd.s32 s9, s5  }
0x47d: {  	s10 =	sor.u32 s2, s10  }
0x47e: {  	v1 =	vld [tilespmem:s10+$0x0];
	_ =	sdelay $0x4  }
0x47f: {  	v2 =	vxor.u32 $0x80000000, v1  }
0x480: {  	(xrf0) =	vmin.scan.msk.u32 $0xffff, v2;
	_ =	sdelay $0x5  }
0x481: {  	v2, _, _ =	vpop (xrf0)  }
0x482: {  	(v2sf) =	vpush v2, $0xF;
	_ =	sdelay $0xe  }
0x483: {  	s11 =	spop (v2sf)  }
0x484: {  	p1 =	sgt.u32 s11, $0x80003FFF  }
0x485: {  	v2 =	vld @!p1 [tilespmem:s10+$0x2C00];
	s5 =	sadd.s32 @!p1 s2, s5  }
0x486: {  	v3 =	vshll.u32 @!p1 v1, $0x2;
	v4 =	vld @!p1 [tilespmem:s5+$0x5800]  }
0x487: {  	v1 =	vand.u32 @!p1 $0x7F, v1;
	v3 =	vand.u32 @!p1 $0xFFFFFE00, v3  }
0x488: {  	v1 =	vor.u32 @!p1 v1, v3;
	_ =	sdelay $0x2  }
0x489: {  	v3 =	vmul.f32 @!p1 v4, v2  }
0x48a: {  	s2 =	simm.s32 @!p1 $0x8400  }
0x48b: {  	[tilespmem:v1+s2+$0x0] =	vst.idx.add.f32.msk @!p1 $0xffff, v3  }
0x48c: {  	v3 =	vld @!p1 [tilespmem:s5+$0x5880];
	_ =	sdelay $0x1  }
0x48d: {  	v4 =	vor.u32 @!p1 $0x80, v1;
	_ =	sdelay $0x2  }
0x48e: {  	v3 =	vmul.f32 @!p1 v3, v2;
	_ =	sdelay $0x1  }
0x48f: {  	[tilespmem:v4+s2+$0x0] =	vst.idx.add.f32.msk @!p1 $0xffff, v3  }
0x490: {  	v3 =	vld @!p1 [tilespmem:s5+$0x5900];
	_ =	sdelay $0x1  }
0x491: {  	v4 =	vor.u32 @!p1 $0x100, v1;
	_ =	sdelay $0x2  }
0x492: {  	v3 =	vmul.f32 @!p1 v3, v2;
	_ =	sdelay $0x1  }
0x493: {  	[tilespmem:v4+s2+$0x0] =	vst.idx.add.f32.msk @!p1 $0xffff, v3  }
0x494: {  	v3 =	vld @!p1 [tilespmem:s5+$0x5980];
	_ =	sdelay $0x1  }
0x495: {  	v1 =	vor.u32 @!p1 $0x180, v1;
	_ =	sdelay $0x1  }
0x496: {  	s10 =	simm.s32 $0x40  }
0x497: {  	s21 =	simm.s32 $0x10;
	s29 =	sand.u32 $0x3E00, s10;
	v2 =	vmul.f32 @!p1 v3, v2  }
0x498: {  	s11 =	simm.s32 $0x20;
	s12 =	sadd.s32 s9, s29;
	s5 =	sand.u32 $0x70, s21  }
.LBB2_70:
0x499: {  	s21 =	sor.u32 s5, s12;
	[tilespmem:v1+s2+$0x0] =	vst.idx.add.f32.msk @!p1 $0xffff, v2;
	s12 =	smov.u32 s11;
	s11 =	sadd.s32 $0x10, s11  }
0x49a: {  	p0 =	sne.s32 s11, $0xB00;
	v1 =	vld [tilespmem:s21+$0x0];
	_ =	sdelay $0x4  }
0x49b: {  	v2 =	vxor.u32 $0x80000000, v1  }
0x49c: {  	(xrf0) =	vmin.scan.msk.u32 $0xffff, v2;
	_ =	sdelay $0x5  }
0x49d: {  	v2, _, _ =	vpop (xrf0)  }
0x49e: {  	(v2sf) =	vpush v2, $0xF;
	_ =	sdelay $0xe  }
0x49f: {  	s2 =	spop (v2sf)  }
0x4a0: {  	p1 =	sgt.u32 s2, $0x80003FFF  }
0x4a1: {  	v2 =	vld @!p1 [tilespmem:s21+$0x2C00];
	s5 =	sadd.s32 @!p1 s5, s29;
	v3 =	vand.u32 @!p1 $0x7F, v1;
	v1 =	vshll.u32 @!p1 v1, $0x2  }
0x4a2: {  	v4 =	vld @!p1 [tilespmem:s5+$0x5800];
	v1 =	vand.u32 @!p1 $0xFFFFFE00, v1  }
0x4a3: {  	v3 =	vor.u32 @!p1 v3, v1  }
0x4a4: {  	v5 =	vor.u32 @!p1 $0x80, v3;
	v6 =	vor.u32 @!p1 $0x100, v3;
	v1 =	vor.u32 @!p1 $0x180, v3;
	_ =	sdelay $0x2  }
0x4a5: {  	v4 =	vmul.f32 @!p1 v4, v2  }
0x4a6: {  	s2 =	simm.s32 @!p1 $0x8400  }
0x4a7: {  	[tilespmem:v3+s2+$0x0] =	vst.idx.add.f32.msk @!p1 $0xffff, v4  }
0x4a8: {  	v3 =	vld @!p1 [tilespmem:s5+$0x5880];
	_ =	sdelay $0x4  }
0x4a9: {  	v3 =	vmul.f32 @!p1 v3, v2;
	_ =	sdelay $0x1  }
0x4aa: {  	[tilespmem:v5+s2+$0x0] =	vst.idx.add.f32.msk @!p1 $0xffff, v3  }
0x4ab: {  	v3 =	vld @!p1 [tilespmem:s5+$0x5900];
	_ =	sdelay $0x4  }
0x4ac: {  	v3 =	vmul.f32 @!p1 v3, v2;
	_ =	sdelay $0x1  }
0x4ad: {  	[tilespmem:v6+s2+$0x0] =	vst.idx.add.f32.msk @!p1 $0xffff, v3  }
0x4ae: {  	v3 =	vld @!p1 [tilespmem:s5+$0x5980];
	_ =	sdelay $0x1  }
.Ltmp33:
0x4af: {  	(pc) =	sbr.rel @p0 .LBB2_70-.Ltmp33, $4  }
0x4b0: {  	_ = 	snop  }
0x4b1: {  	s10 =	sadd.s32 $0x40, s10  }
0x4b2: {  	s29 =	sand.u32 $0x3E00, s10;
	v2 =	vmul.f32 @!p1 v3, v2  }
0x4b3: {  	s5 =	sand.u32 $0x70, s12;
	s12 =	sadd.s32 s9, s29  }
0x4b4: {  	_ =	sdelay $0x3  }
0x4b5: {  	s9 =	sor.u32 s5, s12;
	[tilespmem:v1+s2+$0x0] =	vst.idx.add.f32.msk @!p1 $0xffff, v2  }
0x4b6: {  	v1 =	vld [tilespmem:s9+$0x0];
	_ =	sdelay $0x4  }
0x4b7: {  	v2 =	vxor.u32 $0x80000000, v1  }
0x4b8: {  	(xrf0) =	vmin.scan.msk.u32 $0xffff, v2;
	_ =	sdelay $0x5  }
0x4b9: {  	v2, _, _ =	vpop (xrf0)  }
0x4ba: {  	(v2sf) =	vpush v2, $0xF;
	_ =	sdelay $0xe  }
0x4bb: {  	s21 =	spop (v2sf)  }
0x4bc: {  	p0 =	sgt.u32 s21, $0x80003FFF  }
0x4bd: {  	v2 =	vld @!p0 [tilespmem:s9+$0x2C00];
	s2 =	sadd.s32 @!p0 s5, s29  }
0x4be: {  	v3 =	vshll.u32 @!p0 v1, $0x2;
	v4 =	vld @!p0 [tilespmem:s2+$0x5800]  }
0x4bf: {  	v1 =	vand.u32 @!p0 $0x7F, v1;
	v3 =	vand.u32 @!p0 $0xFFFFFE00, v3  }
0x4c0: {  	v1 =	vor.u32 @!p0 v1, v3;
	_ =	sdelay $0x2  }
0x4c1: {  	v3 =	vmul.f32 @!p0 v4, v2  }
0x4c2: {  	s5 =	simm.s32 @!p0 $0x8400  }
0x4c3: {  	[tilespmem:v1+s5+$0x0] =	vst.idx.add.f32.msk @!p0 $0xffff, v3  }
0x4c4: {  	v3 =	vld @!p0 [tilespmem:s2+$0x5880];
	_ =	sdelay $0x1  }
0x4c5: {  	v4 =	vor.u32 @!p0 $0x80, v1;
	_ =	sdelay $0x2  }
0x4c6: {  	v3 =	vmul.f32 @!p0 v3, v2;
	_ =	sdelay $0x1  }
0x4c7: {  	[tilespmem:v4+s5+$0x0] =	vst.idx.add.f32.msk @!p0 $0xffff, v3  }
0x4c8: {  	v3 =	vld @!p0 [tilespmem:s2+$0x5900];
	_ =	sdelay $0x1  }
0x4c9: {  	v4 =	vor.u32 @!p0 $0x100, v1;
	_ =	sdelay $0x2  }
0x4ca: {  	v3 =	vmul.f32 @!p0 v3, v2;
	_ =	sdelay $0x1  }
0x4cb: {  	[tilespmem:v4+s5+$0x0] =	vst.idx.add.f32.msk @!p0 $0xffff, v3  }
0x4cc: {  	v3 =	vld @!p0 [tilespmem:s2+$0x5980]  }
0x4cd: {  	s8 =	sadd.s32 $0x1, s8  }
0x4ce: {  	p1 =	sne.s32 s8, $0x4;
	v1 =	vor.u32 @!p0 $0x180, v1  }
.Ltmp34:
0x4cf: {  	_ = 	snop;
	(pc) =	sbr.rel @p1 .LBB2_69-.Ltmp34, $3  }
0x4d0: {  	_ = 	snop  }
0x4d1: {  	v2 =	vmul.f32 @!p0 v3, v2;
	_ =	sdelay $0x1  }
0x4d2: {  	[tilespmem:v1+s5+$0x0] =	vst.idx.add.f32.msk @!p0 $0xffff, v2  }
0x4d3: {  	s7 =	sadd.s32 $0x1, s7  }
0x4d4: {  	p0 =	sne.s32 s7, $0x8  }
.Ltmp35:
0x4d5: {  	_ = 	snop;
	(pc) =	sbr.rel @p0 .LBB2_68-.Ltmp35, $1  }
0x4d6: {  	_ =	sdelay $0x3  }
0x4d7: {  	s2 =	rddreg [dreg:$0xd];
	s5 =	simm.s32 $0x5800  }
0x4d8: {  	[tilespmem:s5], [sflag:$0x1] =	stream.strided.gather [hbm4b:s2+s0], $0x2C00, s1, s0, $0x38;
	[tilespmem:$0x18600] =	vst v63  }
0x4d9: {  	_ =	swait.ge [sflag:s3], $0x2C00  }
0x4da: {  	[sflag:s3] =	ssyncset.done $0x0  }
0x4db: {  	s6 =	simm.s32 $0x0;
	s7 =	simm.s32 $0x0;
	[sflag:s3] =	ssyncadd.s32 $0xFFFFD400  }
.LBB2_74:
0x4dc: {  	s2 =	sshrl.u32 s7, $0x1  }
0x4dd: {  	s2 =	smul.u32 $0x5800, s2  }
0x4de: {  	s5 =	sshll.u32 s7, $0x9  }
0x4df: {  	s5 =	sand.u32 $0x200, s5;
	s2 =	sadd.s32 s31, s2  }
0x4e0: {  	s2 =	sor.u32 s5, s2  }
0x4e1: {  	s2 =	sshrl.u32 s2, $0x3  }
0x4e2: {  	s29 =	sadd.s32 s23, s2  }
0x4e3: {  	[tilespmem:s6], [sflag:$0x1] =	stream.strided.gather [hbm4b:s29+s0], $0x2C00, s1, s0, $0x38;
	[tilespmem:$0x18600] =	vst v63  }
0x4e4: {  	_ =	swait.ge [sflag:s3], $0x2C00  }
0x4e5: {  	[sflag:s3] =	ssyncset.done $0x0  }
0x4e6: {  	s2 =	sadd.s32 s22, s2;
	[sflag:s3] =	ssyncadd.s32 $0xFFFFD400  }
0x4e7: {  	[tilespmem:s4], [sflag:$0x1] =	stream.strided.gather [hbm4b:s2+s0], $0x2C00, s1, s0, $0x38;
	[tilespmem:$0x18600] =	vst v63  }
0x4e8: {  	_ =	swait.ge [sflag:s3], $0x2C00  }
0x4e9: {  	[sflag:s3] =	ssyncset.done $0x0  }
0x4ea: {  	s8 =	simm.s32 $0x0;
	[sflag:s3] =	ssyncadd.s32 $0xFFFFD400  }
.LBB2_75:
0x4eb: {  	s2 =	simm.s32 $0x0  }
0x4ec: {  	s9 =	sshll.u32 s8, $0x7;
	s5 =	sand.u32 $0x3E00, s2  }
0x4ed: {  	s2 =	sand.u32 $0x70, s2;
	s10 =	sadd.s32 s9, s5  }
0x4ee: {  	s10 =	sor.u32 s2, s10  }
0x4ef: {  	v1 =	vld [tilespmem:s10+$0x0];
	_ =	sdelay $0x4  }
0x4f0: {  	v2 =	vxor.u32 $0x80000000, v1  }
0x4f1: {  	(xrf0) =	vmin.scan.msk.u32 $0xffff, v2;
	_ =	sdelay $0x5  }
0x4f2: {  	v2, _, _ =	vpop (xrf0)  }
0x4f3: {  	(v2sf) =	vpush v2, $0xF;
	_ =	sdelay $0xe  }
0x4f4: {  	s11 =	spop (v2sf)  }
0x4f5: {  	p1 =	sgt.u32 s11, $0x80003FFF  }
0x4f6: {  	v2 =	vld @!p1 [tilespmem:s10+$0x2C00];
	s5 =	sadd.s32 @!p1 s2, s5  }
0x4f7: {  	v3 =	vshll.u32 @!p1 v1, $0x2;
	v4 =	vld @!p1 [tilespmem:s5+$0x5800]  }
0x4f8: {  	v1 =	vand.u32 @!p1 $0x7F, v1;
	v3 =	vand.u32 @!p1 $0xFFFFFE00, v3  }
0x4f9: {  	v1 =	vor.u32 @!p1 v1, v3;
	_ =	sdelay $0x2  }
0x4fa: {  	v3 =	vmul.f32 @!p1 v4, v2  }
0x4fb: {  	s2 =	simm.s32 @!p1 $0x8400  }
0x4fc: {  	[tilespmem:v1+s2+$0x0] =	vst.idx.add.f32.msk @!p1 $0xffff, v3  }
0x4fd: {  	v3 =	vld @!p1 [tilespmem:s5+$0x5880];
	_ =	sdelay $0x1  }
0x4fe: {  	v4 =	vor.u32 @!p1 $0x80, v1;
	_ =	sdelay $0x2  }
0x4ff: {  	v3 =	vmul.f32 @!p1 v3, v2;
	_ =	sdelay $0x1  }
0x500: {  	[tilespmem:v4+s2+$0x0] =	vst.idx.add.f32.msk @!p1 $0xffff, v3  }
0x501: {  	v3 =	vld @!p1 [tilespmem:s5+$0x5900];
	_ =	sdelay $0x1  }
0x502: {  	v4 =	vor.u32 @!p1 $0x100, v1;
	_ =	sdelay $0x2  }
0x503: {  	v3 =	vmul.f32 @!p1 v3, v2;
	_ =	sdelay $0x1  }
0x504: {  	[tilespmem:v4+s2+$0x0] =	vst.idx.add.f32.msk @!p1 $0xffff, v3  }
0x505: {  	v3 =	vld @!p1 [tilespmem:s5+$0x5980];
	_ =	sdelay $0x1  }
0x506: {  	v1 =	vor.u32 @!p1 $0x180, v1;
	_ =	sdelay $0x1  }
0x507: {  	s10 =	simm.s32 $0x40  }
0x508: {  	s21 =	simm.s32 $0x10;
	s29 =	sand.u32 $0x3E00, s10;
	v2 =	vmul.f32 @!p1 v3, v2  }
0x509: {  	s11 =	simm.s32 $0x20;
	s12 =	sadd.s32 s9, s29;
	s5 =	sand.u32 $0x70, s21  }
.LBB2_76:
0x50a: {  	s21 =	sor.u32 s5, s12;
	[tilespmem:v1+s2+$0x0] =	vst.idx.add.f32.msk @!p1 $0xffff, v2;
	s12 =	smov.u32 s11;
	s11 =	sadd.s32 $0x10, s11  }
0x50b: {  	p0 =	sne.s32 s11, $0xB00;
	v1 =	vld [tilespmem:s21+$0x0];
	_ =	sdelay $0x4  }
0x50c: {  	v2 =	vxor.u32 $0x80000000, v1  }
0x50d: {  	(xrf0) =	vmin.scan.msk.u32 $0xffff, v2;
	_ =	sdelay $0x5  }
0x50e: {  	v2, _, _ =	vpop (xrf0)  }
0x50f: {  	(v2sf) =	vpush v2, $0xF;
	_ =	sdelay $0xe  }
0x510: {  	s2 =	spop (v2sf)  }
0x511: {  	p1 =	sgt.u32 s2, $0x80003FFF  }
0x512: {  	v2 =	vld @!p1 [tilespmem:s21+$0x2C00];
	s5 =	sadd.s32 @!p1 s5, s29;
	v3 =	vand.u32 @!p1 $0x7F, v1;
	v1 =	vshll.u32 @!p1 v1, $0x2  }
0x513: {  	v4 =	vld @!p1 [tilespmem:s5+$0x5800];
	v1 =	vand.u32 @!p1 $0xFFFFFE00, v1  }
0x514: {  	v3 =	vor.u32 @!p1 v3, v1  }
0x515: {  	v5 =	vor.u32 @!p1 $0x80, v3;
	v6 =	vor.u32 @!p1 $0x100, v3;
	v1 =	vor.u32 @!p1 $0x180, v3;
	_ =	sdelay $0x2  }
0x516: {  	v4 =	vmul.f32 @!p1 v4, v2  }
0x517: {  	s2 =	simm.s32 @!p1 $0x8400  }
0x518: {  	[tilespmem:v3+s2+$0x0] =	vst.idx.add.f32.msk @!p1 $0xffff, v4  }
0x519: {  	v3 =	vld @!p1 [tilespmem:s5+$0x5880];
	_ =	sdelay $0x4  }
0x51a: {  	v3 =	vmul.f32 @!p1 v3, v2;
	_ =	sdelay $0x1  }
0x51b: {  	[tilespmem:v5+s2+$0x0] =	vst.idx.add.f32.msk @!p1 $0xffff, v3  }
0x51c: {  	v3 =	vld @!p1 [tilespmem:s5+$0x5900];
	_ =	sdelay $0x4  }
0x51d: {  	v3 =	vmul.f32 @!p1 v3, v2;
	_ =	sdelay $0x1  }
0x51e: {  	[tilespmem:v6+s2+$0x0] =	vst.idx.add.f32.msk @!p1 $0xffff, v3  }
0x51f: {  	v3 =	vld @!p1 [tilespmem:s5+$0x5980];
	_ =	sdelay $0x1  }
.Ltmp36:
0x520: {  	(pc) =	sbr.rel @p0 .LBB2_76-.Ltmp36, $4  }
0x521: {  	_ = 	snop  }
0x522: {  	s10 =	sadd.s32 $0x40, s10  }
0x523: {  	s29 =	sand.u32 $0x3E00, s10;
	v2 =	vmul.f32 @!p1 v3, v2  }
0x524: {  	s5 =	sand.u32 $0x70, s12;
	s12 =	sadd.s32 s9, s29  }
0x525: {  	_ =	sdelay $0x3  }
0x526: {  	s9 =	sor.u32 s5, s12;
	[tilespmem:v1+s2+$0x0] =	vst.idx.add.f32.msk @!p1 $0xffff, v2  }
0x527: {  	v1 =	vld [tilespmem:s9+$0x0];
	_ =	sdelay $0x4  }
0x528: {  	v2 =	vxor.u32 $0x80000000, v1  }
0x529: {  	(xrf0) =	vmin.scan.msk.u32 $0xffff, v2;
	_ =	sdelay $0x5  }
0x52a: {  	v2, _, _ =	vpop (xrf0)  }
0x52b: {  	(v2sf) =	vpush v2, $0xF;
	_ =	sdelay $0xe  }
0x52c: {  	s21 =	spop (v2sf)  }
0x52d: {  	p0 =	sgt.u32 s21, $0x80003FFF  }
0x52e: {  	v2 =	vld @!p0 [tilespmem:s9+$0x2C00];
	s2 =	sadd.s32 @!p0 s5, s29  }
0x52f: {  	v3 =	vshll.u32 @!p0 v1, $0x2;
	v4 =	vld @!p0 [tilespmem:s2+$0x5800]  }
0x530: {  	v1 =	vand.u32 @!p0 $0x7F, v1;
	v3 =	vand.u32 @!p0 $0xFFFFFE00, v3  }
0x531: {  	v1 =	vor.u32 @!p0 v1, v3;
	_ =	sdelay $0x2  }
0x532: {  	v3 =	vmul.f32 @!p0 v4, v2  }
0x533: {  	s5 =	simm.s32 @!p0 $0x8400  }
0x534: {  	[tilespmem:v1+s5+$0x0] =	vst.idx.add.f32.msk @!p0 $0xffff, v3  }
0x535: {  	v3 =	vld @!p0 [tilespmem:s2+$0x5880];
	_ =	sdelay $0x1  }
0x536: {  	v4 =	vor.u32 @!p0 $0x80, v1;
	_ =	sdelay $0x2  }
0x537: {  	v3 =	vmul.f32 @!p0 v3, v2;
	_ =	sdelay $0x1  }
0x538: {  	[tilespmem:v4+s5+$0x0] =	vst.idx.add.f32.msk @!p0 $0xffff, v3  }
0x539: {  	v3 =	vld @!p0 [tilespmem:s2+$0x5900];
	_ =	sdelay $0x1  }
0x53a: {  	v4 =	vor.u32 @!p0 $0x100, v1;
	_ =	sdelay $0x2  }
0x53b: {  	v3 =	vmul.f32 @!p0 v3, v2;
	_ =	sdelay $0x1  }
0x53c: {  	[tilespmem:v4+s5+$0x0] =	vst.idx.add.f32.msk @!p0 $0xffff, v3  }
0x53d: {  	v3 =	vld @!p0 [tilespmem:s2+$0x5980]  }
0x53e: {  	s8 =	sadd.s32 $0x1, s8  }
0x53f: {  	p1 =	sne.s32 s8, $0x4;
	v1 =	vor.u32 @!p0 $0x180, v1  }
.Ltmp37:
0x540: {  	_ = 	snop;
	(pc) =	sbr.rel @p1 .LBB2_75-.Ltmp37, $3  }
0x541: {  	_ = 	snop  }
0x542: {  	v2 =	vmul.f32 @!p0 v3, v2;
	_ =	sdelay $0x1  }
0x543: {  	[tilespmem:v1+s5+$0x0] =	vst.idx.add.f32.msk @!p0 $0xffff, v2  }
0x544: {  	s7 =	sadd.s32 $0x1, s7  }
0x545: {  	p0 =	sne.s32 s7, $0x8  }
.Ltmp38:
0x546: {  	_ = 	snop;
	(pc) =	sbr.rel @p0 .LBB2_74-.Ltmp38, $1  }
0x547: {  	_ =	sdelay $0x3  }
0x548: {  	s2 =	rddreg [dreg:$0xe];
	s5 =	simm.s32 $0x5800  }
0x549: {  	[tilespmem:s5], [sflag:$0x1] =	stream.strided.gather [hbm4b:s2+s0], $0x2C00, s1, s0, $0x38;
	[tilespmem:$0x18600] =	vst v63  }
0x54a: {  	_ =	swait.ge [sflag:s3], $0x2C00  }
0x54b: {  	[sflag:s3] =	ssyncset.done $0x0  }
0x54c: {  	s6 =	simm.s32 $0x0;
	s7 =	simm.s32 $0x0;
	[sflag:s3] =	ssyncadd.s32 $0xFFFFD400  }
.LBB2_80:
0x54d: {  	s2 =	sshrl.u32 s7, $0x1  }
0x54e: {  	s2 =	smul.u32 $0x5800, s2  }
0x54f: {  	s5 =	sshll.u32 s7, $0x9  }
0x550: {  	s5 =	sand.u32 $0x200, s5;
	s2 =	sadd.s32 s13, s2  }
0x551: {  	s2 =	sor.u32 s5, s2  }
0x552: {  	s2 =	sshrl.u32 s2, $0x3  }
0x553: {  	s29 =	sadd.s32 s23, s2  }
0x554: {  	[tilespmem:s6], [sflag:$0x1] =	stream.strided.gather [hbm4b:s29+s0], $0x2C00, s1, s0, $0x38;
	[tilespmem:$0x18600] =	vst v63  }
0x555: {  	_ =	swait.ge [sflag:s3], $0x2C00  }
0x556: {  	[sflag:s3] =	ssyncset.done $0x0  }
0x557: {  	s2 =	sadd.s32 s22, s2;
	[sflag:s3] =	ssyncadd.s32 $0xFFFFD400  }
0x558: {  	[tilespmem:s4], [sflag:$0x1] =	stream.strided.gather [hbm4b:s2+s0], $0x2C00, s1, s0, $0x38;
	[tilespmem:$0x18600] =	vst v63  }
0x559: {  	_ =	swait.ge [sflag:s3], $0x2C00  }
0x55a: {  	[sflag:s3] =	ssyncset.done $0x0  }
0x55b: {  	s8 =	simm.s32 $0x0;
	[sflag:s3] =	ssyncadd.s32 $0xFFFFD400  }
.LBB2_81:
0x55c: {  	s2 =	simm.s32 $0x0  }
0x55d: {  	s9 =	sshll.u32 s8, $0x7;
	s5 =	sand.u32 $0x3E00, s2  }
0x55e: {  	s2 =	sand.u32 $0x70, s2;
	s10 =	sadd.s32 s9, s5  }
0x55f: {  	s10 =	sor.u32 s2, s10  }
0x560: {  	v1 =	vld [tilespmem:s10+$0x0];
	_ =	sdelay $0x4  }
0x561: {  	v2 =	vxor.u32 $0x80000000, v1  }
0x562: {  	(xrf0) =	vmin.scan.msk.u32 $0xffff, v2;
	_ =	sdelay $0x5  }
0x563: {  	v2, _, _ =	vpop (xrf0)  }
0x564: {  	(v2sf) =	vpush v2, $0xF;
	_ =	sdelay $0xe  }
0x565: {  	s11 =	spop (v2sf)  }
0x566: {  	p1 =	sgt.u32 s11, $0x80003FFF  }
0x567: {  	v2 =	vld @!p1 [tilespmem:s10+$0x2C00];
	s5 =	sadd.s32 @!p1 s2, s5  }
0x568: {  	v3 =	vshll.u32 @!p1 v1, $0x2;
	v4 =	vld @!p1 [tilespmem:s5+$0x5800]  }
0x569: {  	v1 =	vand.u32 @!p1 $0x7F, v1;
	v3 =	vand.u32 @!p1 $0xFFFFFE00, v3  }
0x56a: {  	v1 =	vor.u32 @!p1 v1, v3;
	_ =	sdelay $0x2  }
0x56b: {  	v3 =	vmul.f32 @!p1 v4, v2  }
0x56c: {  	s2 =	simm.s32 @!p1 $0x8400  }
0x56d: {  	[tilespmem:v1+s2+$0x0] =	vst.idx.add.f32.msk @!p1 $0xffff, v3  }
0x56e: {  	v3 =	vld @!p1 [tilespmem:s5+$0x5880];
	_ =	sdelay $0x1  }
0x56f: {  	v4 =	vor.u32 @!p1 $0x80, v1;
	_ =	sdelay $0x2  }
0x570: {  	v3 =	vmul.f32 @!p1 v3, v2;
	_ =	sdelay $0x1  }
0x571: {  	[tilespmem:v4+s2+$0x0] =	vst.idx.add.f32.msk @!p1 $0xffff, v3  }
0x572: {  	v3 =	vld @!p1 [tilespmem:s5+$0x5900];
	_ =	sdelay $0x1  }
0x573: {  	v4 =	vor.u32 @!p1 $0x100, v1;
	_ =	sdelay $0x2  }
0x574: {  	v3 =	vmul.f32 @!p1 v3, v2;
	_ =	sdelay $0x1  }
0x575: {  	[tilespmem:v4+s2+$0x0] =	vst.idx.add.f32.msk @!p1 $0xffff, v3  }
0x576: {  	v3 =	vld @!p1 [tilespmem:s5+$0x5980];
	_ =	sdelay $0x1  }
0x577: {  	v1 =	vor.u32 @!p1 $0x180, v1;
	_ =	sdelay $0x1  }
0x578: {  	s10 =	simm.s32 $0x40  }
0x579: {  	s21 =	simm.s32 $0x10;
	s29 =	sand.u32 $0x3E00, s10;
	v2 =	vmul.f32 @!p1 v3, v2  }
0x57a: {  	s11 =	simm.s32 $0x20;
	s12 =	sadd.s32 s9, s29;
	s5 =	sand.u32 $0x70, s21  }
.LBB2_82:
0x57b: {  	s21 =	sor.u32 s5, s12;
	[tilespmem:v1+s2+$0x0] =	vst.idx.add.f32.msk @!p1 $0xffff, v2;
	s12 =	smov.u32 s11;
	s11 =	sadd.s32 $0x10, s11  }
0x57c: {  	p0 =	sne.s32 s11, $0xB00;
	v1 =	vld [tilespmem:s21+$0x0];
	_ =	sdelay $0x4  }
0x57d: {  	v2 =	vxor.u32 $0x80000000, v1  }
0x57e: {  	(xrf0) =	vmin.scan.msk.u32 $0xffff, v2;
	_ =	sdelay $0x5  }
0x57f: {  	v2, _, _ =	vpop (xrf0)  }
0x580: {  	(v2sf) =	vpush v2, $0xF;
	_ =	sdelay $0xe  }
0x581: {  	s2 =	spop (v2sf)  }
0x582: {  	p1 =	sgt.u32 s2, $0x80003FFF  }
0x583: {  	v2 =	vld @!p1 [tilespmem:s21+$0x2C00];
	s5 =	sadd.s32 @!p1 s5, s29;
	v3 =	vand.u32 @!p1 $0x7F, v1;
	v1 =	vshll.u32 @!p1 v1, $0x2  }
0x584: {  	v4 =	vld @!p1 [tilespmem:s5+$0x5800];
	v1 =	vand.u32 @!p1 $0xFFFFFE00, v1  }
0x585: {  	v3 =	vor.u32 @!p1 v3, v1  }
0x586: {  	v5 =	vor.u32 @!p1 $0x80, v3;
	v6 =	vor.u32 @!p1 $0x100, v3;
	v1 =	vor.u32 @!p1 $0x180, v3;
	_ =	sdelay $0x2  }
0x587: {  	v4 =	vmul.f32 @!p1 v4, v2  }
0x588: {  	s2 =	simm.s32 @!p1 $0x8400  }
0x589: {  	[tilespmem:v3+s2+$0x0] =	vst.idx.add.f32.msk @!p1 $0xffff, v4  }
0x58a: {  	v3 =	vld @!p1 [tilespmem:s5+$0x5880];
	_ =	sdelay $0x4  }
0x58b: {  	v3 =	vmul.f32 @!p1 v3, v2;
	_ =	sdelay $0x1  }
0x58c: {  	[tilespmem:v5+s2+$0x0] =	vst.idx.add.f32.msk @!p1 $0xffff, v3  }
0x58d: {  	v3 =	vld @!p1 [tilespmem:s5+$0x5900];
	_ =	sdelay $0x4  }
0x58e: {  	v3 =	vmul.f32 @!p1 v3, v2;
	_ =	sdelay $0x1  }
0x58f: {  	[tilespmem:v6+s2+$0x0] =	vst.idx.add.f32.msk @!p1 $0xffff, v3  }
0x590: {  	v3 =	vld @!p1 [tilespmem:s5+$0x5980];
	_ =	sdelay $0x1  }
.Ltmp39:
0x591: {  	(pc) =	sbr.rel @p0 .LBB2_82-.Ltmp39, $4  }
0x592: {  	_ = 	snop  }
0x593: {  	s10 =	sadd.s32 $0x40, s10  }
0x594: {  	s29 =	sand.u32 $0x3E00, s10;
	v2 =	vmul.f32 @!p1 v3, v2  }
0x595: {  	s5 =	sand.u32 $0x70, s12;
	s12 =	sadd.s32 s9, s29  }
0x596: {  	_ =	sdelay $0x3  }
0x597: {  	s9 =	sor.u32 s5, s12;
	[tilespmem:v1+s2+$0x0] =	vst.idx.add.f32.msk @!p1 $0xffff, v2  }
0x598: {  	v1 =	vld [tilespmem:s9+$0x0];
	_ =	sdelay $0x4  }
0x599: {  	v2 =	vxor.u32 $0x80000000, v1  }
0x59a: {  	(xrf0) =	vmin.scan.msk.u32 $0xffff, v2;
	_ =	sdelay $0x5  }
0x59b: {  	v2, _, _ =	vpop (xrf0)  }
0x59c: {  	(v2sf) =	vpush v2, $0xF;
	_ =	sdelay $0xe  }
0x59d: {  	s21 =	spop (v2sf)  }
0x59e: {  	p0 =	sgt.u32 s21, $0x80003FFF  }
0x59f: {  	v2 =	vld @!p0 [tilespmem:s9+$0x2C00];
	s2 =	sadd.s32 @!p0 s5, s29  }
0x5a0: {  	v3 =	vshll.u32 @!p0 v1, $0x2;
	v4 =	vld @!p0 [tilespmem:s2+$0x5800]  }
0x5a1: {  	v1 =	vand.u32 @!p0 $0x7F, v1;
	v3 =	vand.u32 @!p0 $0xFFFFFE00, v3  }
0x5a2: {  	v1 =	vor.u32 @!p0 v1, v3;
	_ =	sdelay $0x2  }
0x5a3: {  	v3 =	vmul.f32 @!p0 v4, v2  }
0x5a4: {  	s5 =	simm.s32 @!p0 $0x8400  }
0x5a5: {  	[tilespmem:v1+s5+$0x0] =	vst.idx.add.f32.msk @!p0 $0xffff, v3  }
0x5a6: {  	v3 =	vld @!p0 [tilespmem:s2+$0x5880];
	_ =	sdelay $0x1  }
0x5a7: {  	v4 =	vor.u32 @!p0 $0x80, v1;
	_ =	sdelay $0x2  }
0x5a8: {  	v3 =	vmul.f32 @!p0 v3, v2;
	_ =	sdelay $0x1  }
0x5a9: {  	[tilespmem:v4+s5+$0x0] =	vst.idx.add.f32.msk @!p0 $0xffff, v3  }
0x5aa: {  	v3 =	vld @!p0 [tilespmem:s2+$0x5900];
	_ =	sdelay $0x1  }
0x5ab: {  	v4 =	vor.u32 @!p0 $0x100, v1;
	_ =	sdelay $0x2  }
0x5ac: {  	v3 =	vmul.f32 @!p0 v3, v2;
	_ =	sdelay $0x1  }
0x5ad: {  	[tilespmem:v4+s5+$0x0] =	vst.idx.add.f32.msk @!p0 $0xffff, v3  }
0x5ae: {  	v3 =	vld @!p0 [tilespmem:s2+$0x5980]  }
0x5af: {  	s8 =	sadd.s32 $0x1, s8  }
0x5b0: {  	p1 =	sne.s32 s8, $0x4;
	v1 =	vor.u32 @!p0 $0x180, v1  }
.Ltmp40:
0x5b1: {  	_ = 	snop;
	(pc) =	sbr.rel @p1 .LBB2_81-.Ltmp40, $3  }
0x5b2: {  	_ = 	snop  }
0x5b3: {  	v2 =	vmul.f32 @!p0 v3, v2;
	_ =	sdelay $0x1  }
0x5b4: {  	[tilespmem:v1+s5+$0x0] =	vst.idx.add.f32.msk @!p0 $0xffff, v2  }
0x5b5: {  	s7 =	sadd.s32 $0x1, s7  }
0x5b6: {  	p0 =	sne.s32 s7, $0x8  }
.Ltmp41:
0x5b7: {  	_ = 	snop;
	(pc) =	sbr.rel @p0 .LBB2_80-.Ltmp41, $1  }
0x5b8: {  	_ =	sdelay $0x3  }
0x5b9: {  	s2 =	simm.s32 $0x8400  }
0x5ba: {  	s5 =	simm.s32 $0x80;
	s7 =	sadd.s32 $0x0, s15;
	s6 =	simm.s32 $0x8600  }
.LBB2_86:
0x5bb: {  	[hbm4b:s7+s18] =	stream.linear.scatter [tilespmem:s2], [sflag:$0x1], $0x80, $0x38;
	[tilespmem:$0x18600] =	vst v63  }
0x5bc: {  	s7 =	smov.u32 s5;
	s2 =	smov.u32 s6;
	p0 =	sne.s32 s5, $0x3F80  }
.Ltmp42:
0x5bd: {  	s5 =	sadd.s32 $0x80, s5;
	(pc) =	sbr.rel @p0 .LBB2_86-.Ltmp42, $2  }
0x5be: {  	_ =	sdelay $0x2  }
0x5bf: {  	s6 =	sadd.s32 $0x200, s6;
	s7 =	sadd.s32 s7, s15  }
0x5c0: {  	[hbm4b:s7+s18] =	stream.linear.scatter [tilespmem:s2], [sflag:$0x1], $0x80, $0x38;
	[tilespmem:$0x18600] =	vst v63  }
0x5c1: {  	_ =	swait.ge [sflag:s3], $0x4000  }
0x5c2: {  	s2 =	simm.s32 $0x8480;
	s5 =	simm.s32 $0x80;
	[sflag:s3] =	ssyncset.done $0x0  }
0x5c3: {  	s7 =	sadd.s32 $0x0, s16;
	s6 =	simm.s32 $0x8680;
	[sflag:s3] =	ssyncadd.s32 $0xFFFFC000  }
.LBB2_88:
0x5c4: {  	[hbm4b:s7+s18] =	stream.linear.scatter [tilespmem:s2], [sflag:$0x1], $0x80, $0x38;
	[tilespmem:$0x18600] =	vst v63  }
0x5c5: {  	s7 =	smov.u32 s5;
	s2 =	smov.u32 s6;
	p0 =	sne.s32 s5, $0x3F80  }
.Ltmp43:
0x5c6: {  	s5 =	sadd.s32 $0x80, s5;
	(pc) =	sbr.rel @p0 .LBB2_88-.Ltmp43, $2  }
0x5c7: {  	_ =	sdelay $0x2  }
0x5c8: {  	s6 =	sadd.s32 $0x200, s6;
	s7 =	sadd.s32 s7, s16  }
0x5c9: {  	[hbm4b:s7+s18] =	stream.linear.scatter [tilespmem:s2], [sflag:$0x1], $0x80, $0x38;
	[tilespmem:$0x18600] =	vst v63  }
0x5ca: {  	_ =	swait.ge [sflag:s3], $0x4000  }
0x5cb: {  	s2 =	simm.s32 $0x8500;
	s5 =	simm.s32 $0x80;
	[sflag:s3] =	ssyncset.done $0x0  }
0x5cc: {  	s7 =	sadd.s32 $0x0, s17;
	s6 =	simm.s32 $0x8700;
	[sflag:s3] =	ssyncadd.s32 $0xFFFFC000  }
.LBB2_90:
0x5cd: {  	[hbm4b:s7+s18] =	stream.linear.scatter [tilespmem:s2], [sflag:$0x1], $0x80, $0x38;
	[tilespmem:$0x18600] =	vst v63  }
0x5ce: {  	s7 =	smov.u32 s5;
	s2 =	smov.u32 s6;
	p0 =	sne.s32 s5, $0x3F80  }
.Ltmp44:
0x5cf: {  	s5 =	sadd.s32 $0x80, s5;
	(pc) =	sbr.rel @p0 .LBB2_90-.Ltmp44, $2  }
0x5d0: {  	_ =	sdelay $0x2  }
0x5d1: {  	s6 =	sadd.s32 $0x200, s6;
	s7 =	sadd.s32 s7, s17  }
0x5d2: {  	[hbm4b:s7+s18] =	stream.linear.scatter [tilespmem:s2], [sflag:$0x1], $0x80, $0x38;
	[tilespmem:$0x18600] =	vst v63  }
0x5d3: {  	_ =	swait.ge [sflag:s3], $0x4000  }
0x5d4: {  	s2 =	simm.s32 $0x8580;
	s5 =	simm.s32 $0x80;
	[sflag:s3] =	ssyncset.done $0x0  }
0x5d5: {  	s7 =	sadd.s32 $0x0, s19;
	s6 =	simm.s32 $0x8780;
	[sflag:s3] =	ssyncadd.s32 $0xFFFFC000  }
.LBB2_92:
0x5d6: {  	[hbm4b:s7+s18] =	stream.linear.scatter [tilespmem:s2], [sflag:$0x1], $0x80, $0x38;
	[tilespmem:$0x18600] =	vst v63  }
0x5d7: {  	s7 =	smov.u32 s5;
	s2 =	smov.u32 s6;
	p0 =	sne.s32 s5, $0x3F80  }
.Ltmp45:
0x5d8: {  	s5 =	sadd.s32 $0x80, s5;
	(pc) =	sbr.rel @p0 .LBB2_92-.Ltmp45, $2  }
0x5d9: {  	_ =	sdelay $0x2  }
0x5da: {  	s6 =	sadd.s32 $0x200, s6;
	s7 =	sadd.s32 s7, s19  }
0x5db: {  	[hbm4b:s7+s18] =	stream.linear.scatter [tilespmem:s2], [sflag:$0x1], $0x80, $0x38;
	[tilespmem:$0x18600] =	vst v63  }
0x5dc: {  	_ =	swait.ge [sflag:s3], $0x4000  }
0x5dd: {  	s5 =	rddreg [dreg:$0x11]  }
0x5de: {  	s29 =	rddreg [dreg:$0x10];
	s5 =	sadd.s32 $0x1, s5  }
0x5df: {  	p0 =	sne.s32 s5, s29  }
.Ltmp46:
0x5e0: {  	_ = 	snop;
	(pc) =	sbr.rel @p0 .LBB2_1-.Ltmp46, $3  }
0x5e1: {  	_ =	sdelay $0x1  }
0x5e2: {  	[sflag:s3] =	ssyncset.done $0x0  }
0x5e3: {  	[sflag:s3] =	ssyncadd.s32 $0xFFFFC000  }
0x5e4: {  	_ =	sfence.sel $0x180000  }
0x5e5: {  	[bflag:$0x0] =	sbarrier.arrive $0xFFFF  }
0x5e6: {  	_ =	strace $0x90000047  }
0x5e7: {  	s0 =	stileid.u32;
	[bflag:$0x2] =	sbarrier.arrive $0xFFFF  }
0x5e8: {  	p0 =	sne.s32 s0, $0x0;
	s0 =	rddreg [dreg:$0x2]  }
0x5e9: {  	s0 =	sadd.s32 @!p0 $0x100000, s0  }
0x5ea: {  	[sflag:s0] =	ssyncadd.tile.s32 @!p0 $0x1;
	_ =	shalt  }
.Lfunc_end2:
_tile_overlayer_lowered:
.L_overlay_start_2:
0x5eb: {  	(tag) =	ssettag $0x2  }
0x5ec: {  	s0 =	rddreg [dreg:$0x0];
	s2 =	stileid.u32  }
0x5ed: {  	s1 =	rddreg [dreg:$0x1];
	p0 =	sne.s32 s2, $0x0  }
0x5ee: {  	s3 =	rddreg [dreg:$0x2];
	[bflag:$0x3] =	sbarrier.arrive $0xFFFF;
	s2 =	simm.s32 @!p0 $0x1C01  }
0x5ef: {  	[timem:s3], [sflag:s2] =	dma.local @!p0 [hbm:s0], s1  }
0x5f0: {  	s0 =	simm.s32 @!p0 $0x1  }
0x5f1: {  	_ =	swait.ge @!p0 [sflag:s0], s1  }
0x5f2: {  	s1 =	ssub.s32 @!p0 $0x0, s1;
	[sflag:s0] =	ssyncset.done @!p0 $0x0  }
0x5f3: {  	[sflag:s0] =	ssyncadd.s32 @!p0 s1  }
0x5f4: {  	[bflag:$0x3] =	sbarrier.arrive $0xFFFF  }
0x5f5: {  	_ =	shalt  }

</sc_bundles>
